<compile_context>
chip_gen: v7x
topology: tpu7x:2x2x1
jax: 0.10.2.dev20260603
libtpu: 0.0.44.dev20260713+nightly
codegen_flags: <defaults>
</compile_context>

<pallas_src>
import functools

import jax
import jax.numpy as jnp
from jax import lax
from jax.experimental import pallas as pl
from jax.experimental.pallas import tpu as pltpu
from jax.experimental.pallas import tpu_sc as plsc

N = 10000
D_IN = 128
H = 64
C = 64
K = 10
ALPHA = 0.1
EPS = 1e-5

NC = 2
NS = 16
NT = NC * NS
CH = 128
N_PAD = 10240
ROWS_PS = N_PAD // NS


BLK = 9


def _prop_body(nblk, t_hbm, src_hbm, dst_hbm, zeros_hbm, out_hbm,
               acc, srcb, dstb, rows, gsem):
  c = lax.axis_index("c")
  s = lax.axis_index("s")
  wid = c * NS + s
  pltpu.sync_copy(zeros_hbm.at[pl.ds(s * ROWS_PS, ROWS_PS)],
                  acc.at[pl.ds(s * ROWS_PS, ROWS_PS)])
  plsc.subcore_barrier()

  def body(k, carry):
    pltpu.sync_copy(src_hbm.at[wid, k], srcb)
    pltpu.sync_copy(dst_hbm.at[wid, k], dstb)
    pltpu.async_copy(t_hbm.at[srcb], rows, gsem).wait()
    pltpu.sync_copy(rows, acc.at[dstb], add=True)
    return carry

  lax.fori_loop(0, nblk, body, 0)
  plsc.subcore_barrier()
  pltpu.sync_copy(acc.at[pl.ds(s * ROWS_PS, ROWS_PS)],
                  out_hbm.at[c, pl.ds(s * ROWS_PS, ROWS_PS)])


@functools.lru_cache(maxsize=None)
def _make_prop(nblk):
  mesh = plsc.VectorSubcoreMesh(core_axis_name="c", subcore_axis_name="s")
  return pl.kernel(
      functools.partial(_prop_body, nblk),
      out_type=jax.ShapeDtypeStruct((NC, N_PAD, H), jnp.float32),
      mesh=mesh,
      compiler_params=pltpu.CompilerParams(use_tc_tiling_on_sc=False),
      scratch_types=[
          pltpu.VMEM_SHARED((N_PAD, H), jnp.float32),
          pltpu.VMEM((BLK * CH,), jnp.int32),
          pltpu.VMEM((BLK * CH,), jnp.int32),
          pltpu.VMEM((BLK * CH, H), jnp.float32),
          pltpu.SemaphoreType.DMA,
      ],
  )


def _prep_body(x_ref, w_ref, degp_ref, t_ref, dinv_ref):
  deg = degp_ref[0, :N] + degp_ref[1, :N]
  dinv = lax.rsqrt(deg)
  dinv_ref[...] = dinv
  t_ref[...] = dinv * jnp.dot(x_ref[...], w_ref[...],
                              preferred_element_type=jnp.float32)


def _layer_mm_body(u_ref, dinv_ref, b_ref, g_ref, be_ref, w_ref,
                   h_ref, t_ref):
  dinv = dinv_ref[...]
  z = dinv * (u_ref[0, :N] + u_ref[1, :N]) + b_ref[...]
  mu = jnp.mean(z, axis=0, keepdims=True)
  var = jnp.mean((z - mu) ** 2, axis=0, keepdims=True)
  h = jnp.maximum((z - mu) * lax.rsqrt(var + EPS) * g_ref[...] + be_ref[...],
                  0.0)
  h_ref[...] = h
  t_ref[...] = dinv * jnp.dot(h, w_ref[...],
                              preferred_element_type=jnp.float32)


def _layer_last_body(u_ref, dinv_ref, b_ref, g_ref, be_ref, h_ref, t_ref):
  dinv = dinv_ref[...]
  z = dinv * (u_ref[0, :N] + u_ref[1, :N]) + b_ref[...]
  mu = jnp.mean(z, axis=0, keepdims=True)
  var = jnp.mean((z - mu) ** 2, axis=0, keepdims=True)
  h = jnp.maximum((z - mu) * lax.rsqrt(var + EPS) * g_ref[...] + be_ref[...],
                  0.0)
  h_ref[...] = h
  t_ref[...] = dinv * h


def _blend_body(u_ref, dinv_ref, h_ref, x_ref, t_ref):
  dinv = dinv_ref[...]
  xn = (1.0 - ALPHA) * (dinv * (u_ref[0, :N] + u_ref[1, :N])) + ALPHA * h_ref[...]
  x_ref[...] = xn
  t_ref[...] = dinv * xn


def _final_body(x_ref, w_ref, b_ref, o_ref):
  h = jnp.dot(x_ref[...], w_ref[...],
              preferred_element_type=jnp.float32) + b_ref[...]
  m = jnp.max(h, axis=1, keepdims=True)
  lse = jnp.log(jnp.sum(jnp.exp(h - m), axis=1, keepdims=True)) + m
  o_ref[...] = h - lse


def _f32(*shape):
  return jax.ShapeDtypeStruct(shape, jnp.float32)


_prep = pl.pallas_call(_prep_body, out_shape=[_f32(N, H), _f32(N, H)])
_layer_mm = pl.pallas_call(_layer_mm_body, out_shape=[_f32(N, H), _f32(N, H)])
_layer_last = pl.pallas_call(_layer_last_body,
                             out_shape=[_f32(N, H), _f32(N, H)])
_blend = pl.pallas_call(_blend_body, out_shape=[_f32(N, H), _f32(N, H)])
_final = pl.pallas_call(_final_body, out_shape=_f32(N, C))


def kernel(x, edge_index, W1, b1, W2, b2, Wc1, bc1, Wc2, bc2,
           g1, be1, g2, be2, g3, be3, Wfc, bfc):
  e_real = edge_index.shape[1] + N
  nblk = -(-e_real // (NT * BLK * CH))
  e_pad = NT * nblk * BLK * CH
  loop = jnp.arange(N, dtype=jnp.int32)
  pad = e_pad - e_real
  src = jnp.concatenate(
      [edge_index[0], loop, jnp.zeros((pad,), jnp.int32)])
  dst = jnp.concatenate(
      [edge_index[1], loop, jnp.full((pad,), N, jnp.int32)])
  src = src.reshape(NT, nblk, BLK * CH)
  dst = dst.reshape(NT, nblk, BLK * CH)
  zeros_acc = jnp.zeros((N_PAD, H), jnp.float32)
  ones_t = jnp.ones((N, H), jnp.float32)
  prop = _make_prop(nblk)

  b1r, b2r, bc1r, bc2r = (v.reshape(1, H) for v in (b1, b2, bc1, bc2))
  g1r, be1r, g3r, be3r = (v.reshape(1, H) for v in (g1, be1, g3, be3))
  g2r, be2r = g2.reshape(1, C), be2.reshape(1, C)
  bfcr = bfc.reshape(1, C)

  degp = prop(ones_t, src, dst, zeros_acc)
  t, dinv = _prep(x, W1, degp)
  u = prop(t, src, dst, zeros_acc)
  _, t = _layer_mm(u, dinv, b1r, g1r, be1r, W2)
  u = prop(t, src, dst, zeros_acc)
  _, t = _layer_mm(u, dinv, b2r, g2r, be2r, Wc1)
  u = prop(t, src, dst, zeros_acc)
  _, t = _layer_mm(u, dinv, bc1r, g3r, be3r, Wc2)
  u = prop(t, src, dst, zeros_acc)
  h4, t = _layer_last(u, dinv, bc2r, g3r, be3r)
  xk = h4
  for _ in range(K):
    u = prop(t, src, dst, zeros_acc)
    xk, t = _blend(u, dinv, h4)
  return _final(xk, Wfc, bfcr)

# --- scband reference (transcript-rebuilt; emitter-appended) ---
"""Pipeline reference for scband-appnpxbn-55121610277361 (READ-ONLY COPY).

The authoritative reference and input builder live on the scoring server;
editing this copy changes nothing except your own understanding.
"""

import jax, jax.numpy as jnp
import numpy as np

N = 10000
E = 320000
D_IN = 128
H = 64
C = 64
K = 10
ALPHA = 0.1
EPS = 1e-5


def setup_inputs(seed: int = 0):
    key = jax.random.key(seed)
    ks = jax.random.split(key, 12)
    s = 0.1
    x = jax.random.normal(ks[0], (N, D_IN), dtype=jnp.float32)
    edge_index = jax.random.randint(ks[1], (2, E), 0, N, dtype=jnp.int32)
    W1 = jax.random.normal(ks[2], (D_IN, H), dtype=jnp.float32) * s
    b1 = jnp.zeros((H,), jnp.float32)
    W2 = jax.random.normal(ks[3], (H, H), dtype=jnp.float32) * s
    b2 = jnp.zeros((H,), jnp.float32)
    Wc1 = jax.random.normal(ks[4], (H, H), dtype=jnp.float32) * s
    bc1 = jnp.zeros((H,), jnp.float32)
    Wc2 = jax.random.normal(ks[5], (H, H), dtype=jnp.float32) * s
    bc2 = jnp.zeros((H,), jnp.float32)
    g1 = jnp.ones((H,), jnp.float32)
    be1 = jnp.zeros((H,), jnp.float32)
    g2 = jnp.ones((C,), jnp.float32)
    be2 = jnp.zeros((C,), jnp.float32)
    g3 = jnp.ones((H,), jnp.float32)
    be3 = jnp.zeros((H,), jnp.float32)
    Wfc = jax.random.normal(ks[6], (H, C), dtype=jnp.float32) * s
    bfc = jnp.zeros((C,), jnp.float32)
    return dict(x=x, edge_index=edge_index, W1=W1, b1=b1, W2=W2, b2=b2,
                Wc1=Wc1, bc1=bc1, Wc2=Wc2, bc2=bc2,
                g1=g1, be1=be1, g2=g2, be2=be2, g3=g3, be3=be3,
                Wfc=Wfc, bfc=bfc)


def build_norm(edge_index, n):
    loop = jnp.arange(n, dtype=edge_index.dtype)
    src = jnp.concatenate([edge_index[0], loop])
    dst = jnp.concatenate([edge_index[1], loop])
    deg = jnp.zeros((n,), jnp.float32).at[dst].add(1.0)
    dinv = jnp.where(deg > 0, 1.0 / jnp.sqrt(deg), 0.0)
    norm = dinv[src] * dinv[dst]
    return src, dst, norm


def gcn_conv(x, src, dst, norm, W, b, n):
    h = x @ W
    out = jnp.zeros((n, W.shape[1]), x.dtype).at[dst].add(norm[:, None] * h[src])
    return out + b


def batch_norm(x, g, b):
    mu = jnp.mean(x, axis=0)
    var = jnp.var(x, axis=0)
    return (x - mu) / jnp.sqrt(var + EPS) * g + b


def appnp(x, src, dst, norm, n):
    h = x
    for _ in range(K):
        agg = jnp.zeros_like(x).at[dst].add(norm[:, None] * x[src])
        x = (1.0 - ALPHA) * agg + ALPHA * h
    return x


def reference(x, edge_index, W1, b1, W2, b2, Wc1, bc1, Wc2, bc2,
              g1, be1, g2, be2, g3, be3, Wfc, bfc):
    n = x.shape[0]
    src, dst, norm = build_norm(edge_index, n)
    h = jax.nn.relu(batch_norm(gcn_conv(x, src, dst, norm, W1, b1, n), g1, be1))
    h = jax.nn.relu(batch_norm(gcn_conv(h, src, dst, norm, W2, b2, n), g2, be2))
    h = jax.nn.relu(batch_norm(gcn_conv(h, src, dst, norm, Wc1, bc1, n), g3, be3))
    h = jax.nn.relu(batch_norm(gcn_conv(h, src, dst, norm, Wc2, bc2, n), g3, be3))
    h = appnp(h, src, dst, norm, n)
    h = h @ Wfc + bfc
    return jax.nn.log_softmax(h, axis=1)

if __name__ == "__main__":
    import jax
    _d = setup_inputs()
    print(jax.jit(kernel)(*tuple(_d.values())))

</pallas_src>

<mosaic_0001>
#map = affine_map<(d0, d1) -> (0, 0)>
#map1 = affine_map<(d0, d1) -> (0, 0, 0)>
module attributes {stable_mosaic.version = 14 : i64} {
  func.func @_prop_body(%arg0: i32, %arg1: i32, %arg2: memref<10000x64xf32, #tpu.memory_space<hbm>>, %arg3: memref<32x9x1152xi32, #tpu.memory_space<hbm>>, %arg4: memref<32x9x1152xi32, #tpu.memory_space<hbm>>, %arg5: memref<10240x64xf32, #tpu.memory_space<hbm>>, %arg6: memref<2x10240x64xf32, #tpu.memory_space<hbm>>, %arg7: memref<10240x64xf32, #tpu.memory_space<vmem_shared>>, %arg8: memref<1152xi32, #tpu.memory_space<vmem>>, %arg9: memref<1152xi32, #tpu.memory_space<vmem>>, %arg10: memref<1152x64xf32, #tpu.memory_space<vmem>>, %arg11: memref<!tpu.dma_semaphore, #tpu.memory_space<semaphore_mem>>) attributes {dimension_semantics = [#tpu.dimension_semantics<core_parallel>, #tpu.dimension_semantics<subcore_parallel>], iteration_bounds = array<i64: 2, 16>, scalar_prefetch = 0 : i64, scratch_operands = 5 : i64, tpu.core_type = #tpu.core_type<sc_vector_subcore>, window_params = [{transform_indices = #map}, {transform_indices = #map1}, {transform_indices = #map1}, {transform_indices = #map}, {transform_indices = #map1}]} {
    %mul3A = arith.constant 16 : i32
    %mul3A_0 = arith.muli %arg0, %mul3A : i32
    %add3A = arith.addi %mul3A_0, %arg1 : i32
    %mul3A_1 = arith.constant 640 : i32
    %mul3A_2 = arith.muli %arg1, %mul3A_1 : i32
    %mul3A_3 = arith.constant 640 : i32
    %mul3A_4 = arith.muli %arg1, %mul3A_3 : i32
    "tpu.region"() ({
      %run_scoped3A = tpu.sem_alloc : memref<!tpu.dma_semaphore, #tpu.memory_space<semaphore_mem>>
      %dma_start3A = arith.constant 0 : i32
      %dma_start3A_15 = tpu.memref_slice %arg7[%mul3A_4, %dma_start3A] : memref<10240x64xf32, #tpu.memory_space<vmem_shared>> -> memref<640x64xf32, #tpu.memory_space<vmem_shared>>
      %dma_start3A_16 = arith.constant 0 : i32
      %dma_start3A_17 = tpu.memref_slice %arg5[%mul3A_2, %dma_start3A_16] : memref<10240x64xf32, #tpu.memory_space<hbm>> -> memref<640x64xf32, #tpu.memory_space<hbm>>
      tpu.enqueue_dma source(%dma_start3A_17 : memref<640x64xf32, #tpu.memory_space<hbm>>) target(%dma_start3A_15 : memref<640x64xf32, #tpu.memory_space<vmem_shared>>) target_semaphore(%run_scoped3A : memref<!tpu.dma_semaphore, #tpu.memory_space<semaphore_mem>>)
      %dma_wait3A = arith.constant 0 : i32
      %dma_wait3A_18 = tpu.memref_slice %arg7[%mul3A_4, %dma_wait3A] : memref<10240x64xf32, #tpu.memory_space<vmem_shared>> -> memref<640x64xf32, #tpu.memory_space<vmem_shared>>
      %dma_wait3A_19 = arith.constant 0 : i32
      %dma_wait3A_20 = tpu.memref_slice %arg5[%mul3A_2, %dma_wait3A_19] : memref<10240x64xf32, #tpu.memory_space<hbm>> -> memref<640x64xf32, #tpu.memory_space<hbm>>
      tpu.wait_dma2 semaphore(%run_scoped3A : memref<!tpu.dma_semaphore, #tpu.memory_space<semaphore_mem>>) src(%dma_wait3A_20 : memref<640x64xf32, #tpu.memory_space<hbm>>) dst(%dma_wait3A_18 : memref<640x64xf32, #tpu.memory_space<vmem_shared>>)
      tpu.yield
    }) : () -> ()
    %barrier3A = arith.constant 0 : index
    tpu.barrier barrier_id(%barrier3A)
    %scan3A = arith.constant 0 : i32
    %scan3A_5 = arith.constant 0 : i32
    %scan3A_6 = arith.constant 9 : i32
    %scan3A_7 = arith.addi %scan3A_5, %scan3A_6 : i32
    %scan3A_8 = arith.constant 1 : i32
    scf.for %scan3A_15 = %scan3A_5 to %scan3A_7 step %scan3A_8  : i32 {
      "tpu.region"() ({
        %run_scoped3A = tpu.sem_alloc : memref<!tpu.dma_semaphore, #tpu.memory_space<semaphore_mem>>
        %dma_start3A_20 = arith.constant 0 : i32
        %dma_start3A_21 = tpu.memref_slice %arg3[%add3A, %scan3A_15, %dma_start3A_20] : memref<32x9x1152xi32, #tpu.memory_space<hbm>> -> memref<1x1x1152xi32, #tpu.memory_space<hbm>>
        %dma_start3A_22 = tpu.memref_squeeze %dma_start3A_21 : memref<1x1x1152xi32, #tpu.memory_space<hbm>> -> memref<1152xi32, #tpu.memory_space<hbm>>
        %dma_start3A_23 = arith.constant 0 : i32
        %dma_start3A_24 = tpu.memref_slice %arg3[%add3A, %scan3A_15, %dma_start3A_23] : memref<32x9x1152xi32, #tpu.memory_space<hbm>> -> memref<1x1x1152xi32, #tpu.memory_space<hbm>>
        %dma_start3A_25 = tpu.memref_squeeze %dma_start3A_24 : memref<1x1x1152xi32, #tpu.memory_space<hbm>> -> memref<1152xi32, #tpu.memory_space<hbm>>
        tpu.enqueue_dma source(%dma_start3A_25 : memref<1152xi32, #tpu.memory_space<hbm>>) target(%arg8 : memref<1152xi32, #tpu.memory_space<vmem>>) target_semaphore(%run_scoped3A : memref<!tpu.dma_semaphore, #tpu.memory_space<semaphore_mem>>)
        %dma_wait3A_26 = arith.constant 0 : i32
        %dma_wait3A_27 = tpu.memref_slice %arg3[%add3A, %scan3A_15, %dma_wait3A_26] : memref<32x9x1152xi32, #tpu.memory_space<hbm>> -> memref<1x1x1152xi32, #tpu.memory_space<hbm>>
        %dma_wait3A_28 = tpu.memref_squeeze %dma_wait3A_27 : memref<1x1x1152xi32, #tpu.memory_space<hbm>> -> memref<1152xi32, #tpu.memory_space<hbm>>
        %dma_wait3A_29 = arith.constant 0 : i32
        %dma_wait3A_30 = tpu.memref_slice %arg3[%add3A, %scan3A_15, %dma_wait3A_29] : memref<32x9x1152xi32, #tpu.memory_space<hbm>> -> memref<1x1x1152xi32, #tpu.memory_space<hbm>>
        %dma_wait3A_31 = tpu.memref_squeeze %dma_wait3A_30 : memref<1x1x1152xi32, #tpu.memory_space<hbm>> -> memref<1152xi32, #tpu.memory_space<hbm>>
        tpu.wait_dma2 semaphore(%run_scoped3A : memref<!tpu.dma_semaphore, #tpu.memory_space<semaphore_mem>>) src(%dma_wait3A_31 : memref<1152xi32, #tpu.memory_space<hbm>>) dst(%arg8 : memref<1152xi32, #tpu.memory_space<vmem>>)
        tpu.yield
      }) : () -> ()
      "tpu.region"() ({
        %run_scoped3A = tpu.sem_alloc : memref<!tpu.dma_semaphore, #tpu.memory_space<semaphore_mem>>
        %dma_start3A_20 = arith.constant 0 : i32
        %dma_start3A_21 = tpu.memref_slice %arg4[%add3A, %scan3A_15, %dma_start3A_20] : memref<32x9x1152xi32, #tpu.memory_space<hbm>> -> memref<1x1x1152xi32, #tpu.memory_space<hbm>>
        %dma_start3A_22 = tpu.memref_squeeze %dma_start3A_21 : memref<1x1x1152xi32, #tpu.memory_space<hbm>> -> memref<1152xi32, #tpu.memory_space<hbm>>
        %dma_start3A_23 = arith.constant 0 : i32
        %dma_start3A_24 = tpu.memref_slice %arg4[%add3A, %scan3A_15, %dma_start3A_23] : memref<32x9x1152xi32, #tpu.memory_space<hbm>> -> memref<1x1x1152xi32, #tpu.memory_space<hbm>>
        %dma_start3A_25 = tpu.memref_squeeze %dma_start3A_24 : memref<1x1x1152xi32, #tpu.memory_space<hbm>> -> memref<1152xi32, #tpu.memory_space<hbm>>
        tpu.enqueue_dma source(%dma_start3A_25 : memref<1152xi32, #tpu.memory_space<hbm>>) target(%arg9 : memref<1152xi32, #tpu.memory_space<vmem>>) target_semaphore(%run_scoped3A : memref<!tpu.dma_semaphore, #tpu.memory_space<semaphore_mem>>)
        %dma_wait3A_26 = arith.constant 0 : i32
        %dma_wait3A_27 = tpu.memref_slice %arg4[%add3A, %scan3A_15, %dma_wait3A_26] : memref<32x9x1152xi32, #tpu.memory_space<hbm>> -> memref<1x1x1152xi32, #tpu.memory_space<hbm>>
        %dma_wait3A_28 = tpu.memref_squeeze %dma_wait3A_27 : memref<1x1x1152xi32, #tpu.memory_space<hbm>> -> memref<1152xi32, #tpu.memory_space<hbm>>
        %dma_wait3A_29 = arith.constant 0 : i32
        %dma_wait3A_30 = tpu.memref_slice %arg4[%add3A, %scan3A_15, %dma_wait3A_29] : memref<32x9x1152xi32, #tpu.memory_space<hbm>> -> memref<1x1x1152xi32, #tpu.memory_space<hbm>>
        %dma_wait3A_31 = tpu.memref_squeeze %dma_wait3A_30 : memref<1x1x1152xi32, #tpu.memory_space<hbm>> -> memref<1152xi32, #tpu.memory_space<hbm>>
        tpu.wait_dma2 semaphore(%run_scoped3A : memref<!tpu.dma_semaphore, #tpu.memory_space<semaphore_mem>>) src(%dma_wait3A_31 : memref<1152xi32, #tpu.memory_space<hbm>>) dst(%arg9 : memref<1152xi32, #tpu.memory_space<vmem>>)
        tpu.yield
      }) : () -> ()
      %dma_start3A = arith.constant 0 : i32
      %dma_start3A_16 = arith.constant 0 : i32
      %dma_start3A_17 = tpu.memref_slice %arg2[%dma_start3A, %dma_start3A_16] : memref<10000x64xf32, #tpu.memory_space<hbm>> -> memref<10000x64xf32, #tpu.memory_space<hbm>>
      tpu.enqueue_indirect_dma source(%dma_start3A_17 : memref<10000x64xf32, #tpu.memory_space<hbm>>) target(%arg10 : memref<1152x64xf32, #tpu.memory_space<vmem>>) offsets(%arg8 : memref<1152xi32, #tpu.memory_space<vmem>>) semaphore(%arg11 : memref<!tpu.dma_semaphore, #tpu.memory_space<semaphore_mem>>)
      %dma_wait3A = arith.constant 0 : i32
      %dma_wait3A_18 = arith.constant 0 : i32
      %dma_wait3A_19 = tpu.memref_slice %arg2[%dma_wait3A, %dma_wait3A_18] : memref<10000x64xf32, #tpu.memory_space<hbm>> -> memref<10000x64xf32, #tpu.memory_space<hbm>>
      tpu.wait_indirect_dma semaphore(%arg11 : memref<!tpu.dma_semaphore, #tpu.memory_space<semaphore_mem>>) src(%dma_wait3A_19 : memref<10000x64xf32, #tpu.memory_space<hbm>>) dst(%arg10 : memref<1152x64xf32, #tpu.memory_space<vmem>>)
      "tpu.region"() ({
        %run_scoped3A = tpu.sem_alloc : memref<!tpu.dma_semaphore, #tpu.memory_space<semaphore_mem>>
        %dma_start3A_20 = arith.constant 0 : i32
        %dma_start3A_21 = arith.constant 0 : i32
        %dma_start3A_22 = tpu.memref_slice %arg7[%dma_start3A_20, %dma_start3A_21] : memref<10240x64xf32, #tpu.memory_space<vmem_shared>> -> memref<10240x64xf32, #tpu.memory_space<vmem_shared>>
        tpu.enqueue_indirect_dma source(%arg10 : memref<1152x64xf32, #tpu.memory_space<vmem>>) target(%dma_start3A_22 : memref<10240x64xf32, #tpu.memory_space<vmem_shared>>) offsets(%arg9 : memref<1152xi32, #tpu.memory_space<vmem>>) semaphore(%run_scoped3A : memref<!tpu.dma_semaphore, #tpu.memory_space<semaphore_mem>>) {add = true}
        %dma_wait3A_23 = arith.constant 0 : i32
        %dma_wait3A_24 = arith.constant 0 : i32
        %dma_wait3A_25 = tpu.memref_slice %arg7[%dma_wait3A_23, %dma_wait3A_24] : memref<10240x64xf32, #tpu.memory_space<vmem_shared>> -> memref<10240x64xf32, #tpu.memory_space<vmem_shared>>
        tpu.wait_indirect_dma semaphore(%run_scoped3A : memref<!tpu.dma_semaphore, #tpu.memory_space<semaphore_mem>>) src(%arg10 : memref<1152x64xf32, #tpu.memory_space<vmem>>) dst(%dma_wait3A_25 : memref<10240x64xf32, #tpu.memory_space<vmem_shared>>)
        tpu.yield
      }) : () -> ()
    }
    %scan3A_9 = arith.constant 9 : i32
    %barrier3A_10 = arith.constant 0 : index
    tpu.barrier barrier_id(%barrier3A_10)
    %mul3A_11 = arith.constant 640 : i32
    %mul3A_12 = arith.muli %arg1, %mul3A_11 : i32
    %mul3A_13 = arith.constant 640 : i32
    %mul3A_14 = arith.muli %arg1, %mul3A_13 : i32
    "tpu.region"() ({
      %run_scoped3A = tpu.sem_alloc : memref<!tpu.dma_semaphore, #tpu.memory_space<semaphore_mem>>
      %dma_start3A = arith.constant 0 : i32
      %dma_start3A_15 = tpu.memref_slice %arg6[%arg0, %mul3A_14, %dma_start3A] : memref<2x10240x64xf32, #tpu.memory_space<hbm>> -> memref<1x640x64xf32, #tpu.memory_space<hbm>>
      %dma_start3A_16 = tpu.memref_squeeze %dma_start3A_15 : memref<1x640x64xf32, #tpu.memory_space<hbm>> -> memref<640x64xf32, #tpu.memory_space<hbm>>
      %dma_start3A_17 = arith.constant 0 : i32
      %dma_start3A_18 = tpu.memref_slice %arg7[%mul3A_12, %dma_start3A_17] : memref<10240x64xf32, #tpu.memory_space<vmem_shared>> -> memref<640x64xf32, #tpu.memory_space<vmem_shared>>
      tpu.enqueue_dma source(%dma_start3A_18 : memref<640x64xf32, #tpu.memory_space<vmem_shared>>) target(%dma_start3A_16 : memref<640x64xf32, #tpu.memory_space<hbm>>) target_semaphore(%run_scoped3A : memref<!tpu.dma_semaphore, #tpu.memory_space<semaphore_mem>>)
      %dma_wait3A = arith.constant 0 : i32
      %dma_wait3A_19 = tpu.memref_slice %arg6[%arg0, %mul3A_14, %dma_wait3A] : memref<2x10240x64xf32, #tpu.memory_space<hbm>> -> memref<1x640x64xf32, #tpu.memory_space<hbm>>
      %dma_wait3A_20 = tpu.memref_squeeze %dma_wait3A_19 : memref<1x640x64xf32, #tpu.memory_space<hbm>> -> memref<640x64xf32, #tpu.memory_space<hbm>>
      %dma_wait3A_21 = arith.constant 0 : i32
      %dma_wait3A_22 = tpu.memref_slice %arg7[%mul3A_12, %dma_wait3A_21] : memref<10240x64xf32, #tpu.memory_space<vmem_shared>> -> memref<640x64xf32, #tpu.memory_space<vmem_shared>>
      tpu.wait_dma2 semaphore(%run_scoped3A : memref<!tpu.dma_semaphore, #tpu.memory_space<semaphore_mem>>) src(%dma_wait3A_22 : memref<640x64xf32, #tpu.memory_space<vmem_shared>>) dst(%dma_wait3A_20 : memref<640x64xf32, #tpu.memory_space<hbm>>)
      tpu.yield
    }) : () -> ()
    return
  }
}

#map = affine_map<(d0, d1) -> (0, 0)>
#map1 = affine_map<(d0, d1) -> (0, 0, 0)>
module attributes {stable_mosaic.version = 14 : i64} {
  func.func @_prop_body(%arg0: i32, %arg1: i32, %arg2: memref<10000x64xf32, #tpu.memory_space<hbm>>, %arg3: memref<32x9x1152xi32, #tpu.memory_space<hbm>>, %arg4: memref<32x9x1152xi32, #tpu.memory_space<hbm>>, %arg5: memref<10240x64xf32, #tpu.memory_space<hbm>>, %arg6: memref<2x10240x64xf32, #tpu.memory_space<hbm>>, %arg7: memref<10240x64xf32, #tpu.memory_space<vmem_shared>>, %arg8: memref<1152xi32, #tpu.memory_space<vmem>>, %arg9: memref<1152xi32, #tpu.memory_space<vmem>>, %arg10: memref<1152x64xf32, #tpu.memory_space<vmem>>, %arg11: memref<!tpu.dma_semaphore, #tpu.memory_space<semaphore_mem>>) attributes {dimension_semantics = [#tpu.dimension_semantics<core_parallel>, #tpu.dimension_semantics<subcore_parallel>], iteration_bounds = array<i64: 2, 16>, scalar_prefetch = 0 : i64, scratch_operands = 5 : i64, tpu.core_type = #tpu.core_type<sc_vector_subcore>, window_params = [{transform_indices = #map}, {transform_indices = #map1}, {transform_indices = #map1}, {transform_indices = #map}, {transform_indices = #map1}]} {
    %mul3A = arith.constant 16 : i32
    %mul3A_0 = arith.muli %arg0, %mul3A : i32
    %add3A = arith.addi %mul3A_0, %arg1 : i32
    %mul3A_1 = arith.constant 640 : i32
    %mul3A_2 = arith.muli %arg1, %mul3A_1 : i32
    %mul3A_3 = arith.constant 640 : i32
    %mul3A_4 = arith.muli %arg1, %mul3A_3 : i32
    "tpu.region"() ({
      %run_scoped3A = tpu.sem_alloc : memref<!tpu.dma_semaphore, #tpu.memory_space<semaphore_mem>>
      %dma_start3A = arith.constant 0 : i32
      %dma_start3A_15 = tpu.memref_slice %arg7[%mul3A_4, %dma_start3A] : memref<10240x64xf32, #tpu.memory_space<vmem_shared>> -> memref<640x64xf32, #tpu.memory_space<vmem_shared>>
      %dma_start3A_16 = arith.constant 0 : i32
      %dma_start3A_17 = tpu.memref_slice %arg5[%mul3A_2, %dma_start3A_16] : memref<10240x64xf32, #tpu.memory_space<hbm>> -> memref<640x64xf32, #tpu.memory_space<hbm>>
      tpu.enqueue_dma source(%dma_start3A_17 : memref<640x64xf32, #tpu.memory_space<hbm>>) target(%dma_start3A_15 : memref<640x64xf32, #tpu.memory_space<vmem_shared>>) target_semaphore(%run_scoped3A : memref<!tpu.dma_semaphore, #tpu.memory_space<semaphore_mem>>)
      %dma_wait3A = arith.constant 0 : i32
      %dma_wait3A_18 = tpu.memref_slice %arg7[%mul3A_4, %dma_wait3A] : memref<10240x64xf32, #tpu.memory_space<vmem_shared>> -> memref<640x64xf32, #tpu.memory_space<vmem_shared>>
      %dma_wait3A_19 = arith.constant 0 : i32
      %dma_wait3A_20 = tpu.memref_slice %arg5[%mul3A_2, %dma_wait3A_19] : memref<10240x64xf32, #tpu.memory_space<hbm>> -> memref<640x64xf32, #tpu.memory_space<hbm>>
      tpu.wait_dma2 semaphore(%run_scoped3A : memref<!tpu.dma_semaphore, #tpu.memory_space<semaphore_mem>>) src(%dma_wait3A_20 : memref<640x64xf32, #tpu.memory_space<hbm>>) dst(%dma_wait3A_18 : memref<640x64xf32, #tpu.memory_space<vmem_shared>>)
      tpu.yield
    }) : () -> ()
    %barrier3A = arith.constant 0 : index
    tpu.barrier barrier_id(%barrier3A)
    %scan3A = arith.constant 0 : i32
    %scan3A_5 = arith.constant 0 : i32
    %scan3A_6 = arith.constant 9 : i32
    %scan3A_7 = arith.addi %scan3A_5, %scan3A_6 : i32
    %scan3A_8 = arith.constant 1 : i32
    scf.for %scan3A_15 = %scan3A_5 to %scan3A_7 step %scan3A_8  : i32 {
      "tpu.region"() ({
        %run_scoped3A = tpu.sem_alloc : memref<!tpu.dma_semaphore, #tpu.memory_space<semaphore_mem>>
        %dma_start3A_20 = arith.constant 0 : i32
        %dma_start3A_21 = tpu.memref_slice %arg3[%add3A, %scan3A_15, %dma_start3A_20] : memref<32x9x1152xi32, #tpu.memory_space<hbm>> -> memref<1x1x1152xi32, #tpu.memory_space<hbm>>
        %dma_start3A_22 = tpu.memref_squeeze %dma_start3A_21 : memref<1x1x1152xi32, #tpu.memory_space<hbm>> -> memref<1152xi32, #tpu.memory_space<hbm>>
        %dma_start3A_23 = arith.constant 0 : i32
        %dma_start3A_24 = tpu.memref_slice %arg3[%add3A, %scan3A_15, %dma_start3A_23] : memref<32x9x1152xi32, #tpu.memory_space<hbm>> -> memref<1x1x1152xi32, #tpu.memory_space<hbm>>
        %dma_start3A_25 = tpu.memref_squeeze %dma_start3A_24 : memref<1x1x1152xi32, #tpu.memory_space<hbm>> -> memref<1152xi32, #tpu.memory_space<hbm>>
        tpu.enqueue_dma source(%dma_start3A_25 : memref<1152xi32, #tpu.memory_space<hbm>>) target(%arg8 : memref<1152xi32, #tpu.memory_space<vmem>>) target_semaphore(%run_scoped3A : memref<!tpu.dma_semaphore, #tpu.memory_space<semaphore_mem>>)
        %dma_wait3A_26 = arith.constant 0 : i32
        %dma_wait3A_27 = tpu.memref_slice %arg3[%add3A, %scan3A_15, %dma_wait3A_26] : memref<32x9x1152xi32, #tpu.memory_space<hbm>> -> memref<1x1x1152xi32, #tpu.memory_space<hbm>>
        %dma_wait3A_28 = tpu.memref_squeeze %dma_wait3A_27 : memref<1x1x1152xi32, #tpu.memory_space<hbm>> -> memref<1152xi32, #tpu.memory_space<hbm>>
        %dma_wait3A_29 = arith.constant 0 : i32
        %dma_wait3A_30 = tpu.memref_slice %arg3[%add3A, %scan3A_15, %dma_wait3A_29] : memref<32x9x1152xi32, #tpu.memory_space<hbm>> -> memref<1x1x1152xi32, #tpu.memory_space<hbm>>
        %dma_wait3A_31 = tpu.memref_squeeze %dma_wait3A_30 : memref<1x1x1152xi32, #tpu.memory_space<hbm>> -> memref<1152xi32, #tpu.memory_space<hbm>>
        tpu.wait_dma2 semaphore(%run_scoped3A : memref<!tpu.dma_semaphore, #tpu.memory_space<semaphore_mem>>) src(%dma_wait3A_31 : memref<1152xi32, #tpu.memory_space<hbm>>) dst(%arg8 : memref<1152xi32, #tpu.memory_space<vmem>>)
        tpu.yield
      }) : () -> ()
      "tpu.region"() ({
        %run_scoped3A = tpu.sem_alloc : memref<!tpu.dma_semaphore, #tpu.memory_space<semaphore_mem>>
        %dma_start3A_20 = arith.constant 0 : i32
        %dma_start3A_21 = tpu.memref_slice %arg4[%add3A, %scan3A_15, %dma_start3A_20] : memref<32x9x1152xi32, #tpu.memory_space<hbm>> -> memref<1x1x1152xi32, #tpu.memory_space<hbm>>
        %dma_start3A_22 = tpu.memref_squeeze %dma_start3A_21 : memref<1x1x1152xi32, #tpu.memory_space<hbm>> -> memref<1152xi32, #tpu.memory_space<hbm>>
        %dma_start3A_23 = arith.constant 0 : i32
        %dma_start3A_24 = tpu.memref_slice %arg4[%add3A, %scan3A_15, %dma_start3A_23] : memref<32x9x1152xi32, #tpu.memory_space<hbm>> -> memref<1x1x1152xi32, #tpu.memory_space<hbm>>
        %dma_start3A_25 = tpu.memref_squeeze %dma_start3A_24 : memref<1x1x1152xi32, #tpu.memory_space<hbm>> -> memref<1152xi32, #tpu.memory_space<hbm>>
        tpu.enqueue_dma source(%dma_start3A_25 : memref<1152xi32, #tpu.memory_space<hbm>>) target(%arg9 : memref<1152xi32, #tpu.memory_space<vmem>>) target_semaphore(%run_scoped3A : memref<!tpu.dma_semaphore, #tpu.memory_space<semaphore_mem>>)
        %dma_wait3A_26 = arith.constant 0 : i32
        %dma_wait3A_27 = tpu.memref_slice %arg4[%add3A, %scan3A_15, %dma_wait3A_26] : memref<32x9x1152xi32, #tpu.memory_space<hbm>> -> memref<1x1x1152xi32, #tpu.memory_space<hbm>>
        %dma_wait3A_28 = tpu.memref_squeeze %dma_wait3A_27 : memref<1x1x1152xi32, #tpu.memory_space<hbm>> -> memref<1152xi32, #tpu.memory_space<hbm>>
        %dma_wait3A_29 = arith.constant 0 : i32
        %dma_wait3A_30 = tpu.memref_slice %arg4[%add3A, %scan3A_15, %dma_wait3A_29] : memref<32x9x1152xi32, #tpu.memory_space<hbm>> -> memref<1x1x1152xi32, #tpu.memory_space<hbm>>
        %dma_wait3A_31 = tpu.memref_squeeze %dma_wait3A_30 : memref<1x1x1152xi32, #tpu.memory_space<hbm>> -> memref<1152xi32, #tpu.memory_space<hbm>>
        tpu.wait_dma2 semaphore(%run_scoped3A : memref<!tpu.dma_semaphore, #tpu.memory_space<semaphore_mem>>) src(%dma_wait3A_31 : memref<1152xi32, #tpu.memory_space<hbm>>) dst(%arg9 : memref<1152xi32, #tpu.memory_space<vmem>>)
        tpu.yield
      }) : () -> ()
      %dma_start3A = arith.constant 0 : i32
      %dma_start3A_16 = arith.constant 0 : i32
      %dma_start3A_17 = tpu.memref_slice %arg2[%dma_start3A, %dma_start3A_16] : memref<10000x64xf32, #tpu.memory_space<hbm>> -> memref<10000x64xf32, #tpu.memory_space<hbm>>
      tpu.enqueue_indirect_dma source(%dma_start3A_17 : memref<10000x64xf32, #tpu.memory_space<hbm>>) target(%arg10 : memref<1152x64xf32, #tpu.memory_space<vmem>>) offsets(%arg8 : memref<1152xi32, #tpu.memory_space<vmem>>) semaphore(%arg11 : memref<!tpu.dma_semaphore, #tpu.memory_space<semaphore_mem>>)
      %dma_wait3A = arith.constant 0 : i32
      %dma_wait3A_18 = arith.constant 0 : i32
      %dma_wait3A_19 = tpu.memref_slice %arg2[%dma_wait3A, %dma_wait3A_18] : memref<10000x64xf32, #tpu.memory_space<hbm>> -> memref<10000x64xf32, #tpu.memory_space<hbm>>
      tpu.wait_indirect_dma semaphore(%arg11 : memref<!tpu.dma_semaphore, #tpu.memory_space<semaphore_mem>>) src(%dma_wait3A_19 : memref<10000x64xf32, #tpu.memory_space<hbm>>) dst(%arg10 : memref<1152x64xf32, #tpu.memory_space<vmem>>)
      "tpu.region"() ({
        %run_scoped3A = tpu.sem_alloc : memref<!tpu.dma_semaphore, #tpu.memory_space<semaphore_mem>>
        %dma_start3A_20 = arith.constant 0 : i32
        %dma_start3A_21 = arith.constant 0 : i32
        %dma_start3A_22 = tpu.memref_slice %arg7[%dma_start3A_20, %dma_start3A_21] : memref<10240x64xf32, #tpu.memory_space<vmem_shared>> -> memref<10240x64xf32, #tpu.memory_space<vmem_shared>>
        tpu.enqueue_indirect_dma source(%arg10 : memref<1152x64xf32, #tpu.memory_space<vmem>>) target(%dma_start3A_22 : memref<10240x64xf32, #tpu.memory_space<vmem_shared>>) offsets(%arg9 : memref<1152xi32, #tpu.memory_space<vmem>>) semaphore(%run_scoped3A : memref<!tpu.dma_semaphore, #tpu.memory_space<semaphore_mem>>) {add = true}
        %dma_wait3A_23 = arith.constant 0 : i32
        %dma_wait3A_24 = arith.constant 0 : i32
        %dma_wait3A_25 = tpu.memref_slice %arg7[%dma_wait3A_23, %dma_wait3A_24] : memref<10240x64xf32, #tpu.memory_space<vmem_shared>> -> memref<10240x64xf32, #tpu.memory_space<vmem_shared>>
        tpu.wait_indirect_dma semaphore(%run_scoped3A : memref<!tpu.dma_semaphore, #tpu.memory_space<semaphore_mem>>) src(%arg10 : memref<1152x64xf32, #tpu.memory_space<vmem>>) dst(%dma_wait3A_25 : memref<10240x64xf32, #tpu.memory_space<vmem_shared>>)
        tpu.yield
      }) : () -> ()
    }
    %scan3A_9 = arith.constant 9 : i32
    %barrier3A_10 = arith.constant 0 : index
    tpu.barrier barrier_id(%barrier3A_10)
    %mul3A_11 = arith.constant 640 : i32
    %mul3A_12 = arith.muli %arg1, %mul3A_11 : i32
    %mul3A_13 = arith.constant 640 : i32
    %mul3A_14 = arith.muli %arg1, %mul3A_13 : i32
    "tpu.region"() ({
      %run_scoped3A = tpu.sem_alloc : memref<!tpu.dma_semaphore, #tpu.memory_space<semaphore_mem>>
      %dma_start3A = arith.constant 0 : i32
      %dma_start3A_15 = tpu.memref_slice %arg6[%arg0, %mul3A_14, %dma_start3A] : memref<2x10240x64xf32, #tpu.memory_space<hbm>> -> memref<1x640x64xf32, #tpu.memory_space<hbm>>
      %dma_start3A_16 = tpu.memref_squeeze %dma_start3A_15 : memref<1x640x64xf32, #tpu.memory_space<hbm>> -> memref<640x64xf32, #tpu.memory_space<hbm>>
      %dma_start3A_17 = arith.constant 0 : i32
      %dma_start3A_18 = tpu.memref_slice %arg7[%mul3A_12, %dma_start3A_17] : memref<10240x64xf32, #tpu.memory_space<vmem_shared>> -> memref<640x64xf32, #tpu.memory_space<vmem_shared>>
      tpu.enqueue_dma source(%dma_start3A_18 : memref<640x64xf32, #tpu.memory_space<vmem_shared>>) target(%dma_start3A_16 : memref<640x64xf32, #tpu.memory_space<hbm>>) target_semaphore(%run_scoped3A : memref<!tpu.dma_semaphore, #tpu.memory_space<semaphore_mem>>)
      %dma_wait3A = arith.constant 0 : i32
      %dma_wait3A_19 = tpu.memref_slice %arg6[%arg0, %mul3A_14, %dma_wait3A] : memref<2x10240x64xf32, #tpu.memory_space<hbm>> -> memref<1x640x64xf32, #tpu.memory_space<hbm>>
      %dma_wait3A_20 = tpu.memref_squeeze %dma_wait3A_19 : memref<1x640x64xf32, #tpu.memory_space<hbm>> -> memref<640x64xf32, #tpu.memory_space<hbm>>
      %dma_wait3A_21 = arith.constant 0 : i32
      %dma_wait3A_22 = tpu.memref_slice %arg7[%mul3A_12, %dma_wait3A_21] : memref<10240x64xf32, #tpu.memory_space<vmem_shared>> -> memref<640x64xf32, #tpu.memory_space<vmem_shared>>
      tpu.wait_dma2 semaphore(%run_scoped3A : memref<!tpu.dma_semaphore, #tpu.memory_space<semaphore_mem>>) src(%dma_wait3A_22 : memref<640x64xf32, #tpu.memory_space<vmem_shared>>) dst(%dma_wait3A_20 : memref<640x64xf32, #tpu.memory_space<hbm>>)
      tpu.yield
    }) : () -> ()
    return
  }
}

#map = affine_map<(d0, d1) -> (0, 0)>
#map1 = affine_map<(d0, d1) -> (0, 0, 0)>
module attributes {stable_mosaic.version = 14 : i64} {
  func.func @_prop_body(%arg0: i32, %arg1: i32, %arg2: memref<10000x64xf32, #tpu.memory_space<hbm>>, %arg3: memref<32x9x1152xi32, #tpu.memory_space<hbm>>, %arg4: memref<32x9x1152xi32, #tpu.memory_space<hbm>>, %arg5: memref<10240x64xf32, #tpu.memory_space<hbm>>, %arg6: memref<2x10240x64xf32, #tpu.memory_space<hbm>>, %arg7: memref<10240x64xf32, #tpu.memory_space<vmem_shared>>, %arg8: memref<1152xi32, #tpu.memory_space<vmem>>, %arg9: memref<1152xi32, #tpu.memory_space<vmem>>, %arg10: memref<1152x64xf32, #tpu.memory_space<vmem>>, %arg11: memref<!tpu.dma_semaphore, #tpu.memory_space<semaphore_mem>>) attributes {dimension_semantics = [#tpu.dimension_semantics<core_parallel>, #tpu.dimension_semantics<subcore_parallel>], iteration_bounds = array<i64: 2, 16>, scalar_prefetch = 0 : i64, scratch_operands = 5 : i64, tpu.core_type = #tpu.core_type<sc_vector_subcore>, window_params = [{transform_indices = #map}, {transform_indices = #map1}, {transform_indices = #map1}, {transform_indices = #map}, {transform_indices = #map1}]} {
    %mul3A = arith.constant 16 : i32
    %mul3A_0 = arith.muli %arg0, %mul3A : i32
    %add3A = arith.addi %mul3A_0, %arg1 : i32
    %mul3A_1 = arith.constant 640 : i32
    %mul3A_2 = arith.muli %arg1, %mul3A_1 : i32
    %mul3A_3 = arith.constant 640 : i32
    %mul3A_4 = arith.muli %arg1, %mul3A_3 : i32
    "tpu.region"() ({
      %run_scoped3A = tpu.sem_alloc : memref<!tpu.dma_semaphore, #tpu.memory_space<semaphore_mem>>
      %dma_start3A = arith.constant 0 : i32
      %dma_start3A_15 = tpu.memref_slice %arg7[%mul3A_4, %dma_start3A] : memref<10240x64xf32, #tpu.memory_space<vmem_shared>> -> memref<640x64xf32, #tpu.memory_space<vmem_shared>>
      %dma_start3A_16 = arith.constant 0 : i32
      %dma_start3A_17 = tpu.memref_slice %arg5[%mul3A_2, %dma_start3A_16] : memref<10240x64xf32, #tpu.memory_space<hbm>> -> memref<640x64xf32, #tpu.memory_space<hbm>>
      tpu.enqueue_dma source(%dma_start3A_17 : memref<640x64xf32, #tpu.memory_space<hbm>>) target(%dma_start3A_15 : memref<640x64xf32, #tpu.memory_space<vmem_shared>>) target_semaphore(%run_scoped3A : memref<!tpu.dma_semaphore, #tpu.memory_space<semaphore_mem>>)
      %dma_wait3A = arith.constant 0 : i32
      %dma_wait3A_18 = tpu.memref_slice %arg7[%mul3A_4, %dma_wait3A] : memref<10240x64xf32, #tpu.memory_space<vmem_shared>> -> memref<640x64xf32, #tpu.memory_space<vmem_shared>>
      %dma_wait3A_19 = arith.constant 0 : i32
      %dma_wait3A_20 = tpu.memref_slice %arg5[%mul3A_2, %dma_wait3A_19] : memref<10240x64xf32, #tpu.memory_space<hbm>> -> memref<640x64xf32, #tpu.memory_space<hbm>>
      tpu.wait_dma2 semaphore(%run_scoped3A : memref<!tpu.dma_semaphore, #tpu.memory_space<semaphore_mem>>) src(%dma_wait3A_20 : memref<640x64xf32, #tpu.memory_space<hbm>>) dst(%dma_wait3A_18 : memref<640x64xf32, #tpu.memory_space<vmem_shared>>)
      tpu.yield
    }) : () -> ()
    %barrier3A = arith.constant 0 : index
    tpu.barrier barrier_id(%barrier3A)
    %scan3A = arith.constant 0 : i32
    %scan3A_5 = arith.constant 0 : i32
    %scan3A_6 = arith.constant 9 : i32
    %scan3A_7 = arith.addi %scan3A_5, %scan3A_6 : i32
    %scan3A_8 = arith.constant 1 : i32
    scf.for %scan3A_15 = %scan3A_5 to %scan3A_7 step %scan3A_8  : i32 {
      "tpu.region"() ({
        %run_scoped3A = tpu.sem_alloc : memref<!tpu.dma_semaphore, #tpu.memory_space<semaphore_mem>>
        %dma_start3A_20 = arith.constant 0 : i32
        %dma_start3A_21 = tpu.memref_slice %arg3[%add3A, %scan3A_15, %dma_start3A_20] : memref<32x9x1152xi32, #tpu.memory_space<hbm>> -> memref<1x1x1152xi32, #tpu.memory_space<hbm>>
        %dma_start3A_22 = tpu.memref_squeeze %dma_start3A_21 : memref<1x1x1152xi32, #tpu.memory_space<hbm>> -> memref<1152xi32, #tpu.memory_space<hbm>>
        %dma_start3A_23 = arith.constant 0 : i32
        %dma_start3A_24 = tpu.memref_slice %arg3[%add3A, %scan3A_15, %dma_start3A_23] : memref<32x9x1152xi32, #tpu.memory_space<hbm>> -> memref<1x1x1152xi32, #tpu.memory_space<hbm>>
        %dma_start3A_25 = tpu.memref_squeeze %dma_start3A_24 : memref<1x1x1152xi32, #tpu.memory_space<hbm>> -> memref<1152xi32, #tpu.memory_space<hbm>>
        tpu.enqueue_dma source(%dma_start3A_25 : memref<1152xi32, #tpu.memory_space<hbm>>) target(%arg8 : memref<1152xi32, #tpu.memory_space<vmem>>) target_semaphore(%run_scoped3A : memref<!tpu.dma_semaphore, #tpu.memory_space<semaphore_mem>>)
        %dma_wait3A_26 = arith.constant 0 : i32
        %dma_wait3A_27 = tpu.memref_slice %arg3[%add3A, %scan3A_15, %dma_wait3A_26] : memref<32x9x1152xi32, #tpu.memory_space<hbm>> -> memref<1x1x1152xi32, #tpu.memory_space<hbm>>
        %dma_wait3A_28 = tpu.memref_squeeze %dma_wait3A_27 : memref<1x1x1152xi32, #tpu.memory_space<hbm>> -> memref<1152xi32, #tpu.memory_space<hbm>>
        %dma_wait3A_29 = arith.constant 0 : i32
        %dma_wait3A_30 = tpu.memref_slice %arg3[%add3A, %scan3A_15, %dma_wait3A_29] : memref<32x9x1152xi32, #tpu.memory_space<hbm>> -> memref<1x1x1152xi32, #tpu.memory_space<hbm>>
        %dma_wait3A_31 = tpu.memref_squeeze %dma_wait3A_30 : memref<1x1x1152xi32, #tpu.memory_space<hbm>> -> memref<1152xi32, #tpu.memory_space<hbm>>
        tpu.wait_dma2 semaphore(%run_scoped3A : memref<!tpu.dma_semaphore, #tpu.memory_space<semaphore_mem>>) src(%dma_wait3A_31 : memref<1152xi32, #tpu.memory_space<hbm>>) dst(%arg8 : memref<1152xi32, #tpu.memory_space<vmem>>)
        tpu.yield
      }) : () -> ()
      "tpu.region"() ({
        %run_scoped3A = tpu.sem_alloc : memref<!tpu.dma_semaphore, #tpu.memory_space<semaphore_mem>>
        %dma_start3A_20 = arith.constant 0 : i32
        %dma_start3A_21 = tpu.memref_slice %arg4[%add3A, %scan3A_15, %dma_start3A_20] : memref<32x9x1152xi32, #tpu.memory_space<hbm>> -> memref<1x1x1152xi32, #tpu.memory_space<hbm>>
        %dma_start3A_22 = tpu.memref_squeeze %dma_start3A_21 : memref<1x1x1152xi32, #tpu.memory_space<hbm>> -> memref<1152xi32, #tpu.memory_space<hbm>>
        %dma_start3A_23 = arith.constant 0 : i32
        %dma_start3A_24 = tpu.memref_slice %arg4[%add3A, %scan3A_15, %dma_start3A_23] : memref<32x9x1152xi32, #tpu.memory_space<hbm>> -> memref<1x1x1152xi32, #tpu.memory_space<hbm>>
        %dma_start3A_25 = tpu.memref_squeeze %dma_start3A_24 : memref<1x1x1152xi32, #tpu.memory_space<hbm>> -> memref<1152xi32, #tpu.memory_space<hbm>>
        tpu.enqueue_dma source(%dma_start3A_25 : memref<1152xi32, #tpu.memory_space<hbm>>) target(%arg9 : memref<1152xi32, #tpu.memory_space<vmem>>) target_semaphore(%run_scoped3A : memref<!tpu.dma_semaphore, #tpu.memory_space<semaphore_mem>>)
        %dma_wait3A_26 = arith.constant 0 : i32
        %dma_wait3A_27 = tpu.memref_slice %arg4[%add3A, %scan3A_15, %dma_wait3A_26] : memref<32x9x1152xi32, #tpu.memory_space<hbm>> -> memref<1x1x1152xi32, #tpu.memory_space<hbm>>
        %dma_wait3A_28 = tpu.memref_squeeze %dma_wait3A_27 : memref<1x1x1152xi32, #tpu.memory_space<hbm>> -> memref<1152xi32, #tpu.memory_space<hbm>>
        %dma_wait3A_29 = arith.constant 0 : i32
        %dma_wait3A_30 = tpu.memref_slice %arg4[%add3A, %scan3A_15, %dma_wait3A_29] : memref<32x9x1152xi32, #tpu.memory_space<hbm>> -> memref<1x1x1152xi32, #tpu.memory_space<hbm>>
        %dma_wait3A_31 = tpu.memref_squeeze %dma_wait3A_30 : memref<1x1x1152xi32, #tpu.memory_space<hbm>> -> memref<1152xi32, #tpu.memory_space<hbm>>
        tpu.wait_dma2 semaphore(%run_scoped3A : memref<!tpu.dma_semaphore, #tpu.memory_space<semaphore_mem>>) src(%dma_wait3A_31 : memref<1152xi32, #tpu.memory_space<hbm>>) dst(%arg9 : memref<1152xi32, #tpu.memory_space<vmem>>)
        tpu.yield
      }) : () -> ()
      %dma_start3A = arith.constant 0 : i32
      %dma_start3A_16 = arith.constant 0 : i32
      %dma_start3A_17 = tpu.memref_slice %arg2[%dma_start3A, %dma_start3A_16] : memref<10000x64xf32, #tpu.memory_space<hbm>> -> memref<10000x64xf32, #tpu.memory_space<hbm>>
      tpu.enqueue_indirect_dma source(%dma_start3A_17 : memref<10000x64xf32, #tpu.memory_space<hbm>>) target(%arg10 : memref<1152x64xf32, #tpu.memory_space<vmem>>) offsets(%arg8 : memref<1152xi32, #tpu.memory_space<vmem>>) semaphore(%arg11 : memref<!tpu.dma_semaphore, #tpu.memory_space<semaphore_mem>>)
      %dma_wait3A = arith.constant 0 : i32
      %dma_wait3A_18 = arith.constant 0 : i32
      %dma_wait3A_19 = tpu.memref_slice %arg2[%dma_wait3A, %dma_wait3A_18] : memref<10000x64xf32, #tpu.memory_space<hbm>> -> memref<10000x64xf32, #tpu.memory_space<hbm>>
      tpu.wait_indirect_dma semaphore(%arg11 : memref<!tpu.dma_semaphore, #tpu.memory_space<semaphore_mem>>) src(%dma_wait3A_19 : memref<10000x64xf32, #tpu.memory_space<hbm>>) dst(%arg10 : memref<1152x64xf32, #tpu.memory_space<vmem>>)
      "tpu.region"() ({
        %run_scoped3A = tpu.sem_alloc : memref<!tpu.dma_semaphore, #tpu.memory_space<semaphore_mem>>
        %dma_start3A_20 = arith.constant 0 : i32
        %dma_start3A_21 = arith.constant 0 : i32
        %dma_start3A_22 = tpu.memref_slice %arg7[%dma_start3A_20, %dma_start3A_21] : memref<10240x64xf32, #tpu.memory_space<vmem_shared>> -> memref<10240x64xf32, #tpu.memory_space<vmem_shared>>
        tpu.enqueue_indirect_dma source(%arg10 : memref<1152x64xf32, #tpu.memory_space<vmem>>) target(%dma_start3A_22 : memref<10240x64xf32, #tpu.memory_space<vmem_shared>>) offsets(%arg9 : memref<1152xi32, #tpu.memory_space<vmem>>) semaphore(%run_scoped3A : memref<!tpu.dma_semaphore, #tpu.memory_space<semaphore_mem>>) {add = true}
        %dma_wait3A_23 = arith.constant 0 : i32
        %dma_wait3A_24 = arith.constant 0 : i32
        %dma_wait3A_25 = tpu.memref_slice %arg7[%dma_wait3A_23, %dma_wait3A_24] : memref<10240x64xf32, #tpu.memory_space<vmem_shared>> -> memref<10240x64xf32, #tpu.memory_space<vmem_shared>>
        tpu.wait_indirect_dma semaphore(%run_scoped3A : memref<!tpu.dma_semaphore, #tpu.memory_space<semaphore_mem>>) src(%arg10 : memref<1152x64xf32, #tpu.memory_space<vmem>>) dst(%dma_wait3A_25 : memref<10240x64xf32, #tpu.memory_space<vmem_shared>>)
        tpu.yield
      }) : () -> ()
    }
    %scan3A_9 = arith.constant 9 : i32
    %barrier3A_10 = arith.constant 0 : index
    tpu.barrier barrier_id(%barrier3A_10)
    %mul3A_11 = arith.constant 640 : i32
    %mul3A_12 = arith.muli %arg1, %mul3A_11 : i32
    %mul3A_13 = arith.constant 640 : i32
    %mul3A_14 = arith.muli %arg1, %mul3A_13 : i32
    "tpu.region"() ({
      %run_scoped3A = tpu.sem_alloc : memref<!tpu.dma_semaphore, #tpu.memory_space<semaphore_mem>>
      %dma_start3A = arith.constant 0 : i32
      %dma_start3A_15 = tpu.memref_slice %arg6[%arg0, %mul3A_14, %dma_start3A] : memref<2x10240x64xf32, #tpu.memory_space<hbm>> -> memref<1x640x64xf32, #tpu.memory_space<hbm>>
      %dma_start3A_16 = tpu.memref_squeeze %dma_start3A_15 : memref<1x640x64xf32, #tpu.memory_space<hbm>> -> memref<640x64xf32, #tpu.memory_space<hbm>>
      %dma_start3A_17 = arith.constant 0 : i32
      %dma_start3A_18 = tpu.memref_slice %arg7[%mul3A_12, %dma_start3A_17] : memref<10240x64xf32, #tpu.memory_space<vmem_shared>> -> memref<640x64xf32, #tpu.memory_space<vmem_shared>>
      tpu.enqueue_dma source(%dma_start3A_18 : memref<640x64xf32, #tpu.memory_space<vmem_shared>>) target(%dma_start3A_16 : memref<640x64xf32, #tpu.memory_space<hbm>>) target_semaphore(%run_scoped3A : memref<!tpu.dma_semaphore, #tpu.memory_space<semaphore_mem>>)
      %dma_wait3A = arith.constant 0 : i32
      %dma_wait3A_19 = tpu.memref_slice %arg6[%arg0, %mul3A_14, %dma_wait3A] : memref<2x10240x64xf32, #tpu.memory_space<hbm>> -> memref<1x640x64xf32, #tpu.memory_space<hbm>>
      %dma_wait3A_20 = tpu.memref_squeeze %dma_wait3A_19 : memref<1x640x64xf32, #tpu.memory_space<hbm>> -> memref<640x64xf32, #tpu.memory_space<hbm>>
      %dma_wait3A_21 = arith.constant 0 : i32
      %dma_wait3A_22 = tpu.memref_slice %arg7[%mul3A_12, %dma_wait3A_21] : memref<10240x64xf32, #tpu.memory_space<vmem_shared>> -> memref<640x64xf32, #tpu.memory_space<vmem_shared>>
      tpu.wait_dma2 semaphore(%run_scoped3A : memref<!tpu.dma_semaphore, #tpu.memory_space<semaphore_mem>>) src(%dma_wait3A_22 : memref<640x64xf32, #tpu.memory_space<vmem_shared>>) dst(%dma_wait3A_20 : memref<640x64xf32, #tpu.memory_space<hbm>>)
      tpu.yield
    }) : () -> ()
    return
  }
}

#map = affine_map<(d0, d1) -> (0, 0)>
#map1 = affine_map<(d0, d1) -> (0, 0, 0)>
module attributes {stable_mosaic.version = 14 : i64} {
  func.func @_prop_body(%arg0: i32, %arg1: i32, %arg2: memref<10000x64xf32, #tpu.memory_space<hbm>>, %arg3: memref<32x9x1152xi32, #tpu.memory_space<hbm>>, %arg4: memref<32x9x1152xi32, #tpu.memory_space<hbm>>, %arg5: memref<10240x64xf32, #tpu.memory_space<hbm>>, %arg6: memref<2x10240x64xf32, #tpu.memory_space<hbm>>, %arg7: memref<10240x64xf32, #tpu.memory_space<vmem_shared>>, %arg8: memref<1152xi32, #tpu.memory_space<vmem>>, %arg9: memref<1152xi32, #tpu.memory_space<vmem>>, %arg10: memref<1152x64xf32, #tpu.memory_space<vmem>>, %arg11: memref<!tpu.dma_semaphore, #tpu.memory_space<semaphore_mem>>) attributes {dimension_semantics = [#tpu.dimension_semantics<core_parallel>, #tpu.dimension_semantics<subcore_parallel>], iteration_bounds = array<i64: 2, 16>, scalar_prefetch = 0 : i64, scratch_operands = 5 : i64, tpu.core_type = #tpu.core_type<sc_vector_subcore>, window_params = [{transform_indices = #map}, {transform_indices = #map1}, {transform_indices = #map1}, {transform_indices = #map}, {transform_indices = #map1}]} {
    %mul3A = arith.constant 16 : i32
    %mul3A_0 = arith.muli %arg0, %mul3A : i32
    %add3A = arith.addi %mul3A_0, %arg1 : i32
    %mul3A_1 = arith.constant 640 : i32
    %mul3A_2 = arith.muli %arg1, %mul3A_1 : i32
    %mul3A_3 = arith.constant 640 : i32
    %mul3A_4 = arith.muli %arg1, %mul3A_3 : i32
    "tpu.region"() ({
      %run_scoped3A = tpu.sem_alloc : memref<!tpu.dma_semaphore, #tpu.memory_space<semaphore_mem>>
      %dma_start3A = arith.constant 0 : i32
      %dma_start3A_15 = tpu.memref_slice %arg7[%mul3A_4, %dma_start3A] : memref<10240x64xf32, #tpu.memory_space<vmem_shared>> -> memref<640x64xf32, #tpu.memory_space<vmem_shared>>
      %dma_start3A_16 = arith.constant 0 : i32
      %dma_start3A_17 = tpu.memref_slice %arg5[%mul3A_2, %dma_start3A_16] : memref<10240x64xf32, #tpu.memory_space<hbm>> -> memref<640x64xf32, #tpu.memory_space<hbm>>
      tpu.enqueue_dma source(%dma_start3A_17 : memref<640x64xf32, #tpu.memory_space<hbm>>) target(%dma_start3A_15 : memref<640x64xf32, #tpu.memory_space<vmem_shared>>) target_semaphore(%run_scoped3A : memref<!tpu.dma_semaphore, #tpu.memory_space<semaphore_mem>>)
      %dma_wait3A = arith.constant 0 : i32
      %dma_wait3A_18 = tpu.memref_slice %arg7[%mul3A_4, %dma_wait3A] : memref<10240x64xf32, #tpu.memory_space<vmem_shared>> -> memref<640x64xf32, #tpu.memory_space<vmem_shared>>
      %dma_wait3A_19 = arith.constant 0 : i32
      %dma_wait3A_20 = tpu.memref_slice %arg5[%mul3A_2, %dma_wait3A_19] : memref<10240x64xf32, #tpu.memory_space<hbm>> -> memref<640x64xf32, #tpu.memory_space<hbm>>
      tpu.wait_dma2 semaphore(%run_scoped3A : memref<!tpu.dma_semaphore, #tpu.memory_space<semaphore_mem>>) src(%dma_wait3A_20 : memref<640x64xf32, #tpu.memory_space<hbm>>) dst(%dma_wait3A_18 : memref<640x64xf32, #tpu.memory_space<vmem_shared>>)
      tpu.yield
    }) : () -> ()
    %barrier3A = arith.constant 0 : index
    tpu.barrier barrier_id(%barrier3A)
    %scan3A = arith.constant 0 : i32
    %scan3A_5 = arith.constant 0 : i32
    %scan3A_6 = arith.constant 9 : i32
    %scan3A_7 = arith.addi %scan3A_5, %scan3A_6 : i32
    %scan3A_8 = arith.constant 1 : i32
    scf.for %scan3A_15 = %scan3A_5 to %scan3A_7 step %scan3A_8  : i32 {
      "tpu.region"() ({
        %run_scoped3A = tpu.sem_alloc : memref<!tpu.dma_semaphore, #tpu.memory_space<semaphore_mem>>
        %dma_start3A_20 = arith.constant 0 : i32
        %dma_start3A_21 = tpu.memref_slice %arg3[%add3A, %scan3A_15, %dma_start3A_20] : memref<32x9x1152xi32, #tpu.memory_space<hbm>> -> memref<1x1x1152xi32, #tpu.memory_space<hbm>>
        %dma_start3A_22 = tpu.memref_squeeze %dma_start3A_21 : memref<1x1x1152xi32, #tpu.memory_space<hbm>> -> memref<1152xi32, #tpu.memory_space<hbm>>
        %dma_start3A_23 = arith.constant 0 : i32
        %dma_start3A_24 = tpu.memref_slice %arg3[%add3A, %scan3A_15, %dma_start3A_23] : memref<32x9x1152xi32, #tpu.memory_space<hbm>> -> memref<1x1x1152xi32, #tpu.memory_space<hbm>>
        %dma_start3A_25 = tpu.memref_squeeze %dma_start3A_24 : memref<1x1x1152xi32, #tpu.memory_space<hbm>> -> memref<1152xi32, #tpu.memory_space<hbm>>
        tpu.enqueue_dma source(%dma_start3A_25 : memref<1152xi32, #tpu.memory_space<hbm>>) target(%arg8 : memref<1152xi32, #tpu.memory_space<vmem>>) target_semaphore(%run_scoped3A : memref<!tpu.dma_semaphore, #tpu.memory_space<semaphore_mem>>)
        %dma_wait3A_26 = arith.constant 0 : i32
        %dma_wait3A_27 = tpu.memref_slice %arg3[%add3A, %scan3A_15, %dma_wait3A_26] : memref<32x9x1152xi32, #tpu.memory_space<hbm>> -> memref<1x1x1152xi32, #tpu.memory_space<hbm>>
        %dma_wait3A_28 = tpu.memref_squeeze %dma_wait3A_27 : memref<1x1x1152xi32, #tpu.memory_space<hbm>> -> memref<1152xi32, #tpu.memory_space<hbm>>
        %dma_wait3A_29 = arith.constant 0 : i32
        %dma_wait3A_30 = tpu.memref_slice %arg3[%add3A, %scan3A_15, %dma_wait3A_29] : memref<32x9x1152xi32, #tpu.memory_space<hbm>> -> memref<1x1x1152xi32, #tpu.memory_space<hbm>>
        %dma_wait3A_31 = tpu.memref_squeeze %dma_wait3A_30 : memref<1x1x1152xi32, #tpu.memory_space<hbm>> -> memref<1152xi32, #tpu.memory_space<hbm>>
        tpu.wait_dma2 semaphore(%run_scoped3A : memref<!tpu.dma_semaphore, #tpu.memory_space<semaphore_mem>>) src(%dma_wait3A_31 : memref<1152xi32, #tpu.memory_space<hbm>>) dst(%arg8 : memref<1152xi32, #tpu.memory_space<vmem>>)
        tpu.yield
      }) : () -> ()
      "tpu.region"() ({
        %run_scoped3A = tpu.sem_alloc : memref<!tpu.dma_semaphore, #tpu.memory_space<semaphore_mem>>
        %dma_start3A_20 = arith.constant 0 : i32
        %dma_start3A_21 = tpu.memref_slice %arg4[%add3A, %scan3A_15, %dma_start3A_20] : memref<32x9x1152xi32, #tpu.memory_space<hbm>> -> memref<1x1x1152xi32, #tpu.memory_space<hbm>>
        %dma_start3A_22 = tpu.memref_squeeze %dma_start3A_21 : memref<1x1x1152xi32, #tpu.memory_space<hbm>> -> memref<1152xi32, #tpu.memory_space<hbm>>
        %dma_start3A_23 = arith.constant 0 : i32
        %dma_start3A_24 = tpu.memref_slice %arg4[%add3A, %scan3A_15, %dma_start3A_23] : memref<32x9x1152xi32, #tpu.memory_space<hbm>> -> memref<1x1x1152xi32, #tpu.memory_space<hbm>>
        %dma_start3A_25 = tpu.memref_squeeze %dma_start3A_24 : memref<1x1x1152xi32, #tpu.memory_space<hbm>> -> memref<1152xi32, #tpu.memory_space<hbm>>
        tpu.enqueue_dma source(%dma_start3A_25 : memref<1152xi32, #tpu.memory_space<hbm>>) target(%arg9 : memref<1152xi32, #tpu.memory_space<vmem>>) target_semaphore(%run_scoped3A : memref<!tpu.dma_semaphore, #tpu.memory_space<semaphore_mem>>)
        %dma_wait3A_26 = arith.constant 0 : i32
        %dma_wait3A_27 = tpu.memref_slice %arg4[%add3A, %scan3A_15, %dma_wait3A_26] : memref<32x9x1152xi32, #tpu.memory_space<hbm>> -> memref<1x1x1152xi32, #tpu.memory_space<hbm>>
        %dma_wait3A_28 = tpu.memref_squeeze %dma_wait3A_27 : memref<1x1x1152xi32, #tpu.memory_space<hbm>> -> memref<1152xi32, #tpu.memory_space<hbm>>
        %dma_wait3A_29 = arith.constant 0 : i32
        %dma_wait3A_30 = tpu.memref_slice %arg4[%add3A, %scan3A_15, %dma_wait3A_29] : memref<32x9x1152xi32, #tpu.memory_space<hbm>> -> memref<1x1x1152xi32, #tpu.memory_space<hbm>>
        %dma_wait3A_31 = tpu.memref_squeeze %dma_wait3A_30 : memref<1x1x1152xi32, #tpu.memory_space<hbm>> -> memref<1152xi32, #tpu.memory_space<hbm>>
        tpu.wait_dma2 semaphore(%run_scoped3A : memref<!tpu.dma_semaphore, #tpu.memory_space<semaphore_mem>>) src(%dma_wait3A_31 : memref<1152xi32, #tpu.memory_space<hbm>>) dst(%arg9 : memref<1152xi32, #tpu.memory_space<vmem>>)
        tpu.yield
      }) : () -> ()
      %dma_start3A = arith.constant 0 : i32
      %dma_start3A_16 = arith.constant 0 : i32
      %dma_start3A_17 = tpu.memref_slice %arg2[%dma_start3A, %dma_start3A_16] : memref<10000x64xf32, #tpu.memory_space<hbm>> -> memref<10000x64xf32, #tpu.memory_space<hbm>>
      tpu.enqueue_indirect_dma source(%dma_start3A_17 : memref<10000x64xf32, #tpu.memory_space<hbm>>) target(%arg10 : memref<1152x64xf32, #tpu.memory_space<vmem>>) offsets(%arg8 : memref<1152xi32, #tpu.memory_space<vmem>>) semaphore(%arg11 : memref<!tpu.dma_semaphore, #tpu.memory_space<semaphore_mem>>)
      %dma_wait3A = arith.constant 0 : i32
      %dma_wait3A_18 = arith.constant 0 : i32
      %dma_wait3A_19 = tpu.memref_slice %arg2[%dma_wait3A, %dma_wait3A_18] : memref<10000x64xf32, #tpu.memory_space<hbm>> -> memref<10000x64xf32, #tpu.memory_space<hbm>>
      tpu.wait_indirect_dma semaphore(%arg11 : memref<!tpu.dma_semaphore, #tpu.memory_space<semaphore_mem>>) src(%dma_wait3A_19 : memref<10000x64xf32, #tpu.memory_space<hbm>>) dst(%arg10 : memref<1152x64xf32, #tpu.memory_space<vmem>>)
      "tpu.region"() ({
        %run_scoped3A = tpu.sem_alloc : memref<!tpu.dma_semaphore, #tpu.memory_space<semaphore_mem>>
        %dma_start3A_20 = arith.constant 0 : i32
        %dma_start3A_21 = arith.constant 0 : i32
        %dma_start3A_22 = tpu.memref_slice %arg7[%dma_start3A_20, %dma_start3A_21] : memref<10240x64xf32, #tpu.memory_space<vmem_shared>> -> memref<10240x64xf32, #tpu.memory_space<vmem_shared>>
        tpu.enqueue_indirect_dma source(%arg10 : memref<1152x64xf32, #tpu.memory_space<vmem>>) target(%dma_start3A_22 : memref<10240x64xf32, #tpu.memory_space<vmem_shared>>) offsets(%arg9 : memref<1152xi32, #tpu.memory_space<vmem>>) semaphore(%run_scoped3A : memref<!tpu.dma_semaphore, #tpu.memory_space<semaphore_mem>>) {add = true}
        %dma_wait3A_23 = arith.constant 0 : i32
        %dma_wait3A_24 = arith.constant 0 : i32
        %dma_wait3A_25 = tpu.memref_slice %arg7[%dma_wait3A_23, %dma_wait3A_24] : memref<10240x64xf32, #tpu.memory_space<vmem_shared>> -> memref<10240x64xf32, #tpu.memory_space<vmem_shared>>
        tpu.wait_indirect_dma semaphore(%run_scoped3A : memref<!tpu.dma_semaphore, #tpu.memory_space<semaphore_mem>>) src(%arg10 : memref<1152x64xf32, #tpu.memory_space<vmem>>) dst(%dma_wait3A_25 : memref<10240x64xf32, #tpu.memory_space<vmem_shared>>)
        tpu.yield
      }) : () -> ()
    }
    %scan3A_9 = arith.constant 9 : i32
    %barrier3A_10 = arith.constant 0 : index
    tpu.barrier barrier_id(%barrier3A_10)
    %mul3A_11 = arith.constant 640 : i32
    %mul3A_12 = arith.muli %arg1, %mul3A_11 : i32
    %mul3A_13 = arith.constant 640 : i32
    %mul3A_14 = arith.muli %arg1, %mul3A_13 : i32
    "tpu.region"() ({
      %run_scoped3A = tpu.sem_alloc : memref<!tpu.dma_semaphore, #tpu.memory_space<semaphore_mem>>
      %dma_start3A = arith.constant 0 : i32
      %dma_start3A_15 = tpu.memref_slice %arg6[%arg0, %mul3A_14, %dma_start3A] : memref<2x10240x64xf32, #tpu.memory_space<hbm>> -> memref<1x640x64xf32, #tpu.memory_space<hbm>>
      %dma_start3A_16 = tpu.memref_squeeze %dma_start3A_15 : memref<1x640x64xf32, #tpu.memory_space<hbm>> -> memref<640x64xf32, #tpu.memory_space<hbm>>
      %dma_start3A_17 = arith.constant 0 : i32
      %dma_start3A_18 = tpu.memref_slice %arg7[%mul3A_12, %dma_start3A_17] : memref<10240x64xf32, #tpu.memory_space<vmem_shared>> -> memref<640x64xf32, #tpu.memory_space<vmem_shared>>
      tpu.enqueue_dma source(%dma_start3A_18 : memref<640x64xf32, #tpu.memory_space<vmem_shared>>) target(%dma_start3A_16 : memref<640x64xf32, #tpu.memory_space<hbm>>) target_semaphore(%run_scoped3A : memref<!tpu.dma_semaphore, #tpu.memory_space<semaphore_mem>>)
      %dma_wait3A = arith.constant 0 : i32
      %dma_wait3A_19 = tpu.memref_slice %arg6[%arg0, %mul3A_14, %dma_wait3A] : memref<2x10240x64xf32, #tpu.memory_space<hbm>> -> memref<1x640x64xf32, #tpu.memory_space<hbm>>
      %dma_wait3A_20 = tpu.memref_squeeze %dma_wait3A_19 : memref<1x640x64xf32, #tpu.memory_space<hbm>> -> memref<640x64xf32, #tpu.memory_space<hbm>>
      %dma_wait3A_21 = arith.constant 0 : i32
      %dma_wait3A_22 = tpu.memref_slice %arg7[%mul3A_12, %dma_wait3A_21] : memref<10240x64xf32, #tpu.memory_space<vmem_shared>> -> memref<640x64xf32, #tpu.memory_space<vmem_shared>>
      tpu.wait_dma2 semaphore(%run_scoped3A : memref<!tpu.dma_semaphore, #tpu.memory_space<semaphore_mem>>) src(%dma_wait3A_22 : memref<640x64xf32, #tpu.memory_space<vmem_shared>>) dst(%dma_wait3A_20 : memref<640x64xf32, #tpu.memory_space<hbm>>)
      tpu.yield
    }) : () -> ()
    return
  }
}

#map = affine_map<(d0, d1) -> (0, 0)>
#map1 = affine_map<(d0, d1) -> (0, 0, 0)>
module attributes {stable_mosaic.version = 14 : i64} {
  func.func @_prop_body(%arg0: i32, %arg1: i32, %arg2: memref<10000x64xf32, #tpu.memory_space<hbm>>, %arg3: memref<32x9x1152xi32, #tpu.memory_space<hbm>>, %arg4: memref<32x9x1152xi32, #tpu.memory_space<hbm>>, %arg5: memref<10240x64xf32, #tpu.memory_space<hbm>>, %arg6: memref<2x10240x64xf32, #tpu.memory_space<hbm>>, %arg7: memref<10240x64xf32, #tpu.memory_space<vmem_shared>>, %arg8: memref<1152xi32, #tpu.memory_space<vmem>>, %arg9: memref<1152xi32, #tpu.memory_space<vmem>>, %arg10: memref<1152x64xf32, #tpu.memory_space<vmem>>, %arg11: memref<!tpu.dma_semaphore, #tpu.memory_space<semaphore_mem>>) attributes {dimension_semantics = [#tpu.dimension_semantics<core_parallel>, #tpu.dimension_semantics<subcore_parallel>], iteration_bounds = array<i64: 2, 16>, scalar_prefetch = 0 : i64, scratch_operands = 5 : i64, tpu.core_type = #tpu.core_type<sc_vector_subcore>, window_params = [{transform_indices = #map}, {transform_indices = #map1}, {transform_indices = #map1}, {transform_indices = #map}, {transform_indices = #map1}]} {
    %mul3A = arith.constant 16 : i32
    %mul3A_0 = arith.muli %arg0, %mul3A : i32
    %add3A = arith.addi %mul3A_0, %arg1 : i32
    %mul3A_1 = arith.constant 640 : i32
    %mul3A_2 = arith.muli %arg1, %mul3A_1 : i32
    %mul3A_3 = arith.constant 640 : i32
    %mul3A_4 = arith.muli %arg1, %mul3A_3 : i32
    "tpu.region"() ({
      %run_scoped3A = tpu.sem_alloc : memref<!tpu.dma_semaphore, #tpu.memory_space<semaphore_mem>>
      %dma_start3A = arith.constant 0 : i32
      %dma_start3A_15 = tpu.memref_slice %arg7[%mul3A_4, %dma_start3A] : memref<10240x64xf32, #tpu.memory_space<vmem_shared>> -> memref<640x64xf32, #tpu.memory_space<vmem_shared>>
      %dma_start3A_16 = arith.constant 0 : i32
      %dma_start3A_17 = tpu.memref_slice %arg5[%mul3A_2, %dma_start3A_16] : memref<10240x64xf32, #tpu.memory_space<hbm>> -> memref<640x64xf32, #tpu.memory_space<hbm>>
      tpu.enqueue_dma source(%dma_start3A_17 : memref<640x64xf32, #tpu.memory_space<hbm>>) target(%dma_start3A_15 : memref<640x64xf32, #tpu.memory_space<vmem_shared>>) target_semaphore(%run_scoped3A : memref<!tpu.dma_semaphore, #tpu.memory_space<semaphore_mem>>)
      %dma_wait3A = arith.constant 0 : i32
      %dma_wait3A_18 = tpu.memref_slice %arg7[%mul3A_4, %dma_wait3A] : memref<10240x64xf32, #tpu.memory_space<vmem_shared>> -> memref<640x64xf32, #tpu.memory_space<vmem_shared>>
      %dma_wait3A_19 = arith.constant 0 : i32
      %dma_wait3A_20 = tpu.memref_slice %arg5[%mul3A_2, %dma_wait3A_19] : memref<10240x64xf32, #tpu.memory_space<hbm>> -> memref<640x64xf32, #tpu.memory_space<hbm>>
      tpu.wait_dma2 semaphore(%run_scoped3A : memref<!tpu.dma_semaphore, #tpu.memory_space<semaphore_mem>>) src(%dma_wait3A_20 : memref<640x64xf32, #tpu.memory_space<hbm>>) dst(%dma_wait3A_18 : memref<640x64xf32, #tpu.memory_space<vmem_shared>>)
      tpu.yield
    }) : () -> ()
    %barrier3A = arith.constant 0 : index
    tpu.barrier barrier_id(%barrier3A)
    %scan3A = arith.constant 0 : i32
    %scan3A_5 = arith.constant 0 : i32
    %scan3A_6 = arith.constant 9 : i32
    %scan3A_7 = arith.addi %scan3A_5, %scan3A_6 : i32
    %scan3A_8 = arith.constant 1 : i32
    scf.for %scan3A_15 = %scan3A_5 to %scan3A_7 step %scan3A_8  : i32 {
      "tpu.region"() ({
        %run_scoped3A = tpu.sem_alloc : memref<!tpu.dma_semaphore, #tpu.memory_space<semaphore_mem>>
        %dma_start3A_20 = arith.constant 0 : i32
        %dma_start3A_21 = tpu.memref_slice %arg3[%add3A, %scan3A_15, %dma_start3A_20] : memref<32x9x1152xi32, #tpu.memory_space<hbm>> -> memref<1x1x1152xi32, #tpu.memory_space<hbm>>
        %dma_start3A_22 = tpu.memref_squeeze %dma_start3A_21 : memref<1x1x1152xi32, #tpu.memory_space<hbm>> -> memref<1152xi32, #tpu.memory_space<hbm>>
        %dma_start3A_23 = arith.constant 0 : i32
        %dma_start3A_24 = tpu.memref_slice %arg3[%add3A, %scan3A_15, %dma_start3A_23] : memref<32x9x1152xi32, #tpu.memory_space<hbm>> -> memref<1x1x1152xi32, #tpu.memory_space<hbm>>
        %dma_start3A_25 = tpu.memref_squeeze %dma_start3A_24 : memref<1x1x1152xi32, #tpu.memory_space<hbm>> -> memref<1152xi32, #tpu.memory_space<hbm>>
        tpu.enqueue_dma source(%dma_start3A_25 : memref<1152xi32, #tpu.memory_space<hbm>>) target(%arg8 : memref<1152xi32, #tpu.memory_space<vmem>>) target_semaphore(%run_scoped3A : memref<!tpu.dma_semaphore, #tpu.memory_space<semaphore_mem>>)
        %dma_wait3A_26 = arith.constant 0 : i32
        %dma_wait3A_27 = tpu.memref_slice %arg3[%add3A, %scan3A_15, %dma_wait3A_26] : memref<32x9x1152xi32, #tpu.memory_space<hbm>> -> memref<1x1x1152xi32, #tpu.memory_space<hbm>>
        %dma_wait3A_28 = tpu.memref_squeeze %dma_wait3A_27 : memref<1x1x1152xi32, #tpu.memory_space<hbm>> -> memref<1152xi32, #tpu.memory_space<hbm>>
        %dma_wait3A_29 = arith.constant 0 : i32
        %dma_wait3A_30 = tpu.memref_slice %arg3[%add3A, %scan3A_15, %dma_wait3A_29] : memref<32x9x1152xi32, #tpu.memory_space<hbm>> -> memref<1x1x1152xi32, #tpu.memory_space<hbm>>
        %dma_wait3A_31 = tpu.memref_squeeze %dma_wait3A_30 : memref<1x1x1152xi32, #tpu.memory_space<hbm>> -> memref<1152xi32, #tpu.memory_space<hbm>>
        tpu.wait_dma2 semaphore(%run_scoped3A : memref<!tpu.dma_semaphore, #tpu.memory_space<semaphore_mem>>) src(%dma_wait3A_31 : memref<1152xi32, #tpu.memory_space<hbm>>) dst(%arg8 : memref<1152xi32, #tpu.memory_space<vmem>>)
        tpu.yield
      }) : () -> ()
      "tpu.region"() ({
        %run_scoped3A = tpu.sem_alloc : memref<!tpu.dma_semaphore, #tpu.memory_space<semaphore_mem>>
        %dma_start3A_20 = arith.constant 0 : i32
        %dma_start3A_21 = tpu.memref_slice %arg4[%add3A, %scan3A_15, %dma_start3A_20] : memref<32x9x1152xi32, #tpu.memory_space<hbm>> -> memref<1x1x1152xi32, #tpu.memory_space<hbm>>
        %dma_start3A_22 = tpu.memref_squeeze %dma_start3A_21 : memref<1x1x1152xi32, #tpu.memory_space<hbm>> -> memref<1152xi32, #tpu.memory_space<hbm>>
        %dma_start3A_23 = arith.constant 0 : i32
        %dma_start3A_24 = tpu.memref_slice %arg4[%add3A, %scan3A_15, %dma_start3A_23] : memref<32x9x1152xi32, #tpu.memory_space<hbm>> -> memref<1x1x1152xi32, #tpu.memory_space<hbm>>
        %dma_start3A_25 = tpu.memref_squeeze %dma_start3A_24 : memref<1x1x1152xi32, #tpu.memory_space<hbm>> -> memref<1152xi32, #tpu.memory_space<hbm>>
        tpu.enqueue_dma source(%dma_start3A_25 : memref<1152xi32, #tpu.memory_space<hbm>>) target(%arg9 : memref<1152xi32, #tpu.memory_space<vmem>>) target_semaphore(%run_scoped3A : memref<!tpu.dma_semaphore, #tpu.memory_space<semaphore_mem>>)
        %dma_wait3A_26 = arith.constant 0 : i32
        %dma_wait3A_27 = tpu.memref_slice %arg4[%add3A, %scan3A_15, %dma_wait3A_26] : memref<32x9x1152xi32, #tpu.memory_space<hbm>> -> memref<1x1x1152xi32, #tpu.memory_space<hbm>>
        %dma_wait3A_28 = tpu.memref_squeeze %dma_wait3A_27 : memref<1x1x1152xi32, #tpu.memory_space<hbm>> -> memref<1152xi32, #tpu.memory_space<hbm>>
        %dma_wait3A_29 = arith.constant 0 : i32
        %dma_wait3A_30 = tpu.memref_slice %arg4[%add3A, %scan3A_15, %dma_wait3A_29] : memref<32x9x1152xi32, #tpu.memory_space<hbm>> -> memref<1x1x1152xi32, #tpu.memory_space<hbm>>
        %dma_wait3A_31 = tpu.memref_squeeze %dma_wait3A_30 : memref<1x1x1152xi32, #tpu.memory_space<hbm>> -> memref<1152xi32, #tpu.memory_space<hbm>>
        tpu.wait_dma2 semaphore(%run_scoped3A : memref<!tpu.dma_semaphore, #tpu.memory_space<semaphore_mem>>) src(%dma_wait3A_31 : memref<1152xi32, #tpu.memory_space<hbm>>) dst(%arg9 : memref<1152xi32, #tpu.memory_space<vmem>>)
        tpu.yield
      }) : () -> ()
      %dma_start3A = arith.constant 0 : i32
      %dma_start3A_16 = arith.constant 0 : i32
      %dma_start3A_17 = tpu.memref_slice %arg2[%dma_start3A, %dma_start3A_16] : memref<10000x64xf32, #tpu.memory_space<hbm>> -> memref<10000x64xf32, #tpu.memory_space<hbm>>
      tpu.enqueue_indirect_dma source(%dma_start3A_17 : memref<10000x64xf32, #tpu.memory_space<hbm>>) target(%arg10 : memref<1152x64xf32, #tpu.memory_space<vmem>>) offsets(%arg8 : memref<1152xi32, #tpu.memory_space<vmem>>) semaphore(%arg11 : memref<!tpu.dma_semaphore, #tpu.memory_space<semaphore_mem>>)
      %dma_wait3A = arith.constant 0 : i32
      %dma_wait3A_18 = arith.constant 0 : i32
      %dma_wait3A_19 = tpu.memref_slice %arg2[%dma_wait3A, %dma_wait3A_18] : memref<10000x64xf32, #tpu.memory_space<hbm>> -> memref<10000x64xf32, #tpu.memory_space<hbm>>
      tpu.wait_indirect_dma semaphore(%arg11 : memref<!tpu.dma_semaphore, #tpu.memory_space<semaphore_mem>>) src(%dma_wait3A_19 : memref<10000x64xf32, #tpu.memory_space<hbm>>) dst(%arg10 : memref<1152x64xf32, #tpu.memory_space<vmem>>)
      "tpu.region"() ({
        %run_scoped3A = tpu.sem_alloc : memref<!tpu.dma_semaphore, #tpu.memory_space<semaphore_mem>>
        %dma_start3A_20 = arith.constant 0 : i32
        %dma_start3A_21 = arith.constant 0 : i32
        %dma_start3A_22 = tpu.memref_slice %arg7[%dma_start3A_20, %dma_start3A_21] : memref<10240x64xf32, #tpu.memory_space<vmem_shared>> -> memref<10240x64xf32, #tpu.memory_space<vmem_shared>>
        tpu.enqueue_indirect_dma source(%arg10 : memref<1152x64xf32, #tpu.memory_space<vmem>>) target(%dma_start3A_22 : memref<10240x64xf32, #tpu.memory_space<vmem_shared>>) offsets(%arg9 : memref<1152xi32, #tpu.memory_space<vmem>>) semaphore(%run_scoped3A : memref<!tpu.dma_semaphore, #tpu.memory_space<semaphore_mem>>) {add = true}
        %dma_wait3A_23 = arith.constant 0 : i32
        %dma_wait3A_24 = arith.constant 0 : i32
        %dma_wait3A_25 = tpu.memref_slice %arg7[%dma_wait3A_23, %dma_wait3A_24] : memref<10240x64xf32, #tpu.memory_space<vmem_shared>> -> memref<10240x64xf32, #tpu.memory_space<vmem_shared>>
        tpu.wait_indirect_dma semaphore(%run_scoped3A : memref<!tpu.dma_semaphore, #tpu.memory_space<semaphore_mem>>) src(%arg10 : memref<1152x64xf32, #tpu.memory_space<vmem>>) dst(%dma_wait3A_25 : memref<10240x64xf32, #tpu.memory_space<vmem_shared>>)
        tpu.yield
      }) : () -> ()
    }
    %scan3A_9 = arith.constant 9 : i32
    %barrier3A_10 = arith.constant 0 : index
    tpu.barrier barrier_id(%barrier3A_10)
    %mul3A_11 = arith.constant 640 : i32
    %mul3A_12 = arith.muli %arg1, %mul3A_11 : i32
    %mul3A_13 = arith.constant 640 : i32
    %mul3A_14 = arith.muli %arg1, %mul3A_13 : i32
    "tpu.region"() ({
      %run_scoped3A = tpu.sem_alloc : memref<!tpu.dma_semaphore, #tpu.memory_space<semaphore_mem>>
      %dma_start3A = arith.constant 0 : i32
      %dma_start3A_15 = tpu.memref_slice %arg6[%arg0, %mul3A_14, %dma_start3A] : memref<2x10240x64xf32, #tpu.memory_space<hbm>> -> memref<1x640x64xf32, #tpu.memory_space<hbm>>
      %dma_start3A_16 = tpu.memref_squeeze %dma_start3A_15 : memref<1x640x64xf32, #tpu.memory_space<hbm>> -> memref<640x64xf32, #tpu.memory_space<hbm>>
      %dma_start3A_17 = arith.constant 0 : i32
      %dma_start3A_18 = tpu.memref_slice %arg7[%mul3A_12, %dma_start3A_17] : memref<10240x64xf32, #tpu.memory_space<vmem_shared>> -> memref<640x64xf32, #tpu.memory_space<vmem_shared>>
      tpu.enqueue_dma source(%dma_start3A_18 : memref<640x64xf32, #tpu.memory_space<vmem_shared>>) target(%dma_start3A_16 : memref<640x64xf32, #tpu.memory_space<hbm>>) target_semaphore(%run_scoped3A : memref<!tpu.dma_semaphore, #tpu.memory_space<semaphore_mem>>)
      %dma_wait3A = arith.constant 0 : i32
      %dma_wait3A_19 = tpu.memref_slice %arg6[%arg0, %mul3A_14, %dma_wait3A] : memref<2x10240x64xf32, #tpu.memory_space<hbm>> -> memref<1x640x64xf32, #tpu.memory_space<hbm>>
      %dma_wait3A_20 = tpu.memref_squeeze %dma_wait3A_19 : memref<1x640x64xf32, #tpu.memory_space<hbm>> -> memref<640x64xf32, #tpu.memory_space<hbm>>
      %dma_wait3A_21 = arith.constant 0 : i32
      %dma_wait3A_22 = tpu.memref_slice %arg7[%mul3A_12, %dma_wait3A_21] : memref<10240x64xf32, #tpu.memory_space<vmem_shared>> -> memref<640x64xf32, #tpu.memory_space<vmem_shared>>
      tpu.wait_dma2 semaphore(%run_scoped3A : memref<!tpu.dma_semaphore, #tpu.memory_space<semaphore_mem>>) src(%dma_wait3A_22 : memref<640x64xf32, #tpu.memory_space<vmem_shared>>) dst(%dma_wait3A_20 : memref<640x64xf32, #tpu.memory_space<hbm>>)
      tpu.yield
    }) : () -> ()
    return
  }
}

#map = affine_map<(d0, d1) -> (0, 0)>
#map1 = affine_map<(d0, d1) -> (0, 0, 0)>
module attributes {stable_mosaic.version = 14 : i64} {
  func.func @_prop_body(%arg0: i32, %arg1: i32, %arg2: memref<10000x64xf32, #tpu.memory_space<hbm>>, %arg3: memref<32x9x1152xi32, #tpu.memory_space<hbm>>, %arg4: memref<32x9x1152xi32, #tpu.memory_space<hbm>>, %arg5: memref<10240x64xf32, #tpu.memory_space<hbm>>, %arg6: memref<2x10240x64xf32, #tpu.memory_space<hbm>>, %arg7: memref<10240x64xf32, #tpu.memory_space<vmem_shared>>, %arg8: memref<1152xi32, #tpu.memory_space<vmem>>, %arg9: memref<1152xi32, #tpu.memory_space<vmem>>, %arg10: memref<1152x64xf32, #tpu.memory_space<vmem>>, %arg11: memref<!tpu.dma_semaphore, #tpu.memory_space<semaphore_mem>>) attributes {dimension_semantics = [#tpu.dimension_semantics<core_parallel>, #tpu.dimension_semantics<subcore_parallel>], iteration_bounds = array<i64: 2, 16>, scalar_prefetch = 0 : i64, scratch_operands = 5 : i64, tpu.core_type = #tpu.core_type<sc_vector_subcore>, window_params = [{transform_indices = #map}, {transform_indices = #map1}, {transform_indices = #map1}, {transform_indices = #map}, {transform_indices = #map1}]} {
    %mul3A = arith.constant 16 : i32
    %mul3A_0 = arith.muli %arg0, %mul3A : i32
    %add3A = arith.addi %mul3A_0, %arg1 : i32
    %mul3A_1 = arith.constant 640 : i32
    %mul3A_2 = arith.muli %arg1, %mul3A_1 : i32
    %mul3A_3 = arith.constant 640 : i32
    %mul3A_4 = arith.muli %arg1, %mul3A_3 : i32
    "tpu.region"() ({
      %run_scoped3A = tpu.sem_alloc : memref<!tpu.dma_semaphore, #tpu.memory_space<semaphore_mem>>
      %dma_start3A = arith.constant 0 : i32
      %dma_start3A_15 = tpu.memref_slice %arg7[%mul3A_4, %dma_start3A] : memref<10240x64xf32, #tpu.memory_space<vmem_shared>> -> memref<640x64xf32, #tpu.memory_space<vmem_shared>>
      %dma_start3A_16 = arith.constant 0 : i32
      %dma_start3A_17 = tpu.memref_slice %arg5[%mul3A_2, %dma_start3A_16] : memref<10240x64xf32, #tpu.memory_space<hbm>> -> memref<640x64xf32, #tpu.memory_space<hbm>>
      tpu.enqueue_dma source(%dma_start3A_17 : memref<640x64xf32, #tpu.memory_space<hbm>>) target(%dma_start3A_15 : memref<640x64xf32, #tpu.memory_space<vmem_shared>>) target_semaphore(%run_scoped3A : memref<!tpu.dma_semaphore, #tpu.memory_space<semaphore_mem>>)
      %dma_wait3A = arith.constant 0 : i32
      %dma_wait3A_18 = tpu.memref_slice %arg7[%mul3A_4, %dma_wait3A] : memref<10240x64xf32, #tpu.memory_space<vmem_shared>> -> memref<640x64xf32, #tpu.memory_space<vmem_shared>>
      %dma_wait3A_19 = arith.constant 0 : i32
      %dma_wait3A_20 = tpu.memref_slice %arg5[%mul3A_2, %dma_wait3A_19] : memref<10240x64xf32, #tpu.memory_space<hbm>> -> memref<640x64xf32, #tpu.memory_space<hbm>>
      tpu.wait_dma2 semaphore(%run_scoped3A : memref<!tpu.dma_semaphore, #tpu.memory_space<semaphore_mem>>) src(%dma_wait3A_20 : memref<640x64xf32, #tpu.memory_space<hbm>>) dst(%dma_wait3A_18 : memref<640x64xf32, #tpu.memory_space<vmem_shared>>)
      tpu.yield
    }) : () -> ()
    %barrier3A = arith.constant 0 : index
    tpu.barrier barrier_id(%barrier3A)
    %scan3A = arith.constant 0 : i32
    %scan3A_5 = arith.constant 0 : i32
    %scan3A_6 = arith.constant 9 : i32
    %scan3A_7 = arith.addi %scan3A_5, %scan3A_6 : i32
    %scan3A_8 = arith.constant 1 : i32
    scf.for %scan3A_15 = %scan3A_5 to %scan3A_7 step %scan3A_8  : i32 {
      "tpu.region"() ({
        %run_scoped3A = tpu.sem_alloc : memref<!tpu.dma_semaphore, #tpu.memory_space<semaphore_mem>>
        %dma_start3A_20 = arith.constant 0 : i32
        %dma_start3A_21 = tpu.memref_slice %arg3[%add3A, %scan3A_15, %dma_start3A_20] : memref<32x9x1152xi32, #tpu.memory_space<hbm>> -> memref<1x1x1152xi32, #tpu.memory_space<hbm>>
        %dma_start3A_22 = tpu.memref_squeeze %dma_start3A_21 : memref<1x1x1152xi32, #tpu.memory_space<hbm>> -> memref<1152xi32, #tpu.memory_space<hbm>>
        %dma_start3A_23 = arith.constant 0 : i32
        %dma_start3A_24 = tpu.memref_slice %arg3[%add3A, %scan3A_15, %dma_start3A_23] : memref<32x9x1152xi32, #tpu.memory_space<hbm>> -> memref<1x1x1152xi32, #tpu.memory_space<hbm>>
        %dma_start3A_25 = tpu.memref_squeeze %dma_start3A_24 : memref<1x1x1152xi32, #tpu.memory_space<hbm>> -> memref<1152xi32, #tpu.memory_space<hbm>>
        tpu.enqueue_dma source(%dma_start3A_25 : memref<1152xi32, #tpu.memory_space<hbm>>) target(%arg8 : memref<1152xi32, #tpu.memory_space<vmem>>) target_semaphore(%run_scoped3A : memref<!tpu.dma_semaphore, #tpu.memory_space<semaphore_mem>>)
        %dma_wait3A_26 = arith.constant 0 : i32
        %dma_wait3A_27 = tpu.memref_slice %arg3[%add3A, %scan3A_15, %dma_wait3A_26] : memref<32x9x1152xi32, #tpu.memory_space<hbm>> -> memref<1x1x1152xi32, #tpu.memory_space<hbm>>
        %dma_wait3A_28 = tpu.memref_squeeze %dma_wait3A_27 : memref<1x1x1152xi32, #tpu.memory_space<hbm>> -> memref<1152xi32, #tpu.memory_space<hbm>>
        %dma_wait3A_29 = arith.constant 0 : i32
        %dma_wait3A_30 = tpu.memref_slice %arg3[%add3A, %scan3A_15, %dma_wait3A_29] : memref<32x9x1152xi32, #tpu.memory_space<hbm>> -> memref<1x1x1152xi32, #tpu.memory_space<hbm>>
        %dma_wait3A_31 = tpu.memref_squeeze %dma_wait3A_30 : memref<1x1x1152xi32, #tpu.memory_space<hbm>> -> memref<1152xi32, #tpu.memory_space<hbm>>
        tpu.wait_dma2 semaphore(%run_scoped3A : memref<!tpu.dma_semaphore, #tpu.memory_space<semaphore_mem>>) src(%dma_wait3A_31 : memref<1152xi32, #tpu.memory_space<hbm>>) dst(%arg8 : memref<1152xi32, #tpu.memory_space<vmem>>)
        tpu.yield
      }) : () -> ()
      "tpu.region"() ({
        %run_scoped3A = tpu.sem_alloc : memref<!tpu.dma_semaphore, #tpu.memory_space<semaphore_mem>>
        %dma_start3A_20 = arith.constant 0 : i32
        %dma_start3A_21 = tpu.memref_slice %arg4[%add3A, %scan3A_15, %dma_start3A_20] : memref<32x9x1152xi32, #tpu.memory_space<hbm>> -> memref<1x1x1152xi32, #tpu.memory_space<hbm>>
        %dma_start3A_22 = tpu.memref_squeeze %dma_start3A_21 : memref<1x1x1152xi32, #tpu.memory_space<hbm>> -> memref<1152xi32, #tpu.memory_space<hbm>>
        %dma_start3A_23 = arith.constant 0 : i32
        %dma_start3A_24 = tpu.memref_slice %arg4[%add3A, %scan3A_15, %dma_start3A_23] : memref<32x9x1152xi32, #tpu.memory_space<hbm>> -> memref<1x1x1152xi32, #tpu.memory_space<hbm>>
        %dma_start3A_25 = tpu.memref_squeeze %dma_start3A_24 : memref<1x1x1152xi32, #tpu.memory_space<hbm>> -> memref<1152xi32, #tpu.memory_space<hbm>>
        tpu.enqueue_dma source(%dma_start3A_25 : memref<1152xi32, #tpu.memory_space<hbm>>) target(%arg9 : memref<1152xi32, #tpu.memory_space<vmem>>) target_semaphore(%run_scoped3A : memref<!tpu.dma_semaphore, #tpu.memory_space<semaphore_mem>>)
        %dma_wait3A_26 = arith.constant 0 : i32
        %dma_wait3A_27 = tpu.memref_slice %arg4[%add3A, %scan3A_15, %dma_wait3A_26] : memref<32x9x1152xi32, #tpu.memory_space<hbm>> -> memref<1x1x1152xi32, #tpu.memory_space<hbm>>
        %dma_wait3A_28 = tpu.memref_squeeze %dma_wait3A_27 : memref<1x1x1152xi32, #tpu.memory_space<hbm>> -> memref<1152xi32, #tpu.memory_space<hbm>>
        %dma_wait3A_29 = arith.constant 0 : i32
        %dma_wait3A_30 = tpu.memref_slice %arg4[%add3A, %scan3A_15, %dma_wait3A_29] : memref<32x9x1152xi32, #tpu.memory_space<hbm>> -> memref<1x1x1152xi32, #tpu.memory_space<hbm>>
        %dma_wait3A_31 = tpu.memref_squeeze %dma_wait3A_30 : memref<1x1x1152xi32, #tpu.memory_space<hbm>> -> memref<1152xi32, #tpu.memory_space<hbm>>
        tpu.wait_dma2 semaphore(%run_scoped3A : memref<!tpu.dma_semaphore, #tpu.memory_space<semaphore_mem>>) src(%dma_wait3A_31 : memref<1152xi32, #tpu.memory_space<hbm>>) dst(%arg9 : memref<1152xi32, #tpu.memory_space<vmem>>)
        tpu.yield
      }) : () -> ()
      %dma_start3A = arith.constant 0 : i32
      %dma_start3A_16 = arith.constant 0 : i32
      %dma_start3A_17 = tpu.memref_slice %arg2[%dma_start3A, %dma_start3A_16] : memref<10000x64xf32, #tpu.memory_space<hbm>> -> memref<10000x64xf32, #tpu.memory_space<hbm>>
      tpu.enqueue_indirect_dma source(%dma_start3A_17 : memref<10000x64xf32, #tpu.memory_space<hbm>>) target(%arg10 : memref<1152x64xf32, #tpu.memory_space<vmem>>) offsets(%arg8 : memref<1152xi32, #tpu.memory_space<vmem>>) semaphore(%arg11 : memref<!tpu.dma_semaphore, #tpu.memory_space<semaphore_mem>>)
      %dma_wait3A = arith.constant 0 : i32
      %dma_wait3A_18 = arith.constant 0 : i32
      %dma_wait3A_19 = tpu.memref_slice %arg2[%dma_wait3A, %dma_wait3A_18] : memref<10000x64xf32, #tpu.memory_space<hbm>> -> memref<10000x64xf32, #tpu.memory_space<hbm>>
      tpu.wait_indirect_dma semaphore(%arg11 : memref<!tpu.dma_semaphore, #tpu.memory_space<semaphore_mem>>) src(%dma_wait3A_19 : memref<10000x64xf32, #tpu.memory_space<hbm>>) dst(%arg10 : memref<1152x64xf32, #tpu.memory_space<vmem>>)
      "tpu.region"() ({
        %run_scoped3A = tpu.sem_alloc : memref<!tpu.dma_semaphore, #tpu.memory_space<semaphore_mem>>
        %dma_start3A_20 = arith.constant 0 : i32
        %dma_start3A_21 = arith.constant 0 : i32
        %dma_start3A_22 = tpu.memref_slice %arg7[%dma_start3A_20, %dma_start3A_21] : memref<10240x64xf32, #tpu.memory_space<vmem_shared>> -> memref<10240x64xf32, #tpu.memory_space<vmem_shared>>
        tpu.enqueue_indirect_dma source(%arg10 : memref<1152x64xf32, #tpu.memory_space<vmem>>) target(%dma_start3A_22 : memref<10240x64xf32, #tpu.memory_space<vmem_shared>>) offsets(%arg9 : memref<1152xi32, #tpu.memory_space<vmem>>) semaphore(%run_scoped3A : memref<!tpu.dma_semaphore, #tpu.memory_space<semaphore_mem>>) {add = true}
        %dma_wait3A_23 = arith.constant 0 : i32
        %dma_wait3A_24 = arith.constant 0 : i32
        %dma_wait3A_25 = tpu.memref_slice %arg7[%dma_wait3A_23, %dma_wait3A_24] : memref<10240x64xf32, #tpu.memory_space<vmem_shared>> -> memref<10240x64xf32, #tpu.memory_space<vmem_shared>>
        tpu.wait_indirect_dma semaphore(%run_scoped3A : memref<!tpu.dma_semaphore, #tpu.memory_space<semaphore_mem>>) src(%arg10 : memref<1152x64xf32, #tpu.memory_space<vmem>>) dst(%dma_wait3A_25 : memref<10240x64xf32, #tpu.memory_space<vmem_shared>>)
        tpu.yield
      }) : () -> ()
    }
    %scan3A_9 = arith.constant 9 : i32
    %barrier3A_10 = arith.constant 0 : index
    tpu.barrier barrier_id(%barrier3A_10)
    %mul3A_11 = arith.constant 640 : i32
    %mul3A_12 = arith.muli %arg1, %mul3A_11 : i32
    %mul3A_13 = arith.constant 640 : i32
    %mul3A_14 = arith.muli %arg1, %mul3A_13 : i32
    "tpu.region"() ({
      %run_scoped3A = tpu.sem_alloc : memref<!tpu.dma_semaphore, #tpu.memory_space<semaphore_mem>>
      %dma_start3A = arith.constant 0 : i32
      %dma_start3A_15 = tpu.memref_slice %arg6[%arg0, %mul3A_14, %dma_start3A] : memref<2x10240x64xf32, #tpu.memory_space<hbm>> -> memref<1x640x64xf32, #tpu.memory_space<hbm>>
      %dma_start3A_16 = tpu.memref_squeeze %dma_start3A_15 : memref<1x640x64xf32, #tpu.memory_space<hbm>> -> memref<640x64xf32, #tpu.memory_space<hbm>>
      %dma_start3A_17 = arith.constant 0 : i32
      %dma_start3A_18 = tpu.memref_slice %arg7[%mul3A_12, %dma_start3A_17] : memref<10240x64xf32, #tpu.memory_space<vmem_shared>> -> memref<640x64xf32, #tpu.memory_space<vmem_shared>>
      tpu.enqueue_dma source(%dma_start3A_18 : memref<640x64xf32, #tpu.memory_space<vmem_shared>>) target(%dma_start3A_16 : memref<640x64xf32, #tpu.memory_space<hbm>>) target_semaphore(%run_scoped3A : memref<!tpu.dma_semaphore, #tpu.memory_space<semaphore_mem>>)
      %dma_wait3A = arith.constant 0 : i32
      %dma_wait3A_19 = tpu.memref_slice %arg6[%arg0, %mul3A_14, %dma_wait3A] : memref<2x10240x64xf32, #tpu.memory_space<hbm>> -> memref<1x640x64xf32, #tpu.memory_space<hbm>>
      %dma_wait3A_20 = tpu.memref_squeeze %dma_wait3A_19 : memref<1x640x64xf32, #tpu.memory_space<hbm>> -> memref<640x64xf32, #tpu.memory_space<hbm>>
      %dma_wait3A_21 = arith.constant 0 : i32
      %dma_wait3A_22 = tpu.memref_slice %arg7[%mul3A_12, %dma_wait3A_21] : memref<10240x64xf32, #tpu.memory_space<vmem_shared>> -> memref<640x64xf32, #tpu.memory_space<vmem_shared>>
      tpu.wait_dma2 semaphore(%run_scoped3A : memref<!tpu.dma_semaphore, #tpu.memory_space<semaphore_mem>>) src(%dma_wait3A_22 : memref<640x64xf32, #tpu.memory_space<vmem_shared>>) dst(%dma_wait3A_20 : memref<640x64xf32, #tpu.memory_space<hbm>>)
      tpu.yield
    }) : () -> ()
    return
  }
}

#map = affine_map<(d0, d1) -> (0, 0)>
#map1 = affine_map<(d0, d1) -> (0, 0, 0)>
module attributes {stable_mosaic.version = 14 : i64} {
  func.func @_prop_body(%arg0: i32, %arg1: i32, %arg2: memref<10000x64xf32, #tpu.memory_space<hbm>>, %arg3: memref<32x9x1152xi32, #tpu.memory_space<hbm>>, %arg4: memref<32x9x1152xi32, #tpu.memory_space<hbm>>, %arg5: memref<10240x64xf32, #tpu.memory_space<hbm>>, %arg6: memref<2x10240x64xf32, #tpu.memory_space<hbm>>, %arg7: memref<10240x64xf32, #tpu.memory_space<vmem_shared>>, %arg8: memref<1152xi32, #tpu.memory_space<vmem>>, %arg9: memref<1152xi32, #tpu.memory_space<vmem>>, %arg10: memref<1152x64xf32, #tpu.memory_space<vmem>>, %arg11: memref<!tpu.dma_semaphore, #tpu.memory_space<semaphore_mem>>) attributes {dimension_semantics = [#tpu.dimension_semantics<core_parallel>, #tpu.dimension_semantics<subcore_parallel>], iteration_bounds = array<i64: 2, 16>, scalar_prefetch = 0 : i64, scratch_operands = 5 : i64, tpu.core_type = #tpu.core_type<sc_vector_subcore>, window_params = [{transform_indices = #map}, {transform_indices = #map1}, {transform_indices = #map1}, {transform_indices = #map}, {transform_indices = #map1}]} {
    %mul3A = arith.constant 16 : i32
    %mul3A_0 = arith.muli %arg0, %mul3A : i32
    %add3A = arith.addi %mul3A_0, %arg1 : i32
    %mul3A_1 = arith.constant 640 : i32
    %mul3A_2 = arith.muli %arg1, %mul3A_1 : i32
    %mul3A_3 = arith.constant 640 : i32
    %mul3A_4 = arith.muli %arg1, %mul3A_3 : i32
    "tpu.region"() ({
      %run_scoped3A = tpu.sem_alloc : memref<!tpu.dma_semaphore, #tpu.memory_space<semaphore_mem>>
      %dma_start3A = arith.constant 0 : i32
      %dma_start3A_15 = tpu.memref_slice %arg7[%mul3A_4, %dma_start3A] : memref<10240x64xf32, #tpu.memory_space<vmem_shared>> -> memref<640x64xf32, #tpu.memory_space<vmem_shared>>
      %dma_start3A_16 = arith.constant 0 : i32
      %dma_start3A_17 = tpu.memref_slice %arg5[%mul3A_2, %dma_start3A_16] : memref<10240x64xf32, #tpu.memory_space<hbm>> -> memref<640x64xf32, #tpu.memory_space<hbm>>
      tpu.enqueue_dma source(%dma_start3A_17 : memref<640x64xf32, #tpu.memory_space<hbm>>) target(%dma_start3A_15 : memref<640x64xf32, #tpu.memory_space<vmem_shared>>) target_semaphore(%run_scoped3A : memref<!tpu.dma_semaphore, #tpu.memory_space<semaphore_mem>>)
      %dma_wait3A = arith.constant 0 : i32
      %dma_wait3A_18 = tpu.memref_slice %arg7[%mul3A_4, %dma_wait3A] : memref<10240x64xf32, #tpu.memory_space<vmem_shared>> -> memref<640x64xf32, #tpu.memory_space<vmem_shared>>
      %dma_wait3A_19 = arith.constant 0 : i32
      %dma_wait3A_20 = tpu.memref_slice %arg5[%mul3A_2, %dma_wait3A_19] : memref<10240x64xf32, #tpu.memory_space<hbm>> -> memref<640x64xf32, #tpu.memory_space<hbm>>
      tpu.wait_dma2 semaphore(%run_scoped3A : memref<!tpu.dma_semaphore, #tpu.memory_space<semaphore_mem>>) src(%dma_wait3A_20 : memref<640x64xf32, #tpu.memory_space<hbm>>) dst(%dma_wait3A_18 : memref<640x64xf32, #tpu.memory_space<vmem_shared>>)
      tpu.yield
    }) : () -> ()
    %barrier3A = arith.constant 0 : index
    tpu.barrier barrier_id(%barrier3A)
    %scan3A = arith.constant 0 : i32
    %scan3A_5 = arith.constant 0 : i32
    %scan3A_6 = arith.constant 9 : i32
    %scan3A_7 = arith.addi %scan3A_5, %scan3A_6 : i32
    %scan3A_8 = arith.constant 1 : i32
    scf.for %scan3A_15 = %scan3A_5 to %scan3A_7 step %scan3A_8  : i32 {
      "tpu.region"() ({
        %run_scoped3A = tpu.sem_alloc : memref<!tpu.dma_semaphore, #tpu.memory_space<semaphore_mem>>
        %dma_start3A_20 = arith.constant 0 : i32
        %dma_start3A_21 = tpu.memref_slice %arg3[%add3A, %scan3A_15, %dma_start3A_20] : memref<32x9x1152xi32, #tpu.memory_space<hbm>> -> memref<1x1x1152xi32, #tpu.memory_space<hbm>>
        %dma_start3A_22 = tpu.memref_squeeze %dma_start3A_21 : memref<1x1x1152xi32, #tpu.memory_space<hbm>> -> memref<1152xi32, #tpu.memory_space<hbm>>
        %dma_start3A_23 = arith.constant 0 : i32
        %dma_start3A_24 = tpu.memref_slice %arg3[%add3A, %scan3A_15, %dma_start3A_23] : memref<32x9x1152xi32, #tpu.memory_space<hbm>> -> memref<1x1x1152xi32, #tpu.memory_space<hbm>>
        %dma_start3A_25 = tpu.memref_squeeze %dma_start3A_24 : memref<1x1x1152xi32, #tpu.memory_space<hbm>> -> memref<1152xi32, #tpu.memory_space<hbm>>
        tpu.enqueue_dma source(%dma_start3A_25 : memref<1152xi32, #tpu.memory_space<hbm>>) target(%arg8 : memref<1152xi32, #tpu.memory_space<vmem>>) target_semaphore(%run_scoped3A : memref<!tpu.dma_semaphore, #tpu.memory_space<semaphore_mem>>)
        %dma_wait3A_26 = arith.constant 0 : i32
        %dma_wait3A_27 = tpu.memref_slice %arg3[%add3A, %scan3A_15, %dma_wait3A_26] : memref<32x9x1152xi32, #tpu.memory_space<hbm>> -> memref<1x1x1152xi32, #tpu.memory_space<hbm>>
        %dma_wait3A_28 = tpu.memref_squeeze %dma_wait3A_27 : memref<1x1x1152xi32, #tpu.memory_space<hbm>> -> memref<1152xi32, #tpu.memory_space<hbm>>
        %dma_wait3A_29 = arith.constant 0 : i32
        %dma_wait3A_30 = tpu.memref_slice %arg3[%add3A, %scan3A_15, %dma_wait3A_29] : memref<32x9x1152xi32, #tpu.memory_space<hbm>> -> memref<1x1x1152xi32, #tpu.memory_space<hbm>>
        %dma_wait3A_31 = tpu.memref_squeeze %dma_wait3A_30 : memref<1x1x1152xi32, #tpu.memory_space<hbm>> -> memref<1152xi32, #tpu.memory_space<hbm>>
        tpu.wait_dma2 semaphore(%run_scoped3A : memref<!tpu.dma_semaphore, #tpu.memory_space<semaphore_mem>>) src(%dma_wait3A_31 : memref<1152xi32, #tpu.memory_space<hbm>>) dst(%arg8 : memref<1152xi32, #tpu.memory_space<vmem>>)
        tpu.yield
      }) : () -> ()
      "tpu.region"() ({
        %run_scoped3A = tpu.sem_alloc : memref<!tpu.dma_semaphore, #tpu.memory_space<semaphore_mem>>
        %dma_start3A_20 = arith.constant 0 : i32
        %dma_start3A_21 = tpu.memref_slice %arg4[%add3A, %scan3A_15, %dma_start3A_20] : memref<32x9x1152xi32, #tpu.memory_space<hbm>> -> memref<1x1x1152xi32, #tpu.memory_space<hbm>>
        %dma_start3A_22 = tpu.memref_squeeze %dma_start3A_21 : memref<1x1x1152xi32, #tpu.memory_space<hbm>> -> memref<1152xi32, #tpu.memory_space<hbm>>
        %dma_start3A_23 = arith.constant 0 : i32
        %dma_start3A_24 = tpu.memref_slice %arg4[%add3A, %scan3A_15, %dma_start3A_23] : memref<32x9x1152xi32, #tpu.memory_space<hbm>> -> memref<1x1x1152xi32, #tpu.memory_space<hbm>>
        %dma_start3A_25 = tpu.memref_squeeze %dma_start3A_24 : memref<1x1x1152xi32, #tpu.memory_space<hbm>> -> memref<1152xi32, #tpu.memory_space<hbm>>
        tpu.enqueue_dma source(%dma_start3A_25 : memref<1152xi32, #tpu.memory_space<hbm>>) target(%arg9 : memref<1152xi32, #tpu.memory_space<vmem>>) target_semaphore(%run_scoped3A : memref<!tpu.dma_semaphore, #tpu.memory_space<semaphore_mem>>)
        %dma_wait3A_26 = arith.constant 0 : i32
        %dma_wait3A_27 = tpu.memref_slice %arg4[%add3A, %scan3A_15, %dma_wait3A_26] : memref<32x9x1152xi32, #tpu.memory_space<hbm>> -> memref<1x1x1152xi32, #tpu.memory_space<hbm>>
        %dma_wait3A_28 = tpu.memref_squeeze %dma_wait3A_27 : memref<1x1x1152xi32, #tpu.memory_space<hbm>> -> memref<1152xi32, #tpu.memory_space<hbm>>
        %dma_wait3A_29 = arith.constant 0 : i32
        %dma_wait3A_30 = tpu.memref_slice %arg4[%add3A, %scan3A_15, %dma_wait3A_29] : memref<32x9x1152xi32, #tpu.memory_space<hbm>> -> memref<1x1x1152xi32, #tpu.memory_space<hbm>>
        %dma_wait3A_31 = tpu.memref_squeeze %dma_wait3A_30 : memref<1x1x1152xi32, #tpu.memory_space<hbm>> -> memref<1152xi32, #tpu.memory_space<hbm>>
        tpu.wait_dma2 semaphore(%run_scoped3A : memref<!tpu.dma_semaphore, #tpu.memory_space<semaphore_mem>>) src(%dma_wait3A_31 : memref<1152xi32, #tpu.memory_space<hbm>>) dst(%arg9 : memref<1152xi32, #tpu.memory_space<vmem>>)
        tpu.yield
      }) : () -> ()
      %dma_start3A = arith.constant 0 : i32
      %dma_start3A_16 = arith.constant 0 : i32
      %dma_start3A_17 = tpu.memref_slice %arg2[%dma_start3A, %dma_start3A_16] : memref<10000x64xf32, #tpu.memory_space<hbm>> -> memref<10000x64xf32, #tpu.memory_space<hbm>>
      tpu.enqueue_indirect_dma source(%dma_start3A_17 : memref<10000x64xf32, #tpu.memory_space<hbm>>) target(%arg10 : memref<1152x64xf32, #tpu.memory_space<vmem>>) offsets(%arg8 : memref<1152xi32, #tpu.memory_space<vmem>>) semaphore(%arg11 : memref<!tpu.dma_semaphore, #tpu.memory_space<semaphore_mem>>)
      %dma_wait3A = arith.constant 0 : i32
      %dma_wait3A_18 = arith.constant 0 : i32
      %dma_wait3A_19 = tpu.memref_slice %arg2[%dma_wait3A, %dma_wait3A_18] : memref<10000x64xf32, #tpu.memory_space<hbm>> -> memref<10000x64xf32, #tpu.memory_space<hbm>>
      tpu.wait_indirect_dma semaphore(%arg11 : memref<!tpu.dma_semaphore, #tpu.memory_space<semaphore_mem>>) src(%dma_wait3A_19 : memref<10000x64xf32, #tpu.memory_space<hbm>>) dst(%arg10 : memref<1152x64xf32, #tpu.memory_space<vmem>>)
      "tpu.region"() ({
        %run_scoped3A = tpu.sem_alloc : memref<!tpu.dma_semaphore, #tpu.memory_space<semaphore_mem>>
        %dma_start3A_20 = arith.constant 0 : i32
        %dma_start3A_21 = arith.constant 0 : i32
        %dma_start3A_22 = tpu.memref_slice %arg7[%dma_start3A_20, %dma_start3A_21] : memref<10240x64xf32, #tpu.memory_space<vmem_shared>> -> memref<10240x64xf32, #tpu.memory_space<vmem_shared>>
        tpu.enqueue_indirect_dma source(%arg10 : memref<1152x64xf32, #tpu.memory_space<vmem>>) target(%dma_start3A_22 : memref<10240x64xf32, #tpu.memory_space<vmem_shared>>) offsets(%arg9 : memref<1152xi32, #tpu.memory_space<vmem>>) semaphore(%run_scoped3A : memref<!tpu.dma_semaphore, #tpu.memory_space<semaphore_mem>>) {add = true}
        %dma_wait3A_23 = arith.constant 0 : i32
        %dma_wait3A_24 = arith.constant 0 : i32
        %dma_wait3A_25 = tpu.memref_slice %arg7[%dma_wait3A_23, %dma_wait3A_24] : memref<10240x64xf32, #tpu.memory_space<vmem_shared>> -> memref<10240x64xf32, #tpu.memory_space<vmem_shared>>
        tpu.wait_indirect_dma semaphore(%run_scoped3A : memref<!tpu.dma_semaphore, #tpu.memory_space<semaphore_mem>>) src(%arg10 : memref<1152x64xf32, #tpu.memory_space<vmem>>) dst(%dma_wait3A_25 : memref<10240x64xf32, #tpu.memory_space<vmem_shared>>)
        tpu.yield
      }) : () -> ()
    }
    %scan3A_9 = arith.constant 9 : i32
    %barrier3A_10 = arith.constant 0 : index
    tpu.barrier barrier_id(%barrier3A_10)
    %mul3A_11 = arith.constant 640 : i32
    %mul3A_12 = arith.muli %arg1, %mul3A_11 : i32
    %mul3A_13 = arith.constant 640 : i32
    %mul3A_14 = arith.muli %arg1, %mul3A_13 : i32
    "tpu.region"() ({
      %run_scoped3A = tpu.sem_alloc : memref<!tpu.dma_semaphore, #tpu.memory_space<semaphore_mem>>
      %dma_start3A = arith.constant 0 : i32
      %dma_start3A_15 = tpu.memref_slice %arg6[%arg0, %mul3A_14, %dma_start3A] : memref<2x10240x64xf32, #tpu.memory_space<hbm>> -> memref<1x640x64xf32, #tpu.memory_space<hbm>>
      %dma_start3A_16 = tpu.memref_squeeze %dma_start3A_15 : memref<1x640x64xf32, #tpu.memory_space<hbm>> -> memref<640x64xf32, #tpu.memory_space<hbm>>
      %dma_start3A_17 = arith.constant 0 : i32
      %dma_start3A_18 = tpu.memref_slice %arg7[%mul3A_12, %dma_start3A_17] : memref<10240x64xf32, #tpu.memory_space<vmem_shared>> -> memref<640x64xf32, #tpu.memory_space<vmem_shared>>
      tpu.enqueue_dma source(%dma_start3A_18 : memref<640x64xf32, #tpu.memory_space<vmem_shared>>) target(%dma_start3A_16 : memref<640x64xf32, #tpu.memory_space<hbm>>) target_semaphore(%run_scoped3A : memref<!tpu.dma_semaphore, #tpu.memory_space<semaphore_mem>>)
      %dma_wait3A = arith.constant 0 : i32
      %dma_wait3A_19 = tpu.memref_slice %arg6[%arg0, %mul3A_14, %dma_wait3A] : memref<2x10240x64xf32, #tpu.memory_space<hbm>> -> memref<1x640x64xf32, #tpu.memory_space<hbm>>
      %dma_wait3A_20 = tpu.memref_squeeze %dma_wait3A_19 : memref<1x640x64xf32, #tpu.memory_space<hbm>> -> memref<640x64xf32, #tpu.memory_space<hbm>>
      %dma_wait3A_21 = arith.constant 0 : i32
      %dma_wait3A_22 = tpu.memref_slice %arg7[%mul3A_12, %dma_wait3A_21] : memref<10240x64xf32, #tpu.memory_space<vmem_shared>> -> memref<640x64xf32, #tpu.memory_space<vmem_shared>>
      tpu.wait_dma2 semaphore(%run_scoped3A : memref<!tpu.dma_semaphore, #tpu.memory_space<semaphore_mem>>) src(%dma_wait3A_22 : memref<640x64xf32, #tpu.memory_space<vmem_shared>>) dst(%dma_wait3A_20 : memref<640x64xf32, #tpu.memory_space<hbm>>)
      tpu.yield
    }) : () -> ()
    return
  }
}

#map = affine_map<(d0, d1) -> (0, 0)>
#map1 = affine_map<(d0, d1) -> (0, 0, 0)>
module attributes {stable_mosaic.version = 14 : i64} {
  func.func @_prop_body(%arg0: i32, %arg1: i32, %arg2: memref<10000x64xf32, #tpu.memory_space<hbm>>, %arg3: memref<32x9x1152xi32, #tpu.memory_space<hbm>>, %arg4: memref<32x9x1152xi32, #tpu.memory_space<hbm>>, %arg5: memref<10240x64xf32, #tpu.memory_space<hbm>>, %arg6: memref<2x10240x64xf32, #tpu.memory_space<hbm>>, %arg7: memref<10240x64xf32, #tpu.memory_space<vmem_shared>>, %arg8: memref<1152xi32, #tpu.memory_space<vmem>>, %arg9: memref<1152xi32, #tpu.memory_space<vmem>>, %arg10: memref<1152x64xf32, #tpu.memory_space<vmem>>, %arg11: memref<!tpu.dma_semaphore, #tpu.memory_space<semaphore_mem>>) attributes {dimension_semantics = [#tpu.dimension_semantics<core_parallel>, #tpu.dimension_semantics<subcore_parallel>], iteration_bounds = array<i64: 2, 16>, scalar_prefetch = 0 : i64, scratch_operands = 5 : i64, tpu.core_type = #tpu.core_type<sc_vector_subcore>, window_params = [{transform_indices = #map}, {transform_indices = #map1}, {transform_indices = #map1}, {transform_indices = #map}, {transform_indices = #map1}]} {
    %mul3A = arith.constant 16 : i32
    %mul3A_0 = arith.muli %arg0, %mul3A : i32
    %add3A = arith.addi %mul3A_0, %arg1 : i32
    %mul3A_1 = arith.constant 640 : i32
    %mul3A_2 = arith.muli %arg1, %mul3A_1 : i32
    %mul3A_3 = arith.constant 640 : i32
    %mul3A_4 = arith.muli %arg1, %mul3A_3 : i32
    "tpu.region"() ({
      %run_scoped3A = tpu.sem_alloc : memref<!tpu.dma_semaphore, #tpu.memory_space<semaphore_mem>>
      %dma_start3A = arith.constant 0 : i32
      %dma_start3A_15 = tpu.memref_slice %arg7[%mul3A_4, %dma_start3A] : memref<10240x64xf32, #tpu.memory_space<vmem_shared>> -> memref<640x64xf32, #tpu.memory_space<vmem_shared>>
      %dma_start3A_16 = arith.constant 0 : i32
      %dma_start3A_17 = tpu.memref_slice %arg5[%mul3A_2, %dma_start3A_16] : memref<10240x64xf32, #tpu.memory_space<hbm>> -> memref<640x64xf32, #tpu.memory_space<hbm>>
      tpu.enqueue_dma source(%dma_start3A_17 : memref<640x64xf32, #tpu.memory_space<hbm>>) target(%dma_start3A_15 : memref<640x64xf32, #tpu.memory_space<vmem_shared>>) target_semaphore(%run_scoped3A : memref<!tpu.dma_semaphore, #tpu.memory_space<semaphore_mem>>)
      %dma_wait3A = arith.constant 0 : i32
      %dma_wait3A_18 = tpu.memref_slice %arg7[%mul3A_4, %dma_wait3A] : memref<10240x64xf32, #tpu.memory_space<vmem_shared>> -> memref<640x64xf32, #tpu.memory_space<vmem_shared>>
      %dma_wait3A_19 = arith.constant 0 : i32
      %dma_wait3A_20 = tpu.memref_slice %arg5[%mul3A_2, %dma_wait3A_19] : memref<10240x64xf32, #tpu.memory_space<hbm>> -> memref<640x64xf32, #tpu.memory_space<hbm>>
      tpu.wait_dma2 semaphore(%run_scoped3A : memref<!tpu.dma_semaphore, #tpu.memory_space<semaphore_mem>>) src(%dma_wait3A_20 : memref<640x64xf32, #tpu.memory_space<hbm>>) dst(%dma_wait3A_18 : memref<640x64xf32, #tpu.memory_space<vmem_shared>>)
      tpu.yield
    }) : () -> ()
    %barrier3A = arith.constant 0 : index
    tpu.barrier barrier_id(%barrier3A)
    %scan3A = arith.constant 0 : i32
    %scan3A_5 = arith.constant 0 : i32
    %scan3A_6 = arith.constant 9 : i32
    %scan3A_7 = arith.addi %scan3A_5, %scan3A_6 : i32
    %scan3A_8 = arith.constant 1 : i32
    scf.for %scan3A_15 = %scan3A_5 to %scan3A_7 step %scan3A_8  : i32 {
      "tpu.region"() ({
        %run_scoped3A = tpu.sem_alloc : memref<!tpu.dma_semaphore, #tpu.memory_space<semaphore_mem>>
        %dma_start3A_20 = arith.constant 0 : i32
        %dma_start3A_21 = tpu.memref_slice %arg3[%add3A, %scan3A_15, %dma_start3A_20] : memref<32x9x1152xi32, #tpu.memory_space<hbm>> -> memref<1x1x1152xi32, #tpu.memory_space<hbm>>
        %dma_start3A_22 = tpu.memref_squeeze %dma_start3A_21 : memref<1x1x1152xi32, #tpu.memory_space<hbm>> -> memref<1152xi32, #tpu.memory_space<hbm>>
        %dma_start3A_23 = arith.constant 0 : i32
        %dma_start3A_24 = tpu.memref_slice %arg3[%add3A, %scan3A_15, %dma_start3A_23] : memref<32x9x1152xi32, #tpu.memory_space<hbm>> -> memref<1x1x1152xi32, #tpu.memory_space<hbm>>
        %dma_start3A_25 = tpu.memref_squeeze %dma_start3A_24 : memref<1x1x1152xi32, #tpu.memory_space<hbm>> -> memref<1152xi32, #tpu.memory_space<hbm>>
        tpu.enqueue_dma source(%dma_start3A_25 : memref<1152xi32, #tpu.memory_space<hbm>>) target(%arg8 : memref<1152xi32, #tpu.memory_space<vmem>>) target_semaphore(%run_scoped3A : memref<!tpu.dma_semaphore, #tpu.memory_space<semaphore_mem>>)
        %dma_wait3A_26 = arith.constant 0 : i32
        %dma_wait3A_27 = tpu.memref_slice %arg3[%add3A, %scan3A_15, %dma_wait3A_26] : memref<32x9x1152xi32, #tpu.memory_space<hbm>> -> memref<1x1x1152xi32, #tpu.memory_space<hbm>>
        %dma_wait3A_28 = tpu.memref_squeeze %dma_wait3A_27 : memref<1x1x1152xi32, #tpu.memory_space<hbm>> -> memref<1152xi32, #tpu.memory_space<hbm>>
        %dma_wait3A_29 = arith.constant 0 : i32
        %dma_wait3A_30 = tpu.memref_slice %arg3[%add3A, %scan3A_15, %dma_wait3A_29] : memref<32x9x1152xi32, #tpu.memory_space<hbm>> -> memref<1x1x1152xi32, #tpu.memory_space<hbm>>
        %dma_wait3A_31 = tpu.memref_squeeze %dma_wait3A_30 : memref<1x1x1152xi32, #tpu.memory_space<hbm>> -> memref<1152xi32, #tpu.memory_space<hbm>>
        tpu.wait_dma2 semaphore(%run_scoped3A : memref<!tpu.dma_semaphore, #tpu.memory_space<semaphore_mem>>) src(%dma_wait3A_31 : memref<1152xi32, #tpu.memory_space<hbm>>) dst(%arg8 : memref<1152xi32, #tpu.memory_space<vmem>>)
        tpu.yield
      }) : () -> ()
      "tpu.region"() ({
        %run_scoped3A = tpu.sem_alloc : memref<!tpu.dma_semaphore, #tpu.memory_space<semaphore_mem>>
        %dma_start3A_20 = arith.constant 0 : i32
        %dma_start3A_21 = tpu.memref_slice %arg4[%add3A, %scan3A_15, %dma_start3A_20] : memref<32x9x1152xi32, #tpu.memory_space<hbm>> -> memref<1x1x1152xi32, #tpu.memory_space<hbm>>
        %dma_start3A_22 = tpu.memref_squeeze %dma_start3A_21 : memref<1x1x1152xi32, #tpu.memory_space<hbm>> -> memref<1152xi32, #tpu.memory_space<hbm>>
        %dma_start3A_23 = arith.constant 0 : i32
        %dma_start3A_24 = tpu.memref_slice %arg4[%add3A, %scan3A_15, %dma_start3A_23] : memref<32x9x1152xi32, #tpu.memory_space<hbm>> -> memref<1x1x1152xi32, #tpu.memory_space<hbm>>
        %dma_start3A_25 = tpu.memref_squeeze %dma_start3A_24 : memref<1x1x1152xi32, #tpu.memory_space<hbm>> -> memref<1152xi32, #tpu.memory_space<hbm>>
        tpu.enqueue_dma source(%dma_start3A_25 : memref<1152xi32, #tpu.memory_space<hbm>>) target(%arg9 : memref<1152xi32, #tpu.memory_space<vmem>>) target_semaphore(%run_scoped3A : memref<!tpu.dma_semaphore, #tpu.memory_space<semaphore_mem>>)
        %dma_wait3A_26 = arith.constant 0 : i32
        %dma_wait3A_27 = tpu.memref_slice %arg4[%add3A, %scan3A_15, %dma_wait3A_26] : memref<32x9x1152xi32, #tpu.memory_space<hbm>> -> memref<1x1x1152xi32, #tpu.memory_space<hbm>>
        %dma_wait3A_28 = tpu.memref_squeeze %dma_wait3A_27 : memref<1x1x1152xi32, #tpu.memory_space<hbm>> -> memref<1152xi32, #tpu.memory_space<hbm>>
        %dma_wait3A_29 = arith.constant 0 : i32
        %dma_wait3A_30 = tpu.memref_slice %arg4[%add3A, %scan3A_15, %dma_wait3A_29] : memref<32x9x1152xi32, #tpu.memory_space<hbm>> -> memref<1x1x1152xi32, #tpu.memory_space<hbm>>
        %dma_wait3A_31 = tpu.memref_squeeze %dma_wait3A_30 : memref<1x1x1152xi32, #tpu.memory_space<hbm>> -> memref<1152xi32, #tpu.memory_space<hbm>>
        tpu.wait_dma2 semaphore(%run_scoped3A : memref<!tpu.dma_semaphore, #tpu.memory_space<semaphore_mem>>) src(%dma_wait3A_31 : memref<1152xi32, #tpu.memory_space<hbm>>) dst(%arg9 : memref<1152xi32, #tpu.memory_space<vmem>>)
        tpu.yield
      }) : () -> ()
      %dma_start3A = arith.constant 0 : i32
      %dma_start3A_16 = arith.constant 0 : i32
      %dma_start3A_17 = tpu.memref_slice %arg2[%dma_start3A, %dma_start3A_16] : memref<10000x64xf32, #tpu.memory_space<hbm>> -> memref<10000x64xf32, #tpu.memory_space<hbm>>
      tpu.enqueue_indirect_dma source(%dma_start3A_17 : memref<10000x64xf32, #tpu.memory_space<hbm>>) target(%arg10 : memref<1152x64xf32, #tpu.memory_space<vmem>>) offsets(%arg8 : memref<1152xi32, #tpu.memory_space<vmem>>) semaphore(%arg11 : memref<!tpu.dma_semaphore, #tpu.memory_space<semaphore_mem>>)
      %dma_wait3A = arith.constant 0 : i32
      %dma_wait3A_18 = arith.constant 0 : i32
      %dma_wait3A_19 = tpu.memref_slice %arg2[%dma_wait3A, %dma_wait3A_18] : memref<10000x64xf32, #tpu.memory_space<hbm>> -> memref<10000x64xf32, #tpu.memory_space<hbm>>
      tpu.wait_indirect_dma semaphore(%arg11 : memref<!tpu.dma_semaphore, #tpu.memory_space<semaphore_mem>>) src(%dma_wait3A_19 : memref<10000x64xf32, #tpu.memory_space<hbm>>) dst(%arg10 : memref<1152x64xf32, #tpu.memory_space<vmem>>)
      "tpu.region"() ({
        %run_scoped3A = tpu.sem_alloc : memref<!tpu.dma_semaphore, #tpu.memory_space<semaphore_mem>>
        %dma_start3A_20 = arith.constant 0 : i32
        %dma_start3A_21 = arith.constant 0 : i32
        %dma_start3A_22 = tpu.memref_slice %arg7[%dma_start3A_20, %dma_start3A_21] : memref<10240x64xf32, #tpu.memory_space<vmem_shared>> -> memref<10240x64xf32, #tpu.memory_space<vmem_shared>>
        tpu.enqueue_indirect_dma source(%arg10 : memref<1152x64xf32, #tpu.memory_space<vmem>>) target(%dma_start3A_22 : memref<10240x64xf32, #tpu.memory_space<vmem_shared>>) offsets(%arg9 : memref<1152xi32, #tpu.memory_space<vmem>>) semaphore(%run_scoped3A : memref<!tpu.dma_semaphore, #tpu.memory_space<semaphore_mem>>) {add = true}
        %dma_wait3A_23 = arith.constant 0 : i32
        %dma_wait3A_24 = arith.constant 0 : i32
        %dma_wait3A_25 = tpu.memref_slice %arg7[%dma_wait3A_23, %dma_wait3A_24] : memref<10240x64xf32, #tpu.memory_space<vmem_shared>> -> memref<10240x64xf32, #tpu.memory_space<vmem_shared>>
        tpu.wait_indirect_dma semaphore(%run_scoped3A : memref<!tpu.dma_semaphore, #tpu.memory_space<semaphore_mem>>) src(%arg10 : memref<1152x64xf32, #tpu.memory_space<vmem>>) dst(%dma_wait3A_25 : memref<10240x64xf32, #tpu.memory_space<vmem_shared>>)
        tpu.yield
      }) : () -> ()
    }
    %scan3A_9 = arith.constant 9 : i32
    %barrier3A_10 = arith.constant 0 : index
    tpu.barrier barrier_id(%barrier3A_10)
    %mul3A_11 = arith.constant 640 : i32
    %mul3A_12 = arith.muli %arg1, %mul3A_11 : i32
    %mul3A_13 = arith.constant 640 : i32
    %mul3A_14 = arith.muli %arg1, %mul3A_13 : i32
    "tpu.region"() ({
      %run_scoped3A = tpu.sem_alloc : memref<!tpu.dma_semaphore, #tpu.memory_space<semaphore_mem>>
      %dma_start3A = arith.constant 0 : i32
      %dma_start3A_15 = tpu.memref_slice %arg6[%arg0, %mul3A_14, %dma_start3A] : memref<2x10240x64xf32, #tpu.memory_space<hbm>> -> memref<1x640x64xf32, #tpu.memory_space<hbm>>
      %dma_start3A_16 = tpu.memref_squeeze %dma_start3A_15 : memref<1x640x64xf32, #tpu.memory_space<hbm>> -> memref<640x64xf32, #tpu.memory_space<hbm>>
      %dma_start3A_17 = arith.constant 0 : i32
      %dma_start3A_18 = tpu.memref_slice %arg7[%mul3A_12, %dma_start3A_17] : memref<10240x64xf32, #tpu.memory_space<vmem_shared>> -> memref<640x64xf32, #tpu.memory_space<vmem_shared>>
      tpu.enqueue_dma source(%dma_start3A_18 : memref<640x64xf32, #tpu.memory_space<vmem_shared>>) target(%dma_start3A_16 : memref<640x64xf32, #tpu.memory_space<hbm>>) target_semaphore(%run_scoped3A : memref<!tpu.dma_semaphore, #tpu.memory_space<semaphore_mem>>)
      %dma_wait3A = arith.constant 0 : i32
      %dma_wait3A_19 = tpu.memref_slice %arg6[%arg0, %mul3A_14, %dma_wait3A] : memref<2x10240x64xf32, #tpu.memory_space<hbm>> -> memref<1x640x64xf32, #tpu.memory_space<hbm>>
      %dma_wait3A_20 = tpu.memref_squeeze %dma_wait3A_19 : memref<1x640x64xf32, #tpu.memory_space<hbm>> -> memref<640x64xf32, #tpu.memory_space<hbm>>
      %dma_wait3A_21 = arith.constant 0 : i32
      %dma_wait3A_22 = tpu.memref_slice %arg7[%mul3A_12, %dma_wait3A_21] : memref<10240x64xf32, #tpu.memory_space<vmem_shared>> -> memref<640x64xf32, #tpu.memory_space<vmem_shared>>
      tpu.wait_dma2 semaphore(%run_scoped3A : memref<!tpu.dma_semaphore, #tpu.memory_space<semaphore_mem>>) src(%dma_wait3A_22 : memref<640x64xf32, #tpu.memory_space<vmem_shared>>) dst(%dma_wait3A_20 : memref<640x64xf32, #tpu.memory_space<hbm>>)
      tpu.yield
    }) : () -> ()
    return
  }
}

#map = affine_map<(d0, d1) -> (0, 0)>
#map1 = affine_map<(d0, d1) -> (0, 0, 0)>
module attributes {stable_mosaic.version = 14 : i64} {
  func.func @_prop_body(%arg0: i32, %arg1: i32, %arg2: memref<10000x64xf32, #tpu.memory_space<hbm>>, %arg3: memref<32x9x1152xi32, #tpu.memory_space<hbm>>, %arg4: memref<32x9x1152xi32, #tpu.memory_space<hbm>>, %arg5: memref<10240x64xf32, #tpu.memory_space<hbm>>, %arg6: memref<2x10240x64xf32, #tpu.memory_space<hbm>>, %arg7: memref<10240x64xf32, #tpu.memory_space<vmem_shared>>, %arg8: memref<1152xi32, #tpu.memory_space<vmem>>, %arg9: memref<1152xi32, #tpu.memory_space<vmem>>, %arg10: memref<1152x64xf32, #tpu.memory_space<vmem>>, %arg11: memref<!tpu.dma_semaphore, #tpu.memory_space<semaphore_mem>>) attributes {dimension_semantics = [#tpu.dimension_semantics<core_parallel>, #tpu.dimension_semantics<subcore_parallel>], iteration_bounds = array<i64: 2, 16>, scalar_prefetch = 0 : i64, scratch_operands = 5 : i64, tpu.core_type = #tpu.core_type<sc_vector_subcore>, window_params = [{transform_indices = #map}, {transform_indices = #map1}, {transform_indices = #map1}, {transform_indices = #map}, {transform_indices = #map1}]} {
    %mul3A = arith.constant 16 : i32
    %mul3A_0 = arith.muli %arg0, %mul3A : i32
    %add3A = arith.addi %mul3A_0, %arg1 : i32
    %mul3A_1 = arith.constant 640 : i32
    %mul3A_2 = arith.muli %arg1, %mul3A_1 : i32
    %mul3A_3 = arith.constant 640 : i32
    %mul3A_4 = arith.muli %arg1, %mul3A_3 : i32
    "tpu.region"() ({
      %run_scoped3A = tpu.sem_alloc : memref<!tpu.dma_semaphore, #tpu.memory_space<semaphore_mem>>
      %dma_start3A = arith.constant 0 : i32
      %dma_start3A_15 = tpu.memref_slice %arg7[%mul3A_4, %dma_start3A] : memref<10240x64xf32, #tpu.memory_space<vmem_shared>> -> memref<640x64xf32, #tpu.memory_space<vmem_shared>>
      %dma_start3A_16 = arith.constant 0 : i32
      %dma_start3A_17 = tpu.memref_slice %arg5[%mul3A_2, %dma_start3A_16] : memref<10240x64xf32, #tpu.memory_space<hbm>> -> memref<640x64xf32, #tpu.memory_space<hbm>>
      tpu.enqueue_dma source(%dma_start3A_17 : memref<640x64xf32, #tpu.memory_space<hbm>>) target(%dma_start3A_15 : memref<640x64xf32, #tpu.memory_space<vmem_shared>>) target_semaphore(%run_scoped3A : memref<!tpu.dma_semaphore, #tpu.memory_space<semaphore_mem>>)
      %dma_wait3A = arith.constant 0 : i32
      %dma_wait3A_18 = tpu.memref_slice %arg7[%mul3A_4, %dma_wait3A] : memref<10240x64xf32, #tpu.memory_space<vmem_shared>> -> memref<640x64xf32, #tpu.memory_space<vmem_shared>>
      %dma_wait3A_19 = arith.constant 0 : i32
      %dma_wait3A_20 = tpu.memref_slice %arg5[%mul3A_2, %dma_wait3A_19] : memref<10240x64xf32, #tpu.memory_space<hbm>> -> memref<640x64xf32, #tpu.memory_space<hbm>>
      tpu.wait_dma2 semaphore(%run_scoped3A : memref<!tpu.dma_semaphore, #tpu.memory_space<semaphore_mem>>) src(%dma_wait3A_20 : memref<640x64xf32, #tpu.memory_space<hbm>>) dst(%dma_wait3A_18 : memref<640x64xf32, #tpu.memory_space<vmem_shared>>)
      tpu.yield
    }) : () -> ()
    %barrier3A = arith.constant 0 : index
    tpu.barrier barrier_id(%barrier3A)
    %scan3A = arith.constant 0 : i32
    %scan3A_5 = arith.constant 0 : i32
    %scan3A_6 = arith.constant 9 : i32
    %scan3A_7 = arith.addi %scan3A_5, %scan3A_6 : i32
    %scan3A_8 = arith.constant 1 : i32
    scf.for %scan3A_15 = %scan3A_5 to %scan3A_7 step %scan3A_8  : i32 {
      "tpu.region"() ({
        %run_scoped3A = tpu.sem_alloc : memref<!tpu.dma_semaphore, #tpu.memory_space<semaphore_mem>>
        %dma_start3A_20 = arith.constant 0 : i32
        %dma_start3A_21 = tpu.memref_slice %arg3[%add3A, %scan3A_15, %dma_start3A_20] : memref<32x9x1152xi32, #tpu.memory_space<hbm>> -> memref<1x1x1152xi32, #tpu.memory_space<hbm>>
        %dma_start3A_22 = tpu.memref_squeeze %dma_start3A_21 : memref<1x1x1152xi32, #tpu.memory_space<hbm>> -> memref<1152xi32, #tpu.memory_space<hbm>>
        %dma_start3A_23 = arith.constant 0 : i32
        %dma_start3A_24 = tpu.memref_slice %arg3[%add3A, %scan3A_15, %dma_start3A_23] : memref<32x9x1152xi32, #tpu.memory_space<hbm>> -> memref<1x1x1152xi32, #tpu.memory_space<hbm>>
        %dma_start3A_25 = tpu.memref_squeeze %dma_start3A_24 : memref<1x1x1152xi32, #tpu.memory_space<hbm>> -> memref<1152xi32, #tpu.memory_space<hbm>>
        tpu.enqueue_dma source(%dma_start3A_25 : memref<1152xi32, #tpu.memory_space<hbm>>) target(%arg8 : memref<1152xi32, #tpu.memory_space<vmem>>) target_semaphore(%run_scoped3A : memref<!tpu.dma_semaphore, #tpu.memory_space<semaphore_mem>>)
        %dma_wait3A_26 = arith.constant 0 : i32
        %dma_wait3A_27 = tpu.memref_slice %arg3[%add3A, %scan3A_15, %dma_wait3A_26] : memref<32x9x1152xi32, #tpu.memory_space<hbm>> -> memref<1x1x1152xi32, #tpu.memory_space<hbm>>
        %dma_wait3A_28 = tpu.memref_squeeze %dma_wait3A_27 : memref<1x1x1152xi32, #tpu.memory_space<hbm>> -> memref<1152xi32, #tpu.memory_space<hbm>>
        %dma_wait3A_29 = arith.constant 0 : i32
        %dma_wait3A_30 = tpu.memref_slice %arg3[%add3A, %scan3A_15, %dma_wait3A_29] : memref<32x9x1152xi32, #tpu.memory_space<hbm>> -> memref<1x1x1152xi32, #tpu.memory_space<hbm>>
        %dma_wait3A_31 = tpu.memref_squeeze %dma_wait3A_30 : memref<1x1x1152xi32, #tpu.memory_space<hbm>> -> memref<1152xi32, #tpu.memory_space<hbm>>
        tpu.wait_dma2 semaphore(%run_scoped3A : memref<!tpu.dma_semaphore, #tpu.memory_space<semaphore_mem>>) src(%dma_wait3A_31 : memref<1152xi32, #tpu.memory_space<hbm>>) dst(%arg8 : memref<1152xi32, #tpu.memory_space<vmem>>)
        tpu.yield
      }) : () -> ()
      "tpu.region"() ({
        %run_scoped3A = tpu.sem_alloc : memref<!tpu.dma_semaphore, #tpu.memory_space<semaphore_mem>>
        %dma_start3A_20 = arith.constant 0 : i32
        %dma_start3A_21 = tpu.memref_slice %arg4[%add3A, %scan3A_15, %dma_start3A_20] : memref<32x9x1152xi32, #tpu.memory_space<hbm>> -> memref<1x1x1152xi32, #tpu.memory_space<hbm>>
        %dma_start3A_22 = tpu.memref_squeeze %dma_start3A_21 : memref<1x1x1152xi32, #tpu.memory_space<hbm>> -> memref<1152xi32, #tpu.memory_space<hbm>>
        %dma_start3A_23 = arith.constant 0 : i32
        %dma_start3A_24 = tpu.memref_slice %arg4[%add3A, %scan3A_15, %dma_start3A_23] : memref<32x9x1152xi32, #tpu.memory_space<hbm>> -> memref<1x1x1152xi32, #tpu.memory_space<hbm>>
        %dma_start3A_25 = tpu.memref_squeeze %dma_start3A_24 : memref<1x1x1152xi32, #tpu.memory_space<hbm>> -> memref<1152xi32, #tpu.memory_space<hbm>>
        tpu.enqueue_dma source(%dma_start3A_25 : memref<1152xi32, #tpu.memory_space<hbm>>) target(%arg9 : memref<1152xi32, #tpu.memory_space<vmem>>) target_semaphore(%run_scoped3A : memref<!tpu.dma_semaphore, #tpu.memory_space<semaphore_mem>>)
        %dma_wait3A_26 = arith.constant 0 : i32
        %dma_wait3A_27 = tpu.memref_slice %arg4[%add3A, %scan3A_15, %dma_wait3A_26] : memref<32x9x1152xi32, #tpu.memory_space<hbm>> -> memref<1x1x1152xi32, #tpu.memory_space<hbm>>
        %dma_wait3A_28 = tpu.memref_squeeze %dma_wait3A_27 : memref<1x1x1152xi32, #tpu.memory_space<hbm>> -> memref<1152xi32, #tpu.memory_space<hbm>>
        %dma_wait3A_29 = arith.constant 0 : i32
        %dma_wait3A_30 = tpu.memref_slice %arg4[%add3A, %scan3A_15, %dma_wait3A_29] : memref<32x9x1152xi32, #tpu.memory_space<hbm>> -> memref<1x1x1152xi32, #tpu.memory_space<hbm>>
        %dma_wait3A_31 = tpu.memref_squeeze %dma_wait3A_30 : memref<1x1x1152xi32, #tpu.memory_space<hbm>> -> memref<1152xi32, #tpu.memory_space<hbm>>
        tpu.wait_dma2 semaphore(%run_scoped3A : memref<!tpu.dma_semaphore, #tpu.memory_space<semaphore_mem>>) src(%dma_wait3A_31 : memref<1152xi32, #tpu.memory_space<hbm>>) dst(%arg9 : memref<1152xi32, #tpu.memory_space<vmem>>)
        tpu.yield
      }) : () -> ()
      %dma_start3A = arith.constant 0 : i32
      %dma_start3A_16 = arith.constant 0 : i32
      %dma_start3A_17 = tpu.memref_slice %arg2[%dma_start3A, %dma_start3A_16] : memref<10000x64xf32, #tpu.memory_space<hbm>> -> memref<10000x64xf32, #tpu.memory_space<hbm>>
      tpu.enqueue_indirect_dma source(%dma_start3A_17 : memref<10000x64xf32, #tpu.memory_space<hbm>>) target(%arg10 : memref<1152x64xf32, #tpu.memory_space<vmem>>) offsets(%arg8 : memref<1152xi32, #tpu.memory_space<vmem>>) semaphore(%arg11 : memref<!tpu.dma_semaphore, #tpu.memory_space<semaphore_mem>>)
      %dma_wait3A = arith.constant 0 : i32
      %dma_wait3A_18 = arith.constant 0 : i32
      %dma_wait3A_19 = tpu.memref_slice %arg2[%dma_wait3A, %dma_wait3A_18] : memref<10000x64xf32, #tpu.memory_space<hbm>> -> memref<10000x64xf32, #tpu.memory_space<hbm>>
      tpu.wait_indirect_dma semaphore(%arg11 : memref<!tpu.dma_semaphore, #tpu.memory_space<semaphore_mem>>) src(%dma_wait3A_19 : memref<10000x64xf32, #tpu.memory_space<hbm>>) dst(%arg10 : memref<1152x64xf32, #tpu.memory_space<vmem>>)
      "tpu.region"() ({
        %run_scoped3A = tpu.sem_alloc : memref<!tpu.dma_semaphore, #tpu.memory_space<semaphore_mem>>
        %dma_start3A_20 = arith.constant 0 : i32
        %dma_start3A_21 = arith.constant 0 : i32
        %dma_start3A_22 = tpu.memref_slice %arg7[%dma_start3A_20, %dma_start3A_21] : memref<10240x64xf32, #tpu.memory_space<vmem_shared>> -> memref<10240x64xf32, #tpu.memory_space<vmem_shared>>
        tpu.enqueue_indirect_dma source(%arg10 : memref<1152x64xf32, #tpu.memory_space<vmem>>) target(%dma_start3A_22 : memref<10240x64xf32, #tpu.memory_space<vmem_shared>>) offsets(%arg9 : memref<1152xi32, #tpu.memory_space<vmem>>) semaphore(%run_scoped3A : memref<!tpu.dma_semaphore, #tpu.memory_space<semaphore_mem>>) {add = true}
        %dma_wait3A_23 = arith.constant 0 : i32
        %dma_wait3A_24 = arith.constant 0 : i32
        %dma_wait3A_25 = tpu.memref_slice %arg7[%dma_wait3A_23, %dma_wait3A_24] : memref<10240x64xf32, #tpu.memory_space<vmem_shared>> -> memref<10240x64xf32, #tpu.memory_space<vmem_shared>>
        tpu.wait_indirect_dma semaphore(%run_scoped3A : memref<!tpu.dma_semaphore, #tpu.memory_space<semaphore_mem>>) src(%arg10 : memref<1152x64xf32, #tpu.memory_space<vmem>>) dst(%dma_wait3A_25 : memref<10240x64xf32, #tpu.memory_space<vmem_shared>>)
        tpu.yield
      }) : () -> ()
    }
    %scan3A_9 = arith.constant 9 : i32
    %barrier3A_10 = arith.constant 0 : index
    tpu.barrier barrier_id(%barrier3A_10)
    %mul3A_11 = arith.constant 640 : i32
    %mul3A_12 = arith.muli %arg1, %mul3A_11 : i32
    %mul3A_13 = arith.constant 640 : i32
    %mul3A_14 = arith.muli %arg1, %mul3A_13 : i32
    "tpu.region"() ({
      %run_scoped3A = tpu.sem_alloc : memref<!tpu.dma_semaphore, #tpu.memory_space<semaphore_mem>>
      %dma_start3A = arith.constant 0 : i32
      %dma_start3A_15 = tpu.memref_slice %arg6[%arg0, %mul3A_14, %dma_start3A] : memref<2x10240x64xf32, #tpu.memory_space<hbm>> -> memref<1x640x64xf32, #tpu.memory_space<hbm>>
      %dma_start3A_16 = tpu.memref_squeeze %dma_start3A_15 : memref<1x640x64xf32, #tpu.memory_space<hbm>> -> memref<640x64xf32, #tpu.memory_space<hbm>>
      %dma_start3A_17 = arith.constant 0 : i32
      %dma_start3A_18 = tpu.memref_slice %arg7[%mul3A_12, %dma_start3A_17] : memref<10240x64xf32, #tpu.memory_space<vmem_shared>> -> memref<640x64xf32, #tpu.memory_space<vmem_shared>>
      tpu.enqueue_dma source(%dma_start3A_18 : memref<640x64xf32, #tpu.memory_space<vmem_shared>>) target(%dma_start3A_16 : memref<640x64xf32, #tpu.memory_space<hbm>>) target_semaphore(%run_scoped3A : memref<!tpu.dma_semaphore, #tpu.memory_space<semaphore_mem>>)
      %dma_wait3A = arith.constant 0 : i32
      %dma_wait3A_19 = tpu.memref_slice %arg6[%arg0, %mul3A_14, %dma_wait3A] : memref<2x10240x64xf32, #tpu.memory_space<hbm>> -> memref<1x640x64xf32, #tpu.memory_space<hbm>>
      %dma_wait3A_20 = tpu.memref_squeeze %dma_wait3A_19 : memref<1x640x64xf32, #tpu.memory_space<hbm>> -> memref<640x64xf32, #tpu.memory_space<hbm>>
      %dma_wait3A_21 = arith.constant 0 : i32
      %dma_wait3A_22 = tpu.memref_slice %arg7[%mul3A_12, %dma_wait3A_21] : memref<10240x64xf32, #tpu.memory_space<vmem_shared>> -> memref<640x64xf32, #tpu.memory_space<vmem_shared>>
      tpu.wait_dma2 semaphore(%run_scoped3A : memref<!tpu.dma_semaphore, #tpu.memory_space<semaphore_mem>>) src(%dma_wait3A_22 : memref<640x64xf32, #tpu.memory_space<vmem_shared>>) dst(%dma_wait3A_20 : memref<640x64xf32, #tpu.memory_space<hbm>>)
      tpu.yield
    }) : () -> ()
    return
  }
}

#map = affine_map<(d0, d1) -> (0, 0)>
#map1 = affine_map<(d0, d1) -> (0, 0, 0)>
module attributes {stable_mosaic.version = 14 : i64} {
  func.func @_prop_body(%arg0: i32, %arg1: i32, %arg2: memref<10000x64xf32, #tpu.memory_space<hbm>>, %arg3: memref<32x9x1152xi32, #tpu.memory_space<hbm>>, %arg4: memref<32x9x1152xi32, #tpu.memory_space<hbm>>, %arg5: memref<10240x64xf32, #tpu.memory_space<hbm>>, %arg6: memref<2x10240x64xf32, #tpu.memory_space<hbm>>, %arg7: memref<10240x64xf32, #tpu.memory_space<vmem_shared>>, %arg8: memref<1152xi32, #tpu.memory_space<vmem>>, %arg9: memref<1152xi32, #tpu.memory_space<vmem>>, %arg10: memref<1152x64xf32, #tpu.memory_space<vmem>>, %arg11: memref<!tpu.dma_semaphore, #tpu.memory_space<semaphore_mem>>) attributes {dimension_semantics = [#tpu.dimension_semantics<core_parallel>, #tpu.dimension_semantics<subcore_parallel>], iteration_bounds = array<i64: 2, 16>, scalar_prefetch = 0 : i64, scratch_operands = 5 : i64, tpu.core_type = #tpu.core_type<sc_vector_subcore>, window_params = [{transform_indices = #map}, {transform_indices = #map1}, {transform_indices = #map1}, {transform_indices = #map}, {transform_indices = #map1}]} {
    %mul3A = arith.constant 16 : i32
    %mul3A_0 = arith.muli %arg0, %mul3A : i32
    %add3A = arith.addi %mul3A_0, %arg1 : i32
    %mul3A_1 = arith.constant 640 : i32
    %mul3A_2 = arith.muli %arg1, %mul3A_1 : i32
    %mul3A_3 = arith.constant 640 : i32
    %mul3A_4 = arith.muli %arg1, %mul3A_3 : i32
    "tpu.region"() ({
      %run_scoped3A = tpu.sem_alloc : memref<!tpu.dma_semaphore, #tpu.memory_space<semaphore_mem>>
      %dma_start3A = arith.constant 0 : i32
      %dma_start3A_15 = tpu.memref_slice %arg7[%mul3A_4, %dma_start3A] : memref<10240x64xf32, #tpu.memory_space<vmem_shared>> -> memref<640x64xf32, #tpu.memory_space<vmem_shared>>
      %dma_start3A_16 = arith.constant 0 : i32
      %dma_start3A_17 = tpu.memref_slice %arg5[%mul3A_2, %dma_start3A_16] : memref<10240x64xf32, #tpu.memory_space<hbm>> -> memref<640x64xf32, #tpu.memory_space<hbm>>
      tpu.enqueue_dma source(%dma_start3A_17 : memref<640x64xf32, #tpu.memory_space<hbm>>) target(%dma_start3A_15 : memref<640x64xf32, #tpu.memory_space<vmem_shared>>) target_semaphore(%run_scoped3A : memref<!tpu.dma_semaphore, #tpu.memory_space<semaphore_mem>>)
      %dma_wait3A = arith.constant 0 : i32
      %dma_wait3A_18 = tpu.memref_slice %arg7[%mul3A_4, %dma_wait3A] : memref<10240x64xf32, #tpu.memory_space<vmem_shared>> -> memref<640x64xf32, #tpu.memory_space<vmem_shared>>
      %dma_wait3A_19 = arith.constant 0 : i32
      %dma_wait3A_20 = tpu.memref_slice %arg5[%mul3A_2, %dma_wait3A_19] : memref<10240x64xf32, #tpu.memory_space<hbm>> -> memref<640x64xf32, #tpu.memory_space<hbm>>
      tpu.wait_dma2 semaphore(%run_scoped3A : memref<!tpu.dma_semaphore, #tpu.memory_space<semaphore_mem>>) src(%dma_wait3A_20 : memref<640x64xf32, #tpu.memory_space<hbm>>) dst(%dma_wait3A_18 : memref<640x64xf32, #tpu.memory_space<vmem_shared>>)
      tpu.yield
    }) : () -> ()
    %barrier3A = arith.constant 0 : index
    tpu.barrier barrier_id(%barrier3A)
    %scan3A = arith.constant 0 : i32
    %scan3A_5 = arith.constant 0 : i32
    %scan3A_6 = arith.constant 9 : i32
    %scan3A_7 = arith.addi %scan3A_5, %scan3A_6 : i32
    %scan3A_8 = arith.constant 1 : i32
    scf.for %scan3A_15 = %scan3A_5 to %scan3A_7 step %scan3A_8  : i32 {
      "tpu.region"() ({
        %run_scoped3A = tpu.sem_alloc : memref<!tpu.dma_semaphore, #tpu.memory_space<semaphore_mem>>
        %dma_start3A_20 = arith.constant 0 : i32
        %dma_start3A_21 = tpu.memref_slice %arg3[%add3A, %scan3A_15, %dma_start3A_20] : memref<32x9x1152xi32, #tpu.memory_space<hbm>> -> memref<1x1x1152xi32, #tpu.memory_space<hbm>>
        %dma_start3A_22 = tpu.memref_squeeze %dma_start3A_21 : memref<1x1x1152xi32, #tpu.memory_space<hbm>> -> memref<1152xi32, #tpu.memory_space<hbm>>
        %dma_start3A_23 = arith.constant 0 : i32
        %dma_start3A_24 = tpu.memref_slice %arg3[%add3A, %scan3A_15, %dma_start3A_23] : memref<32x9x1152xi32, #tpu.memory_space<hbm>> -> memref<1x1x1152xi32, #tpu.memory_space<hbm>>
        %dma_start3A_25 = tpu.memref_squeeze %dma_start3A_24 : memref<1x1x1152xi32, #tpu.memory_space<hbm>> -> memref<1152xi32, #tpu.memory_space<hbm>>
        tpu.enqueue_dma source(%dma_start3A_25 : memref<1152xi32, #tpu.memory_space<hbm>>) target(%arg8 : memref<1152xi32, #tpu.memory_space<vmem>>) target_semaphore(%run_scoped3A : memref<!tpu.dma_semaphore, #tpu.memory_space<semaphore_mem>>)
        %dma_wait3A_26 = arith.constant 0 : i32
        %dma_wait3A_27 = tpu.memref_slice %arg3[%add3A, %scan3A_15, %dma_wait3A_26] : memref<32x9x1152xi32, #tpu.memory_space<hbm>> -> memref<1x1x1152xi32, #tpu.memory_space<hbm>>
        %dma_wait3A_28 = tpu.memref_squeeze %dma_wait3A_27 : memref<1x1x1152xi32, #tpu.memory_space<hbm>> -> memref<1152xi32, #tpu.memory_space<hbm>>
        %dma_wait3A_29 = arith.constant 0 : i32
        %dma_wait3A_30 = tpu.memref_slice %arg3[%add3A, %scan3A_15, %dma_wait3A_29] : memref<32x9x1152xi32, #tpu.memory_space<hbm>> -> memref<1x1x1152xi32, #tpu.memory_space<hbm>>
        %dma_wait3A_31 = tpu.memref_squeeze %dma_wait3A_30 : memref<1x1x1152xi32, #tpu.memory_space<hbm>> -> memref<1152xi32, #tpu.memory_space<hbm>>
        tpu.wait_dma2 semaphore(%run_scoped3A : memref<!tpu.dma_semaphore, #tpu.memory_space<semaphore_mem>>) src(%dma_wait3A_31 : memref<1152xi32, #tpu.memory_space<hbm>>) dst(%arg8 : memref<1152xi32, #tpu.memory_space<vmem>>)
        tpu.yield
      }) : () -> ()
      "tpu.region"() ({
        %run_scoped3A = tpu.sem_alloc : memref<!tpu.dma_semaphore, #tpu.memory_space<semaphore_mem>>
        %dma_start3A_20 = arith.constant 0 : i32
        %dma_start3A_21 = tpu.memref_slice %arg4[%add3A, %scan3A_15, %dma_start3A_20] : memref<32x9x1152xi32, #tpu.memory_space<hbm>> -> memref<1x1x1152xi32, #tpu.memory_space<hbm>>
        %dma_start3A_22 = tpu.memref_squeeze %dma_start3A_21 : memref<1x1x1152xi32, #tpu.memory_space<hbm>> -> memref<1152xi32, #tpu.memory_space<hbm>>
        %dma_start3A_23 = arith.constant 0 : i32
        %dma_start3A_24 = tpu.memref_slice %arg4[%add3A, %scan3A_15, %dma_start3A_23] : memref<32x9x1152xi32, #tpu.memory_space<hbm>> -> memref<1x1x1152xi32, #tpu.memory_space<hbm>>
        %dma_start3A_25 = tpu.memref_squeeze %dma_start3A_24 : memref<1x1x1152xi32, #tpu.memory_space<hbm>> -> memref<1152xi32, #tpu.memory_space<hbm>>
        tpu.enqueue_dma source(%dma_start3A_25 : memref<1152xi32, #tpu.memory_space<hbm>>) target(%arg9 : memref<1152xi32, #tpu.memory_space<vmem>>) target_semaphore(%run_scoped3A : memref<!tpu.dma_semaphore, #tpu.memory_space<semaphore_mem>>)
        %dma_wait3A_26 = arith.constant 0 : i32
        %dma_wait3A_27 = tpu.memref_slice %arg4[%add3A, %scan3A_15, %dma_wait3A_26] : memref<32x9x1152xi32, #tpu.memory_space<hbm>> -> memref<1x1x1152xi32, #tpu.memory_space<hbm>>
        %dma_wait3A_28 = tpu.memref_squeeze %dma_wait3A_27 : memref<1x1x1152xi32, #tpu.memory_space<hbm>> -> memref<1152xi32, #tpu.memory_space<hbm>>
        %dma_wait3A_29 = arith.constant 0 : i32
        %dma_wait3A_30 = tpu.memref_slice %arg4[%add3A, %scan3A_15, %dma_wait3A_29] : memref<32x9x1152xi32, #tpu.memory_space<hbm>> -> memref<1x1x1152xi32, #tpu.memory_space<hbm>>
        %dma_wait3A_31 = tpu.memref_squeeze %dma_wait3A_30 : memref<1x1x1152xi32, #tpu.memory_space<hbm>> -> memref<1152xi32, #tpu.memory_space<hbm>>
        tpu.wait_dma2 semaphore(%run_scoped3A : memref<!tpu.dma_semaphore, #tpu.memory_space<semaphore_mem>>) src(%dma_wait3A_31 : memref<1152xi32, #tpu.memory_space<hbm>>) dst(%arg9 : memref<1152xi32, #tpu.memory_space<vmem>>)
        tpu.yield
      }) : () -> ()
      %dma_start3A = arith.constant 0 : i32
      %dma_start3A_16 = arith.constant 0 : i32
      %dma_start3A_17 = tpu.memref_slice %arg2[%dma_start3A, %dma_start3A_16] : memref<10000x64xf32, #tpu.memory_space<hbm>> -> memref<10000x64xf32, #tpu.memory_space<hbm>>
      tpu.enqueue_indirect_dma source(%dma_start3A_17 : memref<10000x64xf32, #tpu.memory_space<hbm>>) target(%arg10 : memref<1152x64xf32, #tpu.memory_space<vmem>>) offsets(%arg8 : memref<1152xi32, #tpu.memory_space<vmem>>) semaphore(%arg11 : memref<!tpu.dma_semaphore, #tpu.memory_space<semaphore_mem>>)
      %dma_wait3A = arith.constant 0 : i32
      %dma_wait3A_18 = arith.constant 0 : i32
      %dma_wait3A_19 = tpu.memref_slice %arg2[%dma_wait3A, %dma_wait3A_18] : memref<10000x64xf32, #tpu.memory_space<hbm>> -> memref<10000x64xf32, #tpu.memory_space<hbm>>
      tpu.wait_indirect_dma semaphore(%arg11 : memref<!tpu.dma_semaphore, #tpu.memory_space<semaphore_mem>>) src(%dma_wait3A_19 : memref<10000x64xf32, #tpu.memory_space<hbm>>) dst(%arg10 : memref<1152x64xf32, #tpu.memory_space<vmem>>)
      "tpu.region"() ({
        %run_scoped3A = tpu.sem_alloc : memref<!tpu.dma_semaphore, #tpu.memory_space<semaphore_mem>>
        %dma_start3A_20 = arith.constant 0 : i32
        %dma_start3A_21 = arith.constant 0 : i32
        %dma_start3A_22 = tpu.memref_slice %arg7[%dma_start3A_20, %dma_start3A_21] : memref<10240x64xf32, #tpu.memory_space<vmem_shared>> -> memref<10240x64xf32, #tpu.memory_space<vmem_shared>>
        tpu.enqueue_indirect_dma source(%arg10 : memref<1152x64xf32, #tpu.memory_space<vmem>>) target(%dma_start3A_22 : memref<10240x64xf32, #tpu.memory_space<vmem_shared>>) offsets(%arg9 : memref<1152xi32, #tpu.memory_space<vmem>>) semaphore(%run_scoped3A : memref<!tpu.dma_semaphore, #tpu.memory_space<semaphore_mem>>) {add = true}
        %dma_wait3A_23 = arith.constant 0 : i32
        %dma_wait3A_24 = arith.constant 0 : i32
        %dma_wait3A_25 = tpu.memref_slice %arg7[%dma_wait3A_23, %dma_wait3A_24] : memref<10240x64xf32, #tpu.memory_space<vmem_shared>> -> memref<10240x64xf32, #tpu.memory_space<vmem_shared>>
        tpu.wait_indirect_dma semaphore(%run_scoped3A : memref<!tpu.dma_semaphore, #tpu.memory_space<semaphore_mem>>) src(%arg10 : memref<1152x64xf32, #tpu.memory_space<vmem>>) dst(%dma_wait3A_25 : memref<10240x64xf32, #tpu.memory_space<vmem_shared>>)
        tpu.yield
      }) : () -> ()
    }
    %scan3A_9 = arith.constant 9 : i32
    %barrier3A_10 = arith.constant 0 : index
    tpu.barrier barrier_id(%barrier3A_10)
    %mul3A_11 = arith.constant 640 : i32
    %mul3A_12 = arith.muli %arg1, %mul3A_11 : i32
    %mul3A_13 = arith.constant 640 : i32
    %mul3A_14 = arith.muli %arg1, %mul3A_13 : i32
    "tpu.region"() ({
      %run_scoped3A = tpu.sem_alloc : memref<!tpu.dma_semaphore, #tpu.memory_space<semaphore_mem>>
      %dma_start3A = arith.constant 0 : i32
      %dma_start3A_15 = tpu.memref_slice %arg6[%arg0, %mul3A_14, %dma_start3A] : memref<2x10240x64xf32, #tpu.memory_space<hbm>> -> memref<1x640x64xf32, #tpu.memory_space<hbm>>
      %dma_start3A_16 = tpu.memref_squeeze %dma_start3A_15 : memref<1x640x64xf32, #tpu.memory_space<hbm>> -> memref<640x64xf32, #tpu.memory_space<hbm>>
      %dma_start3A_17 = arith.constant 0 : i32
      %dma_start3A_18 = tpu.memref_slice %arg7[%mul3A_12, %dma_start3A_17] : memref<10240x64xf32, #tpu.memory_space<vmem_shared>> -> memref<640x64xf32, #tpu.memory_space<vmem_shared>>
      tpu.enqueue_dma source(%dma_start3A_18 : memref<640x64xf32, #tpu.memory_space<vmem_shared>>) target(%dma_start3A_16 : memref<640x64xf32, #tpu.memory_space<hbm>>) target_semaphore(%run_scoped3A : memref<!tpu.dma_semaphore, #tpu.memory_space<semaphore_mem>>)
      %dma_wait3A = arith.constant 0 : i32
      %dma_wait3A_19 = tpu.memref_slice %arg6[%arg0, %mul3A_14, %dma_wait3A] : memref<2x10240x64xf32, #tpu.memory_space<hbm>> -> memref<1x640x64xf32, #tpu.memory_space<hbm>>
      %dma_wait3A_20 = tpu.memref_squeeze %dma_wait3A_19 : memref<1x640x64xf32, #tpu.memory_space<hbm>> -> memref<640x64xf32, #tpu.memory_space<hbm>>
      %dma_wait3A_21 = arith.constant 0 : i32
      %dma_wait3A_22 = tpu.memref_slice %arg7[%mul3A_12, %dma_wait3A_21] : memref<10240x64xf32, #tpu.memory_space<vmem_shared>> -> memref<640x64xf32, #tpu.memory_space<vmem_shared>>
      tpu.wait_dma2 semaphore(%run_scoped3A : memref<!tpu.dma_semaphore, #tpu.memory_space<semaphore_mem>>) src(%dma_wait3A_22 : memref<640x64xf32, #tpu.memory_space<vmem_shared>>) dst(%dma_wait3A_20 : memref<640x64xf32, #tpu.memory_space<hbm>>)
      tpu.yield
    }) : () -> ()
    return
  }
}

#map = affine_map<(d0, d1) -> (0, 0)>
#map1 = affine_map<(d0, d1) -> (0, 0, 0)>
module attributes {stable_mosaic.version = 14 : i64} {
  func.func @_prop_body(%arg0: i32, %arg1: i32, %arg2: memref<10000x64xf32, #tpu.memory_space<hbm>>, %arg3: memref<32x9x1152xi32, #tpu.memory_space<hbm>>, %arg4: memref<32x9x1152xi32, #tpu.memory_space<hbm>>, %arg5: memref<10240x64xf32, #tpu.memory_space<hbm>>, %arg6: memref<2x10240x64xf32, #tpu.memory_space<hbm>>, %arg7: memref<10240x64xf32, #tpu.memory_space<vmem_shared>>, %arg8: memref<1152xi32, #tpu.memory_space<vmem>>, %arg9: memref<1152xi32, #tpu.memory_space<vmem>>, %arg10: memref<1152x64xf32, #tpu.memory_space<vmem>>, %arg11: memref<!tpu.dma_semaphore, #tpu.memory_space<semaphore_mem>>) attributes {dimension_semantics = [#tpu.dimension_semantics<core_parallel>, #tpu.dimension_semantics<subcore_parallel>], iteration_bounds = array<i64: 2, 16>, scalar_prefetch = 0 : i64, scratch_operands = 5 : i64, tpu.core_type = #tpu.core_type<sc_vector_subcore>, window_params = [{transform_indices = #map}, {transform_indices = #map1}, {transform_indices = #map1}, {transform_indices = #map}, {transform_indices = #map1}]} {
    %mul3A = arith.constant 16 : i32
    %mul3A_0 = arith.muli %arg0, %mul3A : i32
    %add3A = arith.addi %mul3A_0, %arg1 : i32
    %mul3A_1 = arith.constant 640 : i32
    %mul3A_2 = arith.muli %arg1, %mul3A_1 : i32
    %mul3A_3 = arith.constant 640 : i32
    %mul3A_4 = arith.muli %arg1, %mul3A_3 : i32
    "tpu.region"() ({
      %run_scoped3A = tpu.sem_alloc : memref<!tpu.dma_semaphore, #tpu.memory_space<semaphore_mem>>
      %dma_start3A = arith.constant 0 : i32
      %dma_start3A_15 = tpu.memref_slice %arg7[%mul3A_4, %dma_start3A] : memref<10240x64xf32, #tpu.memory_space<vmem_shared>> -> memref<640x64xf32, #tpu.memory_space<vmem_shared>>
      %dma_start3A_16 = arith.constant 0 : i32
      %dma_start3A_17 = tpu.memref_slice %arg5[%mul3A_2, %dma_start3A_16] : memref<10240x64xf32, #tpu.memory_space<hbm>> -> memref<640x64xf32, #tpu.memory_space<hbm>>
      tpu.enqueue_dma source(%dma_start3A_17 : memref<640x64xf32, #tpu.memory_space<hbm>>) target(%dma_start3A_15 : memref<640x64xf32, #tpu.memory_space<vmem_shared>>) target_semaphore(%run_scoped3A : memref<!tpu.dma_semaphore, #tpu.memory_space<semaphore_mem>>)
      %dma_wait3A = arith.constant 0 : i32
      %dma_wait3A_18 = tpu.memref_slice %arg7[%mul3A_4, %dma_wait3A] : memref<10240x64xf32, #tpu.memory_space<vmem_shared>> -> memref<640x64xf32, #tpu.memory_space<vmem_shared>>
      %dma_wait3A_19 = arith.constant 0 : i32
      %dma_wait3A_20 = tpu.memref_slice %arg5[%mul3A_2, %dma_wait3A_19] : memref<10240x64xf32, #tpu.memory_space<hbm>> -> memref<640x64xf32, #tpu.memory_space<hbm>>
      tpu.wait_dma2 semaphore(%run_scoped3A : memref<!tpu.dma_semaphore, #tpu.memory_space<semaphore_mem>>) src(%dma_wait3A_20 : memref<640x64xf32, #tpu.memory_space<hbm>>) dst(%dma_wait3A_18 : memref<640x64xf32, #tpu.memory_space<vmem_shared>>)
      tpu.yield
    }) : () -> ()
    %barrier3A = arith.constant 0 : index
    tpu.barrier barrier_id(%barrier3A)
    %scan3A = arith.constant 0 : i32
    %scan3A_5 = arith.constant 0 : i32
    %scan3A_6 = arith.constant 9 : i32
    %scan3A_7 = arith.addi %scan3A_5, %scan3A_6 : i32
    %scan3A_8 = arith.constant 1 : i32
    scf.for %scan3A_15 = %scan3A_5 to %scan3A_7 step %scan3A_8  : i32 {
      "tpu.region"() ({
        %run_scoped3A = tpu.sem_alloc : memref<!tpu.dma_semaphore, #tpu.memory_space<semaphore_mem>>
        %dma_start3A_20 = arith.constant 0 : i32
        %dma_start3A_21 = tpu.memref_slice %arg3[%add3A, %scan3A_15, %dma_start3A_20] : memref<32x9x1152xi32, #tpu.memory_space<hbm>> -> memref<1x1x1152xi32, #tpu.memory_space<hbm>>
        %dma_start3A_22 = tpu.memref_squeeze %dma_start3A_21 : memref<1x1x1152xi32, #tpu.memory_space<hbm>> -> memref<1152xi32, #tpu.memory_space<hbm>>
        %dma_start3A_23 = arith.constant 0 : i32
        %dma_start3A_24 = tpu.memref_slice %arg3[%add3A, %scan3A_15, %dma_start3A_23] : memref<32x9x1152xi32, #tpu.memory_space<hbm>> -> memref<1x1x1152xi32, #tpu.memory_space<hbm>>
        %dma_start3A_25 = tpu.memref_squeeze %dma_start3A_24 : memref<1x1x1152xi32, #tpu.memory_space<hbm>> -> memref<1152xi32, #tpu.memory_space<hbm>>
        tpu.enqueue_dma source(%dma_start3A_25 : memref<1152xi32, #tpu.memory_space<hbm>>) target(%arg8 : memref<1152xi32, #tpu.memory_space<vmem>>) target_semaphore(%run_scoped3A : memref<!tpu.dma_semaphore, #tpu.memory_space<semaphore_mem>>)
        %dma_wait3A_26 = arith.constant 0 : i32
        %dma_wait3A_27 = tpu.memref_slice %arg3[%add3A, %scan3A_15, %dma_wait3A_26] : memref<32x9x1152xi32, #tpu.memory_space<hbm>> -> memref<1x1x1152xi32, #tpu.memory_space<hbm>>
        %dma_wait3A_28 = tpu.memref_squeeze %dma_wait3A_27 : memref<1x1x1152xi32, #tpu.memory_space<hbm>> -> memref<1152xi32, #tpu.memory_space<hbm>>
        %dma_wait3A_29 = arith.constant 0 : i32
        %dma_wait3A_30 = tpu.memref_slice %arg3[%add3A, %scan3A_15, %dma_wait3A_29] : memref<32x9x1152xi32, #tpu.memory_space<hbm>> -> memref<1x1x1152xi32, #tpu.memory_space<hbm>>
        %dma_wait3A_31 = tpu.memref_squeeze %dma_wait3A_30 : memref<1x1x1152xi32, #tpu.memory_space<hbm>> -> memref<1152xi32, #tpu.memory_space<hbm>>
        tpu.wait_dma2 semaphore(%run_scoped3A : memref<!tpu.dma_semaphore, #tpu.memory_space<semaphore_mem>>) src(%dma_wait3A_31 : memref<1152xi32, #tpu.memory_space<hbm>>) dst(%arg8 : memref<1152xi32, #tpu.memory_space<vmem>>)
        tpu.yield
      }) : () -> ()
      "tpu.region"() ({
        %run_scoped3A = tpu.sem_alloc : memref<!tpu.dma_semaphore, #tpu.memory_space<semaphore_mem>>
        %dma_start3A_20 = arith.constant 0 : i32
        %dma_start3A_21 = tpu.memref_slice %arg4[%add3A, %scan3A_15, %dma_start3A_20] : memref<32x9x1152xi32, #tpu.memory_space<hbm>> -> memref<1x1x1152xi32, #tpu.memory_space<hbm>>
        %dma_start3A_22 = tpu.memref_squeeze %dma_start3A_21 : memref<1x1x1152xi32, #tpu.memory_space<hbm>> -> memref<1152xi32, #tpu.memory_space<hbm>>
        %dma_start3A_23 = arith.constant 0 : i32
        %dma_start3A_24 = tpu.memref_slice %arg4[%add3A, %scan3A_15, %dma_start3A_23] : memref<32x9x1152xi32, #tpu.memory_space<hbm>> -> memref<1x1x1152xi32, #tpu.memory_space<hbm>>
        %dma_start3A_25 = tpu.memref_squeeze %dma_start3A_24 : memref<1x1x1152xi32, #tpu.memory_space<hbm>> -> memref<1152xi32, #tpu.memory_space<hbm>>
        tpu.enqueue_dma source(%dma_start3A_25 : memref<1152xi32, #tpu.memory_space<hbm>>) target(%arg9 : memref<1152xi32, #tpu.memory_space<vmem>>) target_semaphore(%run_scoped3A : memref<!tpu.dma_semaphore, #tpu.memory_space<semaphore_mem>>)
        %dma_wait3A_26 = arith.constant 0 : i32
        %dma_wait3A_27 = tpu.memref_slice %arg4[%add3A, %scan3A_15, %dma_wait3A_26] : memref<32x9x1152xi32, #tpu.memory_space<hbm>> -> memref<1x1x1152xi32, #tpu.memory_space<hbm>>
        %dma_wait3A_28 = tpu.memref_squeeze %dma_wait3A_27 : memref<1x1x1152xi32, #tpu.memory_space<hbm>> -> memref<1152xi32, #tpu.memory_space<hbm>>
        %dma_wait3A_29 = arith.constant 0 : i32
        %dma_wait3A_30 = tpu.memref_slice %arg4[%add3A, %scan3A_15, %dma_wait3A_29] : memref<32x9x1152xi32, #tpu.memory_space<hbm>> -> memref<1x1x1152xi32, #tpu.memory_space<hbm>>
        %dma_wait3A_31 = tpu.memref_squeeze %dma_wait3A_30 : memref<1x1x1152xi32, #tpu.memory_space<hbm>> -> memref<1152xi32, #tpu.memory_space<hbm>>
        tpu.wait_dma2 semaphore(%run_scoped3A : memref<!tpu.dma_semaphore, #tpu.memory_space<semaphore_mem>>) src(%dma_wait3A_31 : memref<1152xi32, #tpu.memory_space<hbm>>) dst(%arg9 : memref<1152xi32, #tpu.memory_space<vmem>>)
        tpu.yield
      }) : () -> ()
      %dma_start3A = arith.constant 0 : i32
      %dma_start3A_16 = arith.constant 0 : i32
      %dma_start3A_17 = tpu.memref_slice %arg2[%dma_start3A, %dma_start3A_16] : memref<10000x64xf32, #tpu.memory_space<hbm>> -> memref<10000x64xf32, #tpu.memory_space<hbm>>
      tpu.enqueue_indirect_dma source(%dma_start3A_17 : memref<10000x64xf32, #tpu.memory_space<hbm>>) target(%arg10 : memref<1152x64xf32, #tpu.memory_space<vmem>>) offsets(%arg8 : memref<1152xi32, #tpu.memory_space<vmem>>) semaphore(%arg11 : memref<!tpu.dma_semaphore, #tpu.memory_space<semaphore_mem>>)
      %dma_wait3A = arith.constant 0 : i32
      %dma_wait3A_18 = arith.constant 0 : i32
      %dma_wait3A_19 = tpu.memref_slice %arg2[%dma_wait3A, %dma_wait3A_18] : memref<10000x64xf32, #tpu.memory_space<hbm>> -> memref<10000x64xf32, #tpu.memory_space<hbm>>
      tpu.wait_indirect_dma semaphore(%arg11 : memref<!tpu.dma_semaphore, #tpu.memory_space<semaphore_mem>>) src(%dma_wait3A_19 : memref<10000x64xf32, #tpu.memory_space<hbm>>) dst(%arg10 : memref<1152x64xf32, #tpu.memory_space<vmem>>)
      "tpu.region"() ({
        %run_scoped3A = tpu.sem_alloc : memref<!tpu.dma_semaphore, #tpu.memory_space<semaphore_mem>>
        %dma_start3A_20 = arith.constant 0 : i32
        %dma_start3A_21 = arith.constant 0 : i32
        %dma_start3A_22 = tpu.memref_slice %arg7[%dma_start3A_20, %dma_start3A_21] : memref<10240x64xf32, #tpu.memory_space<vmem_shared>> -> memref<10240x64xf32, #tpu.memory_space<vmem_shared>>
        tpu.enqueue_indirect_dma source(%arg10 : memref<1152x64xf32, #tpu.memory_space<vmem>>) target(%dma_start3A_22 : memref<10240x64xf32, #tpu.memory_space<vmem_shared>>) offsets(%arg9 : memref<1152xi32, #tpu.memory_space<vmem>>) semaphore(%run_scoped3A : memref<!tpu.dma_semaphore, #tpu.memory_space<semaphore_mem>>) {add = true}
        %dma_wait3A_23 = arith.constant 0 : i32
        %dma_wait3A_24 = arith.constant 0 : i32
        %dma_wait3A_25 = tpu.memref_slice %arg7[%dma_wait3A_23, %dma_wait3A_24] : memref<10240x64xf32, #tpu.memory_space<vmem_shared>> -> memref<10240x64xf32, #tpu.memory_space<vmem_shared>>
        tpu.wait_indirect_dma semaphore(%run_scoped3A : memref<!tpu.dma_semaphore, #tpu.memory_space<semaphore_mem>>) src(%arg10 : memref<1152x64xf32, #tpu.memory_space<vmem>>) dst(%dma_wait3A_25 : memref<10240x64xf32, #tpu.memory_space<vmem_shared>>)
        tpu.yield
      }) : () -> ()
    }
    %scan3A_9 = arith.constant 9 : i32
    %barrier3A_10 = arith.constant 0 : index
    tpu.barrier barrier_id(%barrier3A_10)
    %mul3A_11 = arith.constant 640 : i32
    %mul3A_12 = arith.muli %arg1, %mul3A_11 : i32
    %mul3A_13 = arith.constant 640 : i32
    %mul3A_14 = arith.muli %arg1, %mul3A_13 : i32
    "tpu.region"() ({
      %run_scoped3A = tpu.sem_alloc : memref<!tpu.dma_semaphore, #tpu.memory_space<semaphore_mem>>
      %dma_start3A = arith.constant 0 : i32
      %dma_start3A_15 = tpu.memref_slice %arg6[%arg0, %mul3A_14, %dma_start3A] : memref<2x10240x64xf32, #tpu.memory_space<hbm>> -> memref<1x640x64xf32, #tpu.memory_space<hbm>>
      %dma_start3A_16 = tpu.memref_squeeze %dma_start3A_15 : memref<1x640x64xf32, #tpu.memory_space<hbm>> -> memref<640x64xf32, #tpu.memory_space<hbm>>
      %dma_start3A_17 = arith.constant 0 : i32
      %dma_start3A_18 = tpu.memref_slice %arg7[%mul3A_12, %dma_start3A_17] : memref<10240x64xf32, #tpu.memory_space<vmem_shared>> -> memref<640x64xf32, #tpu.memory_space<vmem_shared>>
      tpu.enqueue_dma source(%dma_start3A_18 : memref<640x64xf32, #tpu.memory_space<vmem_shared>>) target(%dma_start3A_16 : memref<640x64xf32, #tpu.memory_space<hbm>>) target_semaphore(%run_scoped3A : memref<!tpu.dma_semaphore, #tpu.memory_space<semaphore_mem>>)
      %dma_wait3A = arith.constant 0 : i32
      %dma_wait3A_19 = tpu.memref_slice %arg6[%arg0, %mul3A_14, %dma_wait3A] : memref<2x10240x64xf32, #tpu.memory_space<hbm>> -> memref<1x640x64xf32, #tpu.memory_space<hbm>>
      %dma_wait3A_20 = tpu.memref_squeeze %dma_wait3A_19 : memref<1x640x64xf32, #tpu.memory_space<hbm>> -> memref<640x64xf32, #tpu.memory_space<hbm>>
      %dma_wait3A_21 = arith.constant 0 : i32
      %dma_wait3A_22 = tpu.memref_slice %arg7[%mul3A_12, %dma_wait3A_21] : memref<10240x64xf32, #tpu.memory_space<vmem_shared>> -> memref<640x64xf32, #tpu.memory_space<vmem_shared>>
      tpu.wait_dma2 semaphore(%run_scoped3A : memref<!tpu.dma_semaphore, #tpu.memory_space<semaphore_mem>>) src(%dma_wait3A_22 : memref<640x64xf32, #tpu.memory_space<vmem_shared>>) dst(%dma_wait3A_20 : memref<640x64xf32, #tpu.memory_space<hbm>>)
      tpu.yield
    }) : () -> ()
    return
  }
}

#map = affine_map<(d0, d1) -> (0, 0)>
#map1 = affine_map<(d0, d1) -> (0, 0, 0)>
module attributes {stable_mosaic.version = 14 : i64} {
  func.func @_prop_body(%arg0: i32, %arg1: i32, %arg2: memref<10000x64xf32, #tpu.memory_space<hbm>>, %arg3: memref<32x9x1152xi32, #tpu.memory_space<hbm>>, %arg4: memref<32x9x1152xi32, #tpu.memory_space<hbm>>, %arg5: memref<10240x64xf32, #tpu.memory_space<hbm>>, %arg6: memref<2x10240x64xf32, #tpu.memory_space<hbm>>, %arg7: memref<10240x64xf32, #tpu.memory_space<vmem_shared>>, %arg8: memref<1152xi32, #tpu.memory_space<vmem>>, %arg9: memref<1152xi32, #tpu.memory_space<vmem>>, %arg10: memref<1152x64xf32, #tpu.memory_space<vmem>>, %arg11: memref<!tpu.dma_semaphore, #tpu.memory_space<semaphore_mem>>) attributes {dimension_semantics = [#tpu.dimension_semantics<core_parallel>, #tpu.dimension_semantics<subcore_parallel>], iteration_bounds = array<i64: 2, 16>, scalar_prefetch = 0 : i64, scratch_operands = 5 : i64, tpu.core_type = #tpu.core_type<sc_vector_subcore>, window_params = [{transform_indices = #map}, {transform_indices = #map1}, {transform_indices = #map1}, {transform_indices = #map}, {transform_indices = #map1}]} {
    %mul3A = arith.constant 16 : i32
    %mul3A_0 = arith.muli %arg0, %mul3A : i32
    %add3A = arith.addi %mul3A_0, %arg1 : i32
    %mul3A_1 = arith.constant 640 : i32
    %mul3A_2 = arith.muli %arg1, %mul3A_1 : i32
    %mul3A_3 = arith.constant 640 : i32
    %mul3A_4 = arith.muli %arg1, %mul3A_3 : i32
    "tpu.region"() ({
      %run_scoped3A = tpu.sem_alloc : memref<!tpu.dma_semaphore, #tpu.memory_space<semaphore_mem>>
      %dma_start3A = arith.constant 0 : i32
      %dma_start3A_15 = tpu.memref_slice %arg7[%mul3A_4, %dma_start3A] : memref<10240x64xf32, #tpu.memory_space<vmem_shared>> -> memref<640x64xf32, #tpu.memory_space<vmem_shared>>
      %dma_start3A_16 = arith.constant 0 : i32
      %dma_start3A_17 = tpu.memref_slice %arg5[%mul3A_2, %dma_start3A_16] : memref<10240x64xf32, #tpu.memory_space<hbm>> -> memref<640x64xf32, #tpu.memory_space<hbm>>
      tpu.enqueue_dma source(%dma_start3A_17 : memref<640x64xf32, #tpu.memory_space<hbm>>) target(%dma_start3A_15 : memref<640x64xf32, #tpu.memory_space<vmem_shared>>) target_semaphore(%run_scoped3A : memref<!tpu.dma_semaphore, #tpu.memory_space<semaphore_mem>>)
      %dma_wait3A = arith.constant 0 : i32
      %dma_wait3A_18 = tpu.memref_slice %arg7[%mul3A_4, %dma_wait3A] : memref<10240x64xf32, #tpu.memory_space<vmem_shared>> -> memref<640x64xf32, #tpu.memory_space<vmem_shared>>
      %dma_wait3A_19 = arith.constant 0 : i32
      %dma_wait3A_20 = tpu.memref_slice %arg5[%mul3A_2, %dma_wait3A_19] : memref<10240x64xf32, #tpu.memory_space<hbm>> -> memref<640x64xf32, #tpu.memory_space<hbm>>
      tpu.wait_dma2 semaphore(%run_scoped3A : memref<!tpu.dma_semaphore, #tpu.memory_space<semaphore_mem>>) src(%dma_wait3A_20 : memref<640x64xf32, #tpu.memory_space<hbm>>) dst(%dma_wait3A_18 : memref<640x64xf32, #tpu.memory_space<vmem_shared>>)
      tpu.yield
    }) : () -> ()
    %barrier3A = arith.constant 0 : index
    tpu.barrier barrier_id(%barrier3A)
    %scan3A = arith.constant 0 : i32
    %scan3A_5 = arith.constant 0 : i32
    %scan3A_6 = arith.constant 9 : i32
    %scan3A_7 = arith.addi %scan3A_5, %scan3A_6 : i32
    %scan3A_8 = arith.constant 1 : i32
    scf.for %scan3A_15 = %scan3A_5 to %scan3A_7 step %scan3A_8  : i32 {
      "tpu.region"() ({
        %run_scoped3A = tpu.sem_alloc : memref<!tpu.dma_semaphore, #tpu.memory_space<semaphore_mem>>
        %dma_start3A_20 = arith.constant 0 : i32
        %dma_start3A_21 = tpu.memref_slice %arg3[%add3A, %scan3A_15, %dma_start3A_20] : memref<32x9x1152xi32, #tpu.memory_space<hbm>> -> memref<1x1x1152xi32, #tpu.memory_space<hbm>>
        %dma_start3A_22 = tpu.memref_squeeze %dma_start3A_21 : memref<1x1x1152xi32, #tpu.memory_space<hbm>> -> memref<1152xi32, #tpu.memory_space<hbm>>
        %dma_start3A_23 = arith.constant 0 : i32
        %dma_start3A_24 = tpu.memref_slice %arg3[%add3A, %scan3A_15, %dma_start3A_23] : memref<32x9x1152xi32, #tpu.memory_space<hbm>> -> memref<1x1x1152xi32, #tpu.memory_space<hbm>>
        %dma_start3A_25 = tpu.memref_squeeze %dma_start3A_24 : memref<1x1x1152xi32, #tpu.memory_space<hbm>> -> memref<1152xi32, #tpu.memory_space<hbm>>
        tpu.enqueue_dma source(%dma_start3A_25 : memref<1152xi32, #tpu.memory_space<hbm>>) target(%arg8 : memref<1152xi32, #tpu.memory_space<vmem>>) target_semaphore(%run_scoped3A : memref<!tpu.dma_semaphore, #tpu.memory_space<semaphore_mem>>)
        %dma_wait3A_26 = arith.constant 0 : i32
        %dma_wait3A_27 = tpu.memref_slice %arg3[%add3A, %scan3A_15, %dma_wait3A_26] : memref<32x9x1152xi32, #tpu.memory_space<hbm>> -> memref<1x1x1152xi32, #tpu.memory_space<hbm>>
        %dma_wait3A_28 = tpu.memref_squeeze %dma_wait3A_27 : memref<1x1x1152xi32, #tpu.memory_space<hbm>> -> memref<1152xi32, #tpu.memory_space<hbm>>
        %dma_wait3A_29 = arith.constant 0 : i32
        %dma_wait3A_30 = tpu.memref_slice %arg3[%add3A, %scan3A_15, %dma_wait3A_29] : memref<32x9x1152xi32, #tpu.memory_space<hbm>> -> memref<1x1x1152xi32, #tpu.memory_space<hbm>>
        %dma_wait3A_31 = tpu.memref_squeeze %dma_wait3A_30 : memref<1x1x1152xi32, #tpu.memory_space<hbm>> -> memref<1152xi32, #tpu.memory_space<hbm>>
        tpu.wait_dma2 semaphore(%run_scoped3A : memref<!tpu.dma_semaphore, #tpu.memory_space<semaphore_mem>>) src(%dma_wait3A_31 : memref<1152xi32, #tpu.memory_space<hbm>>) dst(%arg8 : memref<1152xi32, #tpu.memory_space<vmem>>)
        tpu.yield
      }) : () -> ()
      "tpu.region"() ({
        %run_scoped3A = tpu.sem_alloc : memref<!tpu.dma_semaphore, #tpu.memory_space<semaphore_mem>>
        %dma_start3A_20 = arith.constant 0 : i32
        %dma_start3A_21 = tpu.memref_slice %arg4[%add3A, %scan3A_15, %dma_start3A_20] : memref<32x9x1152xi32, #tpu.memory_space<hbm>> -> memref<1x1x1152xi32, #tpu.memory_space<hbm>>
        %dma_start3A_22 = tpu.memref_squeeze %dma_start3A_21 : memref<1x1x1152xi32, #tpu.memory_space<hbm>> -> memref<1152xi32, #tpu.memory_space<hbm>>
        %dma_start3A_23 = arith.constant 0 : i32
        %dma_start3A_24 = tpu.memref_slice %arg4[%add3A, %scan3A_15, %dma_start3A_23] : memref<32x9x1152xi32, #tpu.memory_space<hbm>> -> memref<1x1x1152xi32, #tpu.memory_space<hbm>>
        %dma_start3A_25 = tpu.memref_squeeze %dma_start3A_24 : memref<1x1x1152xi32, #tpu.memory_space<hbm>> -> memref<1152xi32, #tpu.memory_space<hbm>>
        tpu.enqueue_dma source(%dma_start3A_25 : memref<1152xi32, #tpu.memory_space<hbm>>) target(%arg9 : memref<1152xi32, #tpu.memory_space<vmem>>) target_semaphore(%run_scoped3A : memref<!tpu.dma_semaphore, #tpu.memory_space<semaphore_mem>>)
        %dma_wait3A_26 = arith.constant 0 : i32
        %dma_wait3A_27 = tpu.memref_slice %arg4[%add3A, %scan3A_15, %dma_wait3A_26] : memref<32x9x1152xi32, #tpu.memory_space<hbm>> -> memref<1x1x1152xi32, #tpu.memory_space<hbm>>
        %dma_wait3A_28 = tpu.memref_squeeze %dma_wait3A_27 : memref<1x1x1152xi32, #tpu.memory_space<hbm>> -> memref<1152xi32, #tpu.memory_space<hbm>>
        %dma_wait3A_29 = arith.constant 0 : i32
        %dma_wait3A_30 = tpu.memref_slice %arg4[%add3A, %scan3A_15, %dma_wait3A_29] : memref<32x9x1152xi32, #tpu.memory_space<hbm>> -> memref<1x1x1152xi32, #tpu.memory_space<hbm>>
        %dma_wait3A_31 = tpu.memref_squeeze %dma_wait3A_30 : memref<1x1x1152xi32, #tpu.memory_space<hbm>> -> memref<1152xi32, #tpu.memory_space<hbm>>
        tpu.wait_dma2 semaphore(%run_scoped3A : memref<!tpu.dma_semaphore, #tpu.memory_space<semaphore_mem>>) src(%dma_wait3A_31 : memref<1152xi32, #tpu.memory_space<hbm>>) dst(%arg9 : memref<1152xi32, #tpu.memory_space<vmem>>)
        tpu.yield
      }) : () -> ()
      %dma_start3A = arith.constant 0 : i32
      %dma_start3A_16 = arith.constant 0 : i32
      %dma_start3A_17 = tpu.memref_slice %arg2[%dma_start3A, %dma_start3A_16] : memref<10000x64xf32, #tpu.memory_space<hbm>> -> memref<10000x64xf32, #tpu.memory_space<hbm>>
      tpu.enqueue_indirect_dma source(%dma_start3A_17 : memref<10000x64xf32, #tpu.memory_space<hbm>>) target(%arg10 : memref<1152x64xf32, #tpu.memory_space<vmem>>) offsets(%arg8 : memref<1152xi32, #tpu.memory_space<vmem>>) semaphore(%arg11 : memref<!tpu.dma_semaphore, #tpu.memory_space<semaphore_mem>>)
      %dma_wait3A = arith.constant 0 : i32
      %dma_wait3A_18 = arith.constant 0 : i32
      %dma_wait3A_19 = tpu.memref_slice %arg2[%dma_wait3A, %dma_wait3A_18] : memref<10000x64xf32, #tpu.memory_space<hbm>> -> memref<10000x64xf32, #tpu.memory_space<hbm>>
      tpu.wait_indirect_dma semaphore(%arg11 : memref<!tpu.dma_semaphore, #tpu.memory_space<semaphore_mem>>) src(%dma_wait3A_19 : memref<10000x64xf32, #tpu.memory_space<hbm>>) dst(%arg10 : memref<1152x64xf32, #tpu.memory_space<vmem>>)
      "tpu.region"() ({
        %run_scoped3A = tpu.sem_alloc : memref<!tpu.dma_semaphore, #tpu.memory_space<semaphore_mem>>
        %dma_start3A_20 = arith.constant 0 : i32
        %dma_start3A_21 = arith.constant 0 : i32
        %dma_start3A_22 = tpu.memref_slice %arg7[%dma_start3A_20, %dma_start3A_21] : memref<10240x64xf32, #tpu.memory_space<vmem_shared>> -> memref<10240x64xf32, #tpu.memory_space<vmem_shared>>
        tpu.enqueue_indirect_dma source(%arg10 : memref<1152x64xf32, #tpu.memory_space<vmem>>) target(%dma_start3A_22 : memref<10240x64xf32, #tpu.memory_space<vmem_shared>>) offsets(%arg9 : memref<1152xi32, #tpu.memory_space<vmem>>) semaphore(%run_scoped3A : memref<!tpu.dma_semaphore, #tpu.memory_space<semaphore_mem>>) {add = true}
        %dma_wait3A_23 = arith.constant 0 : i32
        %dma_wait3A_24 = arith.constant 0 : i32
        %dma_wait3A_25 = tpu.memref_slice %arg7[%dma_wait3A_23, %dma_wait3A_24] : memref<10240x64xf32, #tpu.memory_space<vmem_shared>> -> memref<10240x64xf32, #tpu.memory_space<vmem_shared>>
        tpu.wait_indirect_dma semaphore(%run_scoped3A : memref<!tpu.dma_semaphore, #tpu.memory_space<semaphore_mem>>) src(%arg10 : memref<1152x64xf32, #tpu.memory_space<vmem>>) dst(%dma_wait3A_25 : memref<10240x64xf32, #tpu.memory_space<vmem_shared>>)
        tpu.yield
      }) : () -> ()
    }
    %scan3A_9 = arith.constant 9 : i32
    %barrier3A_10 = arith.constant 0 : index
    tpu.barrier barrier_id(%barrier3A_10)
    %mul3A_11 = arith.constant 640 : i32
    %mul3A_12 = arith.muli %arg1, %mul3A_11 : i32
    %mul3A_13 = arith.constant 640 : i32
    %mul3A_14 = arith.muli %arg1, %mul3A_13 : i32
    "tpu.region"() ({
      %run_scoped3A = tpu.sem_alloc : memref<!tpu.dma_semaphore, #tpu.memory_space<semaphore_mem>>
      %dma_start3A = arith.constant 0 : i32
      %dma_start3A_15 = tpu.memref_slice %arg6[%arg0, %mul3A_14, %dma_start3A] : memref<2x10240x64xf32, #tpu.memory_space<hbm>> -> memref<1x640x64xf32, #tpu.memory_space<hbm>>
      %dma_start3A_16 = tpu.memref_squeeze %dma_start3A_15 : memref<1x640x64xf32, #tpu.memory_space<hbm>> -> memref<640x64xf32, #tpu.memory_space<hbm>>
      %dma_start3A_17 = arith.constant 0 : i32
      %dma_start3A_18 = tpu.memref_slice %arg7[%mul3A_12, %dma_start3A_17] : memref<10240x64xf32, #tpu.memory_space<vmem_shared>> -> memref<640x64xf32, #tpu.memory_space<vmem_shared>>
      tpu.enqueue_dma source(%dma_start3A_18 : memref<640x64xf32, #tpu.memory_space<vmem_shared>>) target(%dma_start3A_16 : memref<640x64xf32, #tpu.memory_space<hbm>>) target_semaphore(%run_scoped3A : memref<!tpu.dma_semaphore, #tpu.memory_space<semaphore_mem>>)
      %dma_wait3A = arith.constant 0 : i32
      %dma_wait3A_19 = tpu.memref_slice %arg6[%arg0, %mul3A_14, %dma_wait3A] : memref<2x10240x64xf32, #tpu.memory_space<hbm>> -> memref<1x640x64xf32, #tpu.memory_space<hbm>>
      %dma_wait3A_20 = tpu.memref_squeeze %dma_wait3A_19 : memref<1x640x64xf32, #tpu.memory_space<hbm>> -> memref<640x64xf32, #tpu.memory_space<hbm>>
      %dma_wait3A_21 = arith.constant 0 : i32
      %dma_wait3A_22 = tpu.memref_slice %arg7[%mul3A_12, %dma_wait3A_21] : memref<10240x64xf32, #tpu.memory_space<vmem_shared>> -> memref<640x64xf32, #tpu.memory_space<vmem_shared>>
      tpu.wait_dma2 semaphore(%run_scoped3A : memref<!tpu.dma_semaphore, #tpu.memory_space<semaphore_mem>>) src(%dma_wait3A_22 : memref<640x64xf32, #tpu.memory_space<vmem_shared>>) dst(%dma_wait3A_20 : memref<640x64xf32, #tpu.memory_space<hbm>>)
      tpu.yield
    }) : () -> ()
    return
  }
}

#map = affine_map<(d0, d1) -> (0, 0)>
#map1 = affine_map<(d0, d1) -> (0, 0, 0)>
module attributes {stable_mosaic.version = 14 : i64} {
  func.func @_prop_body(%arg0: i32, %arg1: i32, %arg2: memref<10000x64xf32, #tpu.memory_space<hbm>>, %arg3: memref<32x9x1152xi32, #tpu.memory_space<hbm>>, %arg4: memref<32x9x1152xi32, #tpu.memory_space<hbm>>, %arg5: memref<10240x64xf32, #tpu.memory_space<hbm>>, %arg6: memref<2x10240x64xf32, #tpu.memory_space<hbm>>, %arg7: memref<10240x64xf32, #tpu.memory_space<vmem_shared>>, %arg8: memref<1152xi32, #tpu.memory_space<vmem>>, %arg9: memref<1152xi32, #tpu.memory_space<vmem>>, %arg10: memref<1152x64xf32, #tpu.memory_space<vmem>>, %arg11: memref<!tpu.dma_semaphore, #tpu.memory_space<semaphore_mem>>) attributes {dimension_semantics = [#tpu.dimension_semantics<core_parallel>, #tpu.dimension_semantics<subcore_parallel>], iteration_bounds = array<i64: 2, 16>, scalar_prefetch = 0 : i64, scratch_operands = 5 : i64, tpu.core_type = #tpu.core_type<sc_vector_subcore>, window_params = [{transform_indices = #map}, {transform_indices = #map1}, {transform_indices = #map1}, {transform_indices = #map}, {transform_indices = #map1}]} {
    %mul3A = arith.constant 16 : i32
    %mul3A_0 = arith.muli %arg0, %mul3A : i32
    %add3A = arith.addi %mul3A_0, %arg1 : i32
    %mul3A_1 = arith.constant 640 : i32
    %mul3A_2 = arith.muli %arg1, %mul3A_1 : i32
    %mul3A_3 = arith.constant 640 : i32
    %mul3A_4 = arith.muli %arg1, %mul3A_3 : i32
    "tpu.region"() ({
      %run_scoped3A = tpu.sem_alloc : memref<!tpu.dma_semaphore, #tpu.memory_space<semaphore_mem>>
      %dma_start3A = arith.constant 0 : i32
      %dma_start3A_15 = tpu.memref_slice %arg7[%mul3A_4, %dma_start3A] : memref<10240x64xf32, #tpu.memory_space<vmem_shared>> -> memref<640x64xf32, #tpu.memory_space<vmem_shared>>
      %dma_start3A_16 = arith.constant 0 : i32
      %dma_start3A_17 = tpu.memref_slice %arg5[%mul3A_2, %dma_start3A_16] : memref<10240x64xf32, #tpu.memory_space<hbm>> -> memref<640x64xf32, #tpu.memory_space<hbm>>
      tpu.enqueue_dma source(%dma_start3A_17 : memref<640x64xf32, #tpu.memory_space<hbm>>) target(%dma_start3A_15 : memref<640x64xf32, #tpu.memory_space<vmem_shared>>) target_semaphore(%run_scoped3A : memref<!tpu.dma_semaphore, #tpu.memory_space<semaphore_mem>>)
      %dma_wait3A = arith.constant 0 : i32
      %dma_wait3A_18 = tpu.memref_slice %arg7[%mul3A_4, %dma_wait3A] : memref<10240x64xf32, #tpu.memory_space<vmem_shared>> -> memref<640x64xf32, #tpu.memory_space<vmem_shared>>
      %dma_wait3A_19 = arith.constant 0 : i32
      %dma_wait3A_20 = tpu.memref_slice %arg5[%mul3A_2, %dma_wait3A_19] : memref<10240x64xf32, #tpu.memory_space<hbm>> -> memref<640x64xf32, #tpu.memory_space<hbm>>
      tpu.wait_dma2 semaphore(%run_scoped3A : memref<!tpu.dma_semaphore, #tpu.memory_space<semaphore_mem>>) src(%dma_wait3A_20 : memref<640x64xf32, #tpu.memory_space<hbm>>) dst(%dma_wait3A_18 : memref<640x64xf32, #tpu.memory_space<vmem_shared>>)
      tpu.yield
    }) : () -> ()
    %barrier3A = arith.constant 0 : index
    tpu.barrier barrier_id(%barrier3A)
    %scan3A = arith.constant 0 : i32
    %scan3A_5 = arith.constant 0 : i32
    %scan3A_6 = arith.constant 9 : i32
    %scan3A_7 = arith.addi %scan3A_5, %scan3A_6 : i32
    %scan3A_8 = arith.constant 1 : i32
    scf.for %scan3A_15 = %scan3A_5 to %scan3A_7 step %scan3A_8  : i32 {
      "tpu.region"() ({
        %run_scoped3A = tpu.sem_alloc : memref<!tpu.dma_semaphore, #tpu.memory_space<semaphore_mem>>
        %dma_start3A_20 = arith.constant 0 : i32
        %dma_start3A_21 = tpu.memref_slice %arg3[%add3A, %scan3A_15, %dma_start3A_20] : memref<32x9x1152xi32, #tpu.memory_space<hbm>> -> memref<1x1x1152xi32, #tpu.memory_space<hbm>>
        %dma_start3A_22 = tpu.memref_squeeze %dma_start3A_21 : memref<1x1x1152xi32, #tpu.memory_space<hbm>> -> memref<1152xi32, #tpu.memory_space<hbm>>
        %dma_start3A_23 = arith.constant 0 : i32
        %dma_start3A_24 = tpu.memref_slice %arg3[%add3A, %scan3A_15, %dma_start3A_23] : memref<32x9x1152xi32, #tpu.memory_space<hbm>> -> memref<1x1x1152xi32, #tpu.memory_space<hbm>>
        %dma_start3A_25 = tpu.memref_squeeze %dma_start3A_24 : memref<1x1x1152xi32, #tpu.memory_space<hbm>> -> memref<1152xi32, #tpu.memory_space<hbm>>
        tpu.enqueue_dma source(%dma_start3A_25 : memref<1152xi32, #tpu.memory_space<hbm>>) target(%arg8 : memref<1152xi32, #tpu.memory_space<vmem>>) target_semaphore(%run_scoped3A : memref<!tpu.dma_semaphore, #tpu.memory_space<semaphore_mem>>)
        %dma_wait3A_26 = arith.constant 0 : i32
        %dma_wait3A_27 = tpu.memref_slice %arg3[%add3A, %scan3A_15, %dma_wait3A_26] : memref<32x9x1152xi32, #tpu.memory_space<hbm>> -> memref<1x1x1152xi32, #tpu.memory_space<hbm>>
        %dma_wait3A_28 = tpu.memref_squeeze %dma_wait3A_27 : memref<1x1x1152xi32, #tpu.memory_space<hbm>> -> memref<1152xi32, #tpu.memory_space<hbm>>
        %dma_wait3A_29 = arith.constant 0 : i32
        %dma_wait3A_30 = tpu.memref_slice %arg3[%add3A, %scan3A_15, %dma_wait3A_29] : memref<32x9x1152xi32, #tpu.memory_space<hbm>> -> memref<1x1x1152xi32, #tpu.memory_space<hbm>>
        %dma_wait3A_31 = tpu.memref_squeeze %dma_wait3A_30 : memref<1x1x1152xi32, #tpu.memory_space<hbm>> -> memref<1152xi32, #tpu.memory_space<hbm>>
        tpu.wait_dma2 semaphore(%run_scoped3A : memref<!tpu.dma_semaphore, #tpu.memory_space<semaphore_mem>>) src(%dma_wait3A_31 : memref<1152xi32, #tpu.memory_space<hbm>>) dst(%arg8 : memref<1152xi32, #tpu.memory_space<vmem>>)
        tpu.yield
      }) : () -> ()
      "tpu.region"() ({
        %run_scoped3A = tpu.sem_alloc : memref<!tpu.dma_semaphore, #tpu.memory_space<semaphore_mem>>
        %dma_start3A_20 = arith.constant 0 : i32
        %dma_start3A_21 = tpu.memref_slice %arg4[%add3A, %scan3A_15, %dma_start3A_20] : memref<32x9x1152xi32, #tpu.memory_space<hbm>> -> memref<1x1x1152xi32, #tpu.memory_space<hbm>>
        %dma_start3A_22 = tpu.memref_squeeze %dma_start3A_21 : memref<1x1x1152xi32, #tpu.memory_space<hbm>> -> memref<1152xi32, #tpu.memory_space<hbm>>
        %dma_start3A_23 = arith.constant 0 : i32
        %dma_start3A_24 = tpu.memref_slice %arg4[%add3A, %scan3A_15, %dma_start3A_23] : memref<32x9x1152xi32, #tpu.memory_space<hbm>> -> memref<1x1x1152xi32, #tpu.memory_space<hbm>>
        %dma_start3A_25 = tpu.memref_squeeze %dma_start3A_24 : memref<1x1x1152xi32, #tpu.memory_space<hbm>> -> memref<1152xi32, #tpu.memory_space<hbm>>
        tpu.enqueue_dma source(%dma_start3A_25 : memref<1152xi32, #tpu.memory_space<hbm>>) target(%arg9 : memref<1152xi32, #tpu.memory_space<vmem>>) target_semaphore(%run_scoped3A : memref<!tpu.dma_semaphore, #tpu.memory_space<semaphore_mem>>)
        %dma_wait3A_26 = arith.constant 0 : i32
        %dma_wait3A_27 = tpu.memref_slice %arg4[%add3A, %scan3A_15, %dma_wait3A_26] : memref<32x9x1152xi32, #tpu.memory_space<hbm>> -> memref<1x1x1152xi32, #tpu.memory_space<hbm>>
        %dma_wait3A_28 = tpu.memref_squeeze %dma_wait3A_27 : memref<1x1x1152xi32, #tpu.memory_space<hbm>> -> memref<1152xi32, #tpu.memory_space<hbm>>
        %dma_wait3A_29 = arith.constant 0 : i32
        %dma_wait3A_30 = tpu.memref_slice %arg4[%add3A, %scan3A_15, %dma_wait3A_29] : memref<32x9x1152xi32, #tpu.memory_space<hbm>> -> memref<1x1x1152xi32, #tpu.memory_space<hbm>>
        %dma_wait3A_31 = tpu.memref_squeeze %dma_wait3A_30 : memref<1x1x1152xi32, #tpu.memory_space<hbm>> -> memref<1152xi32, #tpu.memory_space<hbm>>
        tpu.wait_dma2 semaphore(%run_scoped3A : memref<!tpu.dma_semaphore, #tpu.memory_space<semaphore_mem>>) src(%dma_wait3A_31 : memref<1152xi32, #tpu.memory_space<hbm>>) dst(%arg9 : memref<1152xi32, #tpu.memory_space<vmem>>)
        tpu.yield
      }) : () -> ()
      %dma_start3A = arith.constant 0 : i32
      %dma_start3A_16 = arith.constant 0 : i32
      %dma_start3A_17 = tpu.memref_slice %arg2[%dma_start3A, %dma_start3A_16] : memref<10000x64xf32, #tpu.memory_space<hbm>> -> memref<10000x64xf32, #tpu.memory_space<hbm>>
      tpu.enqueue_indirect_dma source(%dma_start3A_17 : memref<10000x64xf32, #tpu.memory_space<hbm>>) target(%arg10 : memref<1152x64xf32, #tpu.memory_space<vmem>>) offsets(%arg8 : memref<1152xi32, #tpu.memory_space<vmem>>) semaphore(%arg11 : memref<!tpu.dma_semaphore, #tpu.memory_space<semaphore_mem>>)
      %dma_wait3A = arith.constant 0 : i32
      %dma_wait3A_18 = arith.constant 0 : i32
      %dma_wait3A_19 = tpu.memref_slice %arg2[%dma_wait3A, %dma_wait3A_18] : memref<10000x64xf32, #tpu.memory_space<hbm>> -> memref<10000x64xf32, #tpu.memory_space<hbm>>
      tpu.wait_indirect_dma semaphore(%arg11 : memref<!tpu.dma_semaphore, #tpu.memory_space<semaphore_mem>>) src(%dma_wait3A_19 : memref<10000x64xf32, #tpu.memory_space<hbm>>) dst(%arg10 : memref<1152x64xf32, #tpu.memory_space<vmem>>)
      "tpu.region"() ({
        %run_scoped3A = tpu.sem_alloc : memref<!tpu.dma_semaphore, #tpu.memory_space<semaphore_mem>>
        %dma_start3A_20 = arith.constant 0 : i32
        %dma_start3A_21 = arith.constant 0 : i32
        %dma_start3A_22 = tpu.memref_slice %arg7[%dma_start3A_20, %dma_start3A_21] : memref<10240x64xf32, #tpu.memory_space<vmem_shared>> -> memref<10240x64xf32, #tpu.memory_space<vmem_shared>>
        tpu.enqueue_indirect_dma source(%arg10 : memref<1152x64xf32, #tpu.memory_space<vmem>>) target(%dma_start3A_22 : memref<10240x64xf32, #tpu.memory_space<vmem_shared>>) offsets(%arg9 : memref<1152xi32, #tpu.memory_space<vmem>>) semaphore(%run_scoped3A : memref<!tpu.dma_semaphore, #tpu.memory_space<semaphore_mem>>) {add = true}
        %dma_wait3A_23 = arith.constant 0 : i32
        %dma_wait3A_24 = arith.constant 0 : i32
        %dma_wait3A_25 = tpu.memref_slice %arg7[%dma_wait3A_23, %dma_wait3A_24] : memref<10240x64xf32, #tpu.memory_space<vmem_shared>> -> memref<10240x64xf32, #tpu.memory_space<vmem_shared>>
        tpu.wait_indirect_dma semaphore(%run_scoped3A : memref<!tpu.dma_semaphore, #tpu.memory_space<semaphore_mem>>) src(%arg10 : memref<1152x64xf32, #tpu.memory_space<vmem>>) dst(%dma_wait3A_25 : memref<10240x64xf32, #tpu.memory_space<vmem_shared>>)
        tpu.yield
      }) : () -> ()
    }
    %scan3A_9 = arith.constant 9 : i32
    %barrier3A_10 = arith.constant 0 : index
    tpu.barrier barrier_id(%barrier3A_10)
    %mul3A_11 = arith.constant 640 : i32
    %mul3A_12 = arith.muli %arg1, %mul3A_11 : i32
    %mul3A_13 = arith.constant 640 : i32
    %mul3A_14 = arith.muli %arg1, %mul3A_13 : i32
    "tpu.region"() ({
      %run_scoped3A = tpu.sem_alloc : memref<!tpu.dma_semaphore, #tpu.memory_space<semaphore_mem>>
      %dma_start3A = arith.constant 0 : i32
      %dma_start3A_15 = tpu.memref_slice %arg6[%arg0, %mul3A_14, %dma_start3A] : memref<2x10240x64xf32, #tpu.memory_space<hbm>> -> memref<1x640x64xf32, #tpu.memory_space<hbm>>
      %dma_start3A_16 = tpu.memref_squeeze %dma_start3A_15 : memref<1x640x64xf32, #tpu.memory_space<hbm>> -> memref<640x64xf32, #tpu.memory_space<hbm>>
      %dma_start3A_17 = arith.constant 0 : i32
      %dma_start3A_18 = tpu.memref_slice %arg7[%mul3A_12, %dma_start3A_17] : memref<10240x64xf32, #tpu.memory_space<vmem_shared>> -> memref<640x64xf32, #tpu.memory_space<vmem_shared>>
      tpu.enqueue_dma source(%dma_start3A_18 : memref<640x64xf32, #tpu.memory_space<vmem_shared>>) target(%dma_start3A_16 : memref<640x64xf32, #tpu.memory_space<hbm>>) target_semaphore(%run_scoped3A : memref<!tpu.dma_semaphore, #tpu.memory_space<semaphore_mem>>)
      %dma_wait3A = arith.constant 0 : i32
      %dma_wait3A_19 = tpu.memref_slice %arg6[%arg0, %mul3A_14, %dma_wait3A] : memref<2x10240x64xf32, #tpu.memory_space<hbm>> -> memref<1x640x64xf32, #tpu.memory_space<hbm>>
      %dma_wait3A_20 = tpu.memref_squeeze %dma_wait3A_19 : memref<1x640x64xf32, #tpu.memory_space<hbm>> -> memref<640x64xf32, #tpu.memory_space<hbm>>
      %dma_wait3A_21 = arith.constant 0 : i32
      %dma_wait3A_22 = tpu.memref_slice %arg7[%mul3A_12, %dma_wait3A_21] : memref<10240x64xf32, #tpu.memory_space<vmem_shared>> -> memref<640x64xf32, #tpu.memory_space<vmem_shared>>
      tpu.wait_dma2 semaphore(%run_scoped3A : memref<!tpu.dma_semaphore, #tpu.memory_space<semaphore_mem>>) src(%dma_wait3A_22 : memref<640x64xf32, #tpu.memory_space<vmem_shared>>) dst(%dma_wait3A_20 : memref<640x64xf32, #tpu.memory_space<hbm>>)
      tpu.yield
    }) : () -> ()
    return
  }
}

#map = affine_map<(d0, d1) -> (0, 0)>
#map1 = affine_map<(d0, d1) -> (0, 0, 0)>
module attributes {stable_mosaic.version = 14 : i64} {
  func.func @_prop_body(%arg0: i32, %arg1: i32, %arg2: memref<10000x64xf32, #tpu.memory_space<hbm>>, %arg3: memref<32x9x1152xi32, #tpu.memory_space<hbm>>, %arg4: memref<32x9x1152xi32, #tpu.memory_space<hbm>>, %arg5: memref<10240x64xf32, #tpu.memory_space<hbm>>, %arg6: memref<2x10240x64xf32, #tpu.memory_space<hbm>>, %arg7: memref<10240x64xf32, #tpu.memory_space<vmem_shared>>, %arg8: memref<1152xi32, #tpu.memory_space<vmem>>, %arg9: memref<1152xi32, #tpu.memory_space<vmem>>, %arg10: memref<1152x64xf32, #tpu.memory_space<vmem>>, %arg11: memref<!tpu.dma_semaphore, #tpu.memory_space<semaphore_mem>>) attributes {dimension_semantics = [#tpu.dimension_semantics<core_parallel>, #tpu.dimension_semantics<subcore_parallel>], iteration_bounds = array<i64: 2, 16>, scalar_prefetch = 0 : i64, scratch_operands = 5 : i64, tpu.core_type = #tpu.core_type<sc_vector_subcore>, window_params = [{transform_indices = #map}, {transform_indices = #map1}, {transform_indices = #map1}, {transform_indices = #map}, {transform_indices = #map1}]} {
    %mul3A = arith.constant 16 : i32
    %mul3A_0 = arith.muli %arg0, %mul3A : i32
    %add3A = arith.addi %mul3A_0, %arg1 : i32
    %mul3A_1 = arith.constant 640 : i32
    %mul3A_2 = arith.muli %arg1, %mul3A_1 : i32
    %mul3A_3 = arith.constant 640 : i32
    %mul3A_4 = arith.muli %arg1, %mul3A_3 : i32
    "tpu.region"() ({
      %run_scoped3A = tpu.sem_alloc : memref<!tpu.dma_semaphore, #tpu.memory_space<semaphore_mem>>
      %dma_start3A = arith.constant 0 : i32
      %dma_start3A_15 = tpu.memref_slice %arg7[%mul3A_4, %dma_start3A] : memref<10240x64xf32, #tpu.memory_space<vmem_shared>> -> memref<640x64xf32, #tpu.memory_space<vmem_shared>>
      %dma_start3A_16 = arith.constant 0 : i32
      %dma_start3A_17 = tpu.memref_slice %arg5[%mul3A_2, %dma_start3A_16] : memref<10240x64xf32, #tpu.memory_space<hbm>> -> memref<640x64xf32, #tpu.memory_space<hbm>>
      tpu.enqueue_dma source(%dma_start3A_17 : memref<640x64xf32, #tpu.memory_space<hbm>>) target(%dma_start3A_15 : memref<640x64xf32, #tpu.memory_space<vmem_shared>>) target_semaphore(%run_scoped3A : memref<!tpu.dma_semaphore, #tpu.memory_space<semaphore_mem>>)
      %dma_wait3A = arith.constant 0 : i32
      %dma_wait3A_18 = tpu.memref_slice %arg7[%mul3A_4, %dma_wait3A] : memref<10240x64xf32, #tpu.memory_space<vmem_shared>> -> memref<640x64xf32, #tpu.memory_space<vmem_shared>>
      %dma_wait3A_19 = arith.constant 0 : i32
      %dma_wait3A_20 = tpu.memref_slice %arg5[%mul3A_2, %dma_wait3A_19] : memref<10240x64xf32, #tpu.memory_space<hbm>> -> memref<640x64xf32, #tpu.memory_space<hbm>>
      tpu.wait_dma2 semaphore(%run_scoped3A : memref<!tpu.dma_semaphore, #tpu.memory_space<semaphore_mem>>) src(%dma_wait3A_20 : memref<640x64xf32, #tpu.memory_space<hbm>>) dst(%dma_wait3A_18 : memref<640x64xf32, #tpu.memory_space<vmem_shared>>)
      tpu.yield
    }) : () -> ()
    %barrier3A = arith.constant 0 : index
    tpu.barrier barrier_id(%barrier3A)
    %scan3A = arith.constant 0 : i32
    %scan3A_5 = arith.constant 0 : i32
    %scan3A_6 = arith.constant 9 : i32
    %scan3A_7 = arith.addi %scan3A_5, %scan3A_6 : i32
    %scan3A_8 = arith.constant 1 : i32
    scf.for %scan3A_15 = %scan3A_5 to %scan3A_7 step %scan3A_8  : i32 {
      "tpu.region"() ({
        %run_scoped3A = tpu.sem_alloc : memref<!tpu.dma_semaphore, #tpu.memory_space<semaphore_mem>>
        %dma_start3A_20 = arith.constant 0 : i32
        %dma_start3A_21 = tpu.memref_slice %arg3[%add3A, %scan3A_15, %dma_start3A_20] : memref<32x9x1152xi32, #tpu.memory_space<hbm>> -> memref<1x1x1152xi32, #tpu.memory_space<hbm>>
        %dma_start3A_22 = tpu.memref_squeeze %dma_start3A_21 : memref<1x1x1152xi32, #tpu.memory_space<hbm>> -> memref<1152xi32, #tpu.memory_space<hbm>>
        %dma_start3A_23 = arith.constant 0 : i32
        %dma_start3A_24 = tpu.memref_slice %arg3[%add3A, %scan3A_15, %dma_start3A_23] : memref<32x9x1152xi32, #tpu.memory_space<hbm>> -> memref<1x1x1152xi32, #tpu.memory_space<hbm>>
        %dma_start3A_25 = tpu.memref_squeeze %dma_start3A_24 : memref<1x1x1152xi32, #tpu.memory_space<hbm>> -> memref<1152xi32, #tpu.memory_space<hbm>>
        tpu.enqueue_dma source(%dma_start3A_25 : memref<1152xi32, #tpu.memory_space<hbm>>) target(%arg8 : memref<1152xi32, #tpu.memory_space<vmem>>) target_semaphore(%run_scoped3A : memref<!tpu.dma_semaphore, #tpu.memory_space<semaphore_mem>>)
        %dma_wait3A_26 = arith.constant 0 : i32
        %dma_wait3A_27 = tpu.memref_slice %arg3[%add3A, %scan3A_15, %dma_wait3A_26] : memref<32x9x1152xi32, #tpu.memory_space<hbm>> -> memref<1x1x1152xi32, #tpu.memory_space<hbm>>
        %dma_wait3A_28 = tpu.memref_squeeze %dma_wait3A_27 : memref<1x1x1152xi32, #tpu.memory_space<hbm>> -> memref<1152xi32, #tpu.memory_space<hbm>>
        %dma_wait3A_29 = arith.constant 0 : i32
        %dma_wait3A_30 = tpu.memref_slice %arg3[%add3A, %scan3A_15, %dma_wait3A_29] : memref<32x9x1152xi32, #tpu.memory_space<hbm>> -> memref<1x1x1152xi32, #tpu.memory_space<hbm>>
        %dma_wait3A_31 = tpu.memref_squeeze %dma_wait3A_30 : memref<1x1x1152xi32, #tpu.memory_space<hbm>> -> memref<1152xi32, #tpu.memory_space<hbm>>
        tpu.wait_dma2 semaphore(%run_scoped3A : memref<!tpu.dma_semaphore, #tpu.memory_space<semaphore_mem>>) src(%dma_wait3A_31 : memref<1152xi32, #tpu.memory_space<hbm>>) dst(%arg8 : memref<1152xi32, #tpu.memory_space<vmem>>)
        tpu.yield
      }) : () -> ()
      "tpu.region"() ({
        %run_scoped3A = tpu.sem_alloc : memref<!tpu.dma_semaphore, #tpu.memory_space<semaphore_mem>>
        %dma_start3A_20 = arith.constant 0 : i32
        %dma_start3A_21 = tpu.memref_slice %arg4[%add3A, %scan3A_15, %dma_start3A_20] : memref<32x9x1152xi32, #tpu.memory_space<hbm>> -> memref<1x1x1152xi32, #tpu.memory_space<hbm>>
        %dma_start3A_22 = tpu.memref_squeeze %dma_start3A_21 : memref<1x1x1152xi32, #tpu.memory_space<hbm>> -> memref<1152xi32, #tpu.memory_space<hbm>>
        %dma_start3A_23 = arith.constant 0 : i32
        %dma_start3A_24 = tpu.memref_slice %arg4[%add3A, %scan3A_15, %dma_start3A_23] : memref<32x9x1152xi32, #tpu.memory_space<hbm>> -> memref<1x1x1152xi32, #tpu.memory_space<hbm>>
        %dma_start3A_25 = tpu.memref_squeeze %dma_start3A_24 : memref<1x1x1152xi32, #tpu.memory_space<hbm>> -> memref<1152xi32, #tpu.memory_space<hbm>>
        tpu.enqueue_dma source(%dma_start3A_25 : memref<1152xi32, #tpu.memory_space<hbm>>) target(%arg9 : memref<1152xi32, #tpu.memory_space<vmem>>) target_semaphore(%run_scoped3A : memref<!tpu.dma_semaphore, #tpu.memory_space<semaphore_mem>>)
        %dma_wait3A_26 = arith.constant 0 : i32
        %dma_wait3A_27 = tpu.memref_slice %arg4[%add3A, %scan3A_15, %dma_wait3A_26] : memref<32x9x1152xi32, #tpu.memory_space<hbm>> -> memref<1x1x1152xi32, #tpu.memory_space<hbm>>
        %dma_wait3A_28 = tpu.memref_squeeze %dma_wait3A_27 : memref<1x1x1152xi32, #tpu.memory_space<hbm>> -> memref<1152xi32, #tpu.memory_space<hbm>>
        %dma_wait3A_29 = arith.constant 0 : i32
        %dma_wait3A_30 = tpu.memref_slice %arg4[%add3A, %scan3A_15, %dma_wait3A_29] : memref<32x9x1152xi32, #tpu.memory_space<hbm>> -> memref<1x1x1152xi32, #tpu.memory_space<hbm>>
        %dma_wait3A_31 = tpu.memref_squeeze %dma_wait3A_30 : memref<1x1x1152xi32, #tpu.memory_space<hbm>> -> memref<1152xi32, #tpu.memory_space<hbm>>
        tpu.wait_dma2 semaphore(%run_scoped3A : memref<!tpu.dma_semaphore, #tpu.memory_space<semaphore_mem>>) src(%dma_wait3A_31 : memref<1152xi32, #tpu.memory_space<hbm>>) dst(%arg9 : memref<1152xi32, #tpu.memory_space<vmem>>)
        tpu.yield
      }) : () -> ()
      %dma_start3A = arith.constant 0 : i32
      %dma_start3A_16 = arith.constant 0 : i32
      %dma_start3A_17 = tpu.memref_slice %arg2[%dma_start3A, %dma_start3A_16] : memref<10000x64xf32, #tpu.memory_space<hbm>> -> memref<10000x64xf32, #tpu.memory_space<hbm>>
      tpu.enqueue_indirect_dma source(%dma_start3A_17 : memref<10000x64xf32, #tpu.memory_space<hbm>>) target(%arg10 : memref<1152x64xf32, #tpu.memory_space<vmem>>) offsets(%arg8 : memref<1152xi32, #tpu.memory_space<vmem>>) semaphore(%arg11 : memref<!tpu.dma_semaphore, #tpu.memory_space<semaphore_mem>>)
      %dma_wait3A = arith.constant 0 : i32
      %dma_wait3A_18 = arith.constant 0 : i32
      %dma_wait3A_19 = tpu.memref_slice %arg2[%dma_wait3A, %dma_wait3A_18] : memref<10000x64xf32, #tpu.memory_space<hbm>> -> memref<10000x64xf32, #tpu.memory_space<hbm>>
      tpu.wait_indirect_dma semaphore(%arg11 : memref<!tpu.dma_semaphore, #tpu.memory_space<semaphore_mem>>) src(%dma_wait3A_19 : memref<10000x64xf32, #tpu.memory_space<hbm>>) dst(%arg10 : memref<1152x64xf32, #tpu.memory_space<vmem>>)
      "tpu.region"() ({
        %run_scoped3A = tpu.sem_alloc : memref<!tpu.dma_semaphore, #tpu.memory_space<semaphore_mem>>
        %dma_start3A_20 = arith.constant 0 : i32
        %dma_start3A_21 = arith.constant 0 : i32
        %dma_start3A_22 = tpu.memref_slice %arg7[%dma_start3A_20, %dma_start3A_21] : memref<10240x64xf32, #tpu.memory_space<vmem_shared>> -> memref<10240x64xf32, #tpu.memory_space<vmem_shared>>
        tpu.enqueue_indirect_dma source(%arg10 : memref<1152x64xf32, #tpu.memory_space<vmem>>) target(%dma_start3A_22 : memref<10240x64xf32, #tpu.memory_space<vmem_shared>>) offsets(%arg9 : memref<1152xi32, #tpu.memory_space<vmem>>) semaphore(%run_scoped3A : memref<!tpu.dma_semaphore, #tpu.memory_space<semaphore_mem>>) {add = true}
        %dma_wait3A_23 = arith.constant 0 : i32
        %dma_wait3A_24 = arith.constant 0 : i32
        %dma_wait3A_25 = tpu.memref_slice %arg7[%dma_wait3A_23, %dma_wait3A_24] : memref<10240x64xf32, #tpu.memory_space<vmem_shared>> -> memref<10240x64xf32, #tpu.memory_space<vmem_shared>>
        tpu.wait_indirect_dma semaphore(%run_scoped3A : memref<!tpu.dma_semaphore, #tpu.memory_space<semaphore_mem>>) src(%arg10 : memref<1152x64xf32, #tpu.memory_space<vmem>>) dst(%dma_wait3A_25 : memref<10240x64xf32, #tpu.memory_space<vmem_shared>>)
        tpu.yield
      }) : () -> ()
    }
    %scan3A_9 = arith.constant 9 : i32
    %barrier3A_10 = arith.constant 0 : index
    tpu.barrier barrier_id(%barrier3A_10)
    %mul3A_11 = arith.constant 640 : i32
    %mul3A_12 = arith.muli %arg1, %mul3A_11 : i32
    %mul3A_13 = arith.constant 640 : i32
    %mul3A_14 = arith.muli %arg1, %mul3A_13 : i32
    "tpu.region"() ({
      %run_scoped3A = tpu.sem_alloc : memref<!tpu.dma_semaphore, #tpu.memory_space<semaphore_mem>>
      %dma_start3A = arith.constant 0 : i32
      %dma_start3A_15 = tpu.memref_slice %arg6[%arg0, %mul3A_14, %dma_start3A] : memref<2x10240x64xf32, #tpu.memory_space<hbm>> -> memref<1x640x64xf32, #tpu.memory_space<hbm>>
      %dma_start3A_16 = tpu.memref_squeeze %dma_start3A_15 : memref<1x640x64xf32, #tpu.memory_space<hbm>> -> memref<640x64xf32, #tpu.memory_space<hbm>>
      %dma_start3A_17 = arith.constant 0 : i32
      %dma_start3A_18 = tpu.memref_slice %arg7[%mul3A_12, %dma_start3A_17] : memref<10240x64xf32, #tpu.memory_space<vmem_shared>> -> memref<640x64xf32, #tpu.memory_space<vmem_shared>>
      tpu.enqueue_dma source(%dma_start3A_18 : memref<640x64xf32, #tpu.memory_space<vmem_shared>>) target(%dma_start3A_16 : memref<640x64xf32, #tpu.memory_space<hbm>>) target_semaphore(%run_scoped3A : memref<!tpu.dma_semaphore, #tpu.memory_space<semaphore_mem>>)
      %dma_wait3A = arith.constant 0 : i32
      %dma_wait3A_19 = tpu.memref_slice %arg6[%arg0, %mul3A_14, %dma_wait3A] : memref<2x10240x64xf32, #tpu.memory_space<hbm>> -> memref<1x640x64xf32, #tpu.memory_space<hbm>>
      %dma_wait3A_20 = tpu.memref_squeeze %dma_wait3A_19 : memref<1x640x64xf32, #tpu.memory_space<hbm>> -> memref<640x64xf32, #tpu.memory_space<hbm>>
      %dma_wait3A_21 = arith.constant 0 : i32
      %dma_wait3A_22 = tpu.memref_slice %arg7[%mul3A_12, %dma_wait3A_21] : memref<10240x64xf32, #tpu.memory_space<vmem_shared>> -> memref<640x64xf32, #tpu.memory_space<vmem_shared>>
      tpu.wait_dma2 semaphore(%run_scoped3A : memref<!tpu.dma_semaphore, #tpu.memory_space<semaphore_mem>>) src(%dma_wait3A_22 : memref<640x64xf32, #tpu.memory_space<vmem_shared>>) dst(%dma_wait3A_20 : memref<640x64xf32, #tpu.memory_space<hbm>>)
      tpu.yield
    }) : () -> ()
    return
  }
}

#map = affine_map<(d0, d1) -> (0, 0)>
#map1 = affine_map<(d0, d1) -> (0, 0, 0)>
module attributes {stable_mosaic.version = 14 : i64} {
  func.func @_prop_body(%arg0: i32, %arg1: i32, %arg2: memref<10000x64xf32, #tpu.memory_space<hbm>>, %arg3: memref<32x9x1152xi32, #tpu.memory_space<hbm>>, %arg4: memref<32x9x1152xi32, #tpu.memory_space<hbm>>, %arg5: memref<10240x64xf32, #tpu.memory_space<hbm>>, %arg6: memref<2x10240x64xf32, #tpu.memory_space<hbm>>, %arg7: memref<10240x64xf32, #tpu.memory_space<vmem_shared>>, %arg8: memref<1152xi32, #tpu.memory_space<vmem>>, %arg9: memref<1152xi32, #tpu.memory_space<vmem>>, %arg10: memref<1152x64xf32, #tpu.memory_space<vmem>>, %arg11: memref<!tpu.dma_semaphore, #tpu.memory_space<semaphore_mem>>) attributes {dimension_semantics = [#tpu.dimension_semantics<core_parallel>, #tpu.dimension_semantics<subcore_parallel>], iteration_bounds = array<i64: 2, 16>, scalar_prefetch = 0 : i64, scratch_operands = 5 : i64, tpu.core_type = #tpu.core_type<sc_vector_subcore>, window_params = [{transform_indices = #map}, {transform_indices = #map1}, {transform_indices = #map1}, {transform_indices = #map}, {transform_indices = #map1}]} {
    %mul3A = arith.constant 16 : i32
    %mul3A_0 = arith.muli %arg0, %mul3A : i32
    %add3A = arith.addi %mul3A_0, %arg1 : i32
    %mul3A_1 = arith.constant 640 : i32
    %mul3A_2 = arith.muli %arg1, %mul3A_1 : i32
    %mul3A_3 = arith.constant 640 : i32
    %mul3A_4 = arith.muli %arg1, %mul3A_3 : i32
    "tpu.region"() ({
      %run_scoped3A = tpu.sem_alloc : memref<!tpu.dma_semaphore, #tpu.memory_space<semaphore_mem>>
      %dma_start3A = arith.constant 0 : i32
      %dma_start3A_15 = tpu.memref_slice %arg7[%mul3A_4, %dma_start3A] : memref<10240x64xf32, #tpu.memory_space<vmem_shared>> -> memref<640x64xf32, #tpu.memory_space<vmem_shared>>
      %dma_start3A_16 = arith.constant 0 : i32
      %dma_start3A_17 = tpu.memref_slice %arg5[%mul3A_2, %dma_start3A_16] : memref<10240x64xf32, #tpu.memory_space<hbm>> -> memref<640x64xf32, #tpu.memory_space<hbm>>
      tpu.enqueue_dma source(%dma_start3A_17 : memref<640x64xf32, #tpu.memory_space<hbm>>) target(%dma_start3A_15 : memref<640x64xf32, #tpu.memory_space<vmem_shared>>) target_semaphore(%run_scoped3A : memref<!tpu.dma_semaphore, #tpu.memory_space<semaphore_mem>>)
      %dma_wait3A = arith.constant 0 : i32
      %dma_wait3A_18 = tpu.memref_slice %arg7[%mul3A_4, %dma_wait3A] : memref<10240x64xf32, #tpu.memory_space<vmem_shared>> -> memref<640x64xf32, #tpu.memory_space<vmem_shared>>
      %dma_wait3A_19 = arith.constant 0 : i32
      %dma_wait3A_20 = tpu.memref_slice %arg5[%mul3A_2, %dma_wait3A_19] : memref<10240x64xf32, #tpu.memory_space<hbm>> -> memref<640x64xf32, #tpu.memory_space<hbm>>
      tpu.wait_dma2 semaphore(%run_scoped3A : memref<!tpu.dma_semaphore, #tpu.memory_space<semaphore_mem>>) src(%dma_wait3A_20 : memref<640x64xf32, #tpu.memory_space<hbm>>) dst(%dma_wait3A_18 : memref<640x64xf32, #tpu.memory_space<vmem_shared>>)
      tpu.yield
    }) : () -> ()
    %barrier3A = arith.constant 0 : index
    tpu.barrier barrier_id(%barrier3A)
    %scan3A = arith.constant 0 : i32
    %scan3A_5 = arith.constant 0 : i32
    %scan3A_6 = arith.constant 9 : i32
    %scan3A_7 = arith.addi %scan3A_5, %scan3A_6 : i32
    %scan3A_8 = arith.constant 1 : i32
    scf.for %scan3A_15 = %scan3A_5 to %scan3A_7 step %scan3A_8  : i32 {
      "tpu.region"() ({
        %run_scoped3A = tpu.sem_alloc : memref<!tpu.dma_semaphore, #tpu.memory_space<semaphore_mem>>
        %dma_start3A_20 = arith.constant 0 : i32
        %dma_start3A_21 = tpu.memref_slice %arg3[%add3A, %scan3A_15, %dma_start3A_20] : memref<32x9x1152xi32, #tpu.memory_space<hbm>> -> memref<1x1x1152xi32, #tpu.memory_space<hbm>>
        %dma_start3A_22 = tpu.memref_squeeze %dma_start3A_21 : memref<1x1x1152xi32, #tpu.memory_space<hbm>> -> memref<1152xi32, #tpu.memory_space<hbm>>
        %dma_start3A_23 = arith.constant 0 : i32
        %dma_start3A_24 = tpu.memref_slice %arg3[%add3A, %scan3A_15, %dma_start3A_23] : memref<32x9x1152xi32, #tpu.memory_space<hbm>> -> memref<1x1x1152xi32, #tpu.memory_space<hbm>>
        %dma_start3A_25 = tpu.memref_squeeze %dma_start3A_24 : memref<1x1x1152xi32, #tpu.memory_space<hbm>> -> memref<1152xi32, #tpu.memory_space<hbm>>
        tpu.enqueue_dma source(%dma_start3A_25 : memref<1152xi32, #tpu.memory_space<hbm>>) target(%arg8 : memref<1152xi32, #tpu.memory_space<vmem>>) target_semaphore(%run_scoped3A : memref<!tpu.dma_semaphore, #tpu.memory_space<semaphore_mem>>)
        %dma_wait3A_26 = arith.constant 0 : i32
        %dma_wait3A_27 = tpu.memref_slice %arg3[%add3A, %scan3A_15, %dma_wait3A_26] : memref<32x9x1152xi32, #tpu.memory_space<hbm>> -> memref<1x1x1152xi32, #tpu.memory_space<hbm>>
        %dma_wait3A_28 = tpu.memref_squeeze %dma_wait3A_27 : memref<1x1x1152xi32, #tpu.memory_space<hbm>> -> memref<1152xi32, #tpu.memory_space<hbm>>
        %dma_wait3A_29 = arith.constant 0 : i32
        %dma_wait3A_30 = tpu.memref_slice %arg3[%add3A, %scan3A_15, %dma_wait3A_29] : memref<32x9x1152xi32, #tpu.memory_space<hbm>> -> memref<1x1x1152xi32, #tpu.memory_space<hbm>>
        %dma_wait3A_31 = tpu.memref_squeeze %dma_wait3A_30 : memref<1x1x1152xi32, #tpu.memory_space<hbm>> -> memref<1152xi32, #tpu.memory_space<hbm>>
        tpu.wait_dma2 semaphore(%run_scoped3A : memref<!tpu.dma_semaphore, #tpu.memory_space<semaphore_mem>>) src(%dma_wait3A_31 : memref<1152xi32, #tpu.memory_space<hbm>>) dst(%arg8 : memref<1152xi32, #tpu.memory_space<vmem>>)
        tpu.yield
      }) : () -> ()
      "tpu.region"() ({
        %run_scoped3A = tpu.sem_alloc : memref<!tpu.dma_semaphore, #tpu.memory_space<semaphore_mem>>
        %dma_start3A_20 = arith.constant 0 : i32
        %dma_start3A_21 = tpu.memref_slice %arg4[%add3A, %scan3A_15, %dma_start3A_20] : memref<32x9x1152xi32, #tpu.memory_space<hbm>> -> memref<1x1x1152xi32, #tpu.memory_space<hbm>>
        %dma_start3A_22 = tpu.memref_squeeze %dma_start3A_21 : memref<1x1x1152xi32, #tpu.memory_space<hbm>> -> memref<1152xi32, #tpu.memory_space<hbm>>
        %dma_start3A_23 = arith.constant 0 : i32
        %dma_start3A_24 = tpu.memref_slice %arg4[%add3A, %scan3A_15, %dma_start3A_23] : memref<32x9x1152xi32, #tpu.memory_space<hbm>> -> memref<1x1x1152xi32, #tpu.memory_space<hbm>>
        %dma_start3A_25 = tpu.memref_squeeze %dma_start3A_24 : memref<1x1x1152xi32, #tpu.memory_space<hbm>> -> memref<1152xi32, #tpu.memory_space<hbm>>
        tpu.enqueue_dma source(%dma_start3A_25 : memref<1152xi32, #tpu.memory_space<hbm>>) target(%arg9 : memref<1152xi32, #tpu.memory_space<vmem>>) target_semaphore(%run_scoped3A : memref<!tpu.dma_semaphore, #tpu.memory_space<semaphore_mem>>)
        %dma_wait3A_26 = arith.constant 0 : i32
        %dma_wait3A_27 = tpu.memref_slice %arg4[%add3A, %scan3A_15, %dma_wait3A_26] : memref<32x9x1152xi32, #tpu.memory_space<hbm>> -> memref<1x1x1152xi32, #tpu.memory_space<hbm>>
        %dma_wait3A_28 = tpu.memref_squeeze %dma_wait3A_27 : memref<1x1x1152xi32, #tpu.memory_space<hbm>> -> memref<1152xi32, #tpu.memory_space<hbm>>
        %dma_wait3A_29 = arith.constant 0 : i32
        %dma_wait3A_30 = tpu.memref_slice %arg4[%add3A, %scan3A_15, %dma_wait3A_29] : memref<32x9x1152xi32, #tpu.memory_space<hbm>> -> memref<1x1x1152xi32, #tpu.memory_space<hbm>>
        %dma_wait3A_31 = tpu.memref_squeeze %dma_wait3A_30 : memref<1x1x1152xi32, #tpu.memory_space<hbm>> -> memref<1152xi32, #tpu.memory_space<hbm>>
        tpu.wait_dma2 semaphore(%run_scoped3A : memref<!tpu.dma_semaphore, #tpu.memory_space<semaphore_mem>>) src(%dma_wait3A_31 : memref<1152xi32, #tpu.memory_space<hbm>>) dst(%arg9 : memref<1152xi32, #tpu.memory_space<vmem>>)
        tpu.yield
      }) : () -> ()
      %dma_start3A = arith.constant 0 : i32
      %dma_start3A_16 = arith.constant 0 : i32
      %dma_start3A_17 = tpu.memref_slice %arg2[%dma_start3A, %dma_start3A_16] : memref<10000x64xf32, #tpu.memory_space<hbm>> -> memref<10000x64xf32, #tpu.memory_space<hbm>>
      tpu.enqueue_indirect_dma source(%dma_start3A_17 : memref<10000x64xf32, #tpu.memory_space<hbm>>) target(%arg10 : memref<1152x64xf32, #tpu.memory_space<vmem>>) offsets(%arg8 : memref<1152xi32, #tpu.memory_space<vmem>>) semaphore(%arg11 : memref<!tpu.dma_semaphore, #tpu.memory_space<semaphore_mem>>)
      %dma_wait3A = arith.constant 0 : i32
      %dma_wait3A_18 = arith.constant 0 : i32
      %dma_wait3A_19 = tpu.memref_slice %arg2[%dma_wait3A, %dma_wait3A_18] : memref<10000x64xf32, #tpu.memory_space<hbm>> -> memref<10000x64xf32, #tpu.memory_space<hbm>>
      tpu.wait_indirect_dma semaphore(%arg11 : memref<!tpu.dma_semaphore, #tpu.memory_space<semaphore_mem>>) src(%dma_wait3A_19 : memref<10000x64xf32, #tpu.memory_space<hbm>>) dst(%arg10 : memref<1152x64xf32, #tpu.memory_space<vmem>>)
      "tpu.region"() ({
        %run_scoped3A = tpu.sem_alloc : memref<!tpu.dma_semaphore, #tpu.memory_space<semaphore_mem>>
        %dma_start3A_20 = arith.constant 0 : i32
        %dma_start3A_21 = arith.constant 0 : i32
        %dma_start3A_22 = tpu.memref_slice %arg7[%dma_start3A_20, %dma_start3A_21] : memref<10240x64xf32, #tpu.memory_space<vmem_shared>> -> memref<10240x64xf32, #tpu.memory_space<vmem_shared>>
        tpu.enqueue_indirect_dma source(%arg10 : memref<1152x64xf32, #tpu.memory_space<vmem>>) target(%dma_start3A_22 : memref<10240x64xf32, #tpu.memory_space<vmem_shared>>) offsets(%arg9 : memref<1152xi32, #tpu.memory_space<vmem>>) semaphore(%run_scoped3A : memref<!tpu.dma_semaphore, #tpu.memory_space<semaphore_mem>>) {add = true}
        %dma_wait3A_23 = arith.constant 0 : i32
        %dma_wait3A_24 = arith.constant 0 : i32
        %dma_wait3A_25 = tpu.memref_slice %arg7[%dma_wait3A_23, %dma_wait3A_24] : memref<10240x64xf32, #tpu.memory_space<vmem_shared>> -> memref<10240x64xf32, #tpu.memory_space<vmem_shared>>
        tpu.wait_indirect_dma semaphore(%run_scoped3A : memref<!tpu.dma_semaphore, #tpu.memory_space<semaphore_mem>>) src(%arg10 : memref<1152x64xf32, #tpu.memory_space<vmem>>) dst(%dma_wait3A_25 : memref<10240x64xf32, #tpu.memory_space<vmem_shared>>)
        tpu.yield
      }) : () -> ()
    }
    %scan3A_9 = arith.constant 9 : i32
    %barrier3A_10 = arith.constant 0 : index
    tpu.barrier barrier_id(%barrier3A_10)
    %mul3A_11 = arith.constant 640 : i32
    %mul3A_12 = arith.muli %arg1, %mul3A_11 : i32
    %mul3A_13 = arith.constant 640 : i32
    %mul3A_14 = arith.muli %arg1, %mul3A_13 : i32
    "tpu.region"() ({
      %run_scoped3A = tpu.sem_alloc : memref<!tpu.dma_semaphore, #tpu.memory_space<semaphore_mem>>
      %dma_start3A = arith.constant 0 : i32
      %dma_start3A_15 = tpu.memref_slice %arg6[%arg0, %mul3A_14, %dma_start3A] : memref<2x10240x64xf32, #tpu.memory_space<hbm>> -> memref<1x640x64xf32, #tpu.memory_space<hbm>>
      %dma_start3A_16 = tpu.memref_squeeze %dma_start3A_15 : memref<1x640x64xf32, #tpu.memory_space<hbm>> -> memref<640x64xf32, #tpu.memory_space<hbm>>
      %dma_start3A_17 = arith.constant 0 : i32
      %dma_start3A_18 = tpu.memref_slice %arg7[%mul3A_12, %dma_start3A_17] : memref<10240x64xf32, #tpu.memory_space<vmem_shared>> -> memref<640x64xf32, #tpu.memory_space<vmem_shared>>
      tpu.enqueue_dma source(%dma_start3A_18 : memref<640x64xf32, #tpu.memory_space<vmem_shared>>) target(%dma_start3A_16 : memref<640x64xf32, #tpu.memory_space<hbm>>) target_semaphore(%run_scoped3A : memref<!tpu.dma_semaphore, #tpu.memory_space<semaphore_mem>>)
      %dma_wait3A = arith.constant 0 : i32
      %dma_wait3A_19 = tpu.memref_slice %arg6[%arg0, %mul3A_14, %dma_wait3A] : memref<2x10240x64xf32, #tpu.memory_space<hbm>> -> memref<1x640x64xf32, #tpu.memory_space<hbm>>
      %dma_wait3A_20 = tpu.memref_squeeze %dma_wait3A_19 : memref<1x640x64xf32, #tpu.memory_space<hbm>> -> memref<640x64xf32, #tpu.memory_space<hbm>>
      %dma_wait3A_21 = arith.constant 0 : i32
      %dma_wait3A_22 = tpu.memref_slice %arg7[%mul3A_12, %dma_wait3A_21] : memref<10240x64xf32, #tpu.memory_space<vmem_shared>> -> memref<640x64xf32, #tpu.memory_space<vmem_shared>>
      tpu.wait_dma2 semaphore(%run_scoped3A : memref<!tpu.dma_semaphore, #tpu.memory_space<semaphore_mem>>) src(%dma_wait3A_22 : memref<640x64xf32, #tpu.memory_space<vmem_shared>>) dst(%dma_wait3A_20 : memref<640x64xf32, #tpu.memory_space<hbm>>)
      tpu.yield
    }) : () -> ()
    return
  }
}

module attributes {stable_mosaic.version = 14 : i64} {
  func.func @_layer_mm_body(%arg0: memref<2x10240x64xf32, #tpu.memory_space<vmem>>, %arg1: memref<10000x64xf32, #tpu.memory_space<vmem>>, %arg2: memref<1x64xf32, #tpu.memory_space<vmem>>, %arg3: memref<1x64xf32, #tpu.memory_space<vmem>>, %arg4: memref<1x64xf32, #tpu.memory_space<vmem>>, %arg5: memref<64x64xf32, #tpu.memory_space<vmem>>, %arg6: memref<10000x64xf32, #tpu.memory_space<vmem>>, %arg7: memref<10000x64xf32, #tpu.memory_space<vmem>>) attributes {dimension_semantics = [], scalar_prefetch = 0 : i64, scratch_operands = 0 : i64, tpu.core_type = #tpu.core_type<tc>} {
    %get3A = arith.constant 0 : index
    %get3A_0 = arith.constant 0 : index
    %get3A_1 = vector.load %arg1[%get3A, %get3A_0] : memref<10000x64xf32, #tpu.memory_space<vmem>>, vector<10000x64xf32>
    %get3A_2 = arith.constant 0 : index
    %get3A_3 = arith.constant 0 : index
    %get3A_4 = arith.constant 0 : index
    %get3A_5 = vector.load %arg0[%get3A_2, %get3A_3, %get3A_4] : memref<2x10240x64xf32, #tpu.memory_space<vmem>>, vector<1x10000x64xf32>
    %get3A_6 = vector.shape_cast %get3A_5 : vector<1x10000x64xf32> to vector<10000x64xf32>
    %get3A_7 = arith.constant 1 : index
    %get3A_8 = arith.constant 0 : index
    %get3A_9 = arith.constant 0 : index
    %get3A_10 = vector.load %arg0[%get3A_7, %get3A_8, %get3A_9] : memref<2x10240x64xf32, #tpu.memory_space<vmem>>, vector<1x10000x64xf32>
    %get3A_11 = vector.shape_cast %get3A_10 : vector<1x10000x64xf32> to vector<10000x64xf32>
    %add3A = arith.addf %get3A_6, %get3A_11 : vector<10000x64xf32>
    %mul3A = arith.mulf %get3A_1, %add3A : vector<10000x64xf32>
    %get3A_12 = arith.constant 0 : index
    %get3A_13 = arith.constant 0 : index
    %get3A_14 = vector.load %arg2[%get3A_12, %get3A_13] : memref<1x64xf32, #tpu.memory_space<vmem>>, vector<1x64xf32>
    %add3A_15 = vector.broadcast %get3A_14 : vector<1x64xf32> to vector<10000x64xf32>
    %add3A_16 = arith.addf %mul3A, %add3A_15 : vector<10000x64xf32>
    %reduce_sum3A = arith.constant dense<0.000000e+00> : vector<64xf32>
    %reduce_sum3A_17 = vector.multi_reduction <add>, %add3A_16, %reduce_sum3A [0] : vector<10000x64xf32> to vector<64xf32>
    %broadcast_in_dim3A = vector.shape_cast %reduce_sum3A_17 : vector<64xf32> to vector<1x64xf32>
    %div3A = arith.constant 1.000000e+04 : f32
    %div3A_18 = vector.broadcast %div3A : f32 to vector<1x64xf32>
    %div3A_19 = arith.divf %broadcast_in_dim3A, %div3A_18 : vector<1x64xf32>
    %sub3A = vector.broadcast %div3A_19 : vector<1x64xf32> to vector<10000x64xf32>
    %sub3A_20 = arith.subf %add3A_16, %sub3A : vector<10000x64xf32>
    %integer_pow3A = arith.mulf %sub3A_20, %sub3A_20 : vector<10000x64xf32>
    %reduce_sum3A_21 = arith.constant dense<0.000000e+00> : vector<64xf32>
    %reduce_sum3A_22 = vector.multi_reduction <add>, %integer_pow3A, %reduce_sum3A_21 [0] : vector<10000x64xf32> to vector<64xf32>
    %broadcast_in_dim3A_23 = vector.shape_cast %reduce_sum3A_22 : vector<64xf32> to vector<1x64xf32>
    %div3A_24 = arith.constant 1.000000e+04 : f32
    %div3A_25 = vector.broadcast %div3A_24 : f32 to vector<1x64xf32>
    %div3A_26 = arith.divf %broadcast_in_dim3A_23, %div3A_25 : vector<1x64xf32>
    %sub3A_27 = vector.broadcast %div3A_19 : vector<1x64xf32> to vector<10000x64xf32>
    %sub3A_28 = arith.subf %add3A_16, %sub3A_27 : vector<10000x64xf32>
    %add3A_29 = arith.constant 9.99999974E-6 : f32
    %add3A_30 = vector.broadcast %add3A_29 : f32 to vector<1x64xf32>
    %add3A_31 = arith.addf %div3A_26, %add3A_30 : vector<1x64xf32>
    %rsqrt3A = math.rsqrt %add3A_31 : vector<1x64xf32>
    %mul3A_32 = vector.broadcast %rsqrt3A : vector<1x64xf32> to vector<10000x64xf32>
    %mul3A_33 = arith.mulf %sub3A_28, %mul3A_32 : vector<10000x64xf32>
    %get3A_34 = arith.constant 0 : index
    %get3A_35 = arith.constant 0 : index
    %get3A_36 = vector.load %arg3[%get3A_34, %get3A_35] : memref<1x64xf32, #tpu.memory_space<vmem>>, vector<1x64xf32>
    %mul3A_37 = vector.broadcast %get3A_36 : vector<1x64xf32> to vector<10000x64xf32>
    %mul3A_38 = arith.mulf %mul3A_33, %mul3A_37 : vector<10000x64xf32>
    %get3A_39 = arith.constant 0 : index
    %get3A_40 = arith.constant 0 : index
    %get3A_41 = vector.load %arg4[%get3A_39, %get3A_40] : memref<1x64xf32, #tpu.memory_space<vmem>>, vector<1x64xf32>
    %add3A_42 = vector.broadcast %get3A_41 : vector<1x64xf32> to vector<10000x64xf32>
    %add3A_43 = arith.addf %mul3A_38, %add3A_42 : vector<10000x64xf32>
    %max3A = arith.constant 0.000000e+00 : f32
    %max3A_44 = vector.broadcast %max3A : f32 to vector<10000x64xf32>
    %max3A_45 = arith.maximumf %add3A_43, %max3A_44 : vector<10000x64xf32>
    %swap3A = arith.constant 0 : index
    %swap3A_46 = arith.constant 0 : index
    %swap3A_47 = vector.load %arg6[%swap3A, %swap3A_46] : memref<10000x64xf32, #tpu.memory_space<vmem>>, vector<10000x64xf32>
    tpu.vector_store %arg6[%swap3A, %swap3A_46], %max3A_45 {strides = array<i32>} : memref<10000x64xf32, #tpu.memory_space<vmem>>, vector<10000x64xf32>,
    %get3A_48 = arith.constant 0 : index
    %get3A_49 = arith.constant 0 : index
    %get3A_50 = vector.load %arg5[%get3A_48, %get3A_49] : memref<64x64xf32, #tpu.memory_space<vmem>>, vector<64x64xf32>
    %dot_general3A = arith.constant dense<0.000000e+00> : vector<10000x64xf32>
    %dot_general3A_51 = tpu.matmul %max3A_45, %get3A_50, %dot_general3A {dimension_numbers = #tpu.dot_dimension_numbers<[1], [0], [0], [1], [0, 0, 1, 1], [], []>, transpose_lhs_hint = false} : vector<10000x64xf32>, vector<64x64xf32>, vector<10000x64xf32> -> vector<10000x64xf32>
    %mul3A_52 = arith.mulf %get3A_1, %dot_general3A_51 : vector<10000x64xf32>
    %swap3A_53 = arith.constant 0 : index
    %swap3A_54 = arith.constant 0 : index
    %swap3A_55 = vector.load %arg7[%swap3A_53, %swap3A_54] : memref<10000x64xf32, #tpu.memory_space<vmem>>, vector<10000x64xf32>
    tpu.vector_store %arg7[%swap3A_53, %swap3A_54], %mul3A_52 {strides = array<i32>} : memref<10000x64xf32, #tpu.memory_space<vmem>>, vector<10000x64xf32>,
    return
  }
}

module attributes {stable_mosaic.version = 14 : i64} {
  func.func @_prep_body(%arg0: memref<10000x128xf32, #tpu.memory_space<vmem>>, %arg1: memref<128x64xf32, #tpu.memory_space<vmem>>, %arg2: memref<2x10240x64xf32, #tpu.memory_space<vmem>>, %arg3: memref<10000x64xf32, #tpu.memory_space<vmem>>, %arg4: memref<10000x64xf32, #tpu.memory_space<vmem>>) attributes {dimension_semantics = [], scalar_prefetch = 0 : i64, scratch_operands = 0 : i64, tpu.core_type = #tpu.core_type<tc>} {
    %get3A = arith.constant 0 : index
    %get3A_0 = arith.constant 0 : index
    %get3A_1 = arith.constant 0 : index
    %get3A_2 = vector.load %arg2[%get3A, %get3A_0, %get3A_1] : memref<2x10240x64xf32, #tpu.memory_space<vmem>>, vector<1x10000x64xf32>
    %get3A_3 = vector.shape_cast %get3A_2 : vector<1x10000x64xf32> to vector<10000x64xf32>
    %get3A_4 = arith.constant 1 : index
    %get3A_5 = arith.constant 0 : index
    %get3A_6 = arith.constant 0 : index
    %get3A_7 = vector.load %arg2[%get3A_4, %get3A_5, %get3A_6] : memref<2x10240x64xf32, #tpu.memory_space<vmem>>, vector<1x10000x64xf32>
    %get3A_8 = vector.shape_cast %get3A_7 : vector<1x10000x64xf32> to vector<10000x64xf32>
    %add3A = arith.addf %get3A_3, %get3A_8 : vector<10000x64xf32>
    %rsqrt3A = math.rsqrt %add3A : vector<10000x64xf32>
    %swap3A = arith.constant 0 : index
    %swap3A_9 = arith.constant 0 : index
    %swap3A_10 = vector.load %arg4[%swap3A, %swap3A_9] : memref<10000x64xf32, #tpu.memory_space<vmem>>, vector<10000x64xf32>
    tpu.vector_store %arg4[%swap3A, %swap3A_9], %rsqrt3A {strides = array<i32>} : memref<10000x64xf32, #tpu.memory_space<vmem>>, vector<10000x64xf32>,
    %get3A_11 = arith.constant 0 : index
    %get3A_12 = arith.constant 0 : index
    %get3A_13 = vector.load %arg0[%get3A_11, %get3A_12] : memref<10000x128xf32, #tpu.memory_space<vmem>>, vector<10000x128xf32>
    %get3A_14 = arith.constant 0 : index
    %get3A_15 = arith.constant 0 : index
    %get3A_16 = vector.load %arg1[%get3A_14, %get3A_15] : memref<128x64xf32, #tpu.memory_space<vmem>>, vector<128x64xf32>
    %dot_general3A = arith.constant dense<0.000000e+00> : vector<10000x64xf32>
    %dot_general3A_17 = tpu.matmul %get3A_13, %get3A_16, %dot_general3A {dimension_numbers = #tpu.dot_dimension_numbers<[1], [0], [0], [1], [0, 0, 1, 1], [], []>, transpose_lhs_hint = false} : vector<10000x128xf32>, vector<128x64xf32>, vector<10000x64xf32> -> vector<10000x64xf32>
    %mul3A = arith.mulf %rsqrt3A, %dot_general3A_17 : vector<10000x64xf32>
    %swap3A_18 = arith.constant 0 : index
    %swap3A_19 = arith.constant 0 : index
    %swap3A_20 = vector.load %arg3[%swap3A_18, %swap3A_19] : memref<10000x64xf32, #tpu.memory_space<vmem>>, vector<10000x64xf32>
    tpu.vector_store %arg3[%swap3A_18, %swap3A_19], %mul3A {strides = array<i32>} : memref<10000x64xf32, #tpu.memory_space<vmem>>, vector<10000x64xf32>,
    return
  }
}

module attributes {stable_mosaic.version = 14 : i64} {
  func.func @_layer_last_body(%arg0: memref<2x10240x64xf32, #tpu.memory_space<vmem>>, %arg1: memref<10000x64xf32, #tpu.memory_space<vmem>>, %arg2: memref<1x64xf32, #tpu.memory_space<vmem>>, %arg3: memref<1x64xf32, #tpu.memory_space<vmem>>, %arg4: memref<1x64xf32, #tpu.memory_space<vmem>>, %arg5: memref<10000x64xf32, #tpu.memory_space<vmem>>, %arg6: memref<10000x64xf32, #tpu.memory_space<vmem>>) attributes {dimension_semantics = [], scalar_prefetch = 0 : i64, scratch_operands = 0 : i64, tpu.core_type = #tpu.core_type<tc>} {
    %get3A = arith.constant 0 : index
    %get3A_0 = arith.constant 0 : index
    %get3A_1 = vector.load %arg1[%get3A, %get3A_0] : memref<10000x64xf32, #tpu.memory_space<vmem>>, vector<10000x64xf32>
    %get3A_2 = arith.constant 0 : index
    %get3A_3 = arith.constant 0 : index
    %get3A_4 = arith.constant 0 : index
    %get3A_5 = vector.load %arg0[%get3A_2, %get3A_3, %get3A_4] : memref<2x10240x64xf32, #tpu.memory_space<vmem>>, vector<1x10000x64xf32>
    %get3A_6 = vector.shape_cast %get3A_5 : vector<1x10000x64xf32> to vector<10000x64xf32>
    %get3A_7 = arith.constant 1 : index
    %get3A_8 = arith.constant 0 : index
    %get3A_9 = arith.constant 0 : index
    %get3A_10 = vector.load %arg0[%get3A_7, %get3A_8, %get3A_9] : memref<2x10240x64xf32, #tpu.memory_space<vmem>>, vector<1x10000x64xf32>
    %get3A_11 = vector.shape_cast %get3A_10 : vector<1x10000x64xf32> to vector<10000x64xf32>
    %add3A = arith.addf %get3A_6, %get3A_11 : vector<10000x64xf32>
    %mul3A = arith.mulf %get3A_1, %add3A : vector<10000x64xf32>
    %get3A_12 = arith.constant 0 : index
    %get3A_13 = arith.constant 0 : index
    %get3A_14 = vector.load %arg2[%get3A_12, %get3A_13] : memref<1x64xf32, #tpu.memory_space<vmem>>, vector<1x64xf32>
    %add3A_15 = vector.broadcast %get3A_14 : vector<1x64xf32> to vector<10000x64xf32>
    %add3A_16 = arith.addf %mul3A, %add3A_15 : vector<10000x64xf32>
    %reduce_sum3A = arith.constant dense<0.000000e+00> : vector<64xf32>
    %reduce_sum3A_17 = vector.multi_reduction <add>, %add3A_16, %reduce_sum3A [0] : vector<10000x64xf32> to vector<64xf32>
    %broadcast_in_dim3A = vector.shape_cast %reduce_sum3A_17 : vector<64xf32> to vector<1x64xf32>
    %div3A = arith.constant 1.000000e+04 : f32
    %div3A_18 = vector.broadcast %div3A : f32 to vector<1x64xf32>
    %div3A_19 = arith.divf %broadcast_in_dim3A, %div3A_18 : vector<1x64xf32>
    %sub3A = vector.broadcast %div3A_19 : vector<1x64xf32> to vector<10000x64xf32>
    %sub3A_20 = arith.subf %add3A_16, %sub3A : vector<10000x64xf32>
    %integer_pow3A = arith.mulf %sub3A_20, %sub3A_20 : vector<10000x64xf32>
    %reduce_sum3A_21 = arith.constant dense<0.000000e+00> : vector<64xf32>
    %reduce_sum3A_22 = vector.multi_reduction <add>, %integer_pow3A, %reduce_sum3A_21 [0] : vector<10000x64xf32> to vector<64xf32>
    %broadcast_in_dim3A_23 = vector.shape_cast %reduce_sum3A_22 : vector<64xf32> to vector<1x64xf32>
    %div3A_24 = arith.constant 1.000000e+04 : f32
    %div3A_25 = vector.broadcast %div3A_24 : f32 to vector<1x64xf32>
    %div3A_26 = arith.divf %broadcast_in_dim3A_23, %div3A_25 : vector<1x64xf32>
    %sub3A_27 = vector.broadcast %div3A_19 : vector<1x64xf32> to vector<10000x64xf32>
    %sub3A_28 = arith.subf %add3A_16, %sub3A_27 : vector<10000x64xf32>
    %add3A_29 = arith.constant 9.99999974E-6 : f32
    %add3A_30 = vector.broadcast %add3A_29 : f32 to vector<1x64xf32>
    %add3A_31 = arith.addf %div3A_26, %add3A_30 : vector<1x64xf32>
    %rsqrt3A = math.rsqrt %add3A_31 : vector<1x64xf32>
    %mul3A_32 = vector.broadcast %rsqrt3A : vector<1x64xf32> to vector<10000x64xf32>
    %mul3A_33 = arith.mulf %sub3A_28, %mul3A_32 : vector<10000x64xf32>
    %get3A_34 = arith.constant 0 : index
    %get3A_35 = arith.constant 0 : index
    %get3A_36 = vector.load %arg3[%get3A_34, %get3A_35] : memref<1x64xf32, #tpu.memory_space<vmem>>, vector<1x64xf32>
    %mul3A_37 = vector.broadcast %get3A_36 : vector<1x64xf32> to vector<10000x64xf32>
    %mul3A_38 = arith.mulf %mul3A_33, %mul3A_37 : vector<10000x64xf32>
    %get3A_39 = arith.constant 0 : index
    %get3A_40 = arith.constant 0 : index
    %get3A_41 = vector.load %arg4[%get3A_39, %get3A_40] : memref<1x64xf32, #tpu.memory_space<vmem>>, vector<1x64xf32>
    %add3A_42 = vector.broadcast %get3A_41 : vector<1x64xf32> to vector<10000x64xf32>
    %add3A_43 = arith.addf %mul3A_38, %add3A_42 : vector<10000x64xf32>
    %max3A = arith.constant 0.000000e+00 : f32
    %max3A_44 = vector.broadcast %max3A : f32 to vector<10000x64xf32>
    %max3A_45 = arith.maximumf %add3A_43, %max3A_44 : vector<10000x64xf32>
    %swap3A = arith.constant 0 : index
    %swap3A_46 = arith.constant 0 : index
    %swap3A_47 = vector.load %arg5[%swap3A, %swap3A_46] : memref<10000x64xf32, #tpu.memory_space<vmem>>, vector<10000x64xf32>
    tpu.vector_store %arg5[%swap3A, %swap3A_46], %max3A_45 {strides = array<i32>} : memref<10000x64xf32, #tpu.memory_space<vmem>>, vector<10000x64xf32>,
    %mul3A_48 = arith.mulf %get3A_1, %max3A_45 : vector<10000x64xf32>
    %swap3A_49 = arith.constant 0 : index
    %swap3A_50 = arith.constant 0 : index
    %swap3A_51 = vector.load %arg6[%swap3A_49, %swap3A_50] : memref<10000x64xf32, #tpu.memory_space<vmem>>, vector<10000x64xf32>
    tpu.vector_store %arg6[%swap3A_49, %swap3A_50], %mul3A_48 {strides = array<i32>} : memref<10000x64xf32, #tpu.memory_space<vmem>>, vector<10000x64xf32>,
    return
  }
}

module attributes {stable_mosaic.version = 14 : i64} {
  func.func @_blend_body(%arg0: memref<2x10240x64xf32, #tpu.memory_space<vmem>>, %arg1: memref<10000x64xf32, #tpu.memory_space<vmem>>, %arg2: memref<10000x64xf32, #tpu.memory_space<vmem>>, %arg3: memref<10000x64xf32, #tpu.memory_space<vmem>>, %arg4: memref<10000x64xf32, #tpu.memory_space<vmem>>) attributes {dimension_semantics = [], scalar_prefetch = 0 : i64, scratch_operands = 0 : i64, tpu.core_type = #tpu.core_type<tc>} {
    %get3A = arith.constant 0 : index
    %get3A_0 = arith.constant 0 : index
    %get3A_1 = vector.load %arg1[%get3A, %get3A_0] : memref<10000x64xf32, #tpu.memory_space<vmem>>, vector<10000x64xf32>
    %get3A_2 = arith.constant 0 : index
    %get3A_3 = arith.constant 0 : index
    %get3A_4 = arith.constant 0 : index
    %get3A_5 = vector.load %arg0[%get3A_2, %get3A_3, %get3A_4] : memref<2x10240x64xf32, #tpu.memory_space<vmem>>, vector<1x10000x64xf32>
    %get3A_6 = vector.shape_cast %get3A_5 : vector<1x10000x64xf32> to vector<10000x64xf32>
    %get3A_7 = arith.constant 1 : index
    %get3A_8 = arith.constant 0 : index
    %get3A_9 = arith.constant 0 : index
    %get3A_10 = vector.load %arg0[%get3A_7, %get3A_8, %get3A_9] : memref<2x10240x64xf32, #tpu.memory_space<vmem>>, vector<1x10000x64xf32>
    %get3A_11 = vector.shape_cast %get3A_10 : vector<1x10000x64xf32> to vector<10000x64xf32>
    %add3A = arith.addf %get3A_6, %get3A_11 : vector<10000x64xf32>
    %mul3A = arith.mulf %get3A_1, %add3A : vector<10000x64xf32>
    %mul3A_12 = arith.constant 0.899999976 : f32
    %mul3A_13 = vector.broadcast %mul3A_12 : f32 to vector<10000x64xf32>
    %mul3A_14 = arith.mulf %mul3A_13, %mul3A : vector<10000x64xf32>
    %get3A_15 = arith.constant 0 : index
    %get3A_16 = arith.constant 0 : index
    %get3A_17 = vector.load %arg2[%get3A_15, %get3A_16] : memref<10000x64xf32, #tpu.memory_space<vmem>>, vector<10000x64xf32>
    %mul3A_18 = arith.constant 1.000000e-01 : f32
    %mul3A_19 = vector.broadcast %mul3A_18 : f32 to vector<10000x64xf32>
    %mul3A_20 = arith.mulf %mul3A_19, %get3A_17 : vector<10000x64xf32>
    %add3A_21 = arith.addf %mul3A_14, %mul3A_20 : vector<10000x64xf32>
    %swap3A = arith.constant 0 : index
    %swap3A_22 = arith.constant 0 : index
    %swap3A_23 = vector.load %arg3[%swap3A, %swap3A_22] : memref<10000x64xf32, #tpu.memory_space<vmem>>, vector<10000x64xf32>
    tpu.vector_store %arg3[%swap3A, %swap3A_22], %add3A_21 {strides = array<i32>} : memref<10000x64xf32, #tpu.memory_space<vmem>>, vector<10000x64xf32>,
    %mul3A_24 = arith.mulf %get3A_1, %add3A_21 : vector<10000x64xf32>
    %swap3A_25 = arith.constant 0 : index
    %swap3A_26 = arith.constant 0 : index
    %swap3A_27 = vector.load %arg4[%swap3A_25, %swap3A_26] : memref<10000x64xf32, #tpu.memory_space<vmem>>, vector<10000x64xf32>
    tpu.vector_store %arg4[%swap3A_25, %swap3A_26], %mul3A_24 {strides = array<i32>} : memref<10000x64xf32, #tpu.memory_space<vmem>>, vector<10000x64xf32>,
    return
  }
}

module attributes {stable_mosaic.version = 14 : i64} {
  func.func @_blend_body(%arg0: memref<2x10240x64xf32, #tpu.memory_space<vmem>>, %arg1: memref<10000x64xf32, #tpu.memory_space<vmem>>, %arg2: memref<10000x64xf32, #tpu.memory_space<vmem>>, %arg3: memref<10000x64xf32, #tpu.memory_space<vmem>>, %arg4: memref<10000x64xf32, #tpu.memory_space<vmem>>) attributes {dimension_semantics = [], scalar_prefetch = 0 : i64, scratch_operands = 0 : i64, tpu.core_type = #tpu.core_type<tc>} {
    %get3A = arith.constant 0 : index
    %get3A_0 = arith.constant 0 : index
    %get3A_1 = vector.load %arg1[%get3A, %get3A_0] : memref<10000x64xf32, #tpu.memory_space<vmem>>, vector<10000x64xf32>
    %get3A_2 = arith.constant 0 : index
    %get3A_3 = arith.constant 0 : index
    %get3A_4 = arith.constant 0 : index
    %get3A_5 = vector.load %arg0[%get3A_2, %get3A_3, %get3A_4] : memref<2x10240x64xf32, #tpu.memory_space<vmem>>, vector<1x10000x64xf32>
    %get3A_6 = vector.shape_cast %get3A_5 : vector<1x10000x64xf32> to vector<10000x64xf32>
    %get3A_7 = arith.constant 1 : index
    %get3A_8 = arith.constant 0 : index
    %get3A_9 = arith.constant 0 : index
    %get3A_10 = vector.load %arg0[%get3A_7, %get3A_8, %get3A_9] : memref<2x10240x64xf32, #tpu.memory_space<vmem>>, vector<1x10000x64xf32>
    %get3A_11 = vector.shape_cast %get3A_10 : vector<1x10000x64xf32> to vector<10000x64xf32>
    %add3A = arith.addf %get3A_6, %get3A_11 : vector<10000x64xf32>
    %mul3A = arith.mulf %get3A_1, %add3A : vector<10000x64xf32>
    %mul3A_12 = arith.constant 0.899999976 : f32
    %mul3A_13 = vector.broadcast %mul3A_12 : f32 to vector<10000x64xf32>
    %mul3A_14 = arith.mulf %mul3A_13, %mul3A : vector<10000x64xf32>
    %get3A_15 = arith.constant 0 : index
    %get3A_16 = arith.constant 0 : index
    %get3A_17 = vector.load %arg2[%get3A_15, %get3A_16] : memref<10000x64xf32, #tpu.memory_space<vmem>>, vector<10000x64xf32>
    %mul3A_18 = arith.constant 1.000000e-01 : f32
    %mul3A_19 = vector.broadcast %mul3A_18 : f32 to vector<10000x64xf32>
    %mul3A_20 = arith.mulf %mul3A_19, %get3A_17 : vector<10000x64xf32>
    %add3A_21 = arith.addf %mul3A_14, %mul3A_20 : vector<10000x64xf32>
    %swap3A = arith.constant 0 : index
    %swap3A_22 = arith.constant 0 : index
    %swap3A_23 = vector.load %arg3[%swap3A, %swap3A_22] : memref<10000x64xf32, #tpu.memory_space<vmem>>, vector<10000x64xf32>
    tpu.vector_store %arg3[%swap3A, %swap3A_22], %add3A_21 {strides = array<i32>} : memref<10000x64xf32, #tpu.memory_space<vmem>>, vector<10000x64xf32>,
    %mul3A_24 = arith.mulf %get3A_1, %add3A_21 : vector<10000x64xf32>
    %swap3A_25 = arith.constant 0 : index
    %swap3A_26 = arith.constant 0 : index
    %swap3A_27 = vector.load %arg4[%swap3A_25, %swap3A_26] : memref<10000x64xf32, #tpu.memory_space<vmem>>, vector<10000x64xf32>
    tpu.vector_store %arg4[%swap3A_25, %swap3A_26], %mul3A_24 {strides = array<i32>} : memref<10000x64xf32, #tpu.memory_space<vmem>>, vector<10000x64xf32>,
    return
  }
}

module attributes {stable_mosaic.version = 14 : i64} {
  func.func @_final_body(%arg0: memref<10000x64xf32, #tpu.memory_space<vmem>>, %arg1: memref<64x64xf32, #tpu.memory_space<vmem>>, %arg2: memref<1x64xf32, #tpu.memory_space<vmem>>, %arg3: memref<10000x64xf32, #tpu.memory_space<vmem>>) attributes {dimension_semantics = [], scalar_prefetch = 0 : i64, scratch_operands = 0 : i64, tpu.core_type = #tpu.core_type<tc>} {
    %get3A = arith.constant 0 : index
    %get3A_0 = arith.constant 0 : index
    %get3A_1 = vector.load %arg0[%get3A, %get3A_0] : memref<10000x64xf32, #tpu.memory_space<vmem>>, vector<10000x64xf32>
    %get3A_2 = arith.constant 0 : index
    %get3A_3 = arith.constant 0 : index
    %get3A_4 = vector.load %arg1[%get3A_2, %get3A_3] : memref<64x64xf32, #tpu.memory_space<vmem>>, vector<64x64xf32>
    %dot_general3A = arith.constant dense<0.000000e+00> : vector<10000x64xf32>
    %dot_general3A_5 = tpu.matmul %get3A_1, %get3A_4, %dot_general3A {dimension_numbers = #tpu.dot_dimension_numbers<[1], [0], [0], [1], [0, 0, 1, 1], [], []>, transpose_lhs_hint = false} : vector<10000x64xf32>, vector<64x64xf32>, vector<10000x64xf32> -> vector<10000x64xf32>
    %get3A_6 = arith.constant 0 : index
    %get3A_7 = arith.constant 0 : index
    %get3A_8 = vector.load %arg2[%get3A_6, %get3A_7] : memref<1x64xf32, #tpu.memory_space<vmem>>, vector<1x64xf32>
    %add3A = vector.broadcast %get3A_8 : vector<1x64xf32> to vector<10000x64xf32>
    %add3A_9 = arith.addf %dot_general3A_5, %add3A : vector<10000x64xf32>
    %reduce_max3A = arith.constant dense<0xFF800000> : vector<10000xf32>
    %reduce_max3A_10 = vector.multi_reduction <maximumf>, %add3A_9, %reduce_max3A [1] : vector<10000x64xf32> to vector<10000xf32>
    %broadcast_in_dim3A = vector.shape_cast %reduce_max3A_10 : vector<10000xf32> to vector<10000x1xf32>
    %sub3A = vector.broadcast %broadcast_in_dim3A : vector<10000x1xf32> to vector<10000x64xf32>
    %sub3A_11 = arith.subf %add3A_9, %sub3A : vector<10000x64xf32>
    %exp3A = math.exp %sub3A_11 : vector<10000x64xf32>
    %reduce_sum3A = arith.constant dense<0.000000e+00> : vector<10000xf32>
    %reduce_sum3A_12 = vector.multi_reduction <add>, %exp3A, %reduce_sum3A [1] : vector<10000x64xf32> to vector<10000xf32>
    %broadcast_in_dim3A_13 = vector.shape_cast %reduce_sum3A_12 : vector<10000xf32> to vector<10000x1xf32>
    %log3A = math.log %broadcast_in_dim3A_13 : vector<10000x1xf32>
    %add3A_14 = arith.addf %log3A, %broadcast_in_dim3A : vector<10000x1xf32>
    %sub3A_15 = vector.broadcast %add3A_14 : vector<10000x1xf32> to vector<10000x64xf32>
    %sub3A_16 = arith.subf %add3A_9, %sub3A_15 : vector<10000x64xf32>
    %swap3A = arith.constant 0 : index
    %swap3A_17 = arith.constant 0 : index
    %swap3A_18 = vector.load %arg3[%swap3A, %swap3A_17] : memref<10000x64xf32, #tpu.memory_space<vmem>>, vector<10000x64xf32>
    tpu.vector_store %arg3[%swap3A, %swap3A_17], %sub3A_16 {strides = array<i32>} : memref<10000x64xf32, #tpu.memory_space<vmem>>, vector<10000x64xf32>,
    return
  }
}

</mosaic_0001>

<sc_bundles>
// kernel: kernel.33.cloned.1.call-start
scs
__scs_entry_jumppad:
0x0: {  	(pc) =	sbr.rel $0x88, $3  }
0x1: {  	(tag) =	ssettag $0x0;
	lr =	simm.s32 $0x1  }
0x2: {  	[smem:$0x3F8F] =	sst lr;
	_ =	strace $0xD0000000  }
0x3: {  	_ = 	snop  }
0x4: {  	_ = 	snop  }
0x5: {  	_ = 	snop  }
0x6: {  	_ = 	snop  }
0x7: {  	_ = 	snop  }
__scs_overlays_trampoline_lowered:
0x8: {  	[smem:$0x3F9E] =	sst s0  }
0x9: {  	[smem:$0x3F9F] =	sst s1  }
0xa: {  	[smem:$0x3FA0] =	sst s2  }
0xb: {  	[smem:$0x3FA1] =	sst s3  }
0xc: {  	[smem:$0x3FA2] =	sst s4  }
0xd: {  	[smem:$0x3FA3] =	sst s5  }
0xe: {  	[smem:$0x3FA4] =	sst s6  }
0xf: {  	[smem:$0x3FA5] =	sst s7  }
0x10: {  	[smem:$0x3FA6] =	sst s8  }
0x11: {  	[smem:$0x3FA7] =	sst s9;
	s0 =	simm.s32 @!p0 $0x0  }
0x12: {  	s1 =	sld [smem:$0x3F8D];
	s0 =	simm.s32 @p0 $0x1  }
0x13: {  	[smem:$0x3FA8] =	sst s0;
	s0 =	simm.s32 @!p1 $0x0  }
0x14: {  	s2 =	sld [smem:$0x3F8C];
	s0 =	simm.s32 @p1 $0x1  }
0x15: {  	[smem:$0x3FA9] =	sst s0;
	s0 =	simm.s32 @!p2 $0x0  }
0x16: {  	s3 =	sld [smem:$0x3FDB];
	s0 =	simm.s32 @p2 $0x1  }
0x17: {  	s4 =	simm.s32 $0x1BF5;
	[smem:$0x3FAB] =	sst s0  }
0x18: {  	s0 =	sld [smem:$0x3F8E];
	_ =	swait.ge [sflag:s4], $0x0  }
0x19: {  	s7 =	sld [smem:$0x3F8F]  }
0x1a: {  	s8 =	sadd.s32 $0xFFFFE003, lr  }
0x1b: {  	s9 =	sadd.s32 $0xFFFFFEF7, lr;
	s5 =	simm.s32 $0xFFFFFFFF;
	p2 =	slt.u32 s8, $0xFFFFF086  }
0x1c: {  	p1 =	slt.u32 s9, $0xF7A;
	s5 =	simm.s32 @!p2 $0x0  }
0x1d: {  	s5 =	simm.s32 @p1 $0x1;
	p0 =	seq.s32 s7, s2  }
0x1e: {  	s7 =	smul.u32 @!p0 $0xF7A, s2;
	p2 =	seq.s32 @!p0 s5, $0x0  }
0x1f: {  	s9 =	smul.u32 $0xF7A, s1;
	s8 =	simm.s32 @!p0 $0x1BF5;
	p2 =	por !p2, p0  }
0x20: {  	[sflag:s8] =	ssyncset.s32 @!p0 $0xFFFFF086;
	s6 =	sadd.s32 @!p0 s3, s7;
	s7 =	simm.s32 @!p0 $0x108  }
0x21: {  	s3 =	sadd.s32 s3, s9;
	s6 =	sadd.s32 @!p0 $0x88, s6;
	s7 =	simm.s32 @p2 $0x1082  }
0x22: {  	[simem:s7], [sflag:s8] =	dma.local @!p0 [hbm:s6], $0xF7A  }
0x23: {  	s9 =	sor.u32 $0xD0000000, s2;
	s6 =	simm.s32 $0x108;
	_ =	swait.ge @!p0 [sflag:s8], $0x0  }
0x24: {  	s3 =	sadd.s32 $0x88, s3;
	s6 =	simm.s32 @!p1 $0x1082;
	[sflag:s4] =	ssyncset.s32 $0xFFFFF086  }
0x25: {  	[simem:s6], [sflag:s4] =	dma.local [hbm:s3], $0xF7A  }
0x26: {  	[smem:$0x3F8F] =	sst s1;
	(tag) =	ssettag s2;
	_ =	strace s9  }
0x27: {  	s1 =	sld [smem:$0x3F9F]  }
0x28: {  	s2 =	sld [smem:$0x3FA0]  }
0x29: {  	s4 =	sld [smem:$0x3FA2]  }
0x2a: {  	p0 =	seq.s32 s5, $0x0;
	s5 =	sld [smem:$0x3FA3]  }
0x2b: {  	s6 =	sld [smem:$0x3FA4]  }
0x2c: {  	s7 =	sld [smem:$0x3FA5]  }
0x2d: {  	s3 =	simm.s32 $0x108;
	s8 =	sld [smem:$0x3FA6]  }
0x2e: {  	s3 =	simm.s32 @!p0 $0x1082;
	s9 =	sld [smem:$0x3FA7]  }
0x2f: {  	lr =	sadd.s32 s0, s3;
	s0 =	sld [smem:$0x3F9E]  }
0x30: {  	s3 =	sld [smem:$0x3FA1]  }
0x31: {  	[smem:$0x3FAA] =	sst s10  }
0x32: {  	s10 =	sld [smem:$0x3FA8];
	_ =	sdelay $0x3  }
0x33: {  	p0 =	seq.s32 s10, $0x1;
	s10 =	sld [smem:$0x3FAA];
	_ =	sdelay $0x3  }
0x34: {  	[smem:$0x3FAA] =	sst s10  }
0x35: {  	s10 =	sld [smem:$0x3FA9];
	_ =	sdelay $0x3  }
0x36: {  	p1 =	seq.s32 s10, $0x1;
	s10 =	sld [smem:$0x3FAA];
	_ =	sdelay $0x3  }
0x37: {  	[smem:$0x3FAA] =	sst s10  }
0x38: {  	s10 =	sld [smem:$0x3FAB]  }
0x39: {  	_ = 	snop;
	(pc) =	sbr.ind lr, $3  }
0x3a: {  	_ = 	snop  }
0x3b: {  	_ = 	snop  }
0x3c: {  	p2 =	seq.s32 s10, $0x1;
	s10 =	sld [smem:$0x3FAA]  }
0x3d: {  	_ =	shalt  }
0x3e: {  	_ =	shalt  }
0x3f: {  	_ =	shalt  }
0x40: {  	_ =	shalt  }
0x41: {  	_ =	shalt  }
0x42: {  	_ =	shalt  }
0x43: {  	_ =	shalt  }
0x44: {  	_ =	shalt  }
0x45: {  	_ =	shalt  }
0x46: {  	_ =	shalt  }
0x47: {  	_ =	shalt  }
0x48: {  	_ =	shalt  }
0x49: {  	_ =	shalt  }
0x4a: {  	_ =	shalt  }
0x4b: {  	_ =	shalt  }
0x4c: {  	_ =	shalt  }
0x4d: {  	_ =	shalt  }
0x4e: {  	_ =	shalt  }
0x4f: {  	_ =	shalt  }
0x50: {  	_ =	shalt  }
0x51: {  	_ =	shalt  }
0x52: {  	_ =	shalt  }
0x53: {  	_ =	shalt  }
0x54: {  	_ =	shalt  }
0x55: {  	_ =	shalt  }
0x56: {  	_ =	shalt  }
0x57: {  	_ =	shalt  }
0x58: {  	_ =	shalt  }
0x59: {  	_ =	shalt  }
0x5a: {  	_ =	shalt  }
0x5b: {  	_ =	shalt  }
0x5c: {  	_ =	shalt  }
0x5d: {  	_ =	shalt  }
0x5e: {  	_ =	shalt  }
0x5f: {  	_ =	shalt  }
0x60: {  	_ =	shalt  }
0x61: {  	_ =	shalt  }
0x62: {  	_ =	shalt  }
0x63: {  	_ =	shalt  }
0x64: {  	_ =	shalt  }
0x65: {  	_ =	shalt  }
0x66: {  	_ =	shalt  }
0x67: {  	_ =	shalt  }
0x68: {  	_ =	shalt  }
0x69: {  	_ =	shalt  }
0x6a: {  	_ =	shalt  }
0x6b: {  	_ =	shalt  }
0x6c: {  	_ =	shalt  }
0x6d: {  	_ =	shalt  }
0x6e: {  	_ =	shalt  }
0x6f: {  	_ =	shalt  }
0x70: {  	_ =	shalt  }
0x71: {  	_ =	shalt  }
0x72: {  	_ =	shalt  }
0x73: {  	_ =	shalt  }
0x74: {  	_ =	shalt  }
0x75: {  	_ =	shalt  }
0x76: {  	_ =	shalt  }
0x77: {  	_ =	shalt  }
0x78: {  	_ =	shalt  }
0x79: {  	_ =	shalt  }
0x7a: {  	_ =	shalt  }
0x7b: {  	_ =	shalt  }
0x7c: {  	_ =	shalt  }
0x7d: {  	_ =	shalt  }
0x7e: {  	_ =	shalt  }
0x7f: {  	_ =	shalt  }
0x80: {  	_ =	shalt  }
0x81: {  	_ =	shalt  }
0x82: {  	_ =	shalt  }
0x83: {  	_ =	shalt  }
0x84: {  	_ =	shalt  }
0x85: {  	_ =	shalt  }
0x86: {  	_ =	shalt  }
0x87: {  	_ =	shalt  }
.Lfunc_end0:
.L_simem_size_0:
called_computation_lowered:
.L_overlay_start_0:
0x88: {  	s2 =	sld [smem:$0x3FD9]  }
0x89: {  	s3 =	sld [smem:$0x3FFE];
	_ =	sdelay $0x1  }
0x8a: {  	s1 =	srdreg.scid  }
0x8b: {  	s0 =	sand.u32 $0x1, s1  }
0x8c: {  	s17 =	sshll.u32 s0, $0xA;
	s2 =	sadd.s32 s3, s2  }
0x8d: {  	s2 =	sadd.s32 s2, s17  }
0x8e: {  	[smem:$0x3FB6] =	sst s2  }
0x8f: {  	_ = 	snop  }
0x90: {  	s2 =	sld [smem:$0x3FD0];
	(tm) =	ssettm $0x1  }
0x91: {  	s18 =	sld [smem:$0x3FFB];
	_ =	sdelay $0x3  }
0x92: {  	_ =	strace s18  }
0x93: {  	s3 =	sld [smem:$0x3FFC];
	_ =	sdelay $0x3  }
0x94: {  	_ =	strace s3  }
0x95: {  	s3 =	sld [smem:$0x3FFD];
	_ =	sdelay $0x3  }
0x96: {  	_ =	strace s3  }
0x97: {  	_ =	strace $0x8FFFFFFF  }
0x98: {  	s19 =	sld [smem:$0x3FDB];
	_ =	sdelay $0x1  }
0x99: {  	s4 =	simm.s32 $_scs_section_size  }
0x9a: {  	s5 =	simm.s32 $_size__tile_overlayer_lowered;
	s6 =	simm.s32 $_tile_overlayer_lowered  }
0x9b: {  	s22 =	simm.s32 $0x1BFF;
	s21 =	sshll.u32 s6, $0x1;
	s3 =	sadd.s32 s4, s19  }
0x9c: {  	s7 =	simm.s32 $0x0;
	s20 =	sshll.u32 s5, $0x1;
	s5 =	sadd.s32 s21, s3  }
0x9d: {  	[timem:s7], [sflag:s22] =	dma.local [hbm:s5], s20  }
0x9e: {  	_ =	swait.ge [sflag:s22], s20  }
0x9f: {  	s4 =	ssub.s32 $0x0, s20;
	[sflag:s22] =	ssyncset.done $0x0  }
0xa0: {  	[sflag:s22] =	ssyncadd.s32 s4;
	_ =	sdelay $0x1  }
0xa1: {  	s23 =	simm.s32 $0x1B8B  }
0xa2: {  	_ =	swait.ge [sflag:s23], $0x1  }
0xa3: {  	[sflag:s23] =	ssyncset.done $0x0  }
0xa4: {  	s25 =	simm.s32 $0x1B8E;
	s24 =	sld [smem:$0x3FFE];
	[sflag:s23] =	ssyncadd.s32 $0xFFFFFFFF  }
0xa5: {  	s26 =	simm.s32 $execute0_lowered;
	[smem:$0x3FD2] =	sst s25  }
0xa6: {  	s5 =	sshll.u32 s26, $0x1;
	_ =	strace $0x80000046;
	[dreg:$0x1] =	wrdreg $0xFFFFFFFF  }
0xa7: {  	s28 =	simm.s32 $_size_execute0_lowered;
	s3 =	sadd.s32 s3, s5;
	[dreg:$0x0] =	wrdreg $0x0  }
0xa8: {  	s5 =	sshll.u32 s28, $0x1;
	[dreg:$0x2] =	wrdreg s3  }
0xa9: {  	[dreg:$0x3] =	wrdreg s5  }
0xaa: {  	[dreg:$0x4] =	wrdreg $0xC0  }
0xab: {  	_ =	task [dreg:s7], $0x5FFFF  }
0xac: {  	[dreg:$0x1] =	wrdreg $0xFFFFFFFF  }
0xad: {  	[dreg:$0x0] =	wrdreg $0x60  }
0xae: {  	[dreg:$0x2] =	wrdreg s2  }
0xaf: {  	[dreg:$0x3] =	wrdreg s24  }
0xb0: {  	[dreg:$0x4] =	wrdreg $0x0  }
0xb1: {  	[dreg:$0x5] =	wrdreg $0x9  }
0xb2: {  	_ =	task.clear_ibuf [dreg:s7], $0x6FFFF;
	_ =	strace $0x90000046  }
0xb3: {  	s29 =	simm.s32 $0x9;
	_ =	strace $0x80000048  }
0xb4: {  	_ =	swait.ge [sflag:s29], $0x1  }
0xb5: {  	[sflag:s29] =	ssyncadd.s32 $0xFFFFFFFF  }
0xb6: {  	_ =	strace $0x90000048  }
0xb7: {  	_ =	sfence  }
0xb8: {  	s30 =	sld [smem:$0x0];
	_ =	sdelay $0x2  }
0xb9: {  	s31 =	sshll.u32 s1, $0xD;
	s1 =	sshrl.u32 s1, $0x2  }
0xba: {  	s3 =	sand.u32 $0x4000, s31;
	s1 =	sadd.s32 s1, s30  }
0xbb: {  	s0 =	sor.u32 s3, s0;
	s1 =	sshll.u32 s1, $0x11  }
0xbc: {  	s0 =	sor.u32 s1, s0  }
0xbd: {  	s0 =	sadd.s32 $0x8F2B, s0  }
0xbe: {  	[sflag:s0] =	ssyncadd.remote.s32 $0x1  }
0xbf: {  	_ =	sfence.sel $0xFFFF  }
0xc0: {  	[dreg:$0x0] =	wrdreg $0xFFFFFFFF;
	(pc) =	sbr.abs _section_cstart, $3  }
0xc1: {  	[dreg:$0x1] =	wrdreg $0xFFFFFFFF  }
0xc2: {  	_ =	task.clear_ibuf [dreg:s7], $0x2FFFF;
	_ =	strace $0x9FFFFFFF  }
0xc3: {  	(tm) =	ssettm $0x7FFFFFFF  }
tec
execute0_lowered:
.L_overlay_start_1:
0x0: {  	(tag) =	ssettag $0x1  }
0x1: {  	s1 =	rddreg [dreg:$0x0]  }
0x2: {  	s5 =	rddreg [dreg:$0x1]  }
0x3: {  	s3 =	rddreg [dreg:$0x2]  }
0x4: {  	s0 =	srdreg.scid;
	s2 =	rddreg [dreg:$0x3]  }
0x5: {  	s4 =	simm.s32 $0x0;
	s13 =	simm.s32 $0xA000;
	s6 =	sand.u32 $0x1, s0  }
0x6: {  	s14 =	simm.s32 $0xA480;
	s0 =	stileid.u32;
	s7 =	smul.u32 $0x28800, s6  }
0x7: {  	s15 =	simm.s32 $0x480;
	s16 =	simm.s32 $0xA900;
	s8 =	smul.u32 $0x2880, s0  }
0x8: {  	s17 =	simm.s32 $0x1;
	s18 =	simm.s32 $0x0;
	s29 =	smul.u32 $0xA000, s0  }
0x9: {  	[smem:$0x7FF] =	sst s4;
	s9 =	smul.u32 $0xA0000, s6;
	s6 =	ssub.s32 $0x2, s6  }
0xa: {  	_ =	strace $0x80000047;
	s31 =	sshll.u32 s0, $0x6;
	s11 =	sshrl.u32 s6, $0x1  }
0xb: {  	s7 =	sadd.s32 s8, s7;
	s30 =	sshrl.u32 s29, $0x3;
	s9 =	sadd.s32 s29, s9  }
0xc: {  	s11 =	ssub.s32 s6, s11;
	s12 =	sadd.s32 s29, s3;
	s6 =	sor.u32 $0x1C02, s31  }
0xd: {  	s7 =	sshrl.u32 s7, $0x3;
	s9 =	sshrl.u32 s9, $0x3;
	s8 =	smax.u32 s11, $0x1  }
0xe: {  	s11 =	sshrl.u32 s12, $0x3;
	s10 =	sadd.s32 s7, s5;
	s7 =	sadd.s32 s30, s5  }
0xf: {  	s12 =	simm.s32 $0x2;
	s9 =	sadd.s32 s9, s5;
	s5 =	sadd.s32 $0x1BE00, s7  }
0x10: {  	s7 =	sadd.s32 $0x2FE00, s9;
	s9 =	sadd.s32 $0x7A00, s10;
	s10 =	sadd.s32 $0x11C00, s10  }
.LBB2_1:
0x11: {  	[spmem:s11], [sflag:s6] =	dma.local [hbm:s5], $0x1400  }
0x12: {  	_ =	swait.ge [sflag:s12], $0x1400  }
0x13: {  	[sflag:s12] =	ssyncset.done $0x0  }
0x14: {  	[sflag:s12] =	ssyncadd.s32 $0xFFFFEC00  }
0x15: {  	s19 =	sadd.s32 $0x0, s10;
	[bflag:$0x0] =	sbarrier.arrive $0xFFFF  }
0x16: {  	[tilespmem:s13], [sflag:$0x2] =	stream.linear.gather [hbm4b:s19+s4], $0x480, $0x38;
	[tilespmem:$0x1C900] =	vst v63  }
0x17: {  	_ =	swait.ge [sflag:s12], $0x480  }
0x18: {  	[sflag:s12] =	ssyncset.done $0x0  }
0x19: {  	s31 =	sadd.s32 $0x0, s9;
	[sflag:s12] =	ssyncadd.s32 $0xFFFFFB80  }
0x1a: {  	[tilespmem:s14], [sflag:$0x2] =	stream.linear.gather [hbm4b:s31+s4], $0x480, $0x38;
	[tilespmem:$0x1C900] =	vst v63  }
0x1b: {  	_ =	swait.ge [sflag:s12], $0x480  }
0x1c: {  	[sflag:s12] =	ssyncset.done $0x0  }
0x1d: {  	[sflag:s12] =	ssyncadd.s32 $0xFFFFFB80  }
0x1e: {  	[tilespmem:s16], [sflag:$0x1] =	stream.indirect.gather [hbm4b:s1+s15], $0x40, s13, s15, $0xb8;
	[tilespmem:$0x1C900] =	vst v63  }
0x1f: {  	_ =	swait.ge [sflag:s17], $0x12000  }
0x20: {  	[sflag:s17] =	ssyncset.done $0x0  }
0x21: {  	[sflag:s17] =	ssyncadd.s32 $0xFFFEE000  }
0x22: {  	[spmem:s3] =	stream.indirect.scatter.add.f32 [tilespmem:s16], [sflag:$0x2], $0x40, s14, s15, $0xb8;
	[tilespmem:$0x1C900] =	vst v63  }
0x23: {  	_ =	swait.ge [sflag:s12], $0x12000  }
0x24: {  	s20 =	simm.s32 $0x120;
	s19 =	simm.s32 $0x90;
	[sflag:s12] =	ssyncset.done $0x0  }
.LBB2_2:
0x25: {  	s21 =	sadd.s32 s19, s10  }
0x26: {  	[sflag:s12] =	ssyncadd.s32 $0xFFFEE000;
	s22 =	smov.u32 s20;
	s23 =	sadd.s32 $0x90, s20  }
0x27: {  	[tilespmem:s13], [sflag:$0x2] =	stream.linear.gather [hbm4b:s21+s4], $0x480, $0x38;
	[tilespmem:$0x1C900] =	vst v63  }
0x28: {  	p0 =	sne.s32 s20, $0x480;
	_ =	swait.ge [sflag:s12], $0x480  }
0x29: {  	[sflag:s12] =	ssyncset.done $0x0  }
0x2a: {  	s20 =	sadd.s32 s19, s9;
	s19 =	smov.u32 s22;
	[sflag:s12] =	ssyncadd.s32 $0xFFFFFB80  }
0x2b: {  	[tilespmem:s14], [sflag:$0x2] =	stream.linear.gather [hbm4b:s20+s4], $0x480, $0x38;
	[tilespmem:$0x1C900] =	vst v63  }
0x2c: {  	_ =	swait.ge [sflag:s12], $0x480  }
0x2d: {  	[sflag:s12] =	ssyncset.done $0x0  }
0x2e: {  	[sflag:s12] =	ssyncadd.s32 $0xFFFFFB80  }
0x2f: {  	[tilespmem:s16], [sflag:$0x1] =	stream.indirect.gather [hbm4b:s1+s15], $0x40, s13, s15, $0xb8;
	[tilespmem:$0x1C900] =	vst v63  }
0x30: {  	_ =	swait.ge [sflag:s17], $0x12000  }
.Ltmp0:
0x31: {  	[sflag:s17] =	ssyncset.done $0x0;
	(pc) =	sbr.rel @p0 .LBB2_2-.Ltmp0, $4  }
0x32: {  	[sflag:s17] =	ssyncadd.s32 $0xFFFEE000  }
0x33: {  	[spmem:s3] =	stream.indirect.scatter.add.f32 [tilespmem:s16], [sflag:$0x2], $0x40, s14, s15, $0xb8;
	[tilespmem:$0x1C900] =	vst v63  }
0x34: {  	_ =	swait.ge [sflag:s12], $0x12000  }
0x35: {  	s20 =	smov.u32 s23;
	[sflag:s12] =	ssyncset.done $0x0  }
0x36: {  	s20 =	sadd.s32 s19, s10;
	[sflag:s12] =	ssyncadd.s32 $0xFFFEE000  }
0x37: {  	[tilespmem:s13], [sflag:$0x2] =	stream.linear.gather [hbm4b:s20+s4], $0x480, $0x38;
	[tilespmem:$0x1C900] =	vst v63  }
0x38: {  	_ =	swait.ge [sflag:s12], $0x480  }
0x39: {  	[sflag:s12] =	ssyncset.done $0x0  }
0x3a: {  	s31 =	sadd.s32 s19, s9;
	[sflag:s12] =	ssyncadd.s32 $0xFFFFFB80  }
0x3b: {  	[tilespmem:s14], [sflag:$0x2] =	stream.linear.gather [hbm4b:s31+s4], $0x480, $0x38;
	[tilespmem:$0x1C900] =	vst v63  }
0x3c: {  	_ =	swait.ge [sflag:s12], $0x480  }
0x3d: {  	[sflag:s12] =	ssyncset.done $0x0  }
0x3e: {  	[sflag:s12] =	ssyncadd.s32 $0xFFFFFB80  }
0x3f: {  	[tilespmem:s16], [sflag:$0x1] =	stream.indirect.gather [hbm4b:s1+s15], $0x40, s13, s15, $0xb8;
	[tilespmem:$0x1C900] =	vst v63  }
0x40: {  	_ =	swait.ge [sflag:s17], $0x12000  }
0x41: {  	[sflag:s17] =	ssyncset.done $0x0  }
0x42: {  	[sflag:s17] =	ssyncadd.s32 $0xFFFEE000  }
0x43: {  	[spmem:s3] =	stream.indirect.scatter.add.f32 [tilespmem:s16], [sflag:$0x2], $0x40, s14, s15, $0xb8;
	[tilespmem:$0x1C900] =	vst v63  }
0x44: {  	_ =	swait.ge [sflag:s12], $0x12000  }
0x45: {  	s18 =	sadd.s32 $0x1, s18;
	[sflag:s12] =	ssyncset.done $0x0  }
0x46: {  	p0 =	sne.s32 s18, s8;
	[sflag:s12] =	ssyncadd.s32 $0xFFFEE000  }
.Ltmp1:
0x47: {  	[bflag:$0x0] =	sbarrier.arrive $0xFFFF;
	(pc) =	sbr.rel @p0 .LBB2_1-.Ltmp1, $4  }
0x48: {  	[hbm:s7], [sflag:s6] =	dma.local [spmem:s11], $0x1400  }
0x49: {  	_ =	swait.ge [sflag:s12], $0x1400  }
0x4a: {  	[sflag:s12] =	ssyncset.done $0x0  }
0x4b: {  	[sflag:s12] =	ssyncadd.s32 $0xFFFFEC00  }
0x4c: {  	_ =	sfence.sel $0x180000  }
0x4d: {  	[bflag:$0x0] =	sbarrier.arrive $0xFFFF  }
0x4e: {  	p0 =	sne.s32 s0, $0x0;
	_ =	strace $0x90000047  }
0x4f: {  	s0 =	sadd.s32 @!p0 $0x100000, s2;
	[bflag:$0x2] =	sbarrier.arrive $0xFFFF  }
0x50: {  	[sflag:s0] =	ssyncadd.tile.s32 @!p0 $0x1;
	_ =	shalt  }
.Lfunc_end2:
_tile_overlayer_lowered:
.L_overlay_start_2:
0x51: {  	(tag) =	ssettag $0x2  }
0x52: {  	s0 =	rddreg [dreg:$0x0];
	s2 =	stileid.u32  }
0x53: {  	s1 =	rddreg [dreg:$0x1];
	p0 =	sne.s32 s2, $0x0  }
0x54: {  	s3 =	rddreg [dreg:$0x2];
	[bflag:$0x3] =	sbarrier.arrive $0xFFFF;
	s2 =	simm.s32 @!p0 $0x1C02  }
0x55: {  	[timem:s3], [sflag:s2] =	dma.local @!p0 [hbm:s0], s1  }
0x56: {  	s0 =	simm.s32 @!p0 $0x2  }
0x57: {  	_ =	swait.ge @!p0 [sflag:s0], s1  }
0x58: {  	s1 =	ssub.s32 @!p0 $0x0, s1;
	[sflag:s0] =	ssyncset.done @!p0 $0x0  }
0x59: {  	[sflag:s0] =	ssyncadd.s32 @!p0 s1  }
0x5a: {  	[bflag:$0x3] =	sbarrier.arrive $0xFFFF  }
0x5b: {  	_ =	shalt  }

// kernel: kernel.36.cloned.1.call-start
scs
__scs_entry_jumppad:
0x0: {  	(pc) =	sbr.rel $0x88, $3  }
0x1: {  	(tag) =	ssettag $0x0;
	lr =	simm.s32 $0x1  }
0x2: {  	[smem:$0x3F8F] =	sst lr;
	_ =	strace $0xD0000000  }
0x3: {  	_ = 	snop  }
0x4: {  	_ = 	snop  }
0x5: {  	_ = 	snop  }
0x6: {  	_ = 	snop  }
0x7: {  	_ = 	snop  }
__scs_overlays_trampoline_lowered:
0x8: {  	[smem:$0x3F9E] =	sst s0  }
0x9: {  	[smem:$0x3F9F] =	sst s1  }
0xa: {  	[smem:$0x3FA0] =	sst s2  }
0xb: {  	[smem:$0x3FA1] =	sst s3  }
0xc: {  	[smem:$0x3FA2] =	sst s4  }
0xd: {  	[smem:$0x3FA3] =	sst s5  }
0xe: {  	[smem:$0x3FA4] =	sst s6  }
0xf: {  	[smem:$0x3FA5] =	sst s7  }
0x10: {  	[smem:$0x3FA6] =	sst s8  }
0x11: {  	[smem:$0x3FA7] =	sst s9;
	s0 =	simm.s32 @!p0 $0x0  }
0x12: {  	s1 =	sld [smem:$0x3F8D];
	s0 =	simm.s32 @p0 $0x1  }
0x13: {  	[smem:$0x3FA8] =	sst s0;
	s0 =	simm.s32 @!p1 $0x0  }
0x14: {  	s2 =	sld [smem:$0x3F8C];
	s0 =	simm.s32 @p1 $0x1  }
0x15: {  	[smem:$0x3FA9] =	sst s0;
	s0 =	simm.s32 @!p2 $0x0  }
0x16: {  	s3 =	sld [smem:$0x3FDB];
	s0 =	simm.s32 @p2 $0x1  }
0x17: {  	s4 =	simm.s32 $0x1BF5;
	[smem:$0x3FAB] =	sst s0  }
0x18: {  	s0 =	sld [smem:$0x3F8E];
	_ =	swait.ge [sflag:s4], $0x0  }
0x19: {  	s7 =	sld [smem:$0x3F8F]  }
0x1a: {  	s8 =	sadd.s32 $0xFFFFE003, lr  }
0x1b: {  	s9 =	sadd.s32 $0xFFFFFEF7, lr;
	s5 =	simm.s32 $0xFFFFFFFF;
	p2 =	slt.u32 s8, $0xFFFFF086  }
0x1c: {  	p1 =	slt.u32 s9, $0xF7A;
	s5 =	simm.s32 @!p2 $0x0  }
0x1d: {  	s5 =	simm.s32 @p1 $0x1;
	p0 =	seq.s32 s7, s2  }
0x1e: {  	s7 =	smul.u32 @!p0 $0xF7A, s2;
	p2 =	seq.s32 @!p0 s5, $0x0  }
0x1f: {  	s9 =	smul.u32 $0xF7A, s1;
	s8 =	simm.s32 @!p0 $0x1BF5;
	p2 =	por !p2, p0  }
0x20: {  	[sflag:s8] =	ssyncset.s32 @!p0 $0xFFFFF086;
	s6 =	sadd.s32 @!p0 s3, s7;
	s7 =	simm.s32 @!p0 $0x108  }
0x21: {  	s3 =	sadd.s32 s3, s9;
	s6 =	sadd.s32 @!p0 $0x88, s6;
	s7 =	simm.s32 @p2 $0x1082  }
0x22: {  	[simem:s7], [sflag:s8] =	dma.local @!p0 [hbm:s6], $0xF7A  }
0x23: {  	s9 =	sor.u32 $0xD0000000, s2;
	s6 =	simm.s32 $0x108;
	_ =	swait.ge @!p0 [sflag:s8], $0x0  }
0x24: {  	s3 =	sadd.s32 $0x88, s3;
	s6 =	simm.s32 @!p1 $0x1082;
	[sflag:s4] =	ssyncset.s32 $0xFFFFF086  }
0x25: {  	[simem:s6], [sflag:s4] =	dma.local [hbm:s3], $0xF7A  }
0x26: {  	[smem:$0x3F8F] =	sst s1;
	(tag) =	ssettag s2;
	_ =	strace s9  }
0x27: {  	s1 =	sld [smem:$0x3F9F]  }
0x28: {  	s2 =	sld [smem:$0x3FA0]  }
0x29: {  	s4 =	sld [smem:$0x3FA2]  }
0x2a: {  	p0 =	seq.s32 s5, $0x0;
	s5 =	sld [smem:$0x3FA3]  }
0x2b: {  	s6 =	sld [smem:$0x3FA4]  }
0x2c: {  	s7 =	sld [smem:$0x3FA5]  }
0x2d: {  	s3 =	simm.s32 $0x108;
	s8 =	sld [smem:$0x3FA6]  }
0x2e: {  	s3 =	simm.s32 @!p0 $0x1082;
	s9 =	sld [smem:$0x3FA7]  }
0x2f: {  	lr =	sadd.s32 s0, s3;
	s0 =	sld [smem:$0x3F9E]  }
0x30: {  	s3 =	sld [smem:$0x3FA1]  }
0x31: {  	[smem:$0x3FAA] =	sst s10  }
0x32: {  	s10 =	sld [smem:$0x3FA8];
	_ =	sdelay $0x3  }
0x33: {  	p0 =	seq.s32 s10, $0x1;
	s10 =	sld [smem:$0x3FAA];
	_ =	sdelay $0x3  }
0x34: {  	[smem:$0x3FAA] =	sst s10  }
0x35: {  	s10 =	sld [smem:$0x3FA9];
	_ =	sdelay $0x3  }
0x36: {  	p1 =	seq.s32 s10, $0x1;
	s10 =	sld [smem:$0x3FAA];
	_ =	sdelay $0x3  }
0x37: {  	[smem:$0x3FAA] =	sst s10  }
0x38: {  	s10 =	sld [smem:$0x3FAB]  }
0x39: {  	_ = 	snop;
	(pc) =	sbr.ind lr, $3  }
0x3a: {  	_ = 	snop  }
0x3b: {  	_ = 	snop  }
0x3c: {  	p2 =	seq.s32 s10, $0x1;
	s10 =	sld [smem:$0x3FAA]  }
0x3d: {  	_ =	shalt  }
0x3e: {  	_ =	shalt  }
0x3f: {  	_ =	shalt  }
0x40: {  	_ =	shalt  }
0x41: {  	_ =	shalt  }
0x42: {  	_ =	shalt  }
0x43: {  	_ =	shalt  }
0x44: {  	_ =	shalt  }
0x45: {  	_ =	shalt  }
0x46: {  	_ =	shalt  }
0x47: {  	_ =	shalt  }
0x48: {  	_ =	shalt  }
0x49: {  	_ =	shalt  }
0x4a: {  	_ =	shalt  }
0x4b: {  	_ =	shalt  }
0x4c: {  	_ =	shalt  }
0x4d: {  	_ =	shalt  }
0x4e: {  	_ =	shalt  }
0x4f: {  	_ =	shalt  }
0x50: {  	_ =	shalt  }
0x51: {  	_ =	shalt  }
0x52: {  	_ =	shalt  }
0x53: {  	_ =	shalt  }
0x54: {  	_ =	shalt  }
0x55: {  	_ =	shalt  }
0x56: {  	_ =	shalt  }
0x57: {  	_ =	shalt  }
0x58: {  	_ =	shalt  }
0x59: {  	_ =	shalt  }
0x5a: {  	_ =	shalt  }
0x5b: {  	_ =	shalt  }
0x5c: {  	_ =	shalt  }
0x5d: {  	_ =	shalt  }
0x5e: {  	_ =	shalt  }
0x5f: {  	_ =	shalt  }
0x60: {  	_ =	shalt  }
0x61: {  	_ =	shalt  }
0x62: {  	_ =	shalt  }
0x63: {  	_ =	shalt  }
0x64: {  	_ =	shalt  }
0x65: {  	_ =	shalt  }
0x66: {  	_ =	shalt  }
0x67: {  	_ =	shalt  }
0x68: {  	_ =	shalt  }
0x69: {  	_ =	shalt  }
0x6a: {  	_ =	shalt  }
0x6b: {  	_ =	shalt  }
0x6c: {  	_ =	shalt  }
0x6d: {  	_ =	shalt  }
0x6e: {  	_ =	shalt  }
0x6f: {  	_ =	shalt  }
0x70: {  	_ =	shalt  }
0x71: {  	_ =	shalt  }
0x72: {  	_ =	shalt  }
0x73: {  	_ =	shalt  }
0x74: {  	_ =	shalt  }
0x75: {  	_ =	shalt  }
0x76: {  	_ =	shalt  }
0x77: {  	_ =	shalt  }
0x78: {  	_ =	shalt  }
0x79: {  	_ =	shalt  }
0x7a: {  	_ =	shalt  }
0x7b: {  	_ =	shalt  }
0x7c: {  	_ =	shalt  }
0x7d: {  	_ =	shalt  }
0x7e: {  	_ =	shalt  }
0x7f: {  	_ =	shalt  }
0x80: {  	_ =	shalt  }
0x81: {  	_ =	shalt  }
0x82: {  	_ =	shalt  }
0x83: {  	_ =	shalt  }
0x84: {  	_ =	shalt  }
0x85: {  	_ =	shalt  }
0x86: {  	_ =	shalt  }
0x87: {  	_ =	shalt  }
.Lfunc_end0:
.L_simem_size_0:
called_computation.1_lowered:
.L_overlay_start_0:
0x88: {  	s2 =	sld [smem:$0x3FD9]  }
0x89: {  	s3 =	sld [smem:$0x3FFE];
	_ =	sdelay $0x1  }
0x8a: {  	s1 =	srdreg.scid  }
0x8b: {  	s0 =	sand.u32 $0x1, s1  }
0x8c: {  	s17 =	sshll.u32 s0, $0xA;
	s2 =	sadd.s32 s3, s2  }
0x8d: {  	s2 =	sadd.s32 s2, s17  }
0x8e: {  	[smem:$0x3FB6] =	sst s2  }
0x8f: {  	_ = 	snop  }
0x90: {  	s2 =	sld [smem:$0x3FD0];
	(tm) =	ssettm $0x1  }
0x91: {  	s18 =	sld [smem:$0x3FFB];
	_ =	sdelay $0x3  }
0x92: {  	_ =	strace s18  }
0x93: {  	s3 =	sld [smem:$0x3FFC];
	_ =	sdelay $0x3  }
0x94: {  	_ =	strace s3  }
0x95: {  	s3 =	sld [smem:$0x3FFD];
	_ =	sdelay $0x3  }
0x96: {  	_ =	strace s3  }
0x97: {  	_ =	strace $0x8FFFFFFF  }
0x98: {  	s19 =	sld [smem:$0x3FDB];
	_ =	sdelay $0x1  }
0x99: {  	s4 =	simm.s32 $_scs_section_size  }
0x9a: {  	s5 =	simm.s32 $_size__tile_overlayer_lowered;
	s6 =	simm.s32 $_tile_overlayer_lowered  }
0x9b: {  	s22 =	simm.s32 $0x1BFF;
	s21 =	sshll.u32 s6, $0x1;
	s3 =	sadd.s32 s4, s19  }
0x9c: {  	s7 =	simm.s32 $0x0;
	s20 =	sshll.u32 s5, $0x1;
	s5 =	sadd.s32 s21, s3  }
0x9d: {  	[timem:s7], [sflag:s22] =	dma.local [hbm:s5], s20  }
0x9e: {  	_ =	swait.ge [sflag:s22], s20  }
0x9f: {  	s4 =	ssub.s32 $0x0, s20;
	[sflag:s22] =	ssyncset.done $0x0  }
0xa0: {  	[sflag:s22] =	ssyncadd.s32 s4;
	_ =	sdelay $0x1  }
0xa1: {  	s23 =	simm.s32 $0x1B8B  }
0xa2: {  	_ =	swait.ge [sflag:s23], $0x1  }
0xa3: {  	[sflag:s23] =	ssyncset.done $0x0  }
0xa4: {  	s25 =	simm.s32 $0x1B8E;
	s24 =	sld [smem:$0x3FFE];
	[sflag:s23] =	ssyncadd.s32 $0xFFFFFFFF  }
0xa5: {  	s26 =	simm.s32 $execute0_lowered;
	[smem:$0x3FD2] =	sst s25  }
0xa6: {  	s5 =	sshll.u32 s26, $0x1;
	_ =	strace $0x80000049;
	[dreg:$0x1] =	wrdreg $0xFFFFFFFF  }
0xa7: {  	s28 =	simm.s32 $_size_execute0_lowered;
	s3 =	sadd.s32 s3, s5;
	[dreg:$0x0] =	wrdreg $0x0  }
0xa8: {  	s5 =	sshll.u32 s28, $0x1;
	[dreg:$0x2] =	wrdreg s3  }
0xa9: {  	[dreg:$0x3] =	wrdreg s5  }
0xaa: {  	[dreg:$0x4] =	wrdreg $0xC0  }
0xab: {  	_ =	task [dreg:s7], $0x5FFFF  }
0xac: {  	[dreg:$0x1] =	wrdreg $0xFFFFFFFF  }
0xad: {  	[dreg:$0x0] =	wrdreg $0x60  }
0xae: {  	[dreg:$0x2] =	wrdreg s2  }
0xaf: {  	[dreg:$0x3] =	wrdreg s24  }
0xb0: {  	[dreg:$0x4] =	wrdreg $0x0  }
0xb1: {  	[dreg:$0x5] =	wrdreg $0x9  }
0xb2: {  	_ =	task.clear_ibuf [dreg:s7], $0x6FFFF;
	_ =	strace $0x90000049  }
0xb3: {  	s29 =	simm.s32 $0x9;
	_ =	strace $0x8000004B  }
0xb4: {  	_ =	swait.ge [sflag:s29], $0x1  }
0xb5: {  	[sflag:s29] =	ssyncadd.s32 $0xFFFFFFFF  }
0xb6: {  	_ =	strace $0x9000004B  }
0xb7: {  	_ =	sfence  }
0xb8: {  	s30 =	sld [smem:$0x0];
	_ =	sdelay $0x2  }
0xb9: {  	s31 =	sshll.u32 s1, $0xD;
	s1 =	sshrl.u32 s1, $0x2  }
0xba: {  	s3 =	sand.u32 $0x4000, s31;
	s1 =	sadd.s32 s1, s30  }
0xbb: {  	s0 =	sor.u32 s3, s0;
	s1 =	sshll.u32 s1, $0x11  }
0xbc: {  	s0 =	sor.u32 s1, s0  }
0xbd: {  	s0 =	sadd.s32 $0x8F2B, s0  }
0xbe: {  	[sflag:s0] =	ssyncadd.remote.s32 $0x1  }
0xbf: {  	_ =	sfence.sel $0xFFFF  }
0xc0: {  	[dreg:$0x0] =	wrdreg $0xFFFFFFFF;
	(pc) =	sbr.abs _section_cstart, $3  }
0xc1: {  	[dreg:$0x1] =	wrdreg $0xFFFFFFFF  }
0xc2: {  	_ =	task.clear_ibuf [dreg:s7], $0x2FFFF;
	_ =	strace $0x9FFFFFFF  }
0xc3: {  	(tm) =	ssettm $0x7FFFFFFF  }
tec
execute0_lowered:
.L_overlay_start_1:
0x0: {  	(tag) =	ssettag $0x1  }
0x1: {  	s1 =	rddreg [dreg:$0x0]  }
0x2: {  	s5 =	rddreg [dreg:$0x1]  }
0x3: {  	s3 =	rddreg [dreg:$0x2]  }
0x4: {  	s0 =	srdreg.scid;
	s2 =	rddreg [dreg:$0x3]  }
0x5: {  	s4 =	simm.s32 $0x0;
	s13 =	simm.s32 $0xA000;
	s6 =	sand.u32 $0x1, s0  }
0x6: {  	s14 =	simm.s32 $0xA480;
	s0 =	stileid.u32;
	s7 =	smul.u32 $0x28800, s6  }
0x7: {  	s15 =	simm.s32 $0x480;
	s16 =	simm.s32 $0xA900;
	s8 =	smul.u32 $0x2880, s0  }
0x8: {  	s17 =	simm.s32 $0x1;
	s18 =	simm.s32 $0x0;
	s29 =	smul.u32 $0xA000, s0  }
0x9: {  	[smem:$0x7FF] =	sst s4;
	s9 =	smul.u32 $0xA0000, s6;
	s6 =	ssub.s32 $0x2, s6  }
0xa: {  	_ =	strace $0x8000004A;
	s31 =	sshll.u32 s0, $0x6;
	s11 =	sshrl.u32 s6, $0x1  }
0xb: {  	s7 =	sadd.s32 s8, s7;
	s30 =	sshrl.u32 s29, $0x3;
	s9 =	sadd.s32 s29, s9  }
0xc: {  	s11 =	ssub.s32 s6, s11;
	s12 =	sadd.s32 s29, s3;
	s6 =	sor.u32 $0x1C02, s31  }
0xd: {  	s7 =	sshrl.u32 s7, $0x3;
	s9 =	sshrl.u32 s9, $0x3;
	s8 =	smax.u32 s11, $0x1  }
0xe: {  	s11 =	sshrl.u32 s12, $0x3;
	s10 =	sadd.s32 s7, s5;
	s7 =	sadd.s32 s30, s5  }
0xf: {  	s12 =	simm.s32 $0x2;
	s9 =	sadd.s32 s9, s5;
	s5 =	sadd.s32 $0x1BE00, s7  }
0x10: {  	s7 =	sadd.s32 $0x2FE00, s9;
	s9 =	sadd.s32 $0x7A00, s10;
	s10 =	sadd.s32 $0x11C00, s10  }
.LBB2_1:
0x11: {  	[spmem:s11], [sflag:s6] =	dma.local [hbm:s5], $0x1400  }
0x12: {  	_ =	swait.ge [sflag:s12], $0x1400  }
0x13: {  	[sflag:s12] =	ssyncset.done $0x0  }
0x14: {  	[sflag:s12] =	ssyncadd.s32 $0xFFFFEC00  }
0x15: {  	s19 =	sadd.s32 $0x0, s10;
	[bflag:$0x0] =	sbarrier.arrive $0xFFFF  }
0x16: {  	[tilespmem:s13], [sflag:$0x2] =	stream.linear.gather [hbm4b:s19+s4], $0x480, $0x38;
	[tilespmem:$0x1C900] =	vst v63  }
0x17: {  	_ =	swait.ge [sflag:s12], $0x480  }
0x18: {  	[sflag:s12] =	ssyncset.done $0x0  }
0x19: {  	s31 =	sadd.s32 $0x0, s9;
	[sflag:s12] =	ssyncadd.s32 $0xFFFFFB80  }
0x1a: {  	[tilespmem:s14], [sflag:$0x2] =	stream.linear.gather [hbm4b:s31+s4], $0x480, $0x38;
	[tilespmem:$0x1C900] =	vst v63  }
0x1b: {  	_ =	swait.ge [sflag:s12], $0x480  }
0x1c: {  	[sflag:s12] =	ssyncset.done $0x0  }
0x1d: {  	[sflag:s12] =	ssyncadd.s32 $0xFFFFFB80  }
0x1e: {  	[tilespmem:s16], [sflag:$0x1] =	stream.indirect.gather [hbm4b:s1+s15], $0x40, s13, s15, $0xb8;
	[tilespmem:$0x1C900] =	vst v63  }
0x1f: {  	_ =	swait.ge [sflag:s17], $0x12000  }
0x20: {  	[sflag:s17] =	ssyncset.done $0x0  }
0x21: {  	[sflag:s17] =	ssyncadd.s32 $0xFFFEE000  }
0x22: {  	[spmem:s3] =	stream.indirect.scatter.add.f32 [tilespmem:s16], [sflag:$0x2], $0x40, s14, s15, $0xb8;
	[tilespmem:$0x1C900] =	vst v63  }
0x23: {  	_ =	swait.ge [sflag:s12], $0x12000  }
0x24: {  	s20 =	simm.s32 $0x120;
	s19 =	simm.s32 $0x90;
	[sflag:s12] =	ssyncset.done $0x0  }
.LBB2_2:
0x25: {  	s21 =	sadd.s32 s19, s10  }
0x26: {  	[sflag:s12] =	ssyncadd.s32 $0xFFFEE000;
	s22 =	smov.u32 s20;
	s23 =	sadd.s32 $0x90, s20  }
0x27: {  	[tilespmem:s13], [sflag:$0x2] =	stream.linear.gather [hbm4b:s21+s4], $0x480, $0x38;
	[tilespmem:$0x1C900] =	vst v63  }
0x28: {  	p0 =	sne.s32 s20, $0x480;
	_ =	swait.ge [sflag:s12], $0x480  }
0x29: {  	[sflag:s12] =	ssyncset.done $0x0  }
0x2a: {  	s20 =	sadd.s32 s19, s9;
	s19 =	smov.u32 s22;
	[sflag:s12] =	ssyncadd.s32 $0xFFFFFB80  }
0x2b: {  	[tilespmem:s14], [sflag:$0x2] =	stream.linear.gather [hbm4b:s20+s4], $0x480, $0x38;
	[tilespmem:$0x1C900] =	vst v63  }
0x2c: {  	_ =	swait.ge [sflag:s12], $0x480  }
0x2d: {  	[sflag:s12] =	ssyncset.done $0x0  }
0x2e: {  	[sflag:s12] =	ssyncadd.s32 $0xFFFFFB80  }
0x2f: {  	[tilespmem:s16], [sflag:$0x1] =	stream.indirect.gather [hbm4b:s1+s15], $0x40, s13, s15, $0xb8;
	[tilespmem:$0x1C900] =	vst v63  }
0x30: {  	_ =	swait.ge [sflag:s17], $0x12000  }
.Ltmp0:
0x31: {  	[sflag:s17] =	ssyncset.done $0x0;
	(pc) =	sbr.rel @p0 .LBB2_2-.Ltmp0, $4  }
0x32: {  	[sflag:s17] =	ssyncadd.s32 $0xFFFEE000  }
0x33: {  	[spmem:s3] =	stream.indirect.scatter.add.f32 [tilespmem:s16], [sflag:$0x2], $0x40, s14, s15, $0xb8;
	[tilespmem:$0x1C900] =	vst v63  }
0x34: {  	_ =	swait.ge [sflag:s12], $0x12000  }
0x35: {  	s20 =	smov.u32 s23;
	[sflag:s12] =	ssyncset.done $0x0  }
0x36: {  	s20 =	sadd.s32 s19, s10;
	[sflag:s12] =	ssyncadd.s32 $0xFFFEE000  }
0x37: {  	[tilespmem:s13], [sflag:$0x2] =	stream.linear.gather [hbm4b:s20+s4], $0x480, $0x38;
	[tilespmem:$0x1C900] =	vst v63  }
0x38: {  	_ =	swait.ge [sflag:s12], $0x480  }
0x39: {  	[sflag:s12] =	ssyncset.done $0x0  }
0x3a: {  	s31 =	sadd.s32 s19, s9;
	[sflag:s12] =	ssyncadd.s32 $0xFFFFFB80  }
0x3b: {  	[tilespmem:s14], [sflag:$0x2] =	stream.linear.gather [hbm4b:s31+s4], $0x480, $0x38;
	[tilespmem:$0x1C900] =	vst v63  }
0x3c: {  	_ =	swait.ge [sflag:s12], $0x480  }
0x3d: {  	[sflag:s12] =	ssyncset.done $0x0  }
0x3e: {  	[sflag:s12] =	ssyncadd.s32 $0xFFFFFB80  }
0x3f: {  	[tilespmem:s16], [sflag:$0x1] =	stream.indirect.gather [hbm4b:s1+s15], $0x40, s13, s15, $0xb8;
	[tilespmem:$0x1C900] =	vst v63  }
0x40: {  	_ =	swait.ge [sflag:s17], $0x12000  }
0x41: {  	[sflag:s17] =	ssyncset.done $0x0  }
0x42: {  	[sflag:s17] =	ssyncadd.s32 $0xFFFEE000  }
0x43: {  	[spmem:s3] =	stream.indirect.scatter.add.f32 [tilespmem:s16], [sflag:$0x2], $0x40, s14, s15, $0xb8;
	[tilespmem:$0x1C900] =	vst v63  }
0x44: {  	_ =	swait.ge [sflag:s12], $0x12000  }
0x45: {  	s18 =	sadd.s32 $0x1, s18;
	[sflag:s12] =	ssyncset.done $0x0  }
0x46: {  	p0 =	sne.s32 s18, s8;
	[sflag:s12] =	ssyncadd.s32 $0xFFFEE000  }
.Ltmp1:
0x47: {  	[bflag:$0x0] =	sbarrier.arrive $0xFFFF;
	(pc) =	sbr.rel @p0 .LBB2_1-.Ltmp1, $4  }
0x48: {  	[hbm:s7], [sflag:s6] =	dma.local [spmem:s11], $0x1400  }
0x49: {  	_ =	swait.ge [sflag:s12], $0x1400  }
0x4a: {  	[sflag:s12] =	ssyncset.done $0x0  }
0x4b: {  	[sflag:s12] =	ssyncadd.s32 $0xFFFFEC00  }
0x4c: {  	_ =	sfence.sel $0x180000  }
0x4d: {  	[bflag:$0x0] =	sbarrier.arrive $0xFFFF  }
0x4e: {  	p0 =	sne.s32 s0, $0x0;
	_ =	strace $0x9000004A  }
0x4f: {  	s0 =	sadd.s32 @!p0 $0x100000, s2;
	[bflag:$0x2] =	sbarrier.arrive $0xFFFF  }
0x50: {  	[sflag:s0] =	ssyncadd.tile.s32 @!p0 $0x1;
	_ =	shalt  }
.Lfunc_end2:
_tile_overlayer_lowered:
.L_overlay_start_2:
0x51: {  	(tag) =	ssettag $0x2  }
0x52: {  	s0 =	rddreg [dreg:$0x0];
	s2 =	stileid.u32  }
0x53: {  	s1 =	rddreg [dreg:$0x1];
	p0 =	sne.s32 s2, $0x0  }
0x54: {  	s3 =	rddreg [dreg:$0x2];
	[bflag:$0x3] =	sbarrier.arrive $0xFFFF;
	s2 =	simm.s32 @!p0 $0x1C02  }
0x55: {  	[timem:s3], [sflag:s2] =	dma.local @!p0 [hbm:s0], s1  }
0x56: {  	s0 =	simm.s32 @!p0 $0x2  }
0x57: {  	_ =	swait.ge @!p0 [sflag:s0], s1  }
0x58: {  	s1 =	ssub.s32 @!p0 $0x0, s1;
	[sflag:s0] =	ssyncset.done @!p0 $0x0  }
0x59: {  	[sflag:s0] =	ssyncadd.s32 @!p0 s1  }
0x5a: {  	[bflag:$0x3] =	sbarrier.arrive $0xFFFF  }
0x5b: {  	_ =	shalt  }

// kernel: kernel.39.cloned.1.call-start
scs
__scs_entry_jumppad:
0x0: {  	(pc) =	sbr.rel $0x88, $3  }
0x1: {  	(tag) =	ssettag $0x0;
	lr =	simm.s32 $0x1  }
0x2: {  	[smem:$0x3F8F] =	sst lr;
	_ =	strace $0xD0000000  }
0x3: {  	_ = 	snop  }
0x4: {  	_ = 	snop  }
0x5: {  	_ = 	snop  }
0x6: {  	_ = 	snop  }
0x7: {  	_ = 	snop  }
__scs_overlays_trampoline_lowered:
0x8: {  	[smem:$0x3F9E] =	sst s0  }
0x9: {  	[smem:$0x3F9F] =	sst s1  }
0xa: {  	[smem:$0x3FA0] =	sst s2  }
0xb: {  	[smem:$0x3FA1] =	sst s3  }
0xc: {  	[smem:$0x3FA2] =	sst s4  }
0xd: {  	[smem:$0x3FA3] =	sst s5  }
0xe: {  	[smem:$0x3FA4] =	sst s6  }
0xf: {  	[smem:$0x3FA5] =	sst s7  }
0x10: {  	[smem:$0x3FA6] =	sst s8  }
0x11: {  	[smem:$0x3FA7] =	sst s9;
	s0 =	simm.s32 @!p0 $0x0  }
0x12: {  	s1 =	sld [smem:$0x3F8D];
	s0 =	simm.s32 @p0 $0x1  }
0x13: {  	[smem:$0x3FA8] =	sst s0;
	s0 =	simm.s32 @!p1 $0x0  }
0x14: {  	s2 =	sld [smem:$0x3F8C];
	s0 =	simm.s32 @p1 $0x1  }
0x15: {  	[smem:$0x3FA9] =	sst s0;
	s0 =	simm.s32 @!p2 $0x0  }
0x16: {  	s3 =	sld [smem:$0x3FDB];
	s0 =	simm.s32 @p2 $0x1  }
0x17: {  	s4 =	simm.s32 $0x1BF5;
	[smem:$0x3FAB] =	sst s0  }
0x18: {  	s0 =	sld [smem:$0x3F8E];
	_ =	swait.ge [sflag:s4], $0x0  }
0x19: {  	s7 =	sld [smem:$0x3F8F]  }
0x1a: {  	s8 =	sadd.s32 $0xFFFFE003, lr  }
0x1b: {  	s9 =	sadd.s32 $0xFFFFFEF7, lr;
	s5 =	simm.s32 $0xFFFFFFFF;
	p2 =	slt.u32 s8, $0xFFFFF086  }
0x1c: {  	p1 =	slt.u32 s9, $0xF7A;
	s5 =	simm.s32 @!p2 $0x0  }
0x1d: {  	s5 =	simm.s32 @p1 $0x1;
	p0 =	seq.s32 s7, s2  }
0x1e: {  	s7 =	smul.u32 @!p0 $0xF7A, s2;
	p2 =	seq.s32 @!p0 s5, $0x0  }
0x1f: {  	s9 =	smul.u32 $0xF7A, s1;
	s8 =	simm.s32 @!p0 $0x1BF5;
	p2 =	por !p2, p0  }
0x20: {  	[sflag:s8] =	ssyncset.s32 @!p0 $0xFFFFF086;
	s6 =	sadd.s32 @!p0 s3, s7;
	s7 =	simm.s32 @!p0 $0x108  }
0x21: {  	s3 =	sadd.s32 s3, s9;
	s6 =	sadd.s32 @!p0 $0x88, s6;
	s7 =	simm.s32 @p2 $0x1082  }
0x22: {  	[simem:s7], [sflag:s8] =	dma.local @!p0 [hbm:s6], $0xF7A  }
0x23: {  	s9 =	sor.u32 $0xD0000000, s2;
	s6 =	simm.s32 $0x108;
	_ =	swait.ge @!p0 [sflag:s8], $0x0  }
0x24: {  	s3 =	sadd.s32 $0x88, s3;
	s6 =	simm.s32 @!p1 $0x1082;
	[sflag:s4] =	ssyncset.s32 $0xFFFFF086  }
0x25: {  	[simem:s6], [sflag:s4] =	dma.local [hbm:s3], $0xF7A  }
0x26: {  	[smem:$0x3F8F] =	sst s1;
	(tag) =	ssettag s2;
	_ =	strace s9  }
0x27: {  	s1 =	sld [smem:$0x3F9F]  }
0x28: {  	s2 =	sld [smem:$0x3FA0]  }
0x29: {  	s4 =	sld [smem:$0x3FA2]  }
0x2a: {  	p0 =	seq.s32 s5, $0x0;
	s5 =	sld [smem:$0x3FA3]  }
0x2b: {  	s6 =	sld [smem:$0x3FA4]  }
0x2c: {  	s7 =	sld [smem:$0x3FA5]  }
0x2d: {  	s3 =	simm.s32 $0x108;
	s8 =	sld [smem:$0x3FA6]  }
0x2e: {  	s3 =	simm.s32 @!p0 $0x1082;
	s9 =	sld [smem:$0x3FA7]  }
0x2f: {  	lr =	sadd.s32 s0, s3;
	s0 =	sld [smem:$0x3F9E]  }
0x30: {  	s3 =	sld [smem:$0x3FA1]  }
0x31: {  	[smem:$0x3FAA] =	sst s10  }
0x32: {  	s10 =	sld [smem:$0x3FA8];
	_ =	sdelay $0x3  }
0x33: {  	p0 =	seq.s32 s10, $0x1;
	s10 =	sld [smem:$0x3FAA];
	_ =	sdelay $0x3  }
0x34: {  	[smem:$0x3FAA] =	sst s10  }
0x35: {  	s10 =	sld [smem:$0x3FA9];
	_ =	sdelay $0x3  }
0x36: {  	p1 =	seq.s32 s10, $0x1;
	s10 =	sld [smem:$0x3FAA];
	_ =	sdelay $0x3  }
0x37: {  	[smem:$0x3FAA] =	sst s10  }
0x38: {  	s10 =	sld [smem:$0x3FAB]  }
0x39: {  	_ = 	snop;
	(pc) =	sbr.ind lr, $3  }
0x3a: {  	_ = 	snop  }
0x3b: {  	_ = 	snop  }
0x3c: {  	p2 =	seq.s32 s10, $0x1;
	s10 =	sld [smem:$0x3FAA]  }
0x3d: {  	_ =	shalt  }
0x3e: {  	_ =	shalt  }
0x3f: {  	_ =	shalt  }
0x40: {  	_ =	shalt  }
0x41: {  	_ =	shalt  }
0x42: {  	_ =	shalt  }
0x43: {  	_ =	shalt  }
0x44: {  	_ =	shalt  }
0x45: {  	_ =	shalt  }
0x46: {  	_ =	shalt  }
0x47: {  	_ =	shalt  }
0x48: {  	_ =	shalt  }
0x49: {  	_ =	shalt  }
0x4a: {  	_ =	shalt  }
0x4b: {  	_ =	shalt  }
0x4c: {  	_ =	shalt  }
0x4d: {  	_ =	shalt  }
0x4e: {  	_ =	shalt  }
0x4f: {  	_ =	shalt  }
0x50: {  	_ =	shalt  }
0x51: {  	_ =	shalt  }
0x52: {  	_ =	shalt  }
0x53: {  	_ =	shalt  }
0x54: {  	_ =	shalt  }
0x55: {  	_ =	shalt  }
0x56: {  	_ =	shalt  }
0x57: {  	_ =	shalt  }
0x58: {  	_ =	shalt  }
0x59: {  	_ =	shalt  }
0x5a: {  	_ =	shalt  }
0x5b: {  	_ =	shalt  }
0x5c: {  	_ =	shalt  }
0x5d: {  	_ =	shalt  }
0x5e: {  	_ =	shalt  }
0x5f: {  	_ =	shalt  }
0x60: {  	_ =	shalt  }
0x61: {  	_ =	shalt  }
0x62: {  	_ =	shalt  }
0x63: {  	_ =	shalt  }
0x64: {  	_ =	shalt  }
0x65: {  	_ =	shalt  }
0x66: {  	_ =	shalt  }
0x67: {  	_ =	shalt  }
0x68: {  	_ =	shalt  }
0x69: {  	_ =	shalt  }
0x6a: {  	_ =	shalt  }
0x6b: {  	_ =	shalt  }
0x6c: {  	_ =	shalt  }
0x6d: {  	_ =	shalt  }
0x6e: {  	_ =	shalt  }
0x6f: {  	_ =	shalt  }
0x70: {  	_ =	shalt  }
0x71: {  	_ =	shalt  }
0x72: {  	_ =	shalt  }
0x73: {  	_ =	shalt  }
0x74: {  	_ =	shalt  }
0x75: {  	_ =	shalt  }
0x76: {  	_ =	shalt  }
0x77: {  	_ =	shalt  }
0x78: {  	_ =	shalt  }
0x79: {  	_ =	shalt  }
0x7a: {  	_ =	shalt  }
0x7b: {  	_ =	shalt  }
0x7c: {  	_ =	shalt  }
0x7d: {  	_ =	shalt  }
0x7e: {  	_ =	shalt  }
0x7f: {  	_ =	shalt  }
0x80: {  	_ =	shalt  }
0x81: {  	_ =	shalt  }
0x82: {  	_ =	shalt  }
0x83: {  	_ =	shalt  }
0x84: {  	_ =	shalt  }
0x85: {  	_ =	shalt  }
0x86: {  	_ =	shalt  }
0x87: {  	_ =	shalt  }
.Lfunc_end0:
.L_simem_size_0:
called_computation.2_lowered:
.L_overlay_start_0:
0x88: {  	s2 =	sld [smem:$0x3FD9]  }
0x89: {  	s3 =	sld [smem:$0x3FFE];
	_ =	sdelay $0x1  }
0x8a: {  	s1 =	srdreg.scid  }
0x8b: {  	s0 =	sand.u32 $0x1, s1  }
0x8c: {  	s17 =	sshll.u32 s0, $0xA;
	s2 =	sadd.s32 s3, s2  }
0x8d: {  	s2 =	sadd.s32 s2, s17  }
0x8e: {  	[smem:$0x3FB6] =	sst s2  }
0x8f: {  	_ = 	snop  }
0x90: {  	s2 =	sld [smem:$0x3FD0];
	(tm) =	ssettm $0x1  }
0x91: {  	s18 =	sld [smem:$0x3FFB];
	_ =	sdelay $0x3  }
0x92: {  	_ =	strace s18  }
0x93: {  	s3 =	sld [smem:$0x3FFC];
	_ =	sdelay $0x3  }
0x94: {  	_ =	strace s3  }
0x95: {  	s3 =	sld [smem:$0x3FFD];
	_ =	sdelay $0x3  }
0x96: {  	_ =	strace s3  }
0x97: {  	_ =	strace $0x8FFFFFFF  }
0x98: {  	s19 =	sld [smem:$0x3FDB];
	_ =	sdelay $0x1  }
0x99: {  	s4 =	simm.s32 $_scs_section_size  }
0x9a: {  	s5 =	simm.s32 $_size__tile_overlayer_lowered;
	s6 =	simm.s32 $_tile_overlayer_lowered  }
0x9b: {  	s22 =	simm.s32 $0x1BFF;
	s21 =	sshll.u32 s6, $0x1;
	s3 =	sadd.s32 s4, s19  }
0x9c: {  	s7 =	simm.s32 $0x0;
	s20 =	sshll.u32 s5, $0x1;
	s5 =	sadd.s32 s21, s3  }
0x9d: {  	[timem:s7], [sflag:s22] =	dma.local [hbm:s5], s20  }
0x9e: {  	_ =	swait.ge [sflag:s22], s20  }
0x9f: {  	s4 =	ssub.s32 $0x0, s20;
	[sflag:s22] =	ssyncset.done $0x0  }
0xa0: {  	[sflag:s22] =	ssyncadd.s32 s4;
	_ =	sdelay $0x1  }
0xa1: {  	s23 =	simm.s32 $0x1B8B  }
0xa2: {  	_ =	swait.ge [sflag:s23], $0x1  }
0xa3: {  	[sflag:s23] =	ssyncset.done $0x0  }
0xa4: {  	s25 =	simm.s32 $0x1B8E;
	s24 =	sld [smem:$0x3FFE];
	[sflag:s23] =	ssyncadd.s32 $0xFFFFFFFF  }
0xa5: {  	s26 =	simm.s32 $execute0_lowered;
	[smem:$0x3FD2] =	sst s25  }
0xa6: {  	s5 =	sshll.u32 s26, $0x1;
	_ =	strace $0x8000004C;
	[dreg:$0x1] =	wrdreg $0xFFFFFFFF  }
0xa7: {  	s28 =	simm.s32 $_size_execute0_lowered;
	s3 =	sadd.s32 s3, s5;
	[dreg:$0x0] =	wrdreg $0x0  }
0xa8: {  	s5 =	sshll.u32 s28, $0x1;
	[dreg:$0x2] =	wrdreg s3  }
0xa9: {  	[dreg:$0x3] =	wrdreg s5  }
0xaa: {  	[dreg:$0x4] =	wrdreg $0xC0  }
0xab: {  	_ =	task [dreg:s7], $0x5FFFF  }
0xac: {  	[dreg:$0x1] =	wrdreg $0xFFFFFFFF  }
0xad: {  	[dreg:$0x0] =	wrdreg $0x60  }
0xae: {  	[dreg:$0x2] =	wrdreg s2  }
0xaf: {  	[dreg:$0x3] =	wrdreg s24  }
0xb0: {  	[dreg:$0x4] =	wrdreg $0x0  }
0xb1: {  	[dreg:$0x5] =	wrdreg $0x9  }
0xb2: {  	_ =	task.clear_ibuf [dreg:s7], $0x6FFFF;
	_ =	strace $0x9000004C  }
0xb3: {  	s29 =	simm.s32 $0x9;
	_ =	strace $0x8000004E  }
0xb4: {  	_ =	swait.ge [sflag:s29], $0x1  }
0xb5: {  	[sflag:s29] =	ssyncadd.s32 $0xFFFFFFFF  }
0xb6: {  	_ =	strace $0x9000004E  }
0xb7: {  	_ =	sfence  }
0xb8: {  	s30 =	sld [smem:$0x0];
	_ =	sdelay $0x2  }
0xb9: {  	s31 =	sshll.u32 s1, $0xD;
	s1 =	sshrl.u32 s1, $0x2  }
0xba: {  	s3 =	sand.u32 $0x4000, s31;
	s1 =	sadd.s32 s1, s30  }
0xbb: {  	s0 =	sor.u32 s3, s0;
	s1 =	sshll.u32 s1, $0x11  }
0xbc: {  	s0 =	sor.u32 s1, s0  }
0xbd: {  	s0 =	sadd.s32 $0x8F2B, s0  }
0xbe: {  	[sflag:s0] =	ssyncadd.remote.s32 $0x1  }
0xbf: {  	_ =	sfence.sel $0xFFFF  }
0xc0: {  	[dreg:$0x0] =	wrdreg $0xFFFFFFFF;
	(pc) =	sbr.abs _section_cstart, $3  }
0xc1: {  	[dreg:$0x1] =	wrdreg $0xFFFFFFFF  }
0xc2: {  	_ =	task.clear_ibuf [dreg:s7], $0x2FFFF;
	_ =	strace $0x9FFFFFFF  }
0xc3: {  	(tm) =	ssettm $0x7FFFFFFF  }
tec
execute0_lowered:
.L_overlay_start_1:
0x0: {  	(tag) =	ssettag $0x1  }
0x1: {  	s1 =	rddreg [dreg:$0x0]  }
0x2: {  	s5 =	rddreg [dreg:$0x1]  }
0x3: {  	s3 =	rddreg [dreg:$0x2]  }
0x4: {  	s0 =	srdreg.scid;
	s2 =	rddreg [dreg:$0x3]  }
0x5: {  	s4 =	simm.s32 $0x0;
	s13 =	simm.s32 $0xA000;
	s6 =	sand.u32 $0x1, s0  }
0x6: {  	s14 =	simm.s32 $0xA480;
	s0 =	stileid.u32;
	s7 =	smul.u32 $0x28800, s6  }
0x7: {  	s15 =	simm.s32 $0x480;
	s16 =	simm.s32 $0xA900;
	s8 =	smul.u32 $0x2880, s0  }
0x8: {  	s17 =	simm.s32 $0x1;
	s18 =	simm.s32 $0x0;
	s29 =	smul.u32 $0xA000, s0  }
0x9: {  	[smem:$0x7FF] =	sst s4;
	s9 =	smul.u32 $0xA0000, s6;
	s6 =	ssub.s32 $0x2, s6  }
0xa: {  	_ =	strace $0x8000004D;
	s31 =	sshll.u32 s0, $0x6;
	s11 =	sshrl.u32 s6, $0x1  }
0xb: {  	s7 =	sadd.s32 s8, s7;
	s30 =	sshrl.u32 s29, $0x3;
	s9 =	sadd.s32 s29, s9  }
0xc: {  	s11 =	ssub.s32 s6, s11;
	s12 =	sadd.s32 s29, s3;
	s6 =	sor.u32 $0x1C02, s31  }
0xd: {  	s7 =	sshrl.u32 s7, $0x3;
	s9 =	sshrl.u32 s9, $0x3;
	s8 =	smax.u32 s11, $0x1  }
0xe: {  	s11 =	sshrl.u32 s12, $0x3;
	s10 =	sadd.s32 s7, s5;
	s7 =	sadd.s32 s30, s5  }
0xf: {  	s12 =	simm.s32 $0x2;
	s9 =	sadd.s32 s9, s5;
	s5 =	sadd.s32 $0x1BE00, s7  }
0x10: {  	s7 =	sadd.s32 $0x2FE00, s9;
	s9 =	sadd.s32 $0x7A00, s10;
	s10 =	sadd.s32 $0x11C00, s10  }
.LBB2_1:
0x11: {  	[spmem:s11], [sflag:s6] =	dma.local [hbm:s5], $0x1400  }
0x12: {  	_ =	swait.ge [sflag:s12], $0x1400  }
0x13: {  	[sflag:s12] =	ssyncset.done $0x0  }
0x14: {  	[sflag:s12] =	ssyncadd.s32 $0xFFFFEC00  }
0x15: {  	s19 =	sadd.s32 $0x0, s10;
	[bflag:$0x0] =	sbarrier.arrive $0xFFFF  }
0x16: {  	[tilespmem:s13], [sflag:$0x2] =	stream.linear.gather [hbm4b:s19+s4], $0x480, $0x38;
	[tilespmem:$0x1C900] =	vst v63  }
0x17: {  	_ =	swait.ge [sflag:s12], $0x480  }
0x18: {  	[sflag:s12] =	ssyncset.done $0x0  }
0x19: {  	s31 =	sadd.s32 $0x0, s9;
	[sflag:s12] =	ssyncadd.s32 $0xFFFFFB80  }
0x1a: {  	[tilespmem:s14], [sflag:$0x2] =	stream.linear.gather [hbm4b:s31+s4], $0x480, $0x38;
	[tilespmem:$0x1C900] =	vst v63  }
0x1b: {  	_ =	swait.ge [sflag:s12], $0x480  }
0x1c: {  	[sflag:s12] =	ssyncset.done $0x0  }
0x1d: {  	[sflag:s12] =	ssyncadd.s32 $0xFFFFFB80  }
0x1e: {  	[tilespmem:s16], [sflag:$0x1] =	stream.indirect.gather [hbm4b:s1+s15], $0x40, s13, s15, $0xb8;
	[tilespmem:$0x1C900] =	vst v63  }
0x1f: {  	_ =	swait.ge [sflag:s17], $0x12000  }
0x20: {  	[sflag:s17] =	ssyncset.done $0x0  }
0x21: {  	[sflag:s17] =	ssyncadd.s32 $0xFFFEE000  }
0x22: {  	[spmem:s3] =	stream.indirect.scatter.add.f32 [tilespmem:s16], [sflag:$0x2], $0x40, s14, s15, $0xb8;
	[tilespmem:$0x1C900] =	vst v63  }
0x23: {  	_ =	swait.ge [sflag:s12], $0x12000  }
0x24: {  	s20 =	simm.s32 $0x120;
	s19 =	simm.s32 $0x90;
	[sflag:s12] =	ssyncset.done $0x0  }
.LBB2_2:
0x25: {  	s21 =	sadd.s32 s19, s10  }
0x26: {  	[sflag:s12] =	ssyncadd.s32 $0xFFFEE000;
	s22 =	smov.u32 s20;
	s23 =	sadd.s32 $0x90, s20  }
0x27: {  	[tilespmem:s13], [sflag:$0x2] =	stream.linear.gather [hbm4b:s21+s4], $0x480, $0x38;
	[tilespmem:$0x1C900] =	vst v63  }
0x28: {  	p0 =	sne.s32 s20, $0x480;
	_ =	swait.ge [sflag:s12], $0x480  }
0x29: {  	[sflag:s12] =	ssyncset.done $0x0  }
0x2a: {  	s20 =	sadd.s32 s19, s9;
	s19 =	smov.u32 s22;
	[sflag:s12] =	ssyncadd.s32 $0xFFFFFB80  }
0x2b: {  	[tilespmem:s14], [sflag:$0x2] =	stream.linear.gather [hbm4b:s20+s4], $0x480, $0x38;
	[tilespmem:$0x1C900] =	vst v63  }
0x2c: {  	_ =	swait.ge [sflag:s12], $0x480  }
0x2d: {  	[sflag:s12] =	ssyncset.done $0x0  }
0x2e: {  	[sflag:s12] =	ssyncadd.s32 $0xFFFFFB80  }
0x2f: {  	[tilespmem:s16], [sflag:$0x1] =	stream.indirect.gather [hbm4b:s1+s15], $0x40, s13, s15, $0xb8;
	[tilespmem:$0x1C900] =	vst v63  }
0x30: {  	_ =	swait.ge [sflag:s17], $0x12000  }
.Ltmp0:
0x31: {  	[sflag:s17] =	ssyncset.done $0x0;
	(pc) =	sbr.rel @p0 .LBB2_2-.Ltmp0, $4  }
0x32: {  	[sflag:s17] =	ssyncadd.s32 $0xFFFEE000  }
0x33: {  	[spmem:s3] =	stream.indirect.scatter.add.f32 [tilespmem:s16], [sflag:$0x2], $0x40, s14, s15, $0xb8;
	[tilespmem:$0x1C900] =	vst v63  }
0x34: {  	_ =	swait.ge [sflag:s12], $0x12000  }
0x35: {  	s20 =	smov.u32 s23;
	[sflag:s12] =	ssyncset.done $0x0  }
0x36: {  	s20 =	sadd.s32 s19, s10;
	[sflag:s12] =	ssyncadd.s32 $0xFFFEE000  }
0x37: {  	[tilespmem:s13], [sflag:$0x2] =	stream.linear.gather [hbm4b:s20+s4], $0x480, $0x38;
	[tilespmem:$0x1C900] =	vst v63  }
0x38: {  	_ =	swait.ge [sflag:s12], $0x480  }
0x39: {  	[sflag:s12] =	ssyncset.done $0x0  }
0x3a: {  	s31 =	sadd.s32 s19, s9;
	[sflag:s12] =	ssyncadd.s32 $0xFFFFFB80  }
0x3b: {  	[tilespmem:s14], [sflag:$0x2] =	stream.linear.gather [hbm4b:s31+s4], $0x480, $0x38;
	[tilespmem:$0x1C900] =	vst v63  }
0x3c: {  	_ =	swait.ge [sflag:s12], $0x480  }
0x3d: {  	[sflag:s12] =	ssyncset.done $0x0  }
0x3e: {  	[sflag:s12] =	ssyncadd.s32 $0xFFFFFB80  }
0x3f: {  	[tilespmem:s16], [sflag:$0x1] =	stream.indirect.gather [hbm4b:s1+s15], $0x40, s13, s15, $0xb8;
	[tilespmem:$0x1C900] =	vst v63  }
0x40: {  	_ =	swait.ge [sflag:s17], $0x12000  }
0x41: {  	[sflag:s17] =	ssyncset.done $0x0  }
0x42: {  	[sflag:s17] =	ssyncadd.s32 $0xFFFEE000  }
0x43: {  	[spmem:s3] =	stream.indirect.scatter.add.f32 [tilespmem:s16], [sflag:$0x2], $0x40, s14, s15, $0xb8;
	[tilespmem:$0x1C900] =	vst v63  }
0x44: {  	_ =	swait.ge [sflag:s12], $0x12000  }
0x45: {  	s18 =	sadd.s32 $0x1, s18;
	[sflag:s12] =	ssyncset.done $0x0  }
0x46: {  	p0 =	sne.s32 s18, s8;
	[sflag:s12] =	ssyncadd.s32 $0xFFFEE000  }
.Ltmp1:
0x47: {  	[bflag:$0x0] =	sbarrier.arrive $0xFFFF;
	(pc) =	sbr.rel @p0 .LBB2_1-.Ltmp1, $4  }
0x48: {  	[hbm:s7], [sflag:s6] =	dma.local [spmem:s11], $0x1400  }
0x49: {  	_ =	swait.ge [sflag:s12], $0x1400  }
0x4a: {  	[sflag:s12] =	ssyncset.done $0x0  }
0x4b: {  	[sflag:s12] =	ssyncadd.s32 $0xFFFFEC00  }
0x4c: {  	_ =	sfence.sel $0x180000  }
0x4d: {  	[bflag:$0x0] =	sbarrier.arrive $0xFFFF  }
0x4e: {  	p0 =	sne.s32 s0, $0x0;
	_ =	strace $0x9000004D  }
0x4f: {  	s0 =	sadd.s32 @!p0 $0x100000, s2;
	[bflag:$0x2] =	sbarrier.arrive $0xFFFF  }
0x50: {  	[sflag:s0] =	ssyncadd.tile.s32 @!p0 $0x1;
	_ =	shalt  }
.Lfunc_end2:
_tile_overlayer_lowered:
.L_overlay_start_2:
0x51: {  	(tag) =	ssettag $0x2  }
0x52: {  	s0 =	rddreg [dreg:$0x0];
	s2 =	stileid.u32  }
0x53: {  	s1 =	rddreg [dreg:$0x1];
	p0 =	sne.s32 s2, $0x0  }
0x54: {  	s3 =	rddreg [dreg:$0x2];
	[bflag:$0x3] =	sbarrier.arrive $0xFFFF;
	s2 =	simm.s32 @!p0 $0x1C02  }
0x55: {  	[timem:s3], [sflag:s2] =	dma.local @!p0 [hbm:s0], s1  }
0x56: {  	s0 =	simm.s32 @!p0 $0x2  }
0x57: {  	_ =	swait.ge @!p0 [sflag:s0], s1  }
0x58: {  	s1 =	ssub.s32 @!p0 $0x0, s1;
	[sflag:s0] =	ssyncset.done @!p0 $0x0  }
0x59: {  	[sflag:s0] =	ssyncadd.s32 @!p0 s1  }
0x5a: {  	[bflag:$0x3] =	sbarrier.arrive $0xFFFF  }
0x5b: {  	_ =	shalt  }

// kernel: kernel.42.cloned.1.call-start
scs
__scs_entry_jumppad:
0x0: {  	(pc) =	sbr.rel $0x88, $3  }
0x1: {  	(tag) =	ssettag $0x0;
	lr =	simm.s32 $0x1  }
0x2: {  	[smem:$0x3F8F] =	sst lr;
	_ =	strace $0xD0000000  }
0x3: {  	_ = 	snop  }
0x4: {  	_ = 	snop  }
0x5: {  	_ = 	snop  }
0x6: {  	_ = 	snop  }
0x7: {  	_ = 	snop  }
__scs_overlays_trampoline_lowered:
0x8: {  	[smem:$0x3F9E] =	sst s0  }
0x9: {  	[smem:$0x3F9F] =	sst s1  }
0xa: {  	[smem:$0x3FA0] =	sst s2  }
0xb: {  	[smem:$0x3FA1] =	sst s3  }
0xc: {  	[smem:$0x3FA2] =	sst s4  }
0xd: {  	[smem:$0x3FA3] =	sst s5  }
0xe: {  	[smem:$0x3FA4] =	sst s6  }
0xf: {  	[smem:$0x3FA5] =	sst s7  }
0x10: {  	[smem:$0x3FA6] =	sst s8  }
0x11: {  	[smem:$0x3FA7] =	sst s9;
	s0 =	simm.s32 @!p0 $0x0  }
0x12: {  	s1 =	sld [smem:$0x3F8D];
	s0 =	simm.s32 @p0 $0x1  }
0x13: {  	[smem:$0x3FA8] =	sst s0;
	s0 =	simm.s32 @!p1 $0x0  }
0x14: {  	s2 =	sld [smem:$0x3F8C];
	s0 =	simm.s32 @p1 $0x1  }
0x15: {  	[smem:$0x3FA9] =	sst s0;
	s0 =	simm.s32 @!p2 $0x0  }
0x16: {  	s3 =	sld [smem:$0x3FDB];
	s0 =	simm.s32 @p2 $0x1  }
0x17: {  	s4 =	simm.s32 $0x1BF5;
	[smem:$0x3FAB] =	sst s0  }
0x18: {  	s0 =	sld [smem:$0x3F8E];
	_ =	swait.ge [sflag:s4], $0x0  }
0x19: {  	s7 =	sld [smem:$0x3F8F]  }
0x1a: {  	s8 =	sadd.s32 $0xFFFFE003, lr  }
0x1b: {  	s9 =	sadd.s32 $0xFFFFFEF7, lr;
	s5 =	simm.s32 $0xFFFFFFFF;
	p2 =	slt.u32 s8, $0xFFFFF086  }
0x1c: {  	p1 =	slt.u32 s9, $0xF7A;
	s5 =	simm.s32 @!p2 $0x0  }
0x1d: {  	s5 =	simm.s32 @p1 $0x1;
	p0 =	seq.s32 s7, s2  }
0x1e: {  	s7 =	smul.u32 @!p0 $0xF7A, s2;
	p2 =	seq.s32 @!p0 s5, $0x0  }
0x1f: {  	s9 =	smul.u32 $0xF7A, s1;
	s8 =	simm.s32 @!p0 $0x1BF5;
	p2 =	por !p2, p0  }
0x20: {  	[sflag:s8] =	ssyncset.s32 @!p0 $0xFFFFF086;
	s6 =	sadd.s32 @!p0 s3, s7;
	s7 =	simm.s32 @!p0 $0x108  }
0x21: {  	s3 =	sadd.s32 s3, s9;
	s6 =	sadd.s32 @!p0 $0x88, s6;
	s7 =	simm.s32 @p2 $0x1082  }
0x22: {  	[simem:s7], [sflag:s8] =	dma.local @!p0 [hbm:s6], $0xF7A  }
0x23: {  	s9 =	sor.u32 $0xD0000000, s2;
	s6 =	simm.s32 $0x108;
	_ =	swait.ge @!p0 [sflag:s8], $0x0  }
0x24: {  	s3 =	sadd.s32 $0x88, s3;
	s6 =	simm.s32 @!p1 $0x1082;
	[sflag:s4] =	ssyncset.s32 $0xFFFFF086  }
0x25: {  	[simem:s6], [sflag:s4] =	dma.local [hbm:s3], $0xF7A  }
0x26: {  	[smem:$0x3F8F] =	sst s1;
	(tag) =	ssettag s2;
	_ =	strace s9  }
0x27: {  	s1 =	sld [smem:$0x3F9F]  }
0x28: {  	s2 =	sld [smem:$0x3FA0]  }
0x29: {  	s4 =	sld [smem:$0x3FA2]  }
0x2a: {  	p0 =	seq.s32 s5, $0x0;
	s5 =	sld [smem:$0x3FA3]  }
0x2b: {  	s6 =	sld [smem:$0x3FA4]  }
0x2c: {  	s7 =	sld [smem:$0x3FA5]  }
0x2d: {  	s3 =	simm.s32 $0x108;
	s8 =	sld [smem:$0x3FA6]  }
0x2e: {  	s3 =	simm.s32 @!p0 $0x1082;
	s9 =	sld [smem:$0x3FA7]  }
0x2f: {  	lr =	sadd.s32 s0, s3;
	s0 =	sld [smem:$0x3F9E]  }
0x30: {  	s3 =	sld [smem:$0x3FA1]  }
0x31: {  	[smem:$0x3FAA] =	sst s10  }
0x32: {  	s10 =	sld [smem:$0x3FA8];
	_ =	sdelay $0x3  }
0x33: {  	p0 =	seq.s32 s10, $0x1;
	s10 =	sld [smem:$0x3FAA];
	_ =	sdelay $0x3  }
0x34: {  	[smem:$0x3FAA] =	sst s10  }
0x35: {  	s10 =	sld [smem:$0x3FA9];
	_ =	sdelay $0x3  }
0x36: {  	p1 =	seq.s32 s10, $0x1;
	s10 =	sld [smem:$0x3FAA];
	_ =	sdelay $0x3  }
0x37: {  	[smem:$0x3FAA] =	sst s10  }
0x38: {  	s10 =	sld [smem:$0x3FAB]  }
0x39: {  	_ = 	snop;
	(pc) =	sbr.ind lr, $3  }
0x3a: {  	_ = 	snop  }
0x3b: {  	_ = 	snop  }
0x3c: {  	p2 =	seq.s32 s10, $0x1;
	s10 =	sld [smem:$0x3FAA]  }
0x3d: {  	_ =	shalt  }
0x3e: {  	_ =	shalt  }
0x3f: {  	_ =	shalt  }
0x40: {  	_ =	shalt  }
0x41: {  	_ =	shalt  }
0x42: {  	_ =	shalt  }
0x43: {  	_ =	shalt  }
0x44: {  	_ =	shalt  }
0x45: {  	_ =	shalt  }
0x46: {  	_ =	shalt  }
0x47: {  	_ =	shalt  }
0x48: {  	_ =	shalt  }
0x49: {  	_ =	shalt  }
0x4a: {  	_ =	shalt  }
0x4b: {  	_ =	shalt  }
0x4c: {  	_ =	shalt  }
0x4d: {  	_ =	shalt  }
0x4e: {  	_ =	shalt  }
0x4f: {  	_ =	shalt  }
0x50: {  	_ =	shalt  }
0x51: {  	_ =	shalt  }
0x52: {  	_ =	shalt  }
0x53: {  	_ =	shalt  }
0x54: {  	_ =	shalt  }
0x55: {  	_ =	shalt  }
0x56: {  	_ =	shalt  }
0x57: {  	_ =	shalt  }
0x58: {  	_ =	shalt  }
0x59: {  	_ =	shalt  }
0x5a: {  	_ =	shalt  }
0x5b: {  	_ =	shalt  }
0x5c: {  	_ =	shalt  }
0x5d: {  	_ =	shalt  }
0x5e: {  	_ =	shalt  }
0x5f: {  	_ =	shalt  }
0x60: {  	_ =	shalt  }
0x61: {  	_ =	shalt  }
0x62: {  	_ =	shalt  }
0x63: {  	_ =	shalt  }
0x64: {  	_ =	shalt  }
0x65: {  	_ =	shalt  }
0x66: {  	_ =	shalt  }
0x67: {  	_ =	shalt  }
0x68: {  	_ =	shalt  }
0x69: {  	_ =	shalt  }
0x6a: {  	_ =	shalt  }
0x6b: {  	_ =	shalt  }
0x6c: {  	_ =	shalt  }
0x6d: {  	_ =	shalt  }
0x6e: {  	_ =	shalt  }
0x6f: {  	_ =	shalt  }
0x70: {  	_ =	shalt  }
0x71: {  	_ =	shalt  }
0x72: {  	_ =	shalt  }
0x73: {  	_ =	shalt  }
0x74: {  	_ =	shalt  }
0x75: {  	_ =	shalt  }
0x76: {  	_ =	shalt  }
0x77: {  	_ =	shalt  }
0x78: {  	_ =	shalt  }
0x79: {  	_ =	shalt  }
0x7a: {  	_ =	shalt  }
0x7b: {  	_ =	shalt  }
0x7c: {  	_ =	shalt  }
0x7d: {  	_ =	shalt  }
0x7e: {  	_ =	shalt  }
0x7f: {  	_ =	shalt  }
0x80: {  	_ =	shalt  }
0x81: {  	_ =	shalt  }
0x82: {  	_ =	shalt  }
0x83: {  	_ =	shalt  }
0x84: {  	_ =	shalt  }
0x85: {  	_ =	shalt  }
0x86: {  	_ =	shalt  }
0x87: {  	_ =	shalt  }
.Lfunc_end0:
.L_simem_size_0:
called_computation.3_lowered:
.L_overlay_start_0:
0x88: {  	s2 =	sld [smem:$0x3FD9]  }
0x89: {  	s3 =	sld [smem:$0x3FFE];
	_ =	sdelay $0x1  }
0x8a: {  	s1 =	srdreg.scid  }
0x8b: {  	s0 =	sand.u32 $0x1, s1  }
0x8c: {  	s17 =	sshll.u32 s0, $0xA;
	s2 =	sadd.s32 s3, s2  }
0x8d: {  	s2 =	sadd.s32 s2, s17  }
0x8e: {  	[smem:$0x3FB6] =	sst s2  }
0x8f: {  	_ = 	snop  }
0x90: {  	s2 =	sld [smem:$0x3FD0];
	(tm) =	ssettm $0x1  }
0x91: {  	s18 =	sld [smem:$0x3FFB];
	_ =	sdelay $0x3  }
0x92: {  	_ =	strace s18  }
0x93: {  	s3 =	sld [smem:$0x3FFC];
	_ =	sdelay $0x3  }
0x94: {  	_ =	strace s3  }
0x95: {  	s3 =	sld [smem:$0x3FFD];
	_ =	sdelay $0x3  }
0x96: {  	_ =	strace s3  }
0x97: {  	_ =	strace $0x8FFFFFFF  }
0x98: {  	s19 =	sld [smem:$0x3FDB];
	_ =	sdelay $0x1  }
0x99: {  	s4 =	simm.s32 $_scs_section_size  }
0x9a: {  	s5 =	simm.s32 $_size__tile_overlayer_lowered;
	s6 =	simm.s32 $_tile_overlayer_lowered  }
0x9b: {  	s22 =	simm.s32 $0x1BFF;
	s21 =	sshll.u32 s6, $0x1;
	s3 =	sadd.s32 s4, s19  }
0x9c: {  	s7 =	simm.s32 $0x0;
	s20 =	sshll.u32 s5, $0x1;
	s5 =	sadd.s32 s21, s3  }
0x9d: {  	[timem:s7], [sflag:s22] =	dma.local [hbm:s5], s20  }
0x9e: {  	_ =	swait.ge [sflag:s22], s20  }
0x9f: {  	s4 =	ssub.s32 $0x0, s20;
	[sflag:s22] =	ssyncset.done $0x0  }
0xa0: {  	[sflag:s22] =	ssyncadd.s32 s4;
	_ =	sdelay $0x1  }
0xa1: {  	s23 =	simm.s32 $0x1B8B  }
0xa2: {  	_ =	swait.ge [sflag:s23], $0x1  }
0xa3: {  	[sflag:s23] =	ssyncset.done $0x0  }
0xa4: {  	s25 =	simm.s32 $0x1B8E;
	s24 =	sld [smem:$0x3FFE];
	[sflag:s23] =	ssyncadd.s32 $0xFFFFFFFF  }
0xa5: {  	s26 =	simm.s32 $execute0_lowered;
	[smem:$0x3FD2] =	sst s25  }
0xa6: {  	s5 =	sshll.u32 s26, $0x1;
	_ =	strace $0x8000004F;
	[dreg:$0x1] =	wrdreg $0xFFFFFFFF  }
0xa7: {  	s28 =	simm.s32 $_size_execute0_lowered;
	s3 =	sadd.s32 s3, s5;
	[dreg:$0x0] =	wrdreg $0x0  }
0xa8: {  	s5 =	sshll.u32 s28, $0x1;
	[dreg:$0x2] =	wrdreg s3  }
0xa9: {  	[dreg:$0x3] =	wrdreg s5  }
0xaa: {  	[dreg:$0x4] =	wrdreg $0xC0  }
0xab: {  	_ =	task [dreg:s7], $0x5FFFF  }
0xac: {  	[dreg:$0x1] =	wrdreg $0xFFFFFFFF  }
0xad: {  	[dreg:$0x0] =	wrdreg $0x60  }
0xae: {  	[dreg:$0x2] =	wrdreg s2  }
0xaf: {  	[dreg:$0x3] =	wrdreg s24  }
0xb0: {  	[dreg:$0x4] =	wrdreg $0x0  }
0xb1: {  	[dreg:$0x5] =	wrdreg $0x9  }
0xb2: {  	_ =	task.clear_ibuf [dreg:s7], $0x6FFFF;
	_ =	strace $0x9000004F  }
0xb3: {  	s29 =	simm.s32 $0x9;
	_ =	strace $0x80000051  }
0xb4: {  	_ =	swait.ge [sflag:s29], $0x1  }
0xb5: {  	[sflag:s29] =	ssyncadd.s32 $0xFFFFFFFF  }
0xb6: {  	_ =	strace $0x90000051  }
0xb7: {  	_ =	sfence  }
0xb8: {  	s30 =	sld [smem:$0x0];
	_ =	sdelay $0x2  }
0xb9: {  	s31 =	sshll.u32 s1, $0xD;
	s1 =	sshrl.u32 s1, $0x2  }
0xba: {  	s3 =	sand.u32 $0x4000, s31;
	s1 =	sadd.s32 s1, s30  }
0xbb: {  	s0 =	sor.u32 s3, s0;
	s1 =	sshll.u32 s1, $0x11  }
0xbc: {  	s0 =	sor.u32 s1, s0  }
0xbd: {  	s0 =	sadd.s32 $0x8F2B, s0  }
0xbe: {  	[sflag:s0] =	ssyncadd.remote.s32 $0x1  }
0xbf: {  	_ =	sfence.sel $0xFFFF  }
0xc0: {  	[dreg:$0x0] =	wrdreg $0xFFFFFFFF;
	(pc) =	sbr.abs _section_cstart, $3  }
0xc1: {  	[dreg:$0x1] =	wrdreg $0xFFFFFFFF  }
0xc2: {  	_ =	task.clear_ibuf [dreg:s7], $0x2FFFF;
	_ =	strace $0x9FFFFFFF  }
0xc3: {  	(tm) =	ssettm $0x7FFFFFFF  }
tec
execute0_lowered:
.L_overlay_start_1:
0x0: {  	(tag) =	ssettag $0x1  }
0x1: {  	s1 =	rddreg [dreg:$0x0]  }
0x2: {  	s5 =	rddreg [dreg:$0x1]  }
0x3: {  	s3 =	rddreg [dreg:$0x2]  }
0x4: {  	s0 =	srdreg.scid;
	s2 =	rddreg [dreg:$0x3]  }
0x5: {  	s4 =	simm.s32 $0x0;
	s13 =	simm.s32 $0xA000;
	s6 =	sand.u32 $0x1, s0  }
0x6: {  	s14 =	simm.s32 $0xA480;
	s0 =	stileid.u32;
	s7 =	smul.u32 $0x28800, s6  }
0x7: {  	s15 =	simm.s32 $0x480;
	s16 =	simm.s32 $0xA900;
	s8 =	smul.u32 $0x2880, s0  }
0x8: {  	s17 =	simm.s32 $0x1;
	s18 =	simm.s32 $0x0;
	s29 =	smul.u32 $0xA000, s0  }
0x9: {  	[smem:$0x7FF] =	sst s4;
	s9 =	smul.u32 $0xA0000, s6;
	s6 =	ssub.s32 $0x2, s6  }
0xa: {  	_ =	strace $0x80000050;
	s31 =	sshll.u32 s0, $0x6;
	s11 =	sshrl.u32 s6, $0x1  }
0xb: {  	s7 =	sadd.s32 s8, s7;
	s30 =	sshrl.u32 s29, $0x3;
	s9 =	sadd.s32 s29, s9  }
0xc: {  	s11 =	ssub.s32 s6, s11;
	s12 =	sadd.s32 s29, s3;
	s6 =	sor.u32 $0x1C02, s31  }
0xd: {  	s7 =	sshrl.u32 s7, $0x3;
	s9 =	sshrl.u32 s9, $0x3;
	s8 =	smax.u32 s11, $0x1  }
0xe: {  	s11 =	sshrl.u32 s12, $0x3;
	s10 =	sadd.s32 s7, s5;
	s7 =	sadd.s32 s30, s5  }
0xf: {  	s12 =	simm.s32 $0x2;
	s9 =	sadd.s32 s9, s5;
	s5 =	sadd.s32 $0x1BE00, s7  }
0x10: {  	s7 =	sadd.s32 $0x2FE00, s9;
	s9 =	sadd.s32 $0x7A00, s10;
	s10 =	sadd.s32 $0x11C00, s10  }
.LBB2_1:
0x11: {  	[spmem:s11], [sflag:s6] =	dma.local [hbm:s5], $0x1400  }
0x12: {  	_ =	swait.ge [sflag:s12], $0x1400  }
0x13: {  	[sflag:s12] =	ssyncset.done $0x0  }
0x14: {  	[sflag:s12] =	ssyncadd.s32 $0xFFFFEC00  }
0x15: {  	s19 =	sadd.s32 $0x0, s10;
	[bflag:$0x0] =	sbarrier.arrive $0xFFFF  }
0x16: {  	[tilespmem:s13], [sflag:$0x2] =	stream.linear.gather [hbm4b:s19+s4], $0x480, $0x38;
	[tilespmem:$0x1C900] =	vst v63  }
0x17: {  	_ =	swait.ge [sflag:s12], $0x480  }
0x18: {  	[sflag:s12] =	ssyncset.done $0x0  }
0x19: {  	s31 =	sadd.s32 $0x0, s9;
	[sflag:s12] =	ssyncadd.s32 $0xFFFFFB80  }
0x1a: {  	[tilespmem:s14], [sflag:$0x2] =	stream.linear.gather [hbm4b:s31+s4], $0x480, $0x38;
	[tilespmem:$0x1C900] =	vst v63  }
0x1b: {  	_ =	swait.ge [sflag:s12], $0x480  }
0x1c: {  	[sflag:s12] =	ssyncset.done $0x0  }
0x1d: {  	[sflag:s12] =	ssyncadd.s32 $0xFFFFFB80  }
0x1e: {  	[tilespmem:s16], [sflag:$0x1] =	stream.indirect.gather [hbm4b:s1+s15], $0x40, s13, s15, $0xb8;
	[tilespmem:$0x1C900] =	vst v63  }
0x1f: {  	_ =	swait.ge [sflag:s17], $0x12000  }
0x20: {  	[sflag:s17] =	ssyncset.done $0x0  }
0x21: {  	[sflag:s17] =	ssyncadd.s32 $0xFFFEE000  }
0x22: {  	[spmem:s3] =	stream.indirect.scatter.add.f32 [tilespmem:s16], [sflag:$0x2], $0x40, s14, s15, $0xb8;
	[tilespmem:$0x1C900] =	vst v63  }
0x23: {  	_ =	swait.ge [sflag:s12], $0x12000  }
0x24: {  	s20 =	simm.s32 $0x120;
	s19 =	simm.s32 $0x90;
	[sflag:s12] =	ssyncset.done $0x0  }
.LBB2_2:
0x25: {  	s21 =	sadd.s32 s19, s10  }
0x26: {  	[sflag:s12] =	ssyncadd.s32 $0xFFFEE000;
	s22 =	smov.u32 s20;
	s23 =	sadd.s32 $0x90, s20  }
0x27: {  	[tilespmem:s13], [sflag:$0x2] =	stream.linear.gather [hbm4b:s21+s4], $0x480, $0x38;
	[tilespmem:$0x1C900] =	vst v63  }
0x28: {  	p0 =	sne.s32 s20, $0x480;
	_ =	swait.ge [sflag:s12], $0x480  }
0x29: {  	[sflag:s12] =	ssyncset.done $0x0  }
0x2a: {  	s20 =	sadd.s32 s19, s9;
	s19 =	smov.u32 s22;
	[sflag:s12] =	ssyncadd.s32 $0xFFFFFB80  }
0x2b: {  	[tilespmem:s14], [sflag:$0x2] =	stream.linear.gather [hbm4b:s20+s4], $0x480, $0x38;
	[tilespmem:$0x1C900] =	vst v63  }
0x2c: {  	_ =	swait.ge [sflag:s12], $0x480  }
0x2d: {  	[sflag:s12] =	ssyncset.done $0x0  }
0x2e: {  	[sflag:s12] =	ssyncadd.s32 $0xFFFFFB80  }
0x2f: {  	[tilespmem:s16], [sflag:$0x1] =	stream.indirect.gather [hbm4b:s1+s15], $0x40, s13, s15, $0xb8;
	[tilespmem:$0x1C900] =	vst v63  }
0x30: {  	_ =	swait.ge [sflag:s17], $0x12000  }
.Ltmp0:
0x31: {  	[sflag:s17] =	ssyncset.done $0x0;
	(pc) =	sbr.rel @p0 .LBB2_2-.Ltmp0, $4  }
0x32: {  	[sflag:s17] =	ssyncadd.s32 $0xFFFEE000  }
0x33: {  	[spmem:s3] =	stream.indirect.scatter.add.f32 [tilespmem:s16], [sflag:$0x2], $0x40, s14, s15, $0xb8;
	[tilespmem:$0x1C900] =	vst v63  }
0x34: {  	_ =	swait.ge [sflag:s12], $0x12000  }
0x35: {  	s20 =	smov.u32 s23;
	[sflag:s12] =	ssyncset.done $0x0  }
0x36: {  	s20 =	sadd.s32 s19, s10;
	[sflag:s12] =	ssyncadd.s32 $0xFFFEE000  }
0x37: {  	[tilespmem:s13], [sflag:$0x2] =	stream.linear.gather [hbm4b:s20+s4], $0x480, $0x38;
	[tilespmem:$0x1C900] =	vst v63  }
0x38: {  	_ =	swait.ge [sflag:s12], $0x480  }
0x39: {  	[sflag:s12] =	ssyncset.done $0x0  }
0x3a: {  	s31 =	sadd.s32 s19, s9;
	[sflag:s12] =	ssyncadd.s32 $0xFFFFFB80  }
0x3b: {  	[tilespmem:s14], [sflag:$0x2] =	stream.linear.gather [hbm4b:s31+s4], $0x480, $0x38;
	[tilespmem:$0x1C900] =	vst v63  }
0x3c: {  	_ =	swait.ge [sflag:s12], $0x480  }
0x3d: {  	[sflag:s12] =	ssyncset.done $0x0  }
0x3e: {  	[sflag:s12] =	ssyncadd.s32 $0xFFFFFB80  }
0x3f: {  	[tilespmem:s16], [sflag:$0x1] =	stream.indirect.gather [hbm4b:s1+s15], $0x40, s13, s15, $0xb8;
	[tilespmem:$0x1C900] =	vst v63  }
0x40: {  	_ =	swait.ge [sflag:s17], $0x12000  }
0x41: {  	[sflag:s17] =	ssyncset.done $0x0  }
0x42: {  	[sflag:s17] =	ssyncadd.s32 $0xFFFEE000  }
0x43: {  	[spmem:s3] =	stream.indirect.scatter.add.f32 [tilespmem:s16], [sflag:$0x2], $0x40, s14, s15, $0xb8;
	[tilespmem:$0x1C900] =	vst v63  }
0x44: {  	_ =	swait.ge [sflag:s12], $0x12000  }
0x45: {  	s18 =	sadd.s32 $0x1, s18;
	[sflag:s12] =	ssyncset.done $0x0  }
0x46: {  	p0 =	sne.s32 s18, s8;
	[sflag:s12] =	ssyncadd.s32 $0xFFFEE000  }
.Ltmp1:
0x47: {  	[bflag:$0x0] =	sbarrier.arrive $0xFFFF;
	(pc) =	sbr.rel @p0 .LBB2_1-.Ltmp1, $4  }
0x48: {  	[hbm:s7], [sflag:s6] =	dma.local [spmem:s11], $0x1400  }
0x49: {  	_ =	swait.ge [sflag:s12], $0x1400  }
0x4a: {  	[sflag:s12] =	ssyncset.done $0x0  }
0x4b: {  	[sflag:s12] =	ssyncadd.s32 $0xFFFFEC00  }
0x4c: {  	_ =	sfence.sel $0x180000  }
0x4d: {  	[bflag:$0x0] =	sbarrier.arrive $0xFFFF  }
0x4e: {  	p0 =	sne.s32 s0, $0x0;
	_ =	strace $0x90000050  }
0x4f: {  	s0 =	sadd.s32 @!p0 $0x100000, s2;
	[bflag:$0x2] =	sbarrier.arrive $0xFFFF  }
0x50: {  	[sflag:s0] =	ssyncadd.tile.s32 @!p0 $0x1;
	_ =	shalt  }
.Lfunc_end2:
_tile_overlayer_lowered:
.L_overlay_start_2:
0x51: {  	(tag) =	ssettag $0x2  }
0x52: {  	s0 =	rddreg [dreg:$0x0];
	s2 =	stileid.u32  }
0x53: {  	s1 =	rddreg [dreg:$0x1];
	p0 =	sne.s32 s2, $0x0  }
0x54: {  	s3 =	rddreg [dreg:$0x2];
	[bflag:$0x3] =	sbarrier.arrive $0xFFFF;
	s2 =	simm.s32 @!p0 $0x1C02  }
0x55: {  	[timem:s3], [sflag:s2] =	dma.local @!p0 [hbm:s0], s1  }
0x56: {  	s0 =	simm.s32 @!p0 $0x2  }
0x57: {  	_ =	swait.ge @!p0 [sflag:s0], s1  }
0x58: {  	s1 =	ssub.s32 @!p0 $0x0, s1;
	[sflag:s0] =	ssyncset.done @!p0 $0x0  }
0x59: {  	[sflag:s0] =	ssyncadd.s32 @!p0 s1  }
0x5a: {  	[bflag:$0x3] =	sbarrier.arrive $0xFFFF  }
0x5b: {  	_ =	shalt  }

// kernel: kernel.45.cloned.1.call-start
scs
__scs_entry_jumppad:
0x0: {  	(pc) =	sbr.rel $0x88, $3  }
0x1: {  	(tag) =	ssettag $0x0;
	lr =	simm.s32 $0x1  }
0x2: {  	[smem:$0x3F8F] =	sst lr;
	_ =	strace $0xD0000000  }
0x3: {  	_ = 	snop  }
0x4: {  	_ = 	snop  }
0x5: {  	_ = 	snop  }
0x6: {  	_ = 	snop  }
0x7: {  	_ = 	snop  }
__scs_overlays_trampoline_lowered:
0x8: {  	[smem:$0x3F9E] =	sst s0  }
0x9: {  	[smem:$0x3F9F] =	sst s1  }
0xa: {  	[smem:$0x3FA0] =	sst s2  }
0xb: {  	[smem:$0x3FA1] =	sst s3  }
0xc: {  	[smem:$0x3FA2] =	sst s4  }
0xd: {  	[smem:$0x3FA3] =	sst s5  }
0xe: {  	[smem:$0x3FA4] =	sst s6  }
0xf: {  	[smem:$0x3FA5] =	sst s7  }
0x10: {  	[smem:$0x3FA6] =	sst s8  }
0x11: {  	[smem:$0x3FA7] =	sst s9;
	s0 =	simm.s32 @!p0 $0x0  }
0x12: {  	s1 =	sld [smem:$0x3F8D];
	s0 =	simm.s32 @p0 $0x1  }
0x13: {  	[smem:$0x3FA8] =	sst s0;
	s0 =	simm.s32 @!p1 $0x0  }
0x14: {  	s2 =	sld [smem:$0x3F8C];
	s0 =	simm.s32 @p1 $0x1  }
0x15: {  	[smem:$0x3FA9] =	sst s0;
	s0 =	simm.s32 @!p2 $0x0  }
0x16: {  	s3 =	sld [smem:$0x3FDB];
	s0 =	simm.s32 @p2 $0x1  }
0x17: {  	s4 =	simm.s32 $0x1BF5;
	[smem:$0x3FAB] =	sst s0  }
0x18: {  	s0 =	sld [smem:$0x3F8E];
	_ =	swait.ge [sflag:s4], $0x0  }
0x19: {  	s7 =	sld [smem:$0x3F8F]  }
0x1a: {  	s8 =	sadd.s32 $0xFFFFE003, lr  }
0x1b: {  	s9 =	sadd.s32 $0xFFFFFEF7, lr;
	s5 =	simm.s32 $0xFFFFFFFF;
	p2 =	slt.u32 s8, $0xFFFFF086  }
0x1c: {  	p1 =	slt.u32 s9, $0xF7A;
	s5 =	simm.s32 @!p2 $0x0  }
0x1d: {  	s5 =	simm.s32 @p1 $0x1;
	p0 =	seq.s32 s7, s2  }
0x1e: {  	s7 =	smul.u32 @!p0 $0xF7A, s2;
	p2 =	seq.s32 @!p0 s5, $0x0  }
0x1f: {  	s9 =	smul.u32 $0xF7A, s1;
	s8 =	simm.s32 @!p0 $0x1BF5;
	p2 =	por !p2, p0  }
0x20: {  	[sflag:s8] =	ssyncset.s32 @!p0 $0xFFFFF086;
	s6 =	sadd.s32 @!p0 s3, s7;
	s7 =	simm.s32 @!p0 $0x108  }
0x21: {  	s3 =	sadd.s32 s3, s9;
	s6 =	sadd.s32 @!p0 $0x88, s6;
	s7 =	simm.s32 @p2 $0x1082  }
0x22: {  	[simem:s7], [sflag:s8] =	dma.local @!p0 [hbm:s6], $0xF7A  }
0x23: {  	s9 =	sor.u32 $0xD0000000, s2;
	s6 =	simm.s32 $0x108;
	_ =	swait.ge @!p0 [sflag:s8], $0x0  }
0x24: {  	s3 =	sadd.s32 $0x88, s3;
	s6 =	simm.s32 @!p1 $0x1082;
	[sflag:s4] =	ssyncset.s32 $0xFFFFF086  }
0x25: {  	[simem:s6], [sflag:s4] =	dma.local [hbm:s3], $0xF7A  }
0x26: {  	[smem:$0x3F8F] =	sst s1;
	(tag) =	ssettag s2;
	_ =	strace s9  }
0x27: {  	s1 =	sld [smem:$0x3F9F]  }
0x28: {  	s2 =	sld [smem:$0x3FA0]  }
0x29: {  	s4 =	sld [smem:$0x3FA2]  }
0x2a: {  	p0 =	seq.s32 s5, $0x0;
	s5 =	sld [smem:$0x3FA3]  }
0x2b: {  	s6 =	sld [smem:$0x3FA4]  }
0x2c: {  	s7 =	sld [smem:$0x3FA5]  }
0x2d: {  	s3 =	simm.s32 $0x108;
	s8 =	sld [smem:$0x3FA6]  }
0x2e: {  	s3 =	simm.s32 @!p0 $0x1082;
	s9 =	sld [smem:$0x3FA7]  }
0x2f: {  	lr =	sadd.s32 s0, s3;
	s0 =	sld [smem:$0x3F9E]  }
0x30: {  	s3 =	sld [smem:$0x3FA1]  }
0x31: {  	[smem:$0x3FAA] =	sst s10  }
0x32: {  	s10 =	sld [smem:$0x3FA8];
	_ =	sdelay $0x3  }
0x33: {  	p0 =	seq.s32 s10, $0x1;
	s10 =	sld [smem:$0x3FAA];
	_ =	sdelay $0x3  }
0x34: {  	[smem:$0x3FAA] =	sst s10  }
0x35: {  	s10 =	sld [smem:$0x3FA9];
	_ =	sdelay $0x3  }
0x36: {  	p1 =	seq.s32 s10, $0x1;
	s10 =	sld [smem:$0x3FAA];
	_ =	sdelay $0x3  }
0x37: {  	[smem:$0x3FAA] =	sst s10  }
0x38: {  	s10 =	sld [smem:$0x3FAB]  }
0x39: {  	_ = 	snop;
	(pc) =	sbr.ind lr, $3  }
0x3a: {  	_ = 	snop  }
0x3b: {  	_ = 	snop  }
0x3c: {  	p2 =	seq.s32 s10, $0x1;
	s10 =	sld [smem:$0x3FAA]  }
0x3d: {  	_ =	shalt  }
0x3e: {  	_ =	shalt  }
0x3f: {  	_ =	shalt  }
0x40: {  	_ =	shalt  }
0x41: {  	_ =	shalt  }
0x42: {  	_ =	shalt  }
0x43: {  	_ =	shalt  }
0x44: {  	_ =	shalt  }
0x45: {  	_ =	shalt  }
0x46: {  	_ =	shalt  }
0x47: {  	_ =	shalt  }
0x48: {  	_ =	shalt  }
0x49: {  	_ =	shalt  }
0x4a: {  	_ =	shalt  }
0x4b: {  	_ =	shalt  }
0x4c: {  	_ =	shalt  }
0x4d: {  	_ =	shalt  }
0x4e: {  	_ =	shalt  }
0x4f: {  	_ =	shalt  }
0x50: {  	_ =	shalt  }
0x51: {  	_ =	shalt  }
0x52: {  	_ =	shalt  }
0x53: {  	_ =	shalt  }
0x54: {  	_ =	shalt  }
0x55: {  	_ =	shalt  }
0x56: {  	_ =	shalt  }
0x57: {  	_ =	shalt  }
0x58: {  	_ =	shalt  }
0x59: {  	_ =	shalt  }
0x5a: {  	_ =	shalt  }
0x5b: {  	_ =	shalt  }
0x5c: {  	_ =	shalt  }
0x5d: {  	_ =	shalt  }
0x5e: {  	_ =	shalt  }
0x5f: {  	_ =	shalt  }
0x60: {  	_ =	shalt  }
0x61: {  	_ =	shalt  }
0x62: {  	_ =	shalt  }
0x63: {  	_ =	shalt  }
0x64: {  	_ =	shalt  }
0x65: {  	_ =	shalt  }
0x66: {  	_ =	shalt  }
0x67: {  	_ =	shalt  }
0x68: {  	_ =	shalt  }
0x69: {  	_ =	shalt  }
0x6a: {  	_ =	shalt  }
0x6b: {  	_ =	shalt  }
0x6c: {  	_ =	shalt  }
0x6d: {  	_ =	shalt  }
0x6e: {  	_ =	shalt  }
0x6f: {  	_ =	shalt  }
0x70: {  	_ =	shalt  }
0x71: {  	_ =	shalt  }
0x72: {  	_ =	shalt  }
0x73: {  	_ =	shalt  }
0x74: {  	_ =	shalt  }
0x75: {  	_ =	shalt  }
0x76: {  	_ =	shalt  }
0x77: {  	_ =	shalt  }
0x78: {  	_ =	shalt  }
0x79: {  	_ =	shalt  }
0x7a: {  	_ =	shalt  }
0x7b: {  	_ =	shalt  }
0x7c: {  	_ =	shalt  }
0x7d: {  	_ =	shalt  }
0x7e: {  	_ =	shalt  }
0x7f: {  	_ =	shalt  }
0x80: {  	_ =	shalt  }
0x81: {  	_ =	shalt  }
0x82: {  	_ =	shalt  }
0x83: {  	_ =	shalt  }
0x84: {  	_ =	shalt  }
0x85: {  	_ =	shalt  }
0x86: {  	_ =	shalt  }
0x87: {  	_ =	shalt  }
.Lfunc_end0:
.L_simem_size_0:
called_computation.4_lowered:
.L_overlay_start_0:
0x88: {  	s2 =	sld [smem:$0x3FD9]  }
0x89: {  	s3 =	sld [smem:$0x3FFE];
	_ =	sdelay $0x1  }
0x8a: {  	s1 =	srdreg.scid  }
0x8b: {  	s0 =	sand.u32 $0x1, s1  }
0x8c: {  	s17 =	sshll.u32 s0, $0xA;
	s2 =	sadd.s32 s3, s2  }
0x8d: {  	s2 =	sadd.s32 s2, s17  }
0x8e: {  	[smem:$0x3FB6] =	sst s2  }
0x8f: {  	_ = 	snop  }
0x90: {  	s2 =	sld [smem:$0x3FD0];
	(tm) =	ssettm $0x1  }
0x91: {  	s18 =	sld [smem:$0x3FFB];
	_ =	sdelay $0x3  }
0x92: {  	_ =	strace s18  }
0x93: {  	s3 =	sld [smem:$0x3FFC];
	_ =	sdelay $0x3  }
0x94: {  	_ =	strace s3  }
0x95: {  	s3 =	sld [smem:$0x3FFD];
	_ =	sdelay $0x3  }
0x96: {  	_ =	strace s3  }
0x97: {  	_ =	strace $0x8FFFFFFF  }
0x98: {  	s19 =	sld [smem:$0x3FDB];
	_ =	sdelay $0x1  }
0x99: {  	s4 =	simm.s32 $_scs_section_size  }
0x9a: {  	s5 =	simm.s32 $_size__tile_overlayer_lowered;
	s6 =	simm.s32 $_tile_overlayer_lowered  }
0x9b: {  	s22 =	simm.s32 $0x1BFF;
	s21 =	sshll.u32 s6, $0x1;
	s3 =	sadd.s32 s4, s19  }
0x9c: {  	s7 =	simm.s32 $0x0;
	s20 =	sshll.u32 s5, $0x1;
	s5 =	sadd.s32 s21, s3  }
0x9d: {  	[timem:s7], [sflag:s22] =	dma.local [hbm:s5], s20  }
0x9e: {  	_ =	swait.ge [sflag:s22], s20  }
0x9f: {  	s4 =	ssub.s32 $0x0, s20;
	[sflag:s22] =	ssyncset.done $0x0  }
0xa0: {  	[sflag:s22] =	ssyncadd.s32 s4;
	_ =	sdelay $0x1  }
0xa1: {  	s23 =	simm.s32 $0x1B8B  }
0xa2: {  	_ =	swait.ge [sflag:s23], $0x1  }
0xa3: {  	[sflag:s23] =	ssyncset.done $0x0  }
0xa4: {  	s25 =	simm.s32 $0x1B8E;
	s24 =	sld [smem:$0x3FFE];
	[sflag:s23] =	ssyncadd.s32 $0xFFFFFFFF  }
0xa5: {  	s26 =	simm.s32 $execute0_lowered;
	[smem:$0x3FD2] =	sst s25  }
0xa6: {  	s5 =	sshll.u32 s26, $0x1;
	_ =	strace $0x80000052;
	[dreg:$0x1] =	wrdreg $0xFFFFFFFF  }
0xa7: {  	s28 =	simm.s32 $_size_execute0_lowered;
	s3 =	sadd.s32 s3, s5;
	[dreg:$0x0] =	wrdreg $0x0  }
0xa8: {  	s5 =	sshll.u32 s28, $0x1;
	[dreg:$0x2] =	wrdreg s3  }
0xa9: {  	[dreg:$0x3] =	wrdreg s5  }
0xaa: {  	[dreg:$0x4] =	wrdreg $0xC0  }
0xab: {  	_ =	task [dreg:s7], $0x5FFFF  }
0xac: {  	[dreg:$0x1] =	wrdreg $0xFFFFFFFF  }
0xad: {  	[dreg:$0x0] =	wrdreg $0x60  }
0xae: {  	[dreg:$0x2] =	wrdreg s2  }
0xaf: {  	[dreg:$0x3] =	wrdreg s24  }
0xb0: {  	[dreg:$0x4] =	wrdreg $0x0  }
0xb1: {  	[dreg:$0x5] =	wrdreg $0x9  }
0xb2: {  	_ =	task.clear_ibuf [dreg:s7], $0x6FFFF;
	_ =	strace $0x90000052  }
0xb3: {  	s29 =	simm.s32 $0x9;
	_ =	strace $0x80000054  }
0xb4: {  	_ =	swait.ge [sflag:s29], $0x1  }
0xb5: {  	[sflag:s29] =	ssyncadd.s32 $0xFFFFFFFF  }
0xb6: {  	_ =	strace $0x90000054  }
0xb7: {  	_ =	sfence  }
0xb8: {  	s30 =	sld [smem:$0x0];
	_ =	sdelay $0x2  }
0xb9: {  	s31 =	sshll.u32 s1, $0xD;
	s1 =	sshrl.u32 s1, $0x2  }
0xba: {  	s3 =	sand.u32 $0x4000, s31;
	s1 =	sadd.s32 s1, s30  }
0xbb: {  	s0 =	sor.u32 s3, s0;
	s1 =	sshll.u32 s1, $0x11  }
0xbc: {  	s0 =	sor.u32 s1, s0  }
0xbd: {  	s0 =	sadd.s32 $0x8F2B, s0  }
0xbe: {  	[sflag:s0] =	ssyncadd.remote.s32 $0x1  }
0xbf: {  	_ =	sfence.sel $0xFFFF  }
0xc0: {  	[dreg:$0x0] =	wrdreg $0xFFFFFFFF;
	(pc) =	sbr.abs _section_cstart, $3  }
0xc1: {  	[dreg:$0x1] =	wrdreg $0xFFFFFFFF  }
0xc2: {  	_ =	task.clear_ibuf [dreg:s7], $0x2FFFF;
	_ =	strace $0x9FFFFFFF  }
0xc3: {  	(tm) =	ssettm $0x7FFFFFFF  }
tec
execute0_lowered:
.L_overlay_start_1:
0x0: {  	(tag) =	ssettag $0x1  }
0x1: {  	s1 =	rddreg [dreg:$0x0]  }
0x2: {  	s5 =	rddreg [dreg:$0x1]  }
0x3: {  	s3 =	rddreg [dreg:$0x2]  }
0x4: {  	s0 =	srdreg.scid;
	s2 =	rddreg [dreg:$0x3]  }
0x5: {  	s4 =	simm.s32 $0x0;
	s13 =	simm.s32 $0xA000;
	s6 =	sand.u32 $0x1, s0  }
0x6: {  	s14 =	simm.s32 $0xA480;
	s0 =	stileid.u32;
	s7 =	smul.u32 $0x28800, s6  }
0x7: {  	s15 =	simm.s32 $0x480;
	s16 =	simm.s32 $0xA900;
	s8 =	smul.u32 $0x2880, s0  }
0x8: {  	s17 =	simm.s32 $0x1;
	s18 =	simm.s32 $0x0;
	s29 =	smul.u32 $0xA000, s0  }
0x9: {  	[smem:$0x7FF] =	sst s4;
	s9 =	smul.u32 $0xA0000, s6;
	s6 =	ssub.s32 $0x2, s6  }
0xa: {  	_ =	strace $0x80000053;
	s31 =	sshll.u32 s0, $0x6;
	s11 =	sshrl.u32 s6, $0x1  }
0xb: {  	s7 =	sadd.s32 s8, s7;
	s30 =	sshrl.u32 s29, $0x3;
	s9 =	sadd.s32 s29, s9  }
0xc: {  	s11 =	ssub.s32 s6, s11;
	s12 =	sadd.s32 s29, s3;
	s6 =	sor.u32 $0x1C02, s31  }
0xd: {  	s7 =	sshrl.u32 s7, $0x3;
	s9 =	sshrl.u32 s9, $0x3;
	s8 =	smax.u32 s11, $0x1  }
0xe: {  	s11 =	sshrl.u32 s12, $0x3;
	s10 =	sadd.s32 s7, s5;
	s7 =	sadd.s32 s30, s5  }
0xf: {  	s12 =	simm.s32 $0x2;
	s9 =	sadd.s32 s9, s5;
	s5 =	sadd.s32 $0x1BE00, s7  }
0x10: {  	s7 =	sadd.s32 $0x2FE00, s9;
	s9 =	sadd.s32 $0x7A00, s10;
	s10 =	sadd.s32 $0x11C00, s10  }
.LBB2_1:
0x11: {  	[spmem:s11], [sflag:s6] =	dma.local [hbm:s5], $0x1400  }
0x12: {  	_ =	swait.ge [sflag:s12], $0x1400  }
0x13: {  	[sflag:s12] =	ssyncset.done $0x0  }
0x14: {  	[sflag:s12] =	ssyncadd.s32 $0xFFFFEC00  }
0x15: {  	s19 =	sadd.s32 $0x0, s10;
	[bflag:$0x0] =	sbarrier.arrive $0xFFFF  }
0x16: {  	[tilespmem:s13], [sflag:$0x2] =	stream.linear.gather [hbm4b:s19+s4], $0x480, $0x38;
	[tilespmem:$0x1C900] =	vst v63  }
0x17: {  	_ =	swait.ge [sflag:s12], $0x480  }
0x18: {  	[sflag:s12] =	ssyncset.done $0x0  }
0x19: {  	s31 =	sadd.s32 $0x0, s9;
	[sflag:s12] =	ssyncadd.s32 $0xFFFFFB80  }
0x1a: {  	[tilespmem:s14], [sflag:$0x2] =	stream.linear.gather [hbm4b:s31+s4], $0x480, $0x38;
	[tilespmem:$0x1C900] =	vst v63  }
0x1b: {  	_ =	swait.ge [sflag:s12], $0x480  }
0x1c: {  	[sflag:s12] =	ssyncset.done $0x0  }
0x1d: {  	[sflag:s12] =	ssyncadd.s32 $0xFFFFFB80  }
0x1e: {  	[tilespmem:s16], [sflag:$0x1] =	stream.indirect.gather [hbm4b:s1+s15], $0x40, s13, s15, $0xb8;
	[tilespmem:$0x1C900] =	vst v63  }
0x1f: {  	_ =	swait.ge [sflag:s17], $0x12000  }
0x20: {  	[sflag:s17] =	ssyncset.done $0x0  }
0x21: {  	[sflag:s17] =	ssyncadd.s32 $0xFFFEE000  }
0x22: {  	[spmem:s3] =	stream.indirect.scatter.add.f32 [tilespmem:s16], [sflag:$0x2], $0x40, s14, s15, $0xb8;
	[tilespmem:$0x1C900] =	vst v63  }
0x23: {  	_ =	swait.ge [sflag:s12], $0x12000  }
0x24: {  	s20 =	simm.s32 $0x120;
	s19 =	simm.s32 $0x90;
	[sflag:s12] =	ssyncset.done $0x0  }
.LBB2_2:
0x25: {  	s21 =	sadd.s32 s19, s10  }
0x26: {  	[sflag:s12] =	ssyncadd.s32 $0xFFFEE000;
	s22 =	smov.u32 s20;
	s23 =	sadd.s32 $0x90, s20  }
0x27: {  	[tilespmem:s13], [sflag:$0x2] =	stream.linear.gather [hbm4b:s21+s4], $0x480, $0x38;
	[tilespmem:$0x1C900] =	vst v63  }
0x28: {  	p0 =	sne.s32 s20, $0x480;
	_ =	swait.ge [sflag:s12], $0x480  }
0x29: {  	[sflag:s12] =	ssyncset.done $0x0  }
0x2a: {  	s20 =	sadd.s32 s19, s9;
	s19 =	smov.u32 s22;
	[sflag:s12] =	ssyncadd.s32 $0xFFFFFB80  }
0x2b: {  	[tilespmem:s14], [sflag:$0x2] =	stream.linear.gather [hbm4b:s20+s4], $0x480, $0x38;
	[tilespmem:$0x1C900] =	vst v63  }
0x2c: {  	_ =	swait.ge [sflag:s12], $0x480  }
0x2d: {  	[sflag:s12] =	ssyncset.done $0x0  }
0x2e: {  	[sflag:s12] =	ssyncadd.s32 $0xFFFFFB80  }
0x2f: {  	[tilespmem:s16], [sflag:$0x1] =	stream.indirect.gather [hbm4b:s1+s15], $0x40, s13, s15, $0xb8;
	[tilespmem:$0x1C900] =	vst v63  }
0x30: {  	_ =	swait.ge [sflag:s17], $0x12000  }
.Ltmp0:
0x31: {  	[sflag:s17] =	ssyncset.done $0x0;
	(pc) =	sbr.rel @p0 .LBB2_2-.Ltmp0, $4  }
0x32: {  	[sflag:s17] =	ssyncadd.s32 $0xFFFEE000  }
0x33: {  	[spmem:s3] =	stream.indirect.scatter.add.f32 [tilespmem:s16], [sflag:$0x2], $0x40, s14, s15, $0xb8;
	[tilespmem:$0x1C900] =	vst v63  }
0x34: {  	_ =	swait.ge [sflag:s12], $0x12000  }
0x35: {  	s20 =	smov.u32 s23;
	[sflag:s12] =	ssyncset.done $0x0  }
0x36: {  	s20 =	sadd.s32 s19, s10;
	[sflag:s12] =	ssyncadd.s32 $0xFFFEE000  }
0x37: {  	[tilespmem:s13], [sflag:$0x2] =	stream.linear.gather [hbm4b:s20+s4], $0x480, $0x38;
	[tilespmem:$0x1C900] =	vst v63  }
0x38: {  	_ =	swait.ge [sflag:s12], $0x480  }
0x39: {  	[sflag:s12] =	ssyncset.done $0x0  }
0x3a: {  	s31 =	sadd.s32 s19, s9;
	[sflag:s12] =	ssyncadd.s32 $0xFFFFFB80  }
0x3b: {  	[tilespmem:s14], [sflag:$0x2] =	stream.linear.gather [hbm4b:s31+s4], $0x480, $0x38;
	[tilespmem:$0x1C900] =	vst v63  }
0x3c: {  	_ =	swait.ge [sflag:s12], $0x480  }
0x3d: {  	[sflag:s12] =	ssyncset.done $0x0  }
0x3e: {  	[sflag:s12] =	ssyncadd.s32 $0xFFFFFB80  }
0x3f: {  	[tilespmem:s16], [sflag:$0x1] =	stream.indirect.gather [hbm4b:s1+s15], $0x40, s13, s15, $0xb8;
	[tilespmem:$0x1C900] =	vst v63  }
0x40: {  	_ =	swait.ge [sflag:s17], $0x12000  }
0x41: {  	[sflag:s17] =	ssyncset.done $0x0  }
0x42: {  	[sflag:s17] =	ssyncadd.s32 $0xFFFEE000  }
0x43: {  	[spmem:s3] =	stream.indirect.scatter.add.f32 [tilespmem:s16], [sflag:$0x2], $0x40, s14, s15, $0xb8;
	[tilespmem:$0x1C900] =	vst v63  }
0x44: {  	_ =	swait.ge [sflag:s12], $0x12000  }
0x45: {  	s18 =	sadd.s32 $0x1, s18;
	[sflag:s12] =	ssyncset.done $0x0  }
0x46: {  	p0 =	sne.s32 s18, s8;
	[sflag:s12] =	ssyncadd.s32 $0xFFFEE000  }
.Ltmp1:
0x47: {  	[bflag:$0x0] =	sbarrier.arrive $0xFFFF;
	(pc) =	sbr.rel @p0 .LBB2_1-.Ltmp1, $4  }
0x48: {  	[hbm:s7], [sflag:s6] =	dma.local [spmem:s11], $0x1400  }
0x49: {  	_ =	swait.ge [sflag:s12], $0x1400  }
0x4a: {  	[sflag:s12] =	ssyncset.done $0x0  }
0x4b: {  	[sflag:s12] =	ssyncadd.s32 $0xFFFFEC00  }
0x4c: {  	_ =	sfence.sel $0x180000  }
0x4d: {  	[bflag:$0x0] =	sbarrier.arrive $0xFFFF  }
0x4e: {  	p0 =	sne.s32 s0, $0x0;
	_ =	strace $0x90000053  }
0x4f: {  	s0 =	sadd.s32 @!p0 $0x100000, s2;
	[bflag:$0x2] =	sbarrier.arrive $0xFFFF  }
0x50: {  	[sflag:s0] =	ssyncadd.tile.s32 @!p0 $0x1;
	_ =	shalt  }
.Lfunc_end2:
_tile_overlayer_lowered:
.L_overlay_start_2:
0x51: {  	(tag) =	ssettag $0x2  }
0x52: {  	s0 =	rddreg [dreg:$0x0];
	s2 =	stileid.u32  }
0x53: {  	s1 =	rddreg [dreg:$0x1];
	p0 =	sne.s32 s2, $0x0  }
0x54: {  	s3 =	rddreg [dreg:$0x2];
	[bflag:$0x3] =	sbarrier.arrive $0xFFFF;
	s2 =	simm.s32 @!p0 $0x1C02  }
0x55: {  	[timem:s3], [sflag:s2] =	dma.local @!p0 [hbm:s0], s1  }
0x56: {  	s0 =	simm.s32 @!p0 $0x2  }
0x57: {  	_ =	swait.ge @!p0 [sflag:s0], s1  }
0x58: {  	s1 =	ssub.s32 @!p0 $0x0, s1;
	[sflag:s0] =	ssyncset.done @!p0 $0x0  }
0x59: {  	[sflag:s0] =	ssyncadd.s32 @!p0 s1  }
0x5a: {  	[bflag:$0x3] =	sbarrier.arrive $0xFFFF  }
0x5b: {  	_ =	shalt  }

// kernel: kernel.48.cloned.1.call-start
scs
__scs_entry_jumppad:
0x0: {  	(pc) =	sbr.rel $0x88, $3  }
0x1: {  	(tag) =	ssettag $0x0;
	lr =	simm.s32 $0x1  }
0x2: {  	[smem:$0x3F8F] =	sst lr;
	_ =	strace $0xD0000000  }
0x3: {  	_ = 	snop  }
0x4: {  	_ = 	snop  }
0x5: {  	_ = 	snop  }
0x6: {  	_ = 	snop  }
0x7: {  	_ = 	snop  }
__scs_overlays_trampoline_lowered:
0x8: {  	[smem:$0x3F9E] =	sst s0  }
0x9: {  	[smem:$0x3F9F] =	sst s1  }
0xa: {  	[smem:$0x3FA0] =	sst s2  }
0xb: {  	[smem:$0x3FA1] =	sst s3  }
0xc: {  	[smem:$0x3FA2] =	sst s4  }
0xd: {  	[smem:$0x3FA3] =	sst s5  }
0xe: {  	[smem:$0x3FA4] =	sst s6  }
0xf: {  	[smem:$0x3FA5] =	sst s7  }
0x10: {  	[smem:$0x3FA6] =	sst s8  }
0x11: {  	[smem:$0x3FA7] =	sst s9;
	s0 =	simm.s32 @!p0 $0x0  }
0x12: {  	s1 =	sld [smem:$0x3F8D];
	s0 =	simm.s32 @p0 $0x1  }
0x13: {  	[smem:$0x3FA8] =	sst s0;
	s0 =	simm.s32 @!p1 $0x0  }
0x14: {  	s2 =	sld [smem:$0x3F8C];
	s0 =	simm.s32 @p1 $0x1  }
0x15: {  	[smem:$0x3FA9] =	sst s0;
	s0 =	simm.s32 @!p2 $0x0  }
0x16: {  	s3 =	sld [smem:$0x3FDB];
	s0 =	simm.s32 @p2 $0x1  }
0x17: {  	s4 =	simm.s32 $0x1BF5;
	[smem:$0x3FAB] =	sst s0  }
0x18: {  	s0 =	sld [smem:$0x3F8E];
	_ =	swait.ge [sflag:s4], $0x0  }
0x19: {  	s7 =	sld [smem:$0x3F8F]  }
0x1a: {  	s8 =	sadd.s32 $0xFFFFE003, lr  }
0x1b: {  	s9 =	sadd.s32 $0xFFFFFEF7, lr;
	s5 =	simm.s32 $0xFFFFFFFF;
	p2 =	slt.u32 s8, $0xFFFFF086  }
0x1c: {  	p1 =	slt.u32 s9, $0xF7A;
	s5 =	simm.s32 @!p2 $0x0  }
0x1d: {  	s5 =	simm.s32 @p1 $0x1;
	p0 =	seq.s32 s7, s2  }
0x1e: {  	s7 =	smul.u32 @!p0 $0xF7A, s2;
	p2 =	seq.s32 @!p0 s5, $0x0  }
0x1f: {  	s9 =	smul.u32 $0xF7A, s1;
	s8 =	simm.s32 @!p0 $0x1BF5;
	p2 =	por !p2, p0  }
0x20: {  	[sflag:s8] =	ssyncset.s32 @!p0 $0xFFFFF086;
	s6 =	sadd.s32 @!p0 s3, s7;
	s7 =	simm.s32 @!p0 $0x108  }
0x21: {  	s3 =	sadd.s32 s3, s9;
	s6 =	sadd.s32 @!p0 $0x88, s6;
	s7 =	simm.s32 @p2 $0x1082  }
0x22: {  	[simem:s7], [sflag:s8] =	dma.local @!p0 [hbm:s6], $0xF7A  }
0x23: {  	s9 =	sor.u32 $0xD0000000, s2;
	s6 =	simm.s32 $0x108;
	_ =	swait.ge @!p0 [sflag:s8], $0x0  }
0x24: {  	s3 =	sadd.s32 $0x88, s3;
	s6 =	simm.s32 @!p1 $0x1082;
	[sflag:s4] =	ssyncset.s32 $0xFFFFF086  }
0x25: {  	[simem:s6], [sflag:s4] =	dma.local [hbm:s3], $0xF7A  }
0x26: {  	[smem:$0x3F8F] =	sst s1;
	(tag) =	ssettag s2;
	_ =	strace s9  }
0x27: {  	s1 =	sld [smem:$0x3F9F]  }
0x28: {  	s2 =	sld [smem:$0x3FA0]  }
0x29: {  	s4 =	sld [smem:$0x3FA2]  }
0x2a: {  	p0 =	seq.s32 s5, $0x0;
	s5 =	sld [smem:$0x3FA3]  }
0x2b: {  	s6 =	sld [smem:$0x3FA4]  }
0x2c: {  	s7 =	sld [smem:$0x3FA5]  }
0x2d: {  	s3 =	simm.s32 $0x108;
	s8 =	sld [smem:$0x3FA6]  }
0x2e: {  	s3 =	simm.s32 @!p0 $0x1082;
	s9 =	sld [smem:$0x3FA7]  }
0x2f: {  	lr =	sadd.s32 s0, s3;
	s0 =	sld [smem:$0x3F9E]  }
0x30: {  	s3 =	sld [smem:$0x3FA1]  }
0x31: {  	[smem:$0x3FAA] =	sst s10  }
0x32: {  	s10 =	sld [smem:$0x3FA8];
	_ =	sdelay $0x3  }
0x33: {  	p0 =	seq.s32 s10, $0x1;
	s10 =	sld [smem:$0x3FAA];
	_ =	sdelay $0x3  }
0x34: {  	[smem:$0x3FAA] =	sst s10  }
0x35: {  	s10 =	sld [smem:$0x3FA9];
	_ =	sdelay $0x3  }
0x36: {  	p1 =	seq.s32 s10, $0x1;
	s10 =	sld [smem:$0x3FAA];
	_ =	sdelay $0x3  }
0x37: {  	[smem:$0x3FAA] =	sst s10  }
0x38: {  	s10 =	sld [smem:$0x3FAB]  }
0x39: {  	_ = 	snop;
	(pc) =	sbr.ind lr, $3  }
0x3a: {  	_ = 	snop  }
0x3b: {  	_ = 	snop  }
0x3c: {  	p2 =	seq.s32 s10, $0x1;
	s10 =	sld [smem:$0x3FAA]  }
0x3d: {  	_ =	shalt  }
0x3e: {  	_ =	shalt  }
0x3f: {  	_ =	shalt  }
0x40: {  	_ =	shalt  }
0x41: {  	_ =	shalt  }
0x42: {  	_ =	shalt  }
0x43: {  	_ =	shalt  }
0x44: {  	_ =	shalt  }
0x45: {  	_ =	shalt  }
0x46: {  	_ =	shalt  }
0x47: {  	_ =	shalt  }
0x48: {  	_ =	shalt  }
0x49: {  	_ =	shalt  }
0x4a: {  	_ =	shalt  }
0x4b: {  	_ =	shalt  }
0x4c: {  	_ =	shalt  }
0x4d: {  	_ =	shalt  }
0x4e: {  	_ =	shalt  }
0x4f: {  	_ =	shalt  }
0x50: {  	_ =	shalt  }
0x51: {  	_ =	shalt  }
0x52: {  	_ =	shalt  }
0x53: {  	_ =	shalt  }
0x54: {  	_ =	shalt  }
0x55: {  	_ =	shalt  }
0x56: {  	_ =	shalt  }
0x57: {  	_ =	shalt  }
0x58: {  	_ =	shalt  }
0x59: {  	_ =	shalt  }
0x5a: {  	_ =	shalt  }
0x5b: {  	_ =	shalt  }
0x5c: {  	_ =	shalt  }
0x5d: {  	_ =	shalt  }
0x5e: {  	_ =	shalt  }
0x5f: {  	_ =	shalt  }
0x60: {  	_ =	shalt  }
0x61: {  	_ =	shalt  }
0x62: {  	_ =	shalt  }
0x63: {  	_ =	shalt  }
0x64: {  	_ =	shalt  }
0x65: {  	_ =	shalt  }
0x66: {  	_ =	shalt  }
0x67: {  	_ =	shalt  }
0x68: {  	_ =	shalt  }
0x69: {  	_ =	shalt  }
0x6a: {  	_ =	shalt  }
0x6b: {  	_ =	shalt  }
0x6c: {  	_ =	shalt  }
0x6d: {  	_ =	shalt  }
0x6e: {  	_ =	shalt  }
0x6f: {  	_ =	shalt  }
0x70: {  	_ =	shalt  }
0x71: {  	_ =	shalt  }
0x72: {  	_ =	shalt  }
0x73: {  	_ =	shalt  }
0x74: {  	_ =	shalt  }
0x75: {  	_ =	shalt  }
0x76: {  	_ =	shalt  }
0x77: {  	_ =	shalt  }
0x78: {  	_ =	shalt  }
0x79: {  	_ =	shalt  }
0x7a: {  	_ =	shalt  }
0x7b: {  	_ =	shalt  }
0x7c: {  	_ =	shalt  }
0x7d: {  	_ =	shalt  }
0x7e: {  	_ =	shalt  }
0x7f: {  	_ =	shalt  }
0x80: {  	_ =	shalt  }
0x81: {  	_ =	shalt  }
0x82: {  	_ =	shalt  }
0x83: {  	_ =	shalt  }
0x84: {  	_ =	shalt  }
0x85: {  	_ =	shalt  }
0x86: {  	_ =	shalt  }
0x87: {  	_ =	shalt  }
.Lfunc_end0:
.L_simem_size_0:
called_computation.5_lowered:
.L_overlay_start_0:
0x88: {  	s2 =	sld [smem:$0x3FD9]  }
0x89: {  	s3 =	sld [smem:$0x3FFE];
	_ =	sdelay $0x1  }
0x8a: {  	s1 =	srdreg.scid  }
0x8b: {  	s0 =	sand.u32 $0x1, s1  }
0x8c: {  	s17 =	sshll.u32 s0, $0xA;
	s2 =	sadd.s32 s3, s2  }
0x8d: {  	s2 =	sadd.s32 s2, s17  }
0x8e: {  	[smem:$0x3FB6] =	sst s2  }
0x8f: {  	_ = 	snop  }
0x90: {  	s2 =	sld [smem:$0x3FD0];
	(tm) =	ssettm $0x1  }
0x91: {  	s18 =	sld [smem:$0x3FFB];
	_ =	sdelay $0x3  }
0x92: {  	_ =	strace s18  }
0x93: {  	s3 =	sld [smem:$0x3FFC];
	_ =	sdelay $0x3  }
0x94: {  	_ =	strace s3  }
0x95: {  	s3 =	sld [smem:$0x3FFD];
	_ =	sdelay $0x3  }
0x96: {  	_ =	strace s3  }
0x97: {  	_ =	strace $0x8FFFFFFF  }
0x98: {  	s19 =	sld [smem:$0x3FDB];
	_ =	sdelay $0x1  }
0x99: {  	s4 =	simm.s32 $_scs_section_size  }
0x9a: {  	s5 =	simm.s32 $_size__tile_overlayer_lowered;
	s6 =	simm.s32 $_tile_overlayer_lowered  }
0x9b: {  	s22 =	simm.s32 $0x1BFF;
	s21 =	sshll.u32 s6, $0x1;
	s3 =	sadd.s32 s4, s19  }
0x9c: {  	s7 =	simm.s32 $0x0;
	s20 =	sshll.u32 s5, $0x1;
	s5 =	sadd.s32 s21, s3  }
0x9d: {  	[timem:s7], [sflag:s22] =	dma.local [hbm:s5], s20  }
0x9e: {  	_ =	swait.ge [sflag:s22], s20  }
0x9f: {  	s4 =	ssub.s32 $0x0, s20;
	[sflag:s22] =	ssyncset.done $0x0  }
0xa0: {  	[sflag:s22] =	ssyncadd.s32 s4;
	_ =	sdelay $0x1  }
0xa1: {  	s23 =	simm.s32 $0x1B8B  }
0xa2: {  	_ =	swait.ge [sflag:s23], $0x1  }
0xa3: {  	[sflag:s23] =	ssyncset.done $0x0  }
0xa4: {  	s25 =	simm.s32 $0x1B8E;
	s24 =	sld [smem:$0x3FFE];
	[sflag:s23] =	ssyncadd.s32 $0xFFFFFFFF  }
0xa5: {  	s26 =	simm.s32 $execute0_lowered;
	[smem:$0x3FD2] =	sst s25  }
0xa6: {  	s5 =	sshll.u32 s26, $0x1;
	_ =	strace $0x80000055;
	[dreg:$0x1] =	wrdreg $0xFFFFFFFF  }
0xa7: {  	s28 =	simm.s32 $_size_execute0_lowered;
	s3 =	sadd.s32 s3, s5;
	[dreg:$0x0] =	wrdreg $0x0  }
0xa8: {  	s5 =	sshll.u32 s28, $0x1;
	[dreg:$0x2] =	wrdreg s3  }
0xa9: {  	[dreg:$0x3] =	wrdreg s5  }
0xaa: {  	[dreg:$0x4] =	wrdreg $0xC0  }
0xab: {  	_ =	task [dreg:s7], $0x5FFFF  }
0xac: {  	[dreg:$0x1] =	wrdreg $0xFFFFFFFF  }
0xad: {  	[dreg:$0x0] =	wrdreg $0x60  }
0xae: {  	[dreg:$0x2] =	wrdreg s2  }
0xaf: {  	[dreg:$0x3] =	wrdreg s24  }
0xb0: {  	[dreg:$0x4] =	wrdreg $0x0  }
0xb1: {  	[dreg:$0x5] =	wrdreg $0x9  }
0xb2: {  	_ =	task.clear_ibuf [dreg:s7], $0x6FFFF;
	_ =	strace $0x90000055  }
0xb3: {  	s29 =	simm.s32 $0x9;
	_ =	strace $0x80000057  }
0xb4: {  	_ =	swait.ge [sflag:s29], $0x1  }
0xb5: {  	[sflag:s29] =	ssyncadd.s32 $0xFFFFFFFF  }
0xb6: {  	_ =	strace $0x90000057  }
0xb7: {  	_ =	sfence  }
0xb8: {  	s30 =	sld [smem:$0x0];
	_ =	sdelay $0x2  }
0xb9: {  	s31 =	sshll.u32 s1, $0xD;
	s1 =	sshrl.u32 s1, $0x2  }
0xba: {  	s3 =	sand.u32 $0x4000, s31;
	s1 =	sadd.s32 s1, s30  }
0xbb: {  	s0 =	sor.u32 s3, s0;
	s1 =	sshll.u32 s1, $0x11  }
0xbc: {  	s0 =	sor.u32 s1, s0  }
0xbd: {  	s0 =	sadd.s32 $0x8F2B, s0  }
0xbe: {  	[sflag:s0] =	ssyncadd.remote.s32 $0x1  }
0xbf: {  	_ =	sfence.sel $0xFFFF  }
0xc0: {  	[dreg:$0x0] =	wrdreg $0xFFFFFFFF;
	(pc) =	sbr.abs _section_cstart, $3  }
0xc1: {  	[dreg:$0x1] =	wrdreg $0xFFFFFFFF  }
0xc2: {  	_ =	task.clear_ibuf [dreg:s7], $0x2FFFF;
	_ =	strace $0x9FFFFFFF  }
0xc3: {  	(tm) =	ssettm $0x7FFFFFFF  }
tec
execute0_lowered:
.L_overlay_start_1:
0x0: {  	(tag) =	ssettag $0x1  }
0x1: {  	s1 =	rddreg [dreg:$0x0]  }
0x2: {  	s5 =	rddreg [dreg:$0x1]  }
0x3: {  	s3 =	rddreg [dreg:$0x2]  }
0x4: {  	s0 =	srdreg.scid;
	s2 =	rddreg [dreg:$0x3]  }
0x5: {  	s4 =	simm.s32 $0x0;
	s13 =	simm.s32 $0xA000;
	s6 =	sand.u32 $0x1, s0  }
0x6: {  	s14 =	simm.s32 $0xA480;
	s0 =	stileid.u32;
	s7 =	smul.u32 $0x28800, s6  }
0x7: {  	s15 =	simm.s32 $0x480;
	s16 =	simm.s32 $0xA900;
	s8 =	smul.u32 $0x2880, s0  }
0x8: {  	s17 =	simm.s32 $0x1;
	s18 =	simm.s32 $0x0;
	s29 =	smul.u32 $0xA000, s0  }
0x9: {  	[smem:$0x7FF] =	sst s4;
	s9 =	smul.u32 $0xA0000, s6;
	s6 =	ssub.s32 $0x2, s6  }
0xa: {  	_ =	strace $0x80000056;
	s31 =	sshll.u32 s0, $0x6;
	s11 =	sshrl.u32 s6, $0x1  }
0xb: {  	s7 =	sadd.s32 s8, s7;
	s30 =	sshrl.u32 s29, $0x3;
	s9 =	sadd.s32 s29, s9  }
0xc: {  	s11 =	ssub.s32 s6, s11;
	s12 =	sadd.s32 s29, s3;
	s6 =	sor.u32 $0x1C02, s31  }
0xd: {  	s7 =	sshrl.u32 s7, $0x3;
	s9 =	sshrl.u32 s9, $0x3;
	s8 =	smax.u32 s11, $0x1  }
0xe: {  	s11 =	sshrl.u32 s12, $0x3;
	s10 =	sadd.s32 s7, s5;
	s7 =	sadd.s32 s30, s5  }
0xf: {  	s12 =	simm.s32 $0x2;
	s9 =	sadd.s32 s9, s5;
	s5 =	sadd.s32 $0x1BE00, s7  }
0x10: {  	s7 =	sadd.s32 $0x2FE00, s9;
	s9 =	sadd.s32 $0x7A00, s10;
	s10 =	sadd.s32 $0x11C00, s10  }
.LBB2_1:
0x11: {  	[spmem:s11], [sflag:s6] =	dma.local [hbm:s5], $0x1400  }
0x12: {  	_ =	swait.ge [sflag:s12], $0x1400  }
0x13: {  	[sflag:s12] =	ssyncset.done $0x0  }
0x14: {  	[sflag:s12] =	ssyncadd.s32 $0xFFFFEC00  }
0x15: {  	s19 =	sadd.s32 $0x0, s10;
	[bflag:$0x0] =	sbarrier.arrive $0xFFFF  }
0x16: {  	[tilespmem:s13], [sflag:$0x2] =	stream.linear.gather [hbm4b:s19+s4], $0x480, $0x38;
	[tilespmem:$0x1C900] =	vst v63  }
0x17: {  	_ =	swait.ge [sflag:s12], $0x480  }
0x18: {  	[sflag:s12] =	ssyncset.done $0x0  }
0x19: {  	s31 =	sadd.s32 $0x0, s9;
	[sflag:s12] =	ssyncadd.s32 $0xFFFFFB80  }
0x1a: {  	[tilespmem:s14], [sflag:$0x2] =	stream.linear.gather [hbm4b:s31+s4], $0x480, $0x38;
	[tilespmem:$0x1C900] =	vst v63  }
0x1b: {  	_ =	swait.ge [sflag:s12], $0x480  }
0x1c: {  	[sflag:s12] =	ssyncset.done $0x0  }
0x1d: {  	[sflag:s12] =	ssyncadd.s32 $0xFFFFFB80  }
0x1e: {  	[tilespmem:s16], [sflag:$0x1] =	stream.indirect.gather [hbm4b:s1+s15], $0x40, s13, s15, $0xb8;
	[tilespmem:$0x1C900] =	vst v63  }
0x1f: {  	_ =	swait.ge [sflag:s17], $0x12000  }
0x20: {  	[sflag:s17] =	ssyncset.done $0x0  }
0x21: {  	[sflag:s17] =	ssyncadd.s32 $0xFFFEE000  }
0x22: {  	[spmem:s3] =	stream.indirect.scatter.add.f32 [tilespmem:s16], [sflag:$0x2], $0x40, s14, s15, $0xb8;
	[tilespmem:$0x1C900] =	vst v63  }
0x23: {  	_ =	swait.ge [sflag:s12], $0x12000  }
0x24: {  	s20 =	simm.s32 $0x120;
	s19 =	simm.s32 $0x90;
	[sflag:s12] =	ssyncset.done $0x0  }
.LBB2_2:
0x25: {  	s21 =	sadd.s32 s19, s10  }
0x26: {  	[sflag:s12] =	ssyncadd.s32 $0xFFFEE000;
	s22 =	smov.u32 s20;
	s23 =	sadd.s32 $0x90, s20  }
0x27: {  	[tilespmem:s13], [sflag:$0x2] =	stream.linear.gather [hbm4b:s21+s4], $0x480, $0x38;
	[tilespmem:$0x1C900] =	vst v63  }
0x28: {  	p0 =	sne.s32 s20, $0x480;
	_ =	swait.ge [sflag:s12], $0x480  }
0x29: {  	[sflag:s12] =	ssyncset.done $0x0  }
0x2a: {  	s20 =	sadd.s32 s19, s9;
	s19 =	smov.u32 s22;
	[sflag:s12] =	ssyncadd.s32 $0xFFFFFB80  }
0x2b: {  	[tilespmem:s14], [sflag:$0x2] =	stream.linear.gather [hbm4b:s20+s4], $0x480, $0x38;
	[tilespmem:$0x1C900] =	vst v63  }
0x2c: {  	_ =	swait.ge [sflag:s12], $0x480  }
0x2d: {  	[sflag:s12] =	ssyncset.done $0x0  }
0x2e: {  	[sflag:s12] =	ssyncadd.s32 $0xFFFFFB80  }
0x2f: {  	[tilespmem:s16], [sflag:$0x1] =	stream.indirect.gather [hbm4b:s1+s15], $0x40, s13, s15, $0xb8;
	[tilespmem:$0x1C900] =	vst v63  }
0x30: {  	_ =	swait.ge [sflag:s17], $0x12000  }
.Ltmp0:
0x31: {  	[sflag:s17] =	ssyncset.done $0x0;
	(pc) =	sbr.rel @p0 .LBB2_2-.Ltmp0, $4  }
0x32: {  	[sflag:s17] =	ssyncadd.s32 $0xFFFEE000  }
0x33: {  	[spmem:s3] =	stream.indirect.scatter.add.f32 [tilespmem:s16], [sflag:$0x2], $0x40, s14, s15, $0xb8;
	[tilespmem:$0x1C900] =	vst v63  }
0x34: {  	_ =	swait.ge [sflag:s12], $0x12000  }
0x35: {  	s20 =	smov.u32 s23;
	[sflag:s12] =	ssyncset.done $0x0  }
0x36: {  	s20 =	sadd.s32 s19, s10;
	[sflag:s12] =	ssyncadd.s32 $0xFFFEE000  }
0x37: {  	[tilespmem:s13], [sflag:$0x2] =	stream.linear.gather [hbm4b:s20+s4], $0x480, $0x38;
	[tilespmem:$0x1C900] =	vst v63  }
0x38: {  	_ =	swait.ge [sflag:s12], $0x480  }
0x39: {  	[sflag:s12] =	ssyncset.done $0x0  }
0x3a: {  	s31 =	sadd.s32 s19, s9;
	[sflag:s12] =	ssyncadd.s32 $0xFFFFFB80  }
0x3b: {  	[tilespmem:s14], [sflag:$0x2] =	stream.linear.gather [hbm4b:s31+s4], $0x480, $0x38;
	[tilespmem:$0x1C900] =	vst v63  }
0x3c: {  	_ =	swait.ge [sflag:s12], $0x480  }
0x3d: {  	[sflag:s12] =	ssyncset.done $0x0  }
0x3e: {  	[sflag:s12] =	ssyncadd.s32 $0xFFFFFB80  }
0x3f: {  	[tilespmem:s16], [sflag:$0x1] =	stream.indirect.gather [hbm4b:s1+s15], $0x40, s13, s15, $0xb8;
	[tilespmem:$0x1C900] =	vst v63  }
0x40: {  	_ =	swait.ge [sflag:s17], $0x12000  }
0x41: {  	[sflag:s17] =	ssyncset.done $0x0  }
0x42: {  	[sflag:s17] =	ssyncadd.s32 $0xFFFEE000  }
0x43: {  	[spmem:s3] =	stream.indirect.scatter.add.f32 [tilespmem:s16], [sflag:$0x2], $0x40, s14, s15, $0xb8;
	[tilespmem:$0x1C900] =	vst v63  }
0x44: {  	_ =	swait.ge [sflag:s12], $0x12000  }
0x45: {  	s18 =	sadd.s32 $0x1, s18;
	[sflag:s12] =	ssyncset.done $0x0  }
0x46: {  	p0 =	sne.s32 s18, s8;
	[sflag:s12] =	ssyncadd.s32 $0xFFFEE000  }
.Ltmp1:
0x47: {  	[bflag:$0x0] =	sbarrier.arrive $0xFFFF;
	(pc) =	sbr.rel @p0 .LBB2_1-.Ltmp1, $4  }
0x48: {  	[hbm:s7], [sflag:s6] =	dma.local [spmem:s11], $0x1400  }
0x49: {  	_ =	swait.ge [sflag:s12], $0x1400  }
0x4a: {  	[sflag:s12] =	ssyncset.done $0x0  }
0x4b: {  	[sflag:s12] =	ssyncadd.s32 $0xFFFFEC00  }
0x4c: {  	_ =	sfence.sel $0x180000  }
0x4d: {  	[bflag:$0x0] =	sbarrier.arrive $0xFFFF  }
0x4e: {  	p0 =	sne.s32 s0, $0x0;
	_ =	strace $0x90000056  }
0x4f: {  	s0 =	sadd.s32 @!p0 $0x100000, s2;
	[bflag:$0x2] =	sbarrier.arrive $0xFFFF  }
0x50: {  	[sflag:s0] =	ssyncadd.tile.s32 @!p0 $0x1;
	_ =	shalt  }
.Lfunc_end2:
_tile_overlayer_lowered:
.L_overlay_start_2:
0x51: {  	(tag) =	ssettag $0x2  }
0x52: {  	s0 =	rddreg [dreg:$0x0];
	s2 =	stileid.u32  }
0x53: {  	s1 =	rddreg [dreg:$0x1];
	p0 =	sne.s32 s2, $0x0  }
0x54: {  	s3 =	rddreg [dreg:$0x2];
	[bflag:$0x3] =	sbarrier.arrive $0xFFFF;
	s2 =	simm.s32 @!p0 $0x1C02  }
0x55: {  	[timem:s3], [sflag:s2] =	dma.local @!p0 [hbm:s0], s1  }
0x56: {  	s0 =	simm.s32 @!p0 $0x2  }
0x57: {  	_ =	swait.ge @!p0 [sflag:s0], s1  }
0x58: {  	s1 =	ssub.s32 @!p0 $0x0, s1;
	[sflag:s0] =	ssyncset.done @!p0 $0x0  }
0x59: {  	[sflag:s0] =	ssyncadd.s32 @!p0 s1  }
0x5a: {  	[bflag:$0x3] =	sbarrier.arrive $0xFFFF  }
0x5b: {  	_ =	shalt  }

// kernel: kernel.51.cloned.1.call-start
scs
__scs_entry_jumppad:
0x0: {  	(pc) =	sbr.rel $0x88, $3  }
0x1: {  	(tag) =	ssettag $0x0;
	lr =	simm.s32 $0x1  }
0x2: {  	[smem:$0x3F8F] =	sst lr;
	_ =	strace $0xD0000000  }
0x3: {  	_ = 	snop  }
0x4: {  	_ = 	snop  }
0x5: {  	_ = 	snop  }
0x6: {  	_ = 	snop  }
0x7: {  	_ = 	snop  }
__scs_overlays_trampoline_lowered:
0x8: {  	[smem:$0x3F9E] =	sst s0  }
0x9: {  	[smem:$0x3F9F] =	sst s1  }
0xa: {  	[smem:$0x3FA0] =	sst s2  }
0xb: {  	[smem:$0x3FA1] =	sst s3  }
0xc: {  	[smem:$0x3FA2] =	sst s4  }
0xd: {  	[smem:$0x3FA3] =	sst s5  }
0xe: {  	[smem:$0x3FA4] =	sst s6  }
0xf: {  	[smem:$0x3FA5] =	sst s7  }
0x10: {  	[smem:$0x3FA6] =	sst s8  }
0x11: {  	[smem:$0x3FA7] =	sst s9;
	s0 =	simm.s32 @!p0 $0x0  }
0x12: {  	s1 =	sld [smem:$0x3F8D];
	s0 =	simm.s32 @p0 $0x1  }
0x13: {  	[smem:$0x3FA8] =	sst s0;
	s0 =	simm.s32 @!p1 $0x0  }
0x14: {  	s2 =	sld [smem:$0x3F8C];
	s0 =	simm.s32 @p1 $0x1  }
0x15: {  	[smem:$0x3FA9] =	sst s0;
	s0 =	simm.s32 @!p2 $0x0  }
0x16: {  	s3 =	sld [smem:$0x3FDB];
	s0 =	simm.s32 @p2 $0x1  }
0x17: {  	s4 =	simm.s32 $0x1BF5;
	[smem:$0x3FAB] =	sst s0  }
0x18: {  	s0 =	sld [smem:$0x3F8E];
	_ =	swait.ge [sflag:s4], $0x0  }
0x19: {  	s7 =	sld [smem:$0x3F8F]  }
0x1a: {  	s8 =	sadd.s32 $0xFFFFE003, lr  }
0x1b: {  	s9 =	sadd.s32 $0xFFFFFEF7, lr;
	s5 =	simm.s32 $0xFFFFFFFF;
	p2 =	slt.u32 s8, $0xFFFFF086  }
0x1c: {  	p1 =	slt.u32 s9, $0xF7A;
	s5 =	simm.s32 @!p2 $0x0  }
0x1d: {  	s5 =	simm.s32 @p1 $0x1;
	p0 =	seq.s32 s7, s2  }
0x1e: {  	s7 =	smul.u32 @!p0 $0xF7A, s2;
	p2 =	seq.s32 @!p0 s5, $0x0  }
0x1f: {  	s9 =	smul.u32 $0xF7A, s1;
	s8 =	simm.s32 @!p0 $0x1BF5;
	p2 =	por !p2, p0  }
0x20: {  	[sflag:s8] =	ssyncset.s32 @!p0 $0xFFFFF086;
	s6 =	sadd.s32 @!p0 s3, s7;
	s7 =	simm.s32 @!p0 $0x108  }
0x21: {  	s3 =	sadd.s32 s3, s9;
	s6 =	sadd.s32 @!p0 $0x88, s6;
	s7 =	simm.s32 @p2 $0x1082  }
0x22: {  	[simem:s7], [sflag:s8] =	dma.local @!p0 [hbm:s6], $0xF7A  }
0x23: {  	s9 =	sor.u32 $0xD0000000, s2;
	s6 =	simm.s32 $0x108;
	_ =	swait.ge @!p0 [sflag:s8], $0x0  }
0x24: {  	s3 =	sadd.s32 $0x88, s3;
	s6 =	simm.s32 @!p1 $0x1082;
	[sflag:s4] =	ssyncset.s32 $0xFFFFF086  }
0x25: {  	[simem:s6], [sflag:s4] =	dma.local [hbm:s3], $0xF7A  }
0x26: {  	[smem:$0x3F8F] =	sst s1;
	(tag) =	ssettag s2;
	_ =	strace s9  }
0x27: {  	s1 =	sld [smem:$0x3F9F]  }
0x28: {  	s2 =	sld [smem:$0x3FA0]  }
0x29: {  	s4 =	sld [smem:$0x3FA2]  }
0x2a: {  	p0 =	seq.s32 s5, $0x0;
	s5 =	sld [smem:$0x3FA3]  }
0x2b: {  	s6 =	sld [smem:$0x3FA4]  }
0x2c: {  	s7 =	sld [smem:$0x3FA5]  }
0x2d: {  	s3 =	simm.s32 $0x108;
	s8 =	sld [smem:$0x3FA6]  }
0x2e: {  	s3 =	simm.s32 @!p0 $0x1082;
	s9 =	sld [smem:$0x3FA7]  }
0x2f: {  	lr =	sadd.s32 s0, s3;
	s0 =	sld [smem:$0x3F9E]  }
0x30: {  	s3 =	sld [smem:$0x3FA1]  }
0x31: {  	[smem:$0x3FAA] =	sst s10  }
0x32: {  	s10 =	sld [smem:$0x3FA8];
	_ =	sdelay $0x3  }
0x33: {  	p0 =	seq.s32 s10, $0x1;
	s10 =	sld [smem:$0x3FAA];
	_ =	sdelay $0x3  }
0x34: {  	[smem:$0x3FAA] =	sst s10  }
0x35: {  	s10 =	sld [smem:$0x3FA9];
	_ =	sdelay $0x3  }
0x36: {  	p1 =	seq.s32 s10, $0x1;
	s10 =	sld [smem:$0x3FAA];
	_ =	sdelay $0x3  }
0x37: {  	[smem:$0x3FAA] =	sst s10  }
0x38: {  	s10 =	sld [smem:$0x3FAB]  }
0x39: {  	_ = 	snop;
	(pc) =	sbr.ind lr, $3  }
0x3a: {  	_ = 	snop  }
0x3b: {  	_ = 	snop  }
0x3c: {  	p2 =	seq.s32 s10, $0x1;
	s10 =	sld [smem:$0x3FAA]  }
0x3d: {  	_ =	shalt  }
0x3e: {  	_ =	shalt  }
0x3f: {  	_ =	shalt  }
0x40: {  	_ =	shalt  }
0x41: {  	_ =	shalt  }
0x42: {  	_ =	shalt  }
0x43: {  	_ =	shalt  }
0x44: {  	_ =	shalt  }
0x45: {  	_ =	shalt  }
0x46: {  	_ =	shalt  }
0x47: {  	_ =	shalt  }
0x48: {  	_ =	shalt  }
0x49: {  	_ =	shalt  }
0x4a: {  	_ =	shalt  }
0x4b: {  	_ =	shalt  }
0x4c: {  	_ =	shalt  }
0x4d: {  	_ =	shalt  }
0x4e: {  	_ =	shalt  }
0x4f: {  	_ =	shalt  }
0x50: {  	_ =	shalt  }
0x51: {  	_ =	shalt  }
0x52: {  	_ =	shalt  }
0x53: {  	_ =	shalt  }
0x54: {  	_ =	shalt  }
0x55: {  	_ =	shalt  }
0x56: {  	_ =	shalt  }
0x57: {  	_ =	shalt  }
0x58: {  	_ =	shalt  }
0x59: {  	_ =	shalt  }
0x5a: {  	_ =	shalt  }
0x5b: {  	_ =	shalt  }
0x5c: {  	_ =	shalt  }
0x5d: {  	_ =	shalt  }
0x5e: {  	_ =	shalt  }
0x5f: {  	_ =	shalt  }
0x60: {  	_ =	shalt  }
0x61: {  	_ =	shalt  }
0x62: {  	_ =	shalt  }
0x63: {  	_ =	shalt  }
0x64: {  	_ =	shalt  }
0x65: {  	_ =	shalt  }
0x66: {  	_ =	shalt  }
0x67: {  	_ =	shalt  }
0x68: {  	_ =	shalt  }
0x69: {  	_ =	shalt  }
0x6a: {  	_ =	shalt  }
0x6b: {  	_ =	shalt  }
0x6c: {  	_ =	shalt  }
0x6d: {  	_ =	shalt  }
0x6e: {  	_ =	shalt  }
0x6f: {  	_ =	shalt  }
0x70: {  	_ =	shalt  }
0x71: {  	_ =	shalt  }
0x72: {  	_ =	shalt  }
0x73: {  	_ =	shalt  }
0x74: {  	_ =	shalt  }
0x75: {  	_ =	shalt  }
0x76: {  	_ =	shalt  }
0x77: {  	_ =	shalt  }
0x78: {  	_ =	shalt  }
0x79: {  	_ =	shalt  }
0x7a: {  	_ =	shalt  }
0x7b: {  	_ =	shalt  }
0x7c: {  	_ =	shalt  }
0x7d: {  	_ =	shalt  }
0x7e: {  	_ =	shalt  }
0x7f: {  	_ =	shalt  }
0x80: {  	_ =	shalt  }
0x81: {  	_ =	shalt  }
0x82: {  	_ =	shalt  }
0x83: {  	_ =	shalt  }
0x84: {  	_ =	shalt  }
0x85: {  	_ =	shalt  }
0x86: {  	_ =	shalt  }
0x87: {  	_ =	shalt  }
.Lfunc_end0:
.L_simem_size_0:
called_computation.6_lowered:
.L_overlay_start_0:
0x88: {  	s2 =	sld [smem:$0x3FD9]  }
0x89: {  	s3 =	sld [smem:$0x3FFE];
	_ =	sdelay $0x1  }
0x8a: {  	s1 =	srdreg.scid  }
0x8b: {  	s0 =	sand.u32 $0x1, s1  }
0x8c: {  	s17 =	sshll.u32 s0, $0xA;
	s2 =	sadd.s32 s3, s2  }
0x8d: {  	s2 =	sadd.s32 s2, s17  }
0x8e: {  	[smem:$0x3FB6] =	sst s2  }
0x8f: {  	_ = 	snop  }
0x90: {  	s2 =	sld [smem:$0x3FD0];
	(tm) =	ssettm $0x1  }
0x91: {  	s18 =	sld [smem:$0x3FFB];
	_ =	sdelay $0x3  }
0x92: {  	_ =	strace s18  }
0x93: {  	s3 =	sld [smem:$0x3FFC];
	_ =	sdelay $0x3  }
0x94: {  	_ =	strace s3  }
0x95: {  	s3 =	sld [smem:$0x3FFD];
	_ =	sdelay $0x3  }
0x96: {  	_ =	strace s3  }
0x97: {  	_ =	strace $0x8FFFFFFF  }
0x98: {  	s19 =	sld [smem:$0x3FDB];
	_ =	sdelay $0x1  }
0x99: {  	s4 =	simm.s32 $_scs_section_size  }
0x9a: {  	s5 =	simm.s32 $_size__tile_overlayer_lowered;
	s6 =	simm.s32 $_tile_overlayer_lowered  }
0x9b: {  	s22 =	simm.s32 $0x1BFF;
	s21 =	sshll.u32 s6, $0x1;
	s3 =	sadd.s32 s4, s19  }
0x9c: {  	s7 =	simm.s32 $0x0;
	s20 =	sshll.u32 s5, $0x1;
	s5 =	sadd.s32 s21, s3  }
0x9d: {  	[timem:s7], [sflag:s22] =	dma.local [hbm:s5], s20  }
0x9e: {  	_ =	swait.ge [sflag:s22], s20  }
0x9f: {  	s4 =	ssub.s32 $0x0, s20;
	[sflag:s22] =	ssyncset.done $0x0  }
0xa0: {  	[sflag:s22] =	ssyncadd.s32 s4;
	_ =	sdelay $0x1  }
0xa1: {  	s23 =	simm.s32 $0x1B8B  }
0xa2: {  	_ =	swait.ge [sflag:s23], $0x1  }
0xa3: {  	[sflag:s23] =	ssyncset.done $0x0  }
0xa4: {  	s25 =	simm.s32 $0x1B8E;
	s24 =	sld [smem:$0x3FFE];
	[sflag:s23] =	ssyncadd.s32 $0xFFFFFFFF  }
0xa5: {  	s26 =	simm.s32 $execute0_lowered;
	[smem:$0x3FD2] =	sst s25  }
0xa6: {  	s5 =	sshll.u32 s26, $0x1;
	_ =	strace $0x80000058;
	[dreg:$0x1] =	wrdreg $0xFFFFFFFF  }
0xa7: {  	s28 =	simm.s32 $_size_execute0_lowered;
	s3 =	sadd.s32 s3, s5;
	[dreg:$0x0] =	wrdreg $0x0  }
0xa8: {  	s5 =	sshll.u32 s28, $0x1;
	[dreg:$0x2] =	wrdreg s3  }
0xa9: {  	[dreg:$0x3] =	wrdreg s5  }
0xaa: {  	[dreg:$0x4] =	wrdreg $0xC0  }
0xab: {  	_ =	task [dreg:s7], $0x5FFFF  }
0xac: {  	[dreg:$0x1] =	wrdreg $0xFFFFFFFF  }
0xad: {  	[dreg:$0x0] =	wrdreg $0x60  }
0xae: {  	[dreg:$0x2] =	wrdreg s2  }
0xaf: {  	[dreg:$0x3] =	wrdreg s24  }
0xb0: {  	[dreg:$0x4] =	wrdreg $0x0  }
0xb1: {  	[dreg:$0x5] =	wrdreg $0x9  }
0xb2: {  	_ =	task.clear_ibuf [dreg:s7], $0x6FFFF;
	_ =	strace $0x90000058  }
0xb3: {  	s29 =	simm.s32 $0x9;
	_ =	strace $0x8000005A  }
0xb4: {  	_ =	swait.ge [sflag:s29], $0x1  }
0xb5: {  	[sflag:s29] =	ssyncadd.s32 $0xFFFFFFFF  }
0xb6: {  	_ =	strace $0x9000005A  }
0xb7: {  	_ =	sfence  }
0xb8: {  	s30 =	sld [smem:$0x0];
	_ =	sdelay $0x2  }
0xb9: {  	s31 =	sshll.u32 s1, $0xD;
	s1 =	sshrl.u32 s1, $0x2  }
0xba: {  	s3 =	sand.u32 $0x4000, s31;
	s1 =	sadd.s32 s1, s30  }
0xbb: {  	s0 =	sor.u32 s3, s0;
	s1 =	sshll.u32 s1, $0x11  }
0xbc: {  	s0 =	sor.u32 s1, s0  }
0xbd: {  	s0 =	sadd.s32 $0x8F2B, s0  }
0xbe: {  	[sflag:s0] =	ssyncadd.remote.s32 $0x1  }
0xbf: {  	_ =	sfence.sel $0xFFFF  }
0xc0: {  	[dreg:$0x0] =	wrdreg $0xFFFFFFFF;
	(pc) =	sbr.abs _section_cstart, $3  }
0xc1: {  	[dreg:$0x1] =	wrdreg $0xFFFFFFFF  }
0xc2: {  	_ =	task.clear_ibuf [dreg:s7], $0x2FFFF;
	_ =	strace $0x9FFFFFFF  }
0xc3: {  	(tm) =	ssettm $0x7FFFFFFF  }
tec
execute0_lowered:
.L_overlay_start_1:
0x0: {  	(tag) =	ssettag $0x1  }
0x1: {  	s1 =	rddreg [dreg:$0x0]  }
0x2: {  	s5 =	rddreg [dreg:$0x1]  }
0x3: {  	s3 =	rddreg [dreg:$0x2]  }
0x4: {  	s0 =	srdreg.scid;
	s2 =	rddreg [dreg:$0x3]  }
0x5: {  	s4 =	simm.s32 $0x0;
	s13 =	simm.s32 $0xA000;
	s6 =	sand.u32 $0x1, s0  }
0x6: {  	s14 =	simm.s32 $0xA480;
	s0 =	stileid.u32;
	s7 =	smul.u32 $0x28800, s6  }
0x7: {  	s15 =	simm.s32 $0x480;
	s16 =	simm.s32 $0xA900;
	s8 =	smul.u32 $0x2880, s0  }
0x8: {  	s17 =	simm.s32 $0x1;
	s18 =	simm.s32 $0x0;
	s29 =	smul.u32 $0xA000, s0  }
0x9: {  	[smem:$0x7FF] =	sst s4;
	s9 =	smul.u32 $0xA0000, s6;
	s6 =	ssub.s32 $0x2, s6  }
0xa: {  	_ =	strace $0x80000059;
	s31 =	sshll.u32 s0, $0x6;
	s11 =	sshrl.u32 s6, $0x1  }
0xb: {  	s7 =	sadd.s32 s8, s7;
	s30 =	sshrl.u32 s29, $0x3;
	s9 =	sadd.s32 s29, s9  }
0xc: {  	s11 =	ssub.s32 s6, s11;
	s12 =	sadd.s32 s29, s3;
	s6 =	sor.u32 $0x1C02, s31  }
0xd: {  	s7 =	sshrl.u32 s7, $0x3;
	s9 =	sshrl.u32 s9, $0x3;
	s8 =	smax.u32 s11, $0x1  }
0xe: {  	s11 =	sshrl.u32 s12, $0x3;
	s10 =	sadd.s32 s7, s5;
	s7 =	sadd.s32 s30, s5  }
0xf: {  	s12 =	simm.s32 $0x2;
	s9 =	sadd.s32 s9, s5;
	s5 =	sadd.s32 $0x1BE00, s7  }
0x10: {  	s7 =	sadd.s32 $0x2FE00, s9;
	s9 =	sadd.s32 $0x7A00, s10;
	s10 =	sadd.s32 $0x11C00, s10  }
.LBB2_1:
0x11: {  	[spmem:s11], [sflag:s6] =	dma.local [hbm:s5], $0x1400  }
0x12: {  	_ =	swait.ge [sflag:s12], $0x1400  }
0x13: {  	[sflag:s12] =	ssyncset.done $0x0  }
0x14: {  	[sflag:s12] =	ssyncadd.s32 $0xFFFFEC00  }
0x15: {  	s19 =	sadd.s32 $0x0, s10;
	[bflag:$0x0] =	sbarrier.arrive $0xFFFF  }
0x16: {  	[tilespmem:s13], [sflag:$0x2] =	stream.linear.gather [hbm4b:s19+s4], $0x480, $0x38;
	[tilespmem:$0x1C900] =	vst v63  }
0x17: {  	_ =	swait.ge [sflag:s12], $0x480  }
0x18: {  	[sflag:s12] =	ssyncset.done $0x0  }
0x19: {  	s31 =	sadd.s32 $0x0, s9;
	[sflag:s12] =	ssyncadd.s32 $0xFFFFFB80  }
0x1a: {  	[tilespmem:s14], [sflag:$0x2] =	stream.linear.gather [hbm4b:s31+s4], $0x480, $0x38;
	[tilespmem:$0x1C900] =	vst v63  }
0x1b: {  	_ =	swait.ge [sflag:s12], $0x480  }
0x1c: {  	[sflag:s12] =	ssyncset.done $0x0  }
0x1d: {  	[sflag:s12] =	ssyncadd.s32 $0xFFFFFB80  }
0x1e: {  	[tilespmem:s16], [sflag:$0x1] =	stream.indirect.gather [hbm4b:s1+s15], $0x40, s13, s15, $0xb8;
	[tilespmem:$0x1C900] =	vst v63  }
0x1f: {  	_ =	swait.ge [sflag:s17], $0x12000  }
0x20: {  	[sflag:s17] =	ssyncset.done $0x0  }
0x21: {  	[sflag:s17] =	ssyncadd.s32 $0xFFFEE000  }
0x22: {  	[spmem:s3] =	stream.indirect.scatter.add.f32 [tilespmem:s16], [sflag:$0x2], $0x40, s14, s15, $0xb8;
	[tilespmem:$0x1C900] =	vst v63  }
0x23: {  	_ =	swait.ge [sflag:s12], $0x12000  }
0x24: {  	s20 =	simm.s32 $0x120;
	s19 =	simm.s32 $0x90;
	[sflag:s12] =	ssyncset.done $0x0  }
.LBB2_2:
0x25: {  	s21 =	sadd.s32 s19, s10  }
0x26: {  	[sflag:s12] =	ssyncadd.s32 $0xFFFEE000;
	s22 =	smov.u32 s20;
	s23 =	sadd.s32 $0x90, s20  }
0x27: {  	[tilespmem:s13], [sflag:$0x2] =	stream.linear.gather [hbm4b:s21+s4], $0x480, $0x38;
	[tilespmem:$0x1C900] =	vst v63  }
0x28: {  	p0 =	sne.s32 s20, $0x480;
	_ =	swait.ge [sflag:s12], $0x480  }
0x29: {  	[sflag:s12] =	ssyncset.done $0x0  }
0x2a: {  	s20 =	sadd.s32 s19, s9;
	s19 =	smov.u32 s22;
	[sflag:s12] =	ssyncadd.s32 $0xFFFFFB80  }
0x2b: {  	[tilespmem:s14], [sflag:$0x2] =	stream.linear.gather [hbm4b:s20+s4], $0x480, $0x38;
	[tilespmem:$0x1C900] =	vst v63  }
0x2c: {  	_ =	swait.ge [sflag:s12], $0x480  }
0x2d: {  	[sflag:s12] =	ssyncset.done $0x0  }
0x2e: {  	[sflag:s12] =	ssyncadd.s32 $0xFFFFFB80  }
0x2f: {  	[tilespmem:s16], [sflag:$0x1] =	stream.indirect.gather [hbm4b:s1+s15], $0x40, s13, s15, $0xb8;
	[tilespmem:$0x1C900] =	vst v63  }
0x30: {  	_ =	swait.ge [sflag:s17], $0x12000  }
.Ltmp0:
0x31: {  	[sflag:s17] =	ssyncset.done $0x0;
	(pc) =	sbr.rel @p0 .LBB2_2-.Ltmp0, $4  }
0x32: {  	[sflag:s17] =	ssyncadd.s32 $0xFFFEE000  }
0x33: {  	[spmem:s3] =	stream.indirect.scatter.add.f32 [tilespmem:s16], [sflag:$0x2], $0x40, s14, s15, $0xb8;
	[tilespmem:$0x1C900] =	vst v63  }
0x34: {  	_ =	swait.ge [sflag:s12], $0x12000  }
0x35: {  	s20 =	smov.u32 s23;
	[sflag:s12] =	ssyncset.done $0x0  }
0x36: {  	s20 =	sadd.s32 s19, s10;
	[sflag:s12] =	ssyncadd.s32 $0xFFFEE000  }
0x37: {  	[tilespmem:s13], [sflag:$0x2] =	stream.linear.gather [hbm4b:s20+s4], $0x480, $0x38;
	[tilespmem:$0x1C900] =	vst v63  }
0x38: {  	_ =	swait.ge [sflag:s12], $0x480  }
0x39: {  	[sflag:s12] =	ssyncset.done $0x0  }
0x3a: {  	s31 =	sadd.s32 s19, s9;
	[sflag:s12] =	ssyncadd.s32 $0xFFFFFB80  }
0x3b: {  	[tilespmem:s14], [sflag:$0x2] =	stream.linear.gather [hbm4b:s31+s4], $0x480, $0x38;
	[tilespmem:$0x1C900] =	vst v63  }
0x3c: {  	_ =	swait.ge [sflag:s12], $0x480  }
0x3d: {  	[sflag:s12] =	ssyncset.done $0x0  }
0x3e: {  	[sflag:s12] =	ssyncadd.s32 $0xFFFFFB80  }
0x3f: {  	[tilespmem:s16], [sflag:$0x1] =	stream.indirect.gather [hbm4b:s1+s15], $0x40, s13, s15, $0xb8;
	[tilespmem:$0x1C900] =	vst v63  }
0x40: {  	_ =	swait.ge [sflag:s17], $0x12000  }
0x41: {  	[sflag:s17] =	ssyncset.done $0x0  }
0x42: {  	[sflag:s17] =	ssyncadd.s32 $0xFFFEE000  }
0x43: {  	[spmem:s3] =	stream.indirect.scatter.add.f32 [tilespmem:s16], [sflag:$0x2], $0x40, s14, s15, $0xb8;
	[tilespmem:$0x1C900] =	vst v63  }
0x44: {  	_ =	swait.ge [sflag:s12], $0x12000  }
0x45: {  	s18 =	sadd.s32 $0x1, s18;
	[sflag:s12] =	ssyncset.done $0x0  }
0x46: {  	p0 =	sne.s32 s18, s8;
	[sflag:s12] =	ssyncadd.s32 $0xFFFEE000  }
.Ltmp1:
0x47: {  	[bflag:$0x0] =	sbarrier.arrive $0xFFFF;
	(pc) =	sbr.rel @p0 .LBB2_1-.Ltmp1, $4  }
0x48: {  	[hbm:s7], [sflag:s6] =	dma.local [spmem:s11], $0x1400  }
0x49: {  	_ =	swait.ge [sflag:s12], $0x1400  }
0x4a: {  	[sflag:s12] =	ssyncset.done $0x0  }
0x4b: {  	[sflag:s12] =	ssyncadd.s32 $0xFFFFEC00  }
0x4c: {  	_ =	sfence.sel $0x180000  }
0x4d: {  	[bflag:$0x0] =	sbarrier.arrive $0xFFFF  }
0x4e: {  	p0 =	sne.s32 s0, $0x0;
	_ =	strace $0x90000059  }
0x4f: {  	s0 =	sadd.s32 @!p0 $0x100000, s2;
	[bflag:$0x2] =	sbarrier.arrive $0xFFFF  }
0x50: {  	[sflag:s0] =	ssyncadd.tile.s32 @!p0 $0x1;
	_ =	shalt  }
.Lfunc_end2:
_tile_overlayer_lowered:
.L_overlay_start_2:
0x51: {  	(tag) =	ssettag $0x2  }
0x52: {  	s0 =	rddreg [dreg:$0x0];
	s2 =	stileid.u32  }
0x53: {  	s1 =	rddreg [dreg:$0x1];
	p0 =	sne.s32 s2, $0x0  }
0x54: {  	s3 =	rddreg [dreg:$0x2];
	[bflag:$0x3] =	sbarrier.arrive $0xFFFF;
	s2 =	simm.s32 @!p0 $0x1C02  }
0x55: {  	[timem:s3], [sflag:s2] =	dma.local @!p0 [hbm:s0], s1  }
0x56: {  	s0 =	simm.s32 @!p0 $0x2  }
0x57: {  	_ =	swait.ge @!p0 [sflag:s0], s1  }
0x58: {  	s1 =	ssub.s32 @!p0 $0x0, s1;
	[sflag:s0] =	ssyncset.done @!p0 $0x0  }
0x59: {  	[sflag:s0] =	ssyncadd.s32 @!p0 s1  }
0x5a: {  	[bflag:$0x3] =	sbarrier.arrive $0xFFFF  }
0x5b: {  	_ =	shalt  }

// kernel: kernel.54.cloned.1.call-start
scs
__scs_entry_jumppad:
0x0: {  	(pc) =	sbr.rel $0x88, $3  }
0x1: {  	(tag) =	ssettag $0x0;
	lr =	simm.s32 $0x1  }
0x2: {  	[smem:$0x3F8F] =	sst lr;
	_ =	strace $0xD0000000  }
0x3: {  	_ = 	snop  }
0x4: {  	_ = 	snop  }
0x5: {  	_ = 	snop  }
0x6: {  	_ = 	snop  }
0x7: {  	_ = 	snop  }
__scs_overlays_trampoline_lowered:
0x8: {  	[smem:$0x3F9E] =	sst s0  }
0x9: {  	[smem:$0x3F9F] =	sst s1  }
0xa: {  	[smem:$0x3FA0] =	sst s2  }
0xb: {  	[smem:$0x3FA1] =	sst s3  }
0xc: {  	[smem:$0x3FA2] =	sst s4  }
0xd: {  	[smem:$0x3FA3] =	sst s5  }
0xe: {  	[smem:$0x3FA4] =	sst s6  }
0xf: {  	[smem:$0x3FA5] =	sst s7  }
0x10: {  	[smem:$0x3FA6] =	sst s8  }
0x11: {  	[smem:$0x3FA7] =	sst s9;
	s0 =	simm.s32 @!p0 $0x0  }
0x12: {  	s1 =	sld [smem:$0x3F8D];
	s0 =	simm.s32 @p0 $0x1  }
0x13: {  	[smem:$0x3FA8] =	sst s0;
	s0 =	simm.s32 @!p1 $0x0  }
0x14: {  	s2 =	sld [smem:$0x3F8C];
	s0 =	simm.s32 @p1 $0x1  }
0x15: {  	[smem:$0x3FA9] =	sst s0;
	s0 =	simm.s32 @!p2 $0x0  }
0x16: {  	s3 =	sld [smem:$0x3FDB];
	s0 =	simm.s32 @p2 $0x1  }
0x17: {  	s4 =	simm.s32 $0x1BF5;
	[smem:$0x3FAB] =	sst s0  }
0x18: {  	s0 =	sld [smem:$0x3F8E];
	_ =	swait.ge [sflag:s4], $0x0  }
0x19: {  	s7 =	sld [smem:$0x3F8F]  }
0x1a: {  	s8 =	sadd.s32 $0xFFFFE003, lr  }
0x1b: {  	s9 =	sadd.s32 $0xFFFFFEF7, lr;
	s5 =	simm.s32 $0xFFFFFFFF;
	p2 =	slt.u32 s8, $0xFFFFF086  }
0x1c: {  	p1 =	slt.u32 s9, $0xF7A;
	s5 =	simm.s32 @!p2 $0x0  }
0x1d: {  	s5 =	simm.s32 @p1 $0x1;
	p0 =	seq.s32 s7, s2  }
0x1e: {  	s7 =	smul.u32 @!p0 $0xF7A, s2;
	p2 =	seq.s32 @!p0 s5, $0x0  }
0x1f: {  	s9 =	smul.u32 $0xF7A, s1;
	s8 =	simm.s32 @!p0 $0x1BF5;
	p2 =	por !p2, p0  }
0x20: {  	[sflag:s8] =	ssyncset.s32 @!p0 $0xFFFFF086;
	s6 =	sadd.s32 @!p0 s3, s7;
	s7 =	simm.s32 @!p0 $0x108  }
0x21: {  	s3 =	sadd.s32 s3, s9;
	s6 =	sadd.s32 @!p0 $0x88, s6;
	s7 =	simm.s32 @p2 $0x1082  }
0x22: {  	[simem:s7], [sflag:s8] =	dma.local @!p0 [hbm:s6], $0xF7A  }
0x23: {  	s9 =	sor.u32 $0xD0000000, s2;
	s6 =	simm.s32 $0x108;
	_ =	swait.ge @!p0 [sflag:s8], $0x0  }
0x24: {  	s3 =	sadd.s32 $0x88, s3;
	s6 =	simm.s32 @!p1 $0x1082;
	[sflag:s4] =	ssyncset.s32 $0xFFFFF086  }
0x25: {  	[simem:s6], [sflag:s4] =	dma.local [hbm:s3], $0xF7A  }
0x26: {  	[smem:$0x3F8F] =	sst s1;
	(tag) =	ssettag s2;
	_ =	strace s9  }
0x27: {  	s1 =	sld [smem:$0x3F9F]  }
0x28: {  	s2 =	sld [smem:$0x3FA0]  }
0x29: {  	s4 =	sld [smem:$0x3FA2]  }
0x2a: {  	p0 =	seq.s32 s5, $0x0;
	s5 =	sld [smem:$0x3FA3]  }
0x2b: {  	s6 =	sld [smem:$0x3FA4]  }
0x2c: {  	s7 =	sld [smem:$0x3FA5]  }
0x2d: {  	s3 =	simm.s32 $0x108;
	s8 =	sld [smem:$0x3FA6]  }
0x2e: {  	s3 =	simm.s32 @!p0 $0x1082;
	s9 =	sld [smem:$0x3FA7]  }
0x2f: {  	lr =	sadd.s32 s0, s3;
	s0 =	sld [smem:$0x3F9E]  }
0x30: {  	s3 =	sld [smem:$0x3FA1]  }
0x31: {  	[smem:$0x3FAA] =	sst s10  }
0x32: {  	s10 =	sld [smem:$0x3FA8];
	_ =	sdelay $0x3  }
0x33: {  	p0 =	seq.s32 s10, $0x1;
	s10 =	sld [smem:$0x3FAA];
	_ =	sdelay $0x3  }
0x34: {  	[smem:$0x3FAA] =	sst s10  }
0x35: {  	s10 =	sld [smem:$0x3FA9];
	_ =	sdelay $0x3  }
0x36: {  	p1 =	seq.s32 s10, $0x1;
	s10 =	sld [smem:$0x3FAA];
	_ =	sdelay $0x3  }
0x37: {  	[smem:$0x3FAA] =	sst s10  }
0x38: {  	s10 =	sld [smem:$0x3FAB]  }
0x39: {  	_ = 	snop;
	(pc) =	sbr.ind lr, $3  }
0x3a: {  	_ = 	snop  }
0x3b: {  	_ = 	snop  }
0x3c: {  	p2 =	seq.s32 s10, $0x1;
	s10 =	sld [smem:$0x3FAA]  }
0x3d: {  	_ =	shalt  }
0x3e: {  	_ =	shalt  }
0x3f: {  	_ =	shalt  }
0x40: {  	_ =	shalt  }
0x41: {  	_ =	shalt  }
0x42: {  	_ =	shalt  }
0x43: {  	_ =	shalt  }
0x44: {  	_ =	shalt  }
0x45: {  	_ =	shalt  }
0x46: {  	_ =	shalt  }
0x47: {  	_ =	shalt  }
0x48: {  	_ =	shalt  }
0x49: {  	_ =	shalt  }
0x4a: {  	_ =	shalt  }
0x4b: {  	_ =	shalt  }
0x4c: {  	_ =	shalt  }
0x4d: {  	_ =	shalt  }
0x4e: {  	_ =	shalt  }
0x4f: {  	_ =	shalt  }
0x50: {  	_ =	shalt  }
0x51: {  	_ =	shalt  }
0x52: {  	_ =	shalt  }
0x53: {  	_ =	shalt  }
0x54: {  	_ =	shalt  }
0x55: {  	_ =	shalt  }
0x56: {  	_ =	shalt  }
0x57: {  	_ =	shalt  }
0x58: {  	_ =	shalt  }
0x59: {  	_ =	shalt  }
0x5a: {  	_ =	shalt  }
0x5b: {  	_ =	shalt  }
0x5c: {  	_ =	shalt  }
0x5d: {  	_ =	shalt  }
0x5e: {  	_ =	shalt  }
0x5f: {  	_ =	shalt  }
0x60: {  	_ =	shalt  }
0x61: {  	_ =	shalt  }
0x62: {  	_ =	shalt  }
0x63: {  	_ =	shalt  }
0x64: {  	_ =	shalt  }
0x65: {  	_ =	shalt  }
0x66: {  	_ =	shalt  }
0x67: {  	_ =	shalt  }
0x68: {  	_ =	shalt  }
0x69: {  	_ =	shalt  }
0x6a: {  	_ =	shalt  }
0x6b: {  	_ =	shalt  }
0x6c: {  	_ =	shalt  }
0x6d: {  	_ =	shalt  }
0x6e: {  	_ =	shalt  }
0x6f: {  	_ =	shalt  }
0x70: {  	_ =	shalt  }
0x71: {  	_ =	shalt  }
0x72: {  	_ =	shalt  }
0x73: {  	_ =	shalt  }
0x74: {  	_ =	shalt  }
0x75: {  	_ =	shalt  }
0x76: {  	_ =	shalt  }
0x77: {  	_ =	shalt  }
0x78: {  	_ =	shalt  }
0x79: {  	_ =	shalt  }
0x7a: {  	_ =	shalt  }
0x7b: {  	_ =	shalt  }
0x7c: {  	_ =	shalt  }
0x7d: {  	_ =	shalt  }
0x7e: {  	_ =	shalt  }
0x7f: {  	_ =	shalt  }
0x80: {  	_ =	shalt  }
0x81: {  	_ =	shalt  }
0x82: {  	_ =	shalt  }
0x83: {  	_ =	shalt  }
0x84: {  	_ =	shalt  }
0x85: {  	_ =	shalt  }
0x86: {  	_ =	shalt  }
0x87: {  	_ =	shalt  }
.Lfunc_end0:
.L_simem_size_0:
called_computation.7_lowered:
.L_overlay_start_0:
0x88: {  	s2 =	sld [smem:$0x3FD9]  }
0x89: {  	s3 =	sld [smem:$0x3FFE];
	_ =	sdelay $0x1  }
0x8a: {  	s1 =	srdreg.scid  }
0x8b: {  	s0 =	sand.u32 $0x1, s1  }
0x8c: {  	s17 =	sshll.u32 s0, $0xA;
	s2 =	sadd.s32 s3, s2  }
0x8d: {  	s2 =	sadd.s32 s2, s17  }
0x8e: {  	[smem:$0x3FB6] =	sst s2  }
0x8f: {  	_ = 	snop  }
0x90: {  	s2 =	sld [smem:$0x3FD0];
	(tm) =	ssettm $0x1  }
0x91: {  	s18 =	sld [smem:$0x3FFB];
	_ =	sdelay $0x3  }
0x92: {  	_ =	strace s18  }
0x93: {  	s3 =	sld [smem:$0x3FFC];
	_ =	sdelay $0x3  }
0x94: {  	_ =	strace s3  }
0x95: {  	s3 =	sld [smem:$0x3FFD];
	_ =	sdelay $0x3  }
0x96: {  	_ =	strace s3  }
0x97: {  	_ =	strace $0x8FFFFFFF  }
0x98: {  	s19 =	sld [smem:$0x3FDB];
	_ =	sdelay $0x1  }
0x99: {  	s4 =	simm.s32 $_scs_section_size  }
0x9a: {  	s5 =	simm.s32 $_size__tile_overlayer_lowered;
	s6 =	simm.s32 $_tile_overlayer_lowered  }
0x9b: {  	s22 =	simm.s32 $0x1BFF;
	s21 =	sshll.u32 s6, $0x1;
	s3 =	sadd.s32 s4, s19  }
0x9c: {  	s7 =	simm.s32 $0x0;
	s20 =	sshll.u32 s5, $0x1;
	s5 =	sadd.s32 s21, s3  }
0x9d: {  	[timem:s7], [sflag:s22] =	dma.local [hbm:s5], s20  }
0x9e: {  	_ =	swait.ge [sflag:s22], s20  }
0x9f: {  	s4 =	ssub.s32 $0x0, s20;
	[sflag:s22] =	ssyncset.done $0x0  }
0xa0: {  	[sflag:s22] =	ssyncadd.s32 s4;
	_ =	sdelay $0x1  }
0xa1: {  	s23 =	simm.s32 $0x1B8B  }
0xa2: {  	_ =	swait.ge [sflag:s23], $0x1  }
0xa3: {  	[sflag:s23] =	ssyncset.done $0x0  }
0xa4: {  	s25 =	simm.s32 $0x1B8E;
	s24 =	sld [smem:$0x3FFE];
	[sflag:s23] =	ssyncadd.s32 $0xFFFFFFFF  }
0xa5: {  	s26 =	simm.s32 $execute0_lowered;
	[smem:$0x3FD2] =	sst s25  }
0xa6: {  	s5 =	sshll.u32 s26, $0x1;
	_ =	strace $0x8000005B;
	[dreg:$0x1] =	wrdreg $0xFFFFFFFF  }
0xa7: {  	s28 =	simm.s32 $_size_execute0_lowered;
	s3 =	sadd.s32 s3, s5;
	[dreg:$0x0] =	wrdreg $0x0  }
0xa8: {  	s5 =	sshll.u32 s28, $0x1;
	[dreg:$0x2] =	wrdreg s3  }
0xa9: {  	[dreg:$0x3] =	wrdreg s5  }
0xaa: {  	[dreg:$0x4] =	wrdreg $0xC0  }
0xab: {  	_ =	task [dreg:s7], $0x5FFFF  }
0xac: {  	[dreg:$0x1] =	wrdreg $0xFFFFFFFF  }
0xad: {  	[dreg:$0x0] =	wrdreg $0x60  }
0xae: {  	[dreg:$0x2] =	wrdreg s2  }
0xaf: {  	[dreg:$0x3] =	wrdreg s24  }
0xb0: {  	[dreg:$0x4] =	wrdreg $0x0  }
0xb1: {  	[dreg:$0x5] =	wrdreg $0x9  }
0xb2: {  	_ =	task.clear_ibuf [dreg:s7], $0x6FFFF;
	_ =	strace $0x9000005B  }
0xb3: {  	s29 =	simm.s32 $0x9;
	_ =	strace $0x8000005D  }
0xb4: {  	_ =	swait.ge [sflag:s29], $0x1  }
0xb5: {  	[sflag:s29] =	ssyncadd.s32 $0xFFFFFFFF  }
0xb6: {  	_ =	strace $0x9000005D  }
0xb7: {  	_ =	sfence  }
0xb8: {  	s30 =	sld [smem:$0x0];
	_ =	sdelay $0x2  }
0xb9: {  	s31 =	sshll.u32 s1, $0xD;
	s1 =	sshrl.u32 s1, $0x2  }
0xba: {  	s3 =	sand.u32 $0x4000, s31;
	s1 =	sadd.s32 s1, s30  }
0xbb: {  	s0 =	sor.u32 s3, s0;
	s1 =	sshll.u32 s1, $0x11  }
0xbc: {  	s0 =	sor.u32 s1, s0  }
0xbd: {  	s0 =	sadd.s32 $0x8F2B, s0  }
0xbe: {  	[sflag:s0] =	ssyncadd.remote.s32 $0x1  }
0xbf: {  	_ =	sfence.sel $0xFFFF  }
0xc0: {  	[dreg:$0x0] =	wrdreg $0xFFFFFFFF;
	(pc) =	sbr.abs _section_cstart, $3  }
0xc1: {  	[dreg:$0x1] =	wrdreg $0xFFFFFFFF  }
0xc2: {  	_ =	task.clear_ibuf [dreg:s7], $0x2FFFF;
	_ =	strace $0x9FFFFFFF  }
0xc3: {  	(tm) =	ssettm $0x7FFFFFFF  }
tec
execute0_lowered:
.L_overlay_start_1:
0x0: {  	(tag) =	ssettag $0x1  }
0x1: {  	s1 =	rddreg [dreg:$0x0]  }
0x2: {  	s5 =	rddreg [dreg:$0x1]  }
0x3: {  	s3 =	rddreg [dreg:$0x2]  }
0x4: {  	s0 =	srdreg.scid;
	s2 =	rddreg [dreg:$0x3]  }
0x5: {  	s4 =	simm.s32 $0x0;
	s13 =	simm.s32 $0xA000;
	s6 =	sand.u32 $0x1, s0  }
0x6: {  	s14 =	simm.s32 $0xA480;
	s0 =	stileid.u32;
	s7 =	smul.u32 $0x28800, s6  }
0x7: {  	s15 =	simm.s32 $0x480;
	s16 =	simm.s32 $0xA900;
	s8 =	smul.u32 $0x2880, s0  }
0x8: {  	s17 =	simm.s32 $0x1;
	s18 =	simm.s32 $0x0;
	s29 =	smul.u32 $0xA000, s0  }
0x9: {  	[smem:$0x7FF] =	sst s4;
	s9 =	smul.u32 $0xA0000, s6;
	s6 =	ssub.s32 $0x2, s6  }
0xa: {  	_ =	strace $0x8000005C;
	s31 =	sshll.u32 s0, $0x6;
	s11 =	sshrl.u32 s6, $0x1  }
0xb: {  	s7 =	sadd.s32 s8, s7;
	s30 =	sshrl.u32 s29, $0x3;
	s9 =	sadd.s32 s29, s9  }
0xc: {  	s11 =	ssub.s32 s6, s11;
	s12 =	sadd.s32 s29, s3;
	s6 =	sor.u32 $0x1C02, s31  }
0xd: {  	s7 =	sshrl.u32 s7, $0x3;
	s9 =	sshrl.u32 s9, $0x3;
	s8 =	smax.u32 s11, $0x1  }
0xe: {  	s11 =	sshrl.u32 s12, $0x3;
	s10 =	sadd.s32 s7, s5;
	s7 =	sadd.s32 s30, s5  }
0xf: {  	s12 =	simm.s32 $0x2;
	s9 =	sadd.s32 s9, s5;
	s5 =	sadd.s32 $0x1BE00, s7  }
0x10: {  	s7 =	sadd.s32 $0x2FE00, s9;
	s9 =	sadd.s32 $0x7A00, s10;
	s10 =	sadd.s32 $0x11C00, s10  }
.LBB2_1:
0x11: {  	[spmem:s11], [sflag:s6] =	dma.local [hbm:s5], $0x1400  }
0x12: {  	_ =	swait.ge [sflag:s12], $0x1400  }
0x13: {  	[sflag:s12] =	ssyncset.done $0x0  }
0x14: {  	[sflag:s12] =	ssyncadd.s32 $0xFFFFEC00  }
0x15: {  	s19 =	sadd.s32 $0x0, s10;
	[bflag:$0x0] =	sbarrier.arrive $0xFFFF  }
0x16: {  	[tilespmem:s13], [sflag:$0x2] =	stream.linear.gather [hbm4b:s19+s4], $0x480, $0x38;
	[tilespmem:$0x1C900] =	vst v63  }
0x17: {  	_ =	swait.ge [sflag:s12], $0x480  }
0x18: {  	[sflag:s12] =	ssyncset.done $0x0  }
0x19: {  	s31 =	sadd.s32 $0x0, s9;
	[sflag:s12] =	ssyncadd.s32 $0xFFFFFB80  }
0x1a: {  	[tilespmem:s14], [sflag:$0x2] =	stream.linear.gather [hbm4b:s31+s4], $0x480, $0x38;
	[tilespmem:$0x1C900] =	vst v63  }
0x1b: {  	_ =	swait.ge [sflag:s12], $0x480  }
0x1c: {  	[sflag:s12] =	ssyncset.done $0x0  }
0x1d: {  	[sflag:s12] =	ssyncadd.s32 $0xFFFFFB80  }
0x1e: {  	[tilespmem:s16], [sflag:$0x1] =	stream.indirect.gather [hbm4b:s1+s15], $0x40, s13, s15, $0xb8;
	[tilespmem:$0x1C900] =	vst v63  }
0x1f: {  	_ =	swait.ge [sflag:s17], $0x12000  }
0x20: {  	[sflag:s17] =	ssyncset.done $0x0  }
0x21: {  	[sflag:s17] =	ssyncadd.s32 $0xFFFEE000  }
0x22: {  	[spmem:s3] =	stream.indirect.scatter.add.f32 [tilespmem:s16], [sflag:$0x2], $0x40, s14, s15, $0xb8;
	[tilespmem:$0x1C900] =	vst v63  }
0x23: {  	_ =	swait.ge [sflag:s12], $0x12000  }
0x24: {  	s20 =	simm.s32 $0x120;
	s19 =	simm.s32 $0x90;
	[sflag:s12] =	ssyncset.done $0x0  }
.LBB2_2:
0x25: {  	s21 =	sadd.s32 s19, s10  }
0x26: {  	[sflag:s12] =	ssyncadd.s32 $0xFFFEE000;
	s22 =	smov.u32 s20;
	s23 =	sadd.s32 $0x90, s20  }
0x27: {  	[tilespmem:s13], [sflag:$0x2] =	stream.linear.gather [hbm4b:s21+s4], $0x480, $0x38;
	[tilespmem:$0x1C900] =	vst v63  }
0x28: {  	p0 =	sne.s32 s20, $0x480;
	_ =	swait.ge [sflag:s12], $0x480  }
0x29: {  	[sflag:s12] =	ssyncset.done $0x0  }
0x2a: {  	s20 =	sadd.s32 s19, s9;
	s19 =	smov.u32 s22;
	[sflag:s12] =	ssyncadd.s32 $0xFFFFFB80  }
0x2b: {  	[tilespmem:s14], [sflag:$0x2] =	stream.linear.gather [hbm4b:s20+s4], $0x480, $0x38;
	[tilespmem:$0x1C900] =	vst v63  }
0x2c: {  	_ =	swait.ge [sflag:s12], $0x480  }
0x2d: {  	[sflag:s12] =	ssyncset.done $0x0  }
0x2e: {  	[sflag:s12] =	ssyncadd.s32 $0xFFFFFB80  }
0x2f: {  	[tilespmem:s16], [sflag:$0x1] =	stream.indirect.gather [hbm4b:s1+s15], $0x40, s13, s15, $0xb8;
	[tilespmem:$0x1C900] =	vst v63  }
0x30: {  	_ =	swait.ge [sflag:s17], $0x12000  }
.Ltmp0:
0x31: {  	[sflag:s17] =	ssyncset.done $0x0;
	(pc) =	sbr.rel @p0 .LBB2_2-.Ltmp0, $4  }
0x32: {  	[sflag:s17] =	ssyncadd.s32 $0xFFFEE000  }
0x33: {  	[spmem:s3] =	stream.indirect.scatter.add.f32 [tilespmem:s16], [sflag:$0x2], $0x40, s14, s15, $0xb8;
	[tilespmem:$0x1C900] =	vst v63  }
0x34: {  	_ =	swait.ge [sflag:s12], $0x12000  }
0x35: {  	s20 =	smov.u32 s23;
	[sflag:s12] =	ssyncset.done $0x0  }
0x36: {  	s20 =	sadd.s32 s19, s10;
	[sflag:s12] =	ssyncadd.s32 $0xFFFEE000  }
0x37: {  	[tilespmem:s13], [sflag:$0x2] =	stream.linear.gather [hbm4b:s20+s4], $0x480, $0x38;
	[tilespmem:$0x1C900] =	vst v63  }
0x38: {  	_ =	swait.ge [sflag:s12], $0x480  }
0x39: {  	[sflag:s12] =	ssyncset.done $0x0  }
0x3a: {  	s31 =	sadd.s32 s19, s9;
	[sflag:s12] =	ssyncadd.s32 $0xFFFFFB80  }
0x3b: {  	[tilespmem:s14], [sflag:$0x2] =	stream.linear.gather [hbm4b:s31+s4], $0x480, $0x38;
	[tilespmem:$0x1C900] =	vst v63  }
0x3c: {  	_ =	swait.ge [sflag:s12], $0x480  }
0x3d: {  	[sflag:s12] =	ssyncset.done $0x0  }
0x3e: {  	[sflag:s12] =	ssyncadd.s32 $0xFFFFFB80  }
0x3f: {  	[tilespmem:s16], [sflag:$0x1] =	stream.indirect.gather [hbm4b:s1+s15], $0x40, s13, s15, $0xb8;
	[tilespmem:$0x1C900] =	vst v63  }
0x40: {  	_ =	swait.ge [sflag:s17], $0x12000  }
0x41: {  	[sflag:s17] =	ssyncset.done $0x0  }
0x42: {  	[sflag:s17] =	ssyncadd.s32 $0xFFFEE000  }
0x43: {  	[spmem:s3] =	stream.indirect.scatter.add.f32 [tilespmem:s16], [sflag:$0x2], $0x40, s14, s15, $0xb8;
	[tilespmem:$0x1C900] =	vst v63  }
0x44: {  	_ =	swait.ge [sflag:s12], $0x12000  }
0x45: {  	s18 =	sadd.s32 $0x1, s18;
	[sflag:s12] =	ssyncset.done $0x0  }
0x46: {  	p0 =	sne.s32 s18, s8;
	[sflag:s12] =	ssyncadd.s32 $0xFFFEE000  }
.Ltmp1:
0x47: {  	[bflag:$0x0] =	sbarrier.arrive $0xFFFF;
	(pc) =	sbr.rel @p0 .LBB2_1-.Ltmp1, $4  }
0x48: {  	[hbm:s7], [sflag:s6] =	dma.local [spmem:s11], $0x1400  }
0x49: {  	_ =	swait.ge [sflag:s12], $0x1400  }
0x4a: {  	[sflag:s12] =	ssyncset.done $0x0  }
0x4b: {  	[sflag:s12] =	ssyncadd.s32 $0xFFFFEC00  }
0x4c: {  	_ =	sfence.sel $0x180000  }
0x4d: {  	[bflag:$0x0] =	sbarrier.arrive $0xFFFF  }
0x4e: {  	p0 =	sne.s32 s0, $0x0;
	_ =	strace $0x9000005C  }
0x4f: {  	s0 =	sadd.s32 @!p0 $0x100000, s2;
	[bflag:$0x2] =	sbarrier.arrive $0xFFFF  }
0x50: {  	[sflag:s0] =	ssyncadd.tile.s32 @!p0 $0x1;
	_ =	shalt  }
.Lfunc_end2:
_tile_overlayer_lowered:
.L_overlay_start_2:
0x51: {  	(tag) =	ssettag $0x2  }
0x52: {  	s0 =	rddreg [dreg:$0x0];
	s2 =	stileid.u32  }
0x53: {  	s1 =	rddreg [dreg:$0x1];
	p0 =	sne.s32 s2, $0x0  }
0x54: {  	s3 =	rddreg [dreg:$0x2];
	[bflag:$0x3] =	sbarrier.arrive $0xFFFF;
	s2 =	simm.s32 @!p0 $0x1C02  }
0x55: {  	[timem:s3], [sflag:s2] =	dma.local @!p0 [hbm:s0], s1  }
0x56: {  	s0 =	simm.s32 @!p0 $0x2  }
0x57: {  	_ =	swait.ge @!p0 [sflag:s0], s1  }
0x58: {  	s1 =	ssub.s32 @!p0 $0x0, s1;
	[sflag:s0] =	ssyncset.done @!p0 $0x0  }
0x59: {  	[sflag:s0] =	ssyncadd.s32 @!p0 s1  }
0x5a: {  	[bflag:$0x3] =	sbarrier.arrive $0xFFFF  }
0x5b: {  	_ =	shalt  }

// kernel: kernel.57.cloned.1.call-start
scs
__scs_entry_jumppad:
0x0: {  	(pc) =	sbr.rel $0x88, $3  }
0x1: {  	(tag) =	ssettag $0x0;
	lr =	simm.s32 $0x1  }
0x2: {  	[smem:$0x3F8F] =	sst lr;
	_ =	strace $0xD0000000  }
0x3: {  	_ = 	snop  }
0x4: {  	_ = 	snop  }
0x5: {  	_ = 	snop  }
0x6: {  	_ = 	snop  }
0x7: {  	_ = 	snop  }
__scs_overlays_trampoline_lowered:
0x8: {  	[smem:$0x3F9E] =	sst s0  }
0x9: {  	[smem:$0x3F9F] =	sst s1  }
0xa: {  	[smem:$0x3FA0] =	sst s2  }
0xb: {  	[smem:$0x3FA1] =	sst s3  }
0xc: {  	[smem:$0x3FA2] =	sst s4  }
0xd: {  	[smem:$0x3FA3] =	sst s5  }
0xe: {  	[smem:$0x3FA4] =	sst s6  }
0xf: {  	[smem:$0x3FA5] =	sst s7  }
0x10: {  	[smem:$0x3FA6] =	sst s8  }
0x11: {  	[smem:$0x3FA7] =	sst s9;
	s0 =	simm.s32 @!p0 $0x0  }
0x12: {  	s1 =	sld [smem:$0x3F8D];
	s0 =	simm.s32 @p0 $0x1  }
0x13: {  	[smem:$0x3FA8] =	sst s0;
	s0 =	simm.s32 @!p1 $0x0  }
0x14: {  	s2 =	sld [smem:$0x3F8C];
	s0 =	simm.s32 @p1 $0x1  }
0x15: {  	[smem:$0x3FA9] =	sst s0;
	s0 =	simm.s32 @!p2 $0x0  }
0x16: {  	s3 =	sld [smem:$0x3FDB];
	s0 =	simm.s32 @p2 $0x1  }
0x17: {  	s4 =	simm.s32 $0x1BF5;
	[smem:$0x3FAB] =	sst s0  }
0x18: {  	s0 =	sld [smem:$0x3F8E];
	_ =	swait.ge [sflag:s4], $0x0  }
0x19: {  	s7 =	sld [smem:$0x3F8F]  }
0x1a: {  	s8 =	sadd.s32 $0xFFFFE003, lr  }
0x1b: {  	s9 =	sadd.s32 $0xFFFFFEF7, lr;
	s5 =	simm.s32 $0xFFFFFFFF;
	p2 =	slt.u32 s8, $0xFFFFF086  }
0x1c: {  	p1 =	slt.u32 s9, $0xF7A;
	s5 =	simm.s32 @!p2 $0x0  }
0x1d: {  	s5 =	simm.s32 @p1 $0x1;
	p0 =	seq.s32 s7, s2  }
0x1e: {  	s7 =	smul.u32 @!p0 $0xF7A, s2;
	p2 =	seq.s32 @!p0 s5, $0x0  }
0x1f: {  	s9 =	smul.u32 $0xF7A, s1;
	s8 =	simm.s32 @!p0 $0x1BF5;
	p2 =	por !p2, p0  }
0x20: {  	[sflag:s8] =	ssyncset.s32 @!p0 $0xFFFFF086;
	s6 =	sadd.s32 @!p0 s3, s7;
	s7 =	simm.s32 @!p0 $0x108  }
0x21: {  	s3 =	sadd.s32 s3, s9;
	s6 =	sadd.s32 @!p0 $0x88, s6;
	s7 =	simm.s32 @p2 $0x1082  }
0x22: {  	[simem:s7], [sflag:s8] =	dma.local @!p0 [hbm:s6], $0xF7A  }
0x23: {  	s9 =	sor.u32 $0xD0000000, s2;
	s6 =	simm.s32 $0x108;
	_ =	swait.ge @!p0 [sflag:s8], $0x0  }
0x24: {  	s3 =	sadd.s32 $0x88, s3;
	s6 =	simm.s32 @!p1 $0x1082;
	[sflag:s4] =	ssyncset.s32 $0xFFFFF086  }
0x25: {  	[simem:s6], [sflag:s4] =	dma.local [hbm:s3], $0xF7A  }
0x26: {  	[smem:$0x3F8F] =	sst s1;
	(tag) =	ssettag s2;
	_ =	strace s9  }
0x27: {  	s1 =	sld [smem:$0x3F9F]  }
0x28: {  	s2 =	sld [smem:$0x3FA0]  }
0x29: {  	s4 =	sld [smem:$0x3FA2]  }
0x2a: {  	p0 =	seq.s32 s5, $0x0;
	s5 =	sld [smem:$0x3FA3]  }
0x2b: {  	s6 =	sld [smem:$0x3FA4]  }
0x2c: {  	s7 =	sld [smem:$0x3FA5]  }
0x2d: {  	s3 =	simm.s32 $0x108;
	s8 =	sld [smem:$0x3FA6]  }
0x2e: {  	s3 =	simm.s32 @!p0 $0x1082;
	s9 =	sld [smem:$0x3FA7]  }
0x2f: {  	lr =	sadd.s32 s0, s3;
	s0 =	sld [smem:$0x3F9E]  }
0x30: {  	s3 =	sld [smem:$0x3FA1]  }
0x31: {  	[smem:$0x3FAA] =	sst s10  }
0x32: {  	s10 =	sld [smem:$0x3FA8];
	_ =	sdelay $0x3  }
0x33: {  	p0 =	seq.s32 s10, $0x1;
	s10 =	sld [smem:$0x3FAA];
	_ =	sdelay $0x3  }
0x34: {  	[smem:$0x3FAA] =	sst s10  }
0x35: {  	s10 =	sld [smem:$0x3FA9];
	_ =	sdelay $0x3  }
0x36: {  	p1 =	seq.s32 s10, $0x1;
	s10 =	sld [smem:$0x3FAA];
	_ =	sdelay $0x3  }
0x37: {  	[smem:$0x3FAA] =	sst s10  }
0x38: {  	s10 =	sld [smem:$0x3FAB]  }
0x39: {  	_ = 	snop;
	(pc) =	sbr.ind lr, $3  }
0x3a: {  	_ = 	snop  }
0x3b: {  	_ = 	snop  }
0x3c: {  	p2 =	seq.s32 s10, $0x1;
	s10 =	sld [smem:$0x3FAA]  }
0x3d: {  	_ =	shalt  }
0x3e: {  	_ =	shalt  }
0x3f: {  	_ =	shalt  }
0x40: {  	_ =	shalt  }
0x41: {  	_ =	shalt  }
0x42: {  	_ =	shalt  }
0x43: {  	_ =	shalt  }
0x44: {  	_ =	shalt  }
0x45: {  	_ =	shalt  }
0x46: {  	_ =	shalt  }
0x47: {  	_ =	shalt  }
0x48: {  	_ =	shalt  }
0x49: {  	_ =	shalt  }
0x4a: {  	_ =	shalt  }
0x4b: {  	_ =	shalt  }
0x4c: {  	_ =	shalt  }
0x4d: {  	_ =	shalt  }
0x4e: {  	_ =	shalt  }
0x4f: {  	_ =	shalt  }
0x50: {  	_ =	shalt  }
0x51: {  	_ =	shalt  }
0x52: {  	_ =	shalt  }
0x53: {  	_ =	shalt  }
0x54: {  	_ =	shalt  }
0x55: {  	_ =	shalt  }
0x56: {  	_ =	shalt  }
0x57: {  	_ =	shalt  }
0x58: {  	_ =	shalt  }
0x59: {  	_ =	shalt  }
0x5a: {  	_ =	shalt  }
0x5b: {  	_ =	shalt  }
0x5c: {  	_ =	shalt  }
0x5d: {  	_ =	shalt  }
0x5e: {  	_ =	shalt  }
0x5f: {  	_ =	shalt  }
0x60: {  	_ =	shalt  }
0x61: {  	_ =	shalt  }
0x62: {  	_ =	shalt  }
0x63: {  	_ =	shalt  }
0x64: {  	_ =	shalt  }
0x65: {  	_ =	shalt  }
0x66: {  	_ =	shalt  }
0x67: {  	_ =	shalt  }
0x68: {  	_ =	shalt  }
0x69: {  	_ =	shalt  }
0x6a: {  	_ =	shalt  }
0x6b: {  	_ =	shalt  }
0x6c: {  	_ =	shalt  }
0x6d: {  	_ =	shalt  }
0x6e: {  	_ =	shalt  }
0x6f: {  	_ =	shalt  }
0x70: {  	_ =	shalt  }
0x71: {  	_ =	shalt  }
0x72: {  	_ =	shalt  }
0x73: {  	_ =	shalt  }
0x74: {  	_ =	shalt  }
0x75: {  	_ =	shalt  }
0x76: {  	_ =	shalt  }
0x77: {  	_ =	shalt  }
0x78: {  	_ =	shalt  }
0x79: {  	_ =	shalt  }
0x7a: {  	_ =	shalt  }
0x7b: {  	_ =	shalt  }
0x7c: {  	_ =	shalt  }
0x7d: {  	_ =	shalt  }
0x7e: {  	_ =	shalt  }
0x7f: {  	_ =	shalt  }
0x80: {  	_ =	shalt  }
0x81: {  	_ =	shalt  }
0x82: {  	_ =	shalt  }
0x83: {  	_ =	shalt  }
0x84: {  	_ =	shalt  }
0x85: {  	_ =	shalt  }
0x86: {  	_ =	shalt  }
0x87: {  	_ =	shalt  }
.Lfunc_end0:
.L_simem_size_0:
called_computation.8_lowered:
.L_overlay_start_0:
0x88: {  	s2 =	sld [smem:$0x3FD9]  }
0x89: {  	s3 =	sld [smem:$0x3FFE];
	_ =	sdelay $0x1  }
0x8a: {  	s1 =	srdreg.scid  }
0x8b: {  	s0 =	sand.u32 $0x1, s1  }
0x8c: {  	s17 =	sshll.u32 s0, $0xA;
	s2 =	sadd.s32 s3, s2  }
0x8d: {  	s2 =	sadd.s32 s2, s17  }
0x8e: {  	[smem:$0x3FB6] =	sst s2  }
0x8f: {  	_ = 	snop  }
0x90: {  	s2 =	sld [smem:$0x3FD0];
	(tm) =	ssettm $0x1  }
0x91: {  	s18 =	sld [smem:$0x3FFB];
	_ =	sdelay $0x3  }
0x92: {  	_ =	strace s18  }
0x93: {  	s3 =	sld [smem:$0x3FFC];
	_ =	sdelay $0x3  }
0x94: {  	_ =	strace s3  }
0x95: {  	s3 =	sld [smem:$0x3FFD];
	_ =	sdelay $0x3  }
0x96: {  	_ =	strace s3  }
0x97: {  	_ =	strace $0x8FFFFFFF  }
0x98: {  	s19 =	sld [smem:$0x3FDB];
	_ =	sdelay $0x1  }
0x99: {  	s4 =	simm.s32 $_scs_section_size  }
0x9a: {  	s5 =	simm.s32 $_size__tile_overlayer_lowered;
	s6 =	simm.s32 $_tile_overlayer_lowered  }
0x9b: {  	s22 =	simm.s32 $0x1BFF;
	s21 =	sshll.u32 s6, $0x1;
	s3 =	sadd.s32 s4, s19  }
0x9c: {  	s7 =	simm.s32 $0x0;
	s20 =	sshll.u32 s5, $0x1;
	s5 =	sadd.s32 s21, s3  }
0x9d: {  	[timem:s7], [sflag:s22] =	dma.local [hbm:s5], s20  }
0x9e: {  	_ =	swait.ge [sflag:s22], s20  }
0x9f: {  	s4 =	ssub.s32 $0x0, s20;
	[sflag:s22] =	ssyncset.done $0x0  }
0xa0: {  	[sflag:s22] =	ssyncadd.s32 s4;
	_ =	sdelay $0x1  }
0xa1: {  	s23 =	simm.s32 $0x1B8B  }
0xa2: {  	_ =	swait.ge [sflag:s23], $0x1  }
0xa3: {  	[sflag:s23] =	ssyncset.done $0x0  }
0xa4: {  	s25 =	simm.s32 $0x1B8E;
	s24 =	sld [smem:$0x3FFE];
	[sflag:s23] =	ssyncadd.s32 $0xFFFFFFFF  }
0xa5: {  	s26 =	simm.s32 $execute0_lowered;
	[smem:$0x3FD2] =	sst s25  }
0xa6: {  	s5 =	sshll.u32 s26, $0x1;
	_ =	strace $0x8000005E;
	[dreg:$0x1] =	wrdreg $0xFFFFFFFF  }
0xa7: {  	s28 =	simm.s32 $_size_execute0_lowered;
	s3 =	sadd.s32 s3, s5;
	[dreg:$0x0] =	wrdreg $0x0  }
0xa8: {  	s5 =	sshll.u32 s28, $0x1;
	[dreg:$0x2] =	wrdreg s3  }
0xa9: {  	[dreg:$0x3] =	wrdreg s5  }
0xaa: {  	[dreg:$0x4] =	wrdreg $0xC0  }
0xab: {  	_ =	task [dreg:s7], $0x5FFFF  }
0xac: {  	[dreg:$0x1] =	wrdreg $0xFFFFFFFF  }
0xad: {  	[dreg:$0x0] =	wrdreg $0x60  }
0xae: {  	[dreg:$0x2] =	wrdreg s2  }
0xaf: {  	[dreg:$0x3] =	wrdreg s24  }
0xb0: {  	[dreg:$0x4] =	wrdreg $0x0  }
0xb1: {  	[dreg:$0x5] =	wrdreg $0x9  }
0xb2: {  	_ =	task.clear_ibuf [dreg:s7], $0x6FFFF;
	_ =	strace $0x9000005E  }
0xb3: {  	s29 =	simm.s32 $0x9;
	_ =	strace $0x80000060  }
0xb4: {  	_ =	swait.ge [sflag:s29], $0x1  }
0xb5: {  	[sflag:s29] =	ssyncadd.s32 $0xFFFFFFFF  }
0xb6: {  	_ =	strace $0x90000060  }
0xb7: {  	_ =	sfence  }
0xb8: {  	s30 =	sld [smem:$0x0];
	_ =	sdelay $0x2  }
0xb9: {  	s31 =	sshll.u32 s1, $0xD;
	s1 =	sshrl.u32 s1, $0x2  }
0xba: {  	s3 =	sand.u32 $0x4000, s31;
	s1 =	sadd.s32 s1, s30  }
0xbb: {  	s0 =	sor.u32 s3, s0;
	s1 =	sshll.u32 s1, $0x11  }
0xbc: {  	s0 =	sor.u32 s1, s0  }
0xbd: {  	s0 =	sadd.s32 $0x8F2B, s0  }
0xbe: {  	[sflag:s0] =	ssyncadd.remote.s32 $0x1  }
0xbf: {  	_ =	sfence.sel $0xFFFF  }
0xc0: {  	[dreg:$0x0] =	wrdreg $0xFFFFFFFF;
	(pc) =	sbr.abs _section_cstart, $3  }
0xc1: {  	[dreg:$0x1] =	wrdreg $0xFFFFFFFF  }
0xc2: {  	_ =	task.clear_ibuf [dreg:s7], $0x2FFFF;
	_ =	strace $0x9FFFFFFF  }
0xc3: {  	(tm) =	ssettm $0x7FFFFFFF  }
tec
execute0_lowered:
.L_overlay_start_1:
0x0: {  	(tag) =	ssettag $0x1  }
0x1: {  	s1 =	rddreg [dreg:$0x0]  }
0x2: {  	s5 =	rddreg [dreg:$0x1]  }
0x3: {  	s3 =	rddreg [dreg:$0x2]  }
0x4: {  	s0 =	srdreg.scid;
	s2 =	rddreg [dreg:$0x3]  }
0x5: {  	s4 =	simm.s32 $0x0;
	s13 =	simm.s32 $0xA000;
	s6 =	sand.u32 $0x1, s0  }
0x6: {  	s14 =	simm.s32 $0xA480;
	s0 =	stileid.u32;
	s7 =	smul.u32 $0x28800, s6  }
0x7: {  	s15 =	simm.s32 $0x480;
	s16 =	simm.s32 $0xA900;
	s8 =	smul.u32 $0x2880, s0  }
0x8: {  	s17 =	simm.s32 $0x1;
	s18 =	simm.s32 $0x0;
	s29 =	smul.u32 $0xA000, s0  }
0x9: {  	[smem:$0x7FF] =	sst s4;
	s9 =	smul.u32 $0xA0000, s6;
	s6 =	ssub.s32 $0x2, s6  }
0xa: {  	_ =	strace $0x8000005F;
	s31 =	sshll.u32 s0, $0x6;
	s11 =	sshrl.u32 s6, $0x1  }
0xb: {  	s7 =	sadd.s32 s8, s7;
	s30 =	sshrl.u32 s29, $0x3;
	s9 =	sadd.s32 s29, s9  }
0xc: {  	s11 =	ssub.s32 s6, s11;
	s12 =	sadd.s32 s29, s3;
	s6 =	sor.u32 $0x1C02, s31  }
0xd: {  	s7 =	sshrl.u32 s7, $0x3;
	s9 =	sshrl.u32 s9, $0x3;
	s8 =	smax.u32 s11, $0x1  }
0xe: {  	s11 =	sshrl.u32 s12, $0x3;
	s10 =	sadd.s32 s7, s5;
	s7 =	sadd.s32 s30, s5  }
0xf: {  	s12 =	simm.s32 $0x2;
	s9 =	sadd.s32 s9, s5;
	s5 =	sadd.s32 $0x1BE00, s7  }
0x10: {  	s7 =	sadd.s32 $0x2FE00, s9;
	s9 =	sadd.s32 $0x7A00, s10;
	s10 =	sadd.s32 $0x11C00, s10  }
.LBB2_1:
0x11: {  	[spmem:s11], [sflag:s6] =	dma.local [hbm:s5], $0x1400  }
0x12: {  	_ =	swait.ge [sflag:s12], $0x1400  }
0x13: {  	[sflag:s12] =	ssyncset.done $0x0  }
0x14: {  	[sflag:s12] =	ssyncadd.s32 $0xFFFFEC00  }
0x15: {  	s19 =	sadd.s32 $0x0, s10;
	[bflag:$0x0] =	sbarrier.arrive $0xFFFF  }
0x16: {  	[tilespmem:s13], [sflag:$0x2] =	stream.linear.gather [hbm4b:s19+s4], $0x480, $0x38;
	[tilespmem:$0x1C900] =	vst v63  }
0x17: {  	_ =	swait.ge [sflag:s12], $0x480  }
0x18: {  	[sflag:s12] =	ssyncset.done $0x0  }
0x19: {  	s31 =	sadd.s32 $0x0, s9;
	[sflag:s12] =	ssyncadd.s32 $0xFFFFFB80  }
0x1a: {  	[tilespmem:s14], [sflag:$0x2] =	stream.linear.gather [hbm4b:s31+s4], $0x480, $0x38;
	[tilespmem:$0x1C900] =	vst v63  }
0x1b: {  	_ =	swait.ge [sflag:s12], $0x480  }
0x1c: {  	[sflag:s12] =	ssyncset.done $0x0  }
0x1d: {  	[sflag:s12] =	ssyncadd.s32 $0xFFFFFB80  }
0x1e: {  	[tilespmem:s16], [sflag:$0x1] =	stream.indirect.gather [hbm4b:s1+s15], $0x40, s13, s15, $0xb8;
	[tilespmem:$0x1C900] =	vst v63  }
0x1f: {  	_ =	swait.ge [sflag:s17], $0x12000  }
0x20: {  	[sflag:s17] =	ssyncset.done $0x0  }
0x21: {  	[sflag:s17] =	ssyncadd.s32 $0xFFFEE000  }
0x22: {  	[spmem:s3] =	stream.indirect.scatter.add.f32 [tilespmem:s16], [sflag:$0x2], $0x40, s14, s15, $0xb8;
	[tilespmem:$0x1C900] =	vst v63  }
0x23: {  	_ =	swait.ge [sflag:s12], $0x12000  }
0x24: {  	s20 =	simm.s32 $0x120;
	s19 =	simm.s32 $0x90;
	[sflag:s12] =	ssyncset.done $0x0  }
.LBB2_2:
0x25: {  	s21 =	sadd.s32 s19, s10  }
0x26: {  	[sflag:s12] =	ssyncadd.s32 $0xFFFEE000;
	s22 =	smov.u32 s20;
	s23 =	sadd.s32 $0x90, s20  }
0x27: {  	[tilespmem:s13], [sflag:$0x2] =	stream.linear.gather [hbm4b:s21+s4], $0x480, $0x38;
	[tilespmem:$0x1C900] =	vst v63  }
0x28: {  	p0 =	sne.s32 s20, $0x480;
	_ =	swait.ge [sflag:s12], $0x480  }
0x29: {  	[sflag:s12] =	ssyncset.done $0x0  }
0x2a: {  	s20 =	sadd.s32 s19, s9;
	s19 =	smov.u32 s22;
	[sflag:s12] =	ssyncadd.s32 $0xFFFFFB80  }
0x2b: {  	[tilespmem:s14], [sflag:$0x2] =	stream.linear.gather [hbm4b:s20+s4], $0x480, $0x38;
	[tilespmem:$0x1C900] =	vst v63  }
0x2c: {  	_ =	swait.ge [sflag:s12], $0x480  }
0x2d: {  	[sflag:s12] =	ssyncset.done $0x0  }
0x2e: {  	[sflag:s12] =	ssyncadd.s32 $0xFFFFFB80  }
0x2f: {  	[tilespmem:s16], [sflag:$0x1] =	stream.indirect.gather [hbm4b:s1+s15], $0x40, s13, s15, $0xb8;
	[tilespmem:$0x1C900] =	vst v63  }
0x30: {  	_ =	swait.ge [sflag:s17], $0x12000  }
.Ltmp0:
0x31: {  	[sflag:s17] =	ssyncset.done $0x0;
	(pc) =	sbr.rel @p0 .LBB2_2-.Ltmp0, $4  }
0x32: {  	[sflag:s17] =	ssyncadd.s32 $0xFFFEE000  }
0x33: {  	[spmem:s3] =	stream.indirect.scatter.add.f32 [tilespmem:s16], [sflag:$0x2], $0x40, s14, s15, $0xb8;
	[tilespmem:$0x1C900] =	vst v63  }
0x34: {  	_ =	swait.ge [sflag:s12], $0x12000  }
0x35: {  	s20 =	smov.u32 s23;
	[sflag:s12] =	ssyncset.done $0x0  }
0x36: {  	s20 =	sadd.s32 s19, s10;
	[sflag:s12] =	ssyncadd.s32 $0xFFFEE000  }
0x37: {  	[tilespmem:s13], [sflag:$0x2] =	stream.linear.gather [hbm4b:s20+s4], $0x480, $0x38;
	[tilespmem:$0x1C900] =	vst v63  }
0x38: {  	_ =	swait.ge [sflag:s12], $0x480  }
0x39: {  	[sflag:s12] =	ssyncset.done $0x0  }
0x3a: {  	s31 =	sadd.s32 s19, s9;
	[sflag:s12] =	ssyncadd.s32 $0xFFFFFB80  }
0x3b: {  	[tilespmem:s14], [sflag:$0x2] =	stream.linear.gather [hbm4b:s31+s4], $0x480, $0x38;
	[tilespmem:$0x1C900] =	vst v63  }
0x3c: {  	_ =	swait.ge [sflag:s12], $0x480  }
0x3d: {  	[sflag:s12] =	ssyncset.done $0x0  }
0x3e: {  	[sflag:s12] =	ssyncadd.s32 $0xFFFFFB80  }
0x3f: {  	[tilespmem:s16], [sflag:$0x1] =	stream.indirect.gather [hbm4b:s1+s15], $0x40, s13, s15, $0xb8;
	[tilespmem:$0x1C900] =	vst v63  }
0x40: {  	_ =	swait.ge [sflag:s17], $0x12000  }
0x41: {  	[sflag:s17] =	ssyncset.done $0x0  }
0x42: {  	[sflag:s17] =	ssyncadd.s32 $0xFFFEE000  }
0x43: {  	[spmem:s3] =	stream.indirect.scatter.add.f32 [tilespmem:s16], [sflag:$0x2], $0x40, s14, s15, $0xb8;
	[tilespmem:$0x1C900] =	vst v63  }
0x44: {  	_ =	swait.ge [sflag:s12], $0x12000  }
0x45: {  	s18 =	sadd.s32 $0x1, s18;
	[sflag:s12] =	ssyncset.done $0x0  }
0x46: {  	p0 =	sne.s32 s18, s8;
	[sflag:s12] =	ssyncadd.s32 $0xFFFEE000  }
.Ltmp1:
0x47: {  	[bflag:$0x0] =	sbarrier.arrive $0xFFFF;
	(pc) =	sbr.rel @p0 .LBB2_1-.Ltmp1, $4  }
0x48: {  	[hbm:s7], [sflag:s6] =	dma.local [spmem:s11], $0x1400  }
0x49: {  	_ =	swait.ge [sflag:s12], $0x1400  }
0x4a: {  	[sflag:s12] =	ssyncset.done $0x0  }
0x4b: {  	[sflag:s12] =	ssyncadd.s32 $0xFFFFEC00  }
0x4c: {  	_ =	sfence.sel $0x180000  }
0x4d: {  	[bflag:$0x0] =	sbarrier.arrive $0xFFFF  }
0x4e: {  	p0 =	sne.s32 s0, $0x0;
	_ =	strace $0x9000005F  }
0x4f: {  	s0 =	sadd.s32 @!p0 $0x100000, s2;
	[bflag:$0x2] =	sbarrier.arrive $0xFFFF  }
0x50: {  	[sflag:s0] =	ssyncadd.tile.s32 @!p0 $0x1;
	_ =	shalt  }
.Lfunc_end2:
_tile_overlayer_lowered:
.L_overlay_start_2:
0x51: {  	(tag) =	ssettag $0x2  }
0x52: {  	s0 =	rddreg [dreg:$0x0];
	s2 =	stileid.u32  }
0x53: {  	s1 =	rddreg [dreg:$0x1];
	p0 =	sne.s32 s2, $0x0  }
0x54: {  	s3 =	rddreg [dreg:$0x2];
	[bflag:$0x3] =	sbarrier.arrive $0xFFFF;
	s2 =	simm.s32 @!p0 $0x1C02  }
0x55: {  	[timem:s3], [sflag:s2] =	dma.local @!p0 [hbm:s0], s1  }
0x56: {  	s0 =	simm.s32 @!p0 $0x2  }
0x57: {  	_ =	swait.ge @!p0 [sflag:s0], s1  }
0x58: {  	s1 =	ssub.s32 @!p0 $0x0, s1;
	[sflag:s0] =	ssyncset.done @!p0 $0x0  }
0x59: {  	[sflag:s0] =	ssyncadd.s32 @!p0 s1  }
0x5a: {  	[bflag:$0x3] =	sbarrier.arrive $0xFFFF  }
0x5b: {  	_ =	shalt  }

// kernel: kernel.60.cloned.1.call-start
scs
__scs_entry_jumppad:
0x0: {  	(pc) =	sbr.rel $0x88, $3  }
0x1: {  	(tag) =	ssettag $0x0;
	lr =	simm.s32 $0x1  }
0x2: {  	[smem:$0x3F8F] =	sst lr;
	_ =	strace $0xD0000000  }
0x3: {  	_ = 	snop  }
0x4: {  	_ = 	snop  }
0x5: {  	_ = 	snop  }
0x6: {  	_ = 	snop  }
0x7: {  	_ = 	snop  }
__scs_overlays_trampoline_lowered:
0x8: {  	[smem:$0x3F9E] =	sst s0  }
0x9: {  	[smem:$0x3F9F] =	sst s1  }
0xa: {  	[smem:$0x3FA0] =	sst s2  }
0xb: {  	[smem:$0x3FA1] =	sst s3  }
0xc: {  	[smem:$0x3FA2] =	sst s4  }
0xd: {  	[smem:$0x3FA3] =	sst s5  }
0xe: {  	[smem:$0x3FA4] =	sst s6  }
0xf: {  	[smem:$0x3FA5] =	sst s7  }
0x10: {  	[smem:$0x3FA6] =	sst s8  }
0x11: {  	[smem:$0x3FA7] =	sst s9;
	s0 =	simm.s32 @!p0 $0x0  }
0x12: {  	s1 =	sld [smem:$0x3F8D];
	s0 =	simm.s32 @p0 $0x1  }
0x13: {  	[smem:$0x3FA8] =	sst s0;
	s0 =	simm.s32 @!p1 $0x0  }
0x14: {  	s2 =	sld [smem:$0x3F8C];
	s0 =	simm.s32 @p1 $0x1  }
0x15: {  	[smem:$0x3FA9] =	sst s0;
	s0 =	simm.s32 @!p2 $0x0  }
0x16: {  	s3 =	sld [smem:$0x3FDB];
	s0 =	simm.s32 @p2 $0x1  }
0x17: {  	s4 =	simm.s32 $0x1BF5;
	[smem:$0x3FAB] =	sst s0  }
0x18: {  	s0 =	sld [smem:$0x3F8E];
	_ =	swait.ge [sflag:s4], $0x0  }
0x19: {  	s7 =	sld [smem:$0x3F8F]  }
0x1a: {  	s8 =	sadd.s32 $0xFFFFE003, lr  }
0x1b: {  	s9 =	sadd.s32 $0xFFFFFEF7, lr;
	s5 =	simm.s32 $0xFFFFFFFF;
	p2 =	slt.u32 s8, $0xFFFFF086  }
0x1c: {  	p1 =	slt.u32 s9, $0xF7A;
	s5 =	simm.s32 @!p2 $0x0  }
0x1d: {  	s5 =	simm.s32 @p1 $0x1;
	p0 =	seq.s32 s7, s2  }
0x1e: {  	s7 =	smul.u32 @!p0 $0xF7A, s2;
	p2 =	seq.s32 @!p0 s5, $0x0  }
0x1f: {  	s9 =	smul.u32 $0xF7A, s1;
	s8 =	simm.s32 @!p0 $0x1BF5;
	p2 =	por !p2, p0  }
0x20: {  	[sflag:s8] =	ssyncset.s32 @!p0 $0xFFFFF086;
	s6 =	sadd.s32 @!p0 s3, s7;
	s7 =	simm.s32 @!p0 $0x108  }
0x21: {  	s3 =	sadd.s32 s3, s9;
	s6 =	sadd.s32 @!p0 $0x88, s6;
	s7 =	simm.s32 @p2 $0x1082  }
0x22: {  	[simem:s7], [sflag:s8] =	dma.local @!p0 [hbm:s6], $0xF7A  }
0x23: {  	s9 =	sor.u32 $0xD0000000, s2;
	s6 =	simm.s32 $0x108;
	_ =	swait.ge @!p0 [sflag:s8], $0x0  }
0x24: {  	s3 =	sadd.s32 $0x88, s3;
	s6 =	simm.s32 @!p1 $0x1082;
	[sflag:s4] =	ssyncset.s32 $0xFFFFF086  }
0x25: {  	[simem:s6], [sflag:s4] =	dma.local [hbm:s3], $0xF7A  }
0x26: {  	[smem:$0x3F8F] =	sst s1;
	(tag) =	ssettag s2;
	_ =	strace s9  }
0x27: {  	s1 =	sld [smem:$0x3F9F]  }
0x28: {  	s2 =	sld [smem:$0x3FA0]  }
0x29: {  	s4 =	sld [smem:$0x3FA2]  }
0x2a: {  	p0 =	seq.s32 s5, $0x0;
	s5 =	sld [smem:$0x3FA3]  }
0x2b: {  	s6 =	sld [smem:$0x3FA4]  }
0x2c: {  	s7 =	sld [smem:$0x3FA5]  }
0x2d: {  	s3 =	simm.s32 $0x108;
	s8 =	sld [smem:$0x3FA6]  }
0x2e: {  	s3 =	simm.s32 @!p0 $0x1082;
	s9 =	sld [smem:$0x3FA7]  }
0x2f: {  	lr =	sadd.s32 s0, s3;
	s0 =	sld [smem:$0x3F9E]  }
0x30: {  	s3 =	sld [smem:$0x3FA1]  }
0x31: {  	[smem:$0x3FAA] =	sst s10  }
0x32: {  	s10 =	sld [smem:$0x3FA8];
	_ =	sdelay $0x3  }
0x33: {  	p0 =	seq.s32 s10, $0x1;
	s10 =	sld [smem:$0x3FAA];
	_ =	sdelay $0x3  }
0x34: {  	[smem:$0x3FAA] =	sst s10  }
0x35: {  	s10 =	sld [smem:$0x3FA9];
	_ =	sdelay $0x3  }
0x36: {  	p1 =	seq.s32 s10, $0x1;
	s10 =	sld [smem:$0x3FAA];
	_ =	sdelay $0x3  }
0x37: {  	[smem:$0x3FAA] =	sst s10  }
0x38: {  	s10 =	sld [smem:$0x3FAB]  }
0x39: {  	_ = 	snop;
	(pc) =	sbr.ind lr, $3  }
0x3a: {  	_ = 	snop  }
0x3b: {  	_ = 	snop  }
0x3c: {  	p2 =	seq.s32 s10, $0x1;
	s10 =	sld [smem:$0x3FAA]  }
0x3d: {  	_ =	shalt  }
0x3e: {  	_ =	shalt  }
0x3f: {  	_ =	shalt  }
0x40: {  	_ =	shalt  }
0x41: {  	_ =	shalt  }
0x42: {  	_ =	shalt  }
0x43: {  	_ =	shalt  }
0x44: {  	_ =	shalt  }
0x45: {  	_ =	shalt  }
0x46: {  	_ =	shalt  }
0x47: {  	_ =	shalt  }
0x48: {  	_ =	shalt  }
0x49: {  	_ =	shalt  }
0x4a: {  	_ =	shalt  }
0x4b: {  	_ =	shalt  }
0x4c: {  	_ =	shalt  }
0x4d: {  	_ =	shalt  }
0x4e: {  	_ =	shalt  }
0x4f: {  	_ =	shalt  }
0x50: {  	_ =	shalt  }
0x51: {  	_ =	shalt  }
0x52: {  	_ =	shalt  }
0x53: {  	_ =	shalt  }
0x54: {  	_ =	shalt  }
0x55: {  	_ =	shalt  }
0x56: {  	_ =	shalt  }
0x57: {  	_ =	shalt  }
0x58: {  	_ =	shalt  }
0x59: {  	_ =	shalt  }
0x5a: {  	_ =	shalt  }
0x5b: {  	_ =	shalt  }
0x5c: {  	_ =	shalt  }
0x5d: {  	_ =	shalt  }
0x5e: {  	_ =	shalt  }
0x5f: {  	_ =	shalt  }
0x60: {  	_ =	shalt  }
0x61: {  	_ =	shalt  }
0x62: {  	_ =	shalt  }
0x63: {  	_ =	shalt  }
0x64: {  	_ =	shalt  }
0x65: {  	_ =	shalt  }
0x66: {  	_ =	shalt  }
0x67: {  	_ =	shalt  }
0x68: {  	_ =	shalt  }
0x69: {  	_ =	shalt  }
0x6a: {  	_ =	shalt  }
0x6b: {  	_ =	shalt  }
0x6c: {  	_ =	shalt  }
0x6d: {  	_ =	shalt  }
0x6e: {  	_ =	shalt  }
0x6f: {  	_ =	shalt  }
0x70: {  	_ =	shalt  }
0x71: {  	_ =	shalt  }
0x72: {  	_ =	shalt  }
0x73: {  	_ =	shalt  }
0x74: {  	_ =	shalt  }
0x75: {  	_ =	shalt  }
0x76: {  	_ =	shalt  }
0x77: {  	_ =	shalt  }
0x78: {  	_ =	shalt  }
0x79: {  	_ =	shalt  }
0x7a: {  	_ =	shalt  }
0x7b: {  	_ =	shalt  }
0x7c: {  	_ =	shalt  }
0x7d: {  	_ =	shalt  }
0x7e: {  	_ =	shalt  }
0x7f: {  	_ =	shalt  }
0x80: {  	_ =	shalt  }
0x81: {  	_ =	shalt  }
0x82: {  	_ =	shalt  }
0x83: {  	_ =	shalt  }
0x84: {  	_ =	shalt  }
0x85: {  	_ =	shalt  }
0x86: {  	_ =	shalt  }
0x87: {  	_ =	shalt  }
.Lfunc_end0:
.L_simem_size_0:
called_computation.9_lowered:
.L_overlay_start_0:
0x88: {  	s2 =	sld [smem:$0x3FD9]  }
0x89: {  	s3 =	sld [smem:$0x3FFE];
	_ =	sdelay $0x1  }
0x8a: {  	s1 =	srdreg.scid  }
0x8b: {  	s0 =	sand.u32 $0x1, s1  }
0x8c: {  	s17 =	sshll.u32 s0, $0xA;
	s2 =	sadd.s32 s3, s2  }
0x8d: {  	s2 =	sadd.s32 s2, s17  }
0x8e: {  	[smem:$0x3FB6] =	sst s2  }
0x8f: {  	_ = 	snop  }
0x90: {  	s2 =	sld [smem:$0x3FD0];
	(tm) =	ssettm $0x1  }
0x91: {  	s18 =	sld [smem:$0x3FFB];
	_ =	sdelay $0x3  }
0x92: {  	_ =	strace s18  }
0x93: {  	s3 =	sld [smem:$0x3FFC];
	_ =	sdelay $0x3  }
0x94: {  	_ =	strace s3  }
0x95: {  	s3 =	sld [smem:$0x3FFD];
	_ =	sdelay $0x3  }
0x96: {  	_ =	strace s3  }
0x97: {  	_ =	strace $0x8FFFFFFF  }
0x98: {  	s19 =	sld [smem:$0x3FDB];
	_ =	sdelay $0x1  }
0x99: {  	s4 =	simm.s32 $_scs_section_size  }
0x9a: {  	s5 =	simm.s32 $_size__tile_overlayer_lowered;
	s6 =	simm.s32 $_tile_overlayer_lowered  }
0x9b: {  	s22 =	simm.s32 $0x1BFF;
	s21 =	sshll.u32 s6, $0x1;
	s3 =	sadd.s32 s4, s19  }
0x9c: {  	s7 =	simm.s32 $0x0;
	s20 =	sshll.u32 s5, $0x1;
	s5 =	sadd.s32 s21, s3  }
0x9d: {  	[timem:s7], [sflag:s22] =	dma.local [hbm:s5], s20  }
0x9e: {  	_ =	swait.ge [sflag:s22], s20  }
0x9f: {  	s4 =	ssub.s32 $0x0, s20;
	[sflag:s22] =	ssyncset.done $0x0  }
0xa0: {  	[sflag:s22] =	ssyncadd.s32 s4;
	_ =	sdelay $0x1  }
0xa1: {  	s23 =	simm.s32 $0x1B8B  }
0xa2: {  	_ =	swait.ge [sflag:s23], $0x1  }
0xa3: {  	[sflag:s23] =	ssyncset.done $0x0  }
0xa4: {  	s25 =	simm.s32 $0x1B8E;
	s24 =	sld [smem:$0x3FFE];
	[sflag:s23] =	ssyncadd.s32 $0xFFFFFFFF  }
0xa5: {  	s26 =	simm.s32 $execute0_lowered;
	[smem:$0x3FD2] =	sst s25  }
0xa6: {  	s5 =	sshll.u32 s26, $0x1;
	_ =	strace $0x80000061;
	[dreg:$0x1] =	wrdreg $0xFFFFFFFF  }
0xa7: {  	s28 =	simm.s32 $_size_execute0_lowered;
	s3 =	sadd.s32 s3, s5;
	[dreg:$0x0] =	wrdreg $0x0  }
0xa8: {  	s5 =	sshll.u32 s28, $0x1;
	[dreg:$0x2] =	wrdreg s3  }
0xa9: {  	[dreg:$0x3] =	wrdreg s5  }
0xaa: {  	[dreg:$0x4] =	wrdreg $0xC0  }
0xab: {  	_ =	task [dreg:s7], $0x5FFFF  }
0xac: {  	[dreg:$0x1] =	wrdreg $0xFFFFFFFF  }
0xad: {  	[dreg:$0x0] =	wrdreg $0x60  }
0xae: {  	[dreg:$0x2] =	wrdreg s2  }
0xaf: {  	[dreg:$0x3] =	wrdreg s24  }
0xb0: {  	[dreg:$0x4] =	wrdreg $0x0  }
0xb1: {  	[dreg:$0x5] =	wrdreg $0x9  }
0xb2: {  	_ =	task.clear_ibuf [dreg:s7], $0x6FFFF;
	_ =	strace $0x90000061  }
0xb3: {  	s29 =	simm.s32 $0x9;
	_ =	strace $0x80000063  }
0xb4: {  	_ =	swait.ge [sflag:s29], $0x1  }
0xb5: {  	[sflag:s29] =	ssyncadd.s32 $0xFFFFFFFF  }
0xb6: {  	_ =	strace $0x90000063  }
0xb7: {  	_ =	sfence  }
0xb8: {  	s30 =	sld [smem:$0x0];
	_ =	sdelay $0x2  }
0xb9: {  	s31 =	sshll.u32 s1, $0xD;
	s1 =	sshrl.u32 s1, $0x2  }
0xba: {  	s3 =	sand.u32 $0x4000, s31;
	s1 =	sadd.s32 s1, s30  }
0xbb: {  	s0 =	sor.u32 s3, s0;
	s1 =	sshll.u32 s1, $0x11  }
0xbc: {  	s0 =	sor.u32 s1, s0  }
0xbd: {  	s0 =	sadd.s32 $0x8F2B, s0  }
0xbe: {  	[sflag:s0] =	ssyncadd.remote.s32 $0x1  }
0xbf: {  	_ =	sfence.sel $0xFFFF  }
0xc0: {  	[dreg:$0x0] =	wrdreg $0xFFFFFFFF;
	(pc) =	sbr.abs _section_cstart, $3  }
0xc1: {  	[dreg:$0x1] =	wrdreg $0xFFFFFFFF  }
0xc2: {  	_ =	task.clear_ibuf [dreg:s7], $0x2FFFF;
	_ =	strace $0x9FFFFFFF  }
0xc3: {  	(tm) =	ssettm $0x7FFFFFFF  }
tec
execute0_lowered:
.L_overlay_start_1:
0x0: {  	(tag) =	ssettag $0x1  }
0x1: {  	s1 =	rddreg [dreg:$0x0]  }
0x2: {  	s5 =	rddreg [dreg:$0x1]  }
0x3: {  	s3 =	rddreg [dreg:$0x2]  }
0x4: {  	s0 =	srdreg.scid;
	s2 =	rddreg [dreg:$0x3]  }
0x5: {  	s4 =	simm.s32 $0x0;
	s13 =	simm.s32 $0xA000;
	s6 =	sand.u32 $0x1, s0  }
0x6: {  	s14 =	simm.s32 $0xA480;
	s0 =	stileid.u32;
	s7 =	smul.u32 $0x28800, s6  }
0x7: {  	s15 =	simm.s32 $0x480;
	s16 =	simm.s32 $0xA900;
	s8 =	smul.u32 $0x2880, s0  }
0x8: {  	s17 =	simm.s32 $0x1;
	s18 =	simm.s32 $0x0;
	s29 =	smul.u32 $0xA000, s0  }
0x9: {  	[smem:$0x7FF] =	sst s4;
	s9 =	smul.u32 $0xA0000, s6;
	s6 =	ssub.s32 $0x2, s6  }
0xa: {  	_ =	strace $0x80000062;
	s31 =	sshll.u32 s0, $0x6;
	s11 =	sshrl.u32 s6, $0x1  }
0xb: {  	s7 =	sadd.s32 s8, s7;
	s30 =	sshrl.u32 s29, $0x3;
	s9 =	sadd.s32 s29, s9  }
0xc: {  	s11 =	ssub.s32 s6, s11;
	s12 =	sadd.s32 s29, s3;
	s6 =	sor.u32 $0x1C02, s31  }
0xd: {  	s7 =	sshrl.u32 s7, $0x3;
	s9 =	sshrl.u32 s9, $0x3;
	s8 =	smax.u32 s11, $0x1  }
0xe: {  	s11 =	sshrl.u32 s12, $0x3;
	s10 =	sadd.s32 s7, s5;
	s7 =	sadd.s32 s30, s5  }
0xf: {  	s12 =	simm.s32 $0x2;
	s9 =	sadd.s32 s9, s5;
	s5 =	sadd.s32 $0x1BE00, s7  }
0x10: {  	s7 =	sadd.s32 $0x2FE00, s9;
	s9 =	sadd.s32 $0x7A00, s10;
	s10 =	sadd.s32 $0x11C00, s10  }
.LBB2_1:
0x11: {  	[spmem:s11], [sflag:s6] =	dma.local [hbm:s5], $0x1400  }
0x12: {  	_ =	swait.ge [sflag:s12], $0x1400  }
0x13: {  	[sflag:s12] =	ssyncset.done $0x0  }
0x14: {  	[sflag:s12] =	ssyncadd.s32 $0xFFFFEC00  }
0x15: {  	s19 =	sadd.s32 $0x0, s10;
	[bflag:$0x0] =	sbarrier.arrive $0xFFFF  }
0x16: {  	[tilespmem:s13], [sflag:$0x2] =	stream.linear.gather [hbm4b:s19+s4], $0x480, $0x38;
	[tilespmem:$0x1C900] =	vst v63  }
0x17: {  	_ =	swait.ge [sflag:s12], $0x480  }
0x18: {  	[sflag:s12] =	ssyncset.done $0x0  }
0x19: {  	s31 =	sadd.s32 $0x0, s9;
	[sflag:s12] =	ssyncadd.s32 $0xFFFFFB80  }
0x1a: {  	[tilespmem:s14], [sflag:$0x2] =	stream.linear.gather [hbm4b:s31+s4], $0x480, $0x38;
	[tilespmem:$0x1C900] =	vst v63  }
0x1b: {  	_ =	swait.ge [sflag:s12], $0x480  }
0x1c: {  	[sflag:s12] =	ssyncset.done $0x0  }
0x1d: {  	[sflag:s12] =	ssyncadd.s32 $0xFFFFFB80  }
0x1e: {  	[tilespmem:s16], [sflag:$0x1] =	stream.indirect.gather [hbm4b:s1+s15], $0x40, s13, s15, $0xb8;
	[tilespmem:$0x1C900] =	vst v63  }
0x1f: {  	_ =	swait.ge [sflag:s17], $0x12000  }
0x20: {  	[sflag:s17] =	ssyncset.done $0x0  }
0x21: {  	[sflag:s17] =	ssyncadd.s32 $0xFFFEE000  }
0x22: {  	[spmem:s3] =	stream.indirect.scatter.add.f32 [tilespmem:s16], [sflag:$0x2], $0x40, s14, s15, $0xb8;
	[tilespmem:$0x1C900] =	vst v63  }
0x23: {  	_ =	swait.ge [sflag:s12], $0x12000  }
0x24: {  	s20 =	simm.s32 $0x120;
	s19 =	simm.s32 $0x90;
	[sflag:s12] =	ssyncset.done $0x0  }
.LBB2_2:
0x25: {  	s21 =	sadd.s32 s19, s10  }
0x26: {  	[sflag:s12] =	ssyncadd.s32 $0xFFFEE000;
	s22 =	smov.u32 s20;
	s23 =	sadd.s32 $0x90, s20  }
0x27: {  	[tilespmem:s13], [sflag:$0x2] =	stream.linear.gather [hbm4b:s21+s4], $0x480, $0x38;
	[tilespmem:$0x1C900] =	vst v63  }
0x28: {  	p0 =	sne.s32 s20, $0x480;
	_ =	swait.ge [sflag:s12], $0x480  }
0x29: {  	[sflag:s12] =	ssyncset.done $0x0  }
0x2a: {  	s20 =	sadd.s32 s19, s9;
	s19 =	smov.u32 s22;
	[sflag:s12] =	ssyncadd.s32 $0xFFFFFB80  }
0x2b: {  	[tilespmem:s14], [sflag:$0x2] =	stream.linear.gather [hbm4b:s20+s4], $0x480, $0x38;
	[tilespmem:$0x1C900] =	vst v63  }
0x2c: {  	_ =	swait.ge [sflag:s12], $0x480  }
0x2d: {  	[sflag:s12] =	ssyncset.done $0x0  }
0x2e: {  	[sflag:s12] =	ssyncadd.s32 $0xFFFFFB80  }
0x2f: {  	[tilespmem:s16], [sflag:$0x1] =	stream.indirect.gather [hbm4b:s1+s15], $0x40, s13, s15, $0xb8;
	[tilespmem:$0x1C900] =	vst v63  }
0x30: {  	_ =	swait.ge [sflag:s17], $0x12000  }
.Ltmp0:
0x31: {  	[sflag:s17] =	ssyncset.done $0x0;
	(pc) =	sbr.rel @p0 .LBB2_2-.Ltmp0, $4  }
0x32: {  	[sflag:s17] =	ssyncadd.s32 $0xFFFEE000  }
0x33: {  	[spmem:s3] =	stream.indirect.scatter.add.f32 [tilespmem:s16], [sflag:$0x2], $0x40, s14, s15, $0xb8;
	[tilespmem:$0x1C900] =	vst v63  }
0x34: {  	_ =	swait.ge [sflag:s12], $0x12000  }
0x35: {  	s20 =	smov.u32 s23;
	[sflag:s12] =	ssyncset.done $0x0  }
0x36: {  	s20 =	sadd.s32 s19, s10;
	[sflag:s12] =	ssyncadd.s32 $0xFFFEE000  }
0x37: {  	[tilespmem:s13], [sflag:$0x2] =	stream.linear.gather [hbm4b:s20+s4], $0x480, $0x38;
	[tilespmem:$0x1C900] =	vst v63  }
0x38: {  	_ =	swait.ge [sflag:s12], $0x480  }
0x39: {  	[sflag:s12] =	ssyncset.done $0x0  }
0x3a: {  	s31 =	sadd.s32 s19, s9;
	[sflag:s12] =	ssyncadd.s32 $0xFFFFFB80  }
0x3b: {  	[tilespmem:s14], [sflag:$0x2] =	stream.linear.gather [hbm4b:s31+s4], $0x480, $0x38;
	[tilespmem:$0x1C900] =	vst v63  }
0x3c: {  	_ =	swait.ge [sflag:s12], $0x480  }
0x3d: {  	[sflag:s12] =	ssyncset.done $0x0  }
0x3e: {  	[sflag:s12] =	ssyncadd.s32 $0xFFFFFB80  }
0x3f: {  	[tilespmem:s16], [sflag:$0x1] =	stream.indirect.gather [hbm4b:s1+s15], $0x40, s13, s15, $0xb8;
	[tilespmem:$0x1C900] =	vst v63  }
0x40: {  	_ =	swait.ge [sflag:s17], $0x12000  }
0x41: {  	[sflag:s17] =	ssyncset.done $0x0  }
0x42: {  	[sflag:s17] =	ssyncadd.s32 $0xFFFEE000  }
0x43: {  	[spmem:s3] =	stream.indirect.scatter.add.f32 [tilespmem:s16], [sflag:$0x2], $0x40, s14, s15, $0xb8;
	[tilespmem:$0x1C900] =	vst v63  }
0x44: {  	_ =	swait.ge [sflag:s12], $0x12000  }
0x45: {  	s18 =	sadd.s32 $0x1, s18;
	[sflag:s12] =	ssyncset.done $0x0  }
0x46: {  	p0 =	sne.s32 s18, s8;
	[sflag:s12] =	ssyncadd.s32 $0xFFFEE000  }
.Ltmp1:
0x47: {  	[bflag:$0x0] =	sbarrier.arrive $0xFFFF;
	(pc) =	sbr.rel @p0 .LBB2_1-.Ltmp1, $4  }
0x48: {  	[hbm:s7], [sflag:s6] =	dma.local [spmem:s11], $0x1400  }
0x49: {  	_ =	swait.ge [sflag:s12], $0x1400  }
0x4a: {  	[sflag:s12] =	ssyncset.done $0x0  }
0x4b: {  	[sflag:s12] =	ssyncadd.s32 $0xFFFFEC00  }
0x4c: {  	_ =	sfence.sel $0x180000  }
0x4d: {  	[bflag:$0x0] =	sbarrier.arrive $0xFFFF  }
0x4e: {  	p0 =	sne.s32 s0, $0x0;
	_ =	strace $0x90000062  }
0x4f: {  	s0 =	sadd.s32 @!p0 $0x100000, s2;
	[bflag:$0x2] =	sbarrier.arrive $0xFFFF  }
0x50: {  	[sflag:s0] =	ssyncadd.tile.s32 @!p0 $0x1;
	_ =	shalt  }
.Lfunc_end2:
_tile_overlayer_lowered:
.L_overlay_start_2:
0x51: {  	(tag) =	ssettag $0x2  }
0x52: {  	s0 =	rddreg [dreg:$0x0];
	s2 =	stileid.u32  }
0x53: {  	s1 =	rddreg [dreg:$0x1];
	p0 =	sne.s32 s2, $0x0  }
0x54: {  	s3 =	rddreg [dreg:$0x2];
	[bflag:$0x3] =	sbarrier.arrive $0xFFFF;
	s2 =	simm.s32 @!p0 $0x1C02  }
0x55: {  	[timem:s3], [sflag:s2] =	dma.local @!p0 [hbm:s0], s1  }
0x56: {  	s0 =	simm.s32 @!p0 $0x2  }
0x57: {  	_ =	swait.ge @!p0 [sflag:s0], s1  }
0x58: {  	s1 =	ssub.s32 @!p0 $0x0, s1;
	[sflag:s0] =	ssyncset.done @!p0 $0x0  }
0x59: {  	[sflag:s0] =	ssyncadd.s32 @!p0 s1  }
0x5a: {  	[bflag:$0x3] =	sbarrier.arrive $0xFFFF  }
0x5b: {  	_ =	shalt  }

// kernel: kernel.63.cloned.1.call-start
scs
__scs_entry_jumppad:
0x0: {  	(pc) =	sbr.rel $0x88, $3  }
0x1: {  	(tag) =	ssettag $0x0;
	lr =	simm.s32 $0x1  }
0x2: {  	[smem:$0x3F8F] =	sst lr;
	_ =	strace $0xD0000000  }
0x3: {  	_ = 	snop  }
0x4: {  	_ = 	snop  }
0x5: {  	_ = 	snop  }
0x6: {  	_ = 	snop  }
0x7: {  	_ = 	snop  }
__scs_overlays_trampoline_lowered:
0x8: {  	[smem:$0x3F9E] =	sst s0  }
0x9: {  	[smem:$0x3F9F] =	sst s1  }
0xa: {  	[smem:$0x3FA0] =	sst s2  }
0xb: {  	[smem:$0x3FA1] =	sst s3  }
0xc: {  	[smem:$0x3FA2] =	sst s4  }
0xd: {  	[smem:$0x3FA3] =	sst s5  }
0xe: {  	[smem:$0x3FA4] =	sst s6  }
0xf: {  	[smem:$0x3FA5] =	sst s7  }
0x10: {  	[smem:$0x3FA6] =	sst s8  }
0x11: {  	[smem:$0x3FA7] =	sst s9;
	s0 =	simm.s32 @!p0 $0x0  }
0x12: {  	s1 =	sld [smem:$0x3F8D];
	s0 =	simm.s32 @p0 $0x1  }
0x13: {  	[smem:$0x3FA8] =	sst s0;
	s0 =	simm.s32 @!p1 $0x0  }
0x14: {  	s2 =	sld [smem:$0x3F8C];
	s0 =	simm.s32 @p1 $0x1  }
0x15: {  	[smem:$0x3FA9] =	sst s0;
	s0 =	simm.s32 @!p2 $0x0  }
0x16: {  	s3 =	sld [smem:$0x3FDB];
	s0 =	simm.s32 @p2 $0x1  }
0x17: {  	s4 =	simm.s32 $0x1BF5;
	[smem:$0x3FAB] =	sst s0  }
0x18: {  	s0 =	sld [smem:$0x3F8E];
	_ =	swait.ge [sflag:s4], $0x0  }
0x19: {  	s7 =	sld [smem:$0x3F8F]  }
0x1a: {  	s8 =	sadd.s32 $0xFFFFE003, lr  }
0x1b: {  	s9 =	sadd.s32 $0xFFFFFEF7, lr;
	s5 =	simm.s32 $0xFFFFFFFF;
	p2 =	slt.u32 s8, $0xFFFFF086  }
0x1c: {  	p1 =	slt.u32 s9, $0xF7A;
	s5 =	simm.s32 @!p2 $0x0  }
0x1d: {  	s5 =	simm.s32 @p1 $0x1;
	p0 =	seq.s32 s7, s2  }
0x1e: {  	s7 =	smul.u32 @!p0 $0xF7A, s2;
	p2 =	seq.s32 @!p0 s5, $0x0  }
0x1f: {  	s9 =	smul.u32 $0xF7A, s1;
	s8 =	simm.s32 @!p0 $0x1BF5;
	p2 =	por !p2, p0  }
0x20: {  	[sflag:s8] =	ssyncset.s32 @!p0 $0xFFFFF086;
	s6 =	sadd.s32 @!p0 s3, s7;
	s7 =	simm.s32 @!p0 $0x108  }
0x21: {  	s3 =	sadd.s32 s3, s9;
	s6 =	sadd.s32 @!p0 $0x88, s6;
	s7 =	simm.s32 @p2 $0x1082  }
0x22: {  	[simem:s7], [sflag:s8] =	dma.local @!p0 [hbm:s6], $0xF7A  }
0x23: {  	s9 =	sor.u32 $0xD0000000, s2;
	s6 =	simm.s32 $0x108;
	_ =	swait.ge @!p0 [sflag:s8], $0x0  }
0x24: {  	s3 =	sadd.s32 $0x88, s3;
	s6 =	simm.s32 @!p1 $0x1082;
	[sflag:s4] =	ssyncset.s32 $0xFFFFF086  }
0x25: {  	[simem:s6], [sflag:s4] =	dma.local [hbm:s3], $0xF7A  }
0x26: {  	[smem:$0x3F8F] =	sst s1;
	(tag) =	ssettag s2;
	_ =	strace s9  }
0x27: {  	s1 =	sld [smem:$0x3F9F]  }
0x28: {  	s2 =	sld [smem:$0x3FA0]  }
0x29: {  	s4 =	sld [smem:$0x3FA2]  }
0x2a: {  	p0 =	seq.s32 s5, $0x0;
	s5 =	sld [smem:$0x3FA3]  }
0x2b: {  	s6 =	sld [smem:$0x3FA4]  }
0x2c: {  	s7 =	sld [smem:$0x3FA5]  }
0x2d: {  	s3 =	simm.s32 $0x108;
	s8 =	sld [smem:$0x3FA6]  }
0x2e: {  	s3 =	simm.s32 @!p0 $0x1082;
	s9 =	sld [smem:$0x3FA7]  }
0x2f: {  	lr =	sadd.s32 s0, s3;
	s0 =	sld [smem:$0x3F9E]  }
0x30: {  	s3 =	sld [smem:$0x3FA1]  }
0x31: {  	[smem:$0x3FAA] =	sst s10  }
0x32: {  	s10 =	sld [smem:$0x3FA8];
	_ =	sdelay $0x3  }
0x33: {  	p0 =	seq.s32 s10, $0x1;
	s10 =	sld [smem:$0x3FAA];
	_ =	sdelay $0x3  }
0x34: {  	[smem:$0x3FAA] =	sst s10  }
0x35: {  	s10 =	sld [smem:$0x3FA9];
	_ =	sdelay $0x3  }
0x36: {  	p1 =	seq.s32 s10, $0x1;
	s10 =	sld [smem:$0x3FAA];
	_ =	sdelay $0x3  }
0x37: {  	[smem:$0x3FAA] =	sst s10  }
0x38: {  	s10 =	sld [smem:$0x3FAB]  }
0x39: {  	_ = 	snop;
	(pc) =	sbr.ind lr, $3  }
0x3a: {  	_ = 	snop  }
0x3b: {  	_ = 	snop  }
0x3c: {  	p2 =	seq.s32 s10, $0x1;
	s10 =	sld [smem:$0x3FAA]  }
0x3d: {  	_ =	shalt  }
0x3e: {  	_ =	shalt  }
0x3f: {  	_ =	shalt  }
0x40: {  	_ =	shalt  }
0x41: {  	_ =	shalt  }
0x42: {  	_ =	shalt  }
0x43: {  	_ =	shalt  }
0x44: {  	_ =	shalt  }
0x45: {  	_ =	shalt  }
0x46: {  	_ =	shalt  }
0x47: {  	_ =	shalt  }
0x48: {  	_ =	shalt  }
0x49: {  	_ =	shalt  }
0x4a: {  	_ =	shalt  }
0x4b: {  	_ =	shalt  }
0x4c: {  	_ =	shalt  }
0x4d: {  	_ =	shalt  }
0x4e: {  	_ =	shalt  }
0x4f: {  	_ =	shalt  }
0x50: {  	_ =	shalt  }
0x51: {  	_ =	shalt  }
0x52: {  	_ =	shalt  }
0x53: {  	_ =	shalt  }
0x54: {  	_ =	shalt  }
0x55: {  	_ =	shalt  }
0x56: {  	_ =	shalt  }
0x57: {  	_ =	shalt  }
0x58: {  	_ =	shalt  }
0x59: {  	_ =	shalt  }
0x5a: {  	_ =	shalt  }
0x5b: {  	_ =	shalt  }
0x5c: {  	_ =	shalt  }
0x5d: {  	_ =	shalt  }
0x5e: {  	_ =	shalt  }
0x5f: {  	_ =	shalt  }
0x60: {  	_ =	shalt  }
0x61: {  	_ =	shalt  }
0x62: {  	_ =	shalt  }
0x63: {  	_ =	shalt  }
0x64: {  	_ =	shalt  }
0x65: {  	_ =	shalt  }
0x66: {  	_ =	shalt  }
0x67: {  	_ =	shalt  }
0x68: {  	_ =	shalt  }
0x69: {  	_ =	shalt  }
0x6a: {  	_ =	shalt  }
0x6b: {  	_ =	shalt  }
0x6c: {  	_ =	shalt  }
0x6d: {  	_ =	shalt  }
0x6e: {  	_ =	shalt  }
0x6f: {  	_ =	shalt  }
0x70: {  	_ =	shalt  }
0x71: {  	_ =	shalt  }
0x72: {  	_ =	shalt  }
0x73: {  	_ =	shalt  }
0x74: {  	_ =	shalt  }
0x75: {  	_ =	shalt  }
0x76: {  	_ =	shalt  }
0x77: {  	_ =	shalt  }
0x78: {  	_ =	shalt  }
0x79: {  	_ =	shalt  }
0x7a: {  	_ =	shalt  }
0x7b: {  	_ =	shalt  }
0x7c: {  	_ =	shalt  }
0x7d: {  	_ =	shalt  }
0x7e: {  	_ =	shalt  }
0x7f: {  	_ =	shalt  }
0x80: {  	_ =	shalt  }
0x81: {  	_ =	shalt  }
0x82: {  	_ =	shalt  }
0x83: {  	_ =	shalt  }
0x84: {  	_ =	shalt  }
0x85: {  	_ =	shalt  }
0x86: {  	_ =	shalt  }
0x87: {  	_ =	shalt  }
.Lfunc_end0:
.L_simem_size_0:
called_computation.10_lowered:
.L_overlay_start_0:
0x88: {  	s2 =	sld [smem:$0x3FD9]  }
0x89: {  	s3 =	sld [smem:$0x3FFE];
	_ =	sdelay $0x1  }
0x8a: {  	s1 =	srdreg.scid  }
0x8b: {  	s0 =	sand.u32 $0x1, s1  }
0x8c: {  	s17 =	sshll.u32 s0, $0xA;
	s2 =	sadd.s32 s3, s2  }
0x8d: {  	s2 =	sadd.s32 s2, s17  }
0x8e: {  	[smem:$0x3FB6] =	sst s2  }
0x8f: {  	_ = 	snop  }
0x90: {  	s2 =	sld [smem:$0x3FD0];
	(tm) =	ssettm $0x1  }
0x91: {  	s18 =	sld [smem:$0x3FFB];
	_ =	sdelay $0x3  }
0x92: {  	_ =	strace s18  }
0x93: {  	s3 =	sld [smem:$0x3FFC];
	_ =	sdelay $0x3  }
0x94: {  	_ =	strace s3  }
0x95: {  	s3 =	sld [smem:$0x3FFD];
	_ =	sdelay $0x3  }
0x96: {  	_ =	strace s3  }
0x97: {  	_ =	strace $0x8FFFFFFF  }
0x98: {  	s19 =	sld [smem:$0x3FDB];
	_ =	sdelay $0x1  }
0x99: {  	s4 =	simm.s32 $_scs_section_size  }
0x9a: {  	s5 =	simm.s32 $_size__tile_overlayer_lowered;
	s6 =	simm.s32 $_tile_overlayer_lowered  }
0x9b: {  	s22 =	simm.s32 $0x1BFF;
	s21 =	sshll.u32 s6, $0x1;
	s3 =	sadd.s32 s4, s19  }
0x9c: {  	s7 =	simm.s32 $0x0;
	s20 =	sshll.u32 s5, $0x1;
	s5 =	sadd.s32 s21, s3  }
0x9d: {  	[timem:s7], [sflag:s22] =	dma.local [hbm:s5], s20  }
0x9e: {  	_ =	swait.ge [sflag:s22], s20  }
0x9f: {  	s4 =	ssub.s32 $0x0, s20;
	[sflag:s22] =	ssyncset.done $0x0  }
0xa0: {  	[sflag:s22] =	ssyncadd.s32 s4;
	_ =	sdelay $0x1  }
0xa1: {  	s23 =	simm.s32 $0x1B8B  }
0xa2: {  	_ =	swait.ge [sflag:s23], $0x1  }
0xa3: {  	[sflag:s23] =	ssyncset.done $0x0  }
0xa4: {  	s25 =	simm.s32 $0x1B8E;
	s24 =	sld [smem:$0x3FFE];
	[sflag:s23] =	ssyncadd.s32 $0xFFFFFFFF  }
0xa5: {  	s26 =	simm.s32 $execute0_lowered;
	[smem:$0x3FD2] =	sst s25  }
0xa6: {  	s5 =	sshll.u32 s26, $0x1;
	_ =	strace $0x80000064;
	[dreg:$0x1] =	wrdreg $0xFFFFFFFF  }
0xa7: {  	s28 =	simm.s32 $_size_execute0_lowered;
	s3 =	sadd.s32 s3, s5;
	[dreg:$0x0] =	wrdreg $0x0  }
0xa8: {  	s5 =	sshll.u32 s28, $0x1;
	[dreg:$0x2] =	wrdreg s3  }
0xa9: {  	[dreg:$0x3] =	wrdreg s5  }
0xaa: {  	[dreg:$0x4] =	wrdreg $0xC0  }
0xab: {  	_ =	task [dreg:s7], $0x5FFFF  }
0xac: {  	[dreg:$0x1] =	wrdreg $0xFFFFFFFF  }
0xad: {  	[dreg:$0x0] =	wrdreg $0x60  }
0xae: {  	[dreg:$0x2] =	wrdreg s2  }
0xaf: {  	[dreg:$0x3] =	wrdreg s24  }
0xb0: {  	[dreg:$0x4] =	wrdreg $0x0  }
0xb1: {  	[dreg:$0x5] =	wrdreg $0x9  }
0xb2: {  	_ =	task.clear_ibuf [dreg:s7], $0x6FFFF;
	_ =	strace $0x90000064  }
0xb3: {  	s29 =	simm.s32 $0x9;
	_ =	strace $0x80000066  }
0xb4: {  	_ =	swait.ge [sflag:s29], $0x1  }
0xb5: {  	[sflag:s29] =	ssyncadd.s32 $0xFFFFFFFF  }
0xb6: {  	_ =	strace $0x90000066  }
0xb7: {  	_ =	sfence  }
0xb8: {  	s30 =	sld [smem:$0x0];
	_ =	sdelay $0x2  }
0xb9: {  	s31 =	sshll.u32 s1, $0xD;
	s1 =	sshrl.u32 s1, $0x2  }
0xba: {  	s3 =	sand.u32 $0x4000, s31;
	s1 =	sadd.s32 s1, s30  }
0xbb: {  	s0 =	sor.u32 s3, s0;
	s1 =	sshll.u32 s1, $0x11  }
0xbc: {  	s0 =	sor.u32 s1, s0  }
0xbd: {  	s0 =	sadd.s32 $0x8F2B, s0  }
0xbe: {  	[sflag:s0] =	ssyncadd.remote.s32 $0x1  }
0xbf: {  	_ =	sfence.sel $0xFFFF  }
0xc0: {  	[dreg:$0x0] =	wrdreg $0xFFFFFFFF;
	(pc) =	sbr.abs _section_cstart, $3  }
0xc1: {  	[dreg:$0x1] =	wrdreg $0xFFFFFFFF  }
0xc2: {  	_ =	task.clear_ibuf [dreg:s7], $0x2FFFF;
	_ =	strace $0x9FFFFFFF  }
0xc3: {  	(tm) =	ssettm $0x7FFFFFFF  }
tec
execute0_lowered:
.L_overlay_start_1:
0x0: {  	(tag) =	ssettag $0x1  }
0x1: {  	s1 =	rddreg [dreg:$0x0]  }
0x2: {  	s5 =	rddreg [dreg:$0x1]  }
0x3: {  	s3 =	rddreg [dreg:$0x2]  }
0x4: {  	s0 =	srdreg.scid;
	s2 =	rddreg [dreg:$0x3]  }
0x5: {  	s4 =	simm.s32 $0x0;
	s13 =	simm.s32 $0xA000;
	s6 =	sand.u32 $0x1, s0  }
0x6: {  	s14 =	simm.s32 $0xA480;
	s0 =	stileid.u32;
	s7 =	smul.u32 $0x28800, s6  }
0x7: {  	s15 =	simm.s32 $0x480;
	s16 =	simm.s32 $0xA900;
	s8 =	smul.u32 $0x2880, s0  }
0x8: {  	s17 =	simm.s32 $0x1;
	s18 =	simm.s32 $0x0;
	s29 =	smul.u32 $0xA000, s0  }
0x9: {  	[smem:$0x7FF] =	sst s4;
	s9 =	smul.u32 $0xA0000, s6;
	s6 =	ssub.s32 $0x2, s6  }
0xa: {  	_ =	strace $0x80000065;
	s31 =	sshll.u32 s0, $0x6;
	s11 =	sshrl.u32 s6, $0x1  }
0xb: {  	s7 =	sadd.s32 s8, s7;
	s30 =	sshrl.u32 s29, $0x3;
	s9 =	sadd.s32 s29, s9  }
0xc: {  	s11 =	ssub.s32 s6, s11;
	s12 =	sadd.s32 s29, s3;
	s6 =	sor.u32 $0x1C02, s31  }
0xd: {  	s7 =	sshrl.u32 s7, $0x3;
	s9 =	sshrl.u32 s9, $0x3;
	s8 =	smax.u32 s11, $0x1  }
0xe: {  	s11 =	sshrl.u32 s12, $0x3;
	s10 =	sadd.s32 s7, s5;
	s7 =	sadd.s32 s30, s5  }
0xf: {  	s12 =	simm.s32 $0x2;
	s9 =	sadd.s32 s9, s5;
	s5 =	sadd.s32 $0x1BE00, s7  }
0x10: {  	s7 =	sadd.s32 $0x2FE00, s9;
	s9 =	sadd.s32 $0x7A00, s10;
	s10 =	sadd.s32 $0x11C00, s10  }
.LBB2_1:
0x11: {  	[spmem:s11], [sflag:s6] =	dma.local [hbm:s5], $0x1400  }
0x12: {  	_ =	swait.ge [sflag:s12], $0x1400  }
0x13: {  	[sflag:s12] =	ssyncset.done $0x0  }
0x14: {  	[sflag:s12] =	ssyncadd.s32 $0xFFFFEC00  }
0x15: {  	s19 =	sadd.s32 $0x0, s10;
	[bflag:$0x0] =	sbarrier.arrive $0xFFFF  }
0x16: {  	[tilespmem:s13], [sflag:$0x2] =	stream.linear.gather [hbm4b:s19+s4], $0x480, $0x38;
	[tilespmem:$0x1C900] =	vst v63  }
0x17: {  	_ =	swait.ge [sflag:s12], $0x480  }
0x18: {  	[sflag:s12] =	ssyncset.done $0x0  }
0x19: {  	s31 =	sadd.s32 $0x0, s9;
	[sflag:s12] =	ssyncadd.s32 $0xFFFFFB80  }
0x1a: {  	[tilespmem:s14], [sflag:$0x2] =	stream.linear.gather [hbm4b:s31+s4], $0x480, $0x38;
	[tilespmem:$0x1C900] =	vst v63  }
0x1b: {  	_ =	swait.ge [sflag:s12], $0x480  }
0x1c: {  	[sflag:s12] =	ssyncset.done $0x0  }
0x1d: {  	[sflag:s12] =	ssyncadd.s32 $0xFFFFFB80  }
0x1e: {  	[tilespmem:s16], [sflag:$0x1] =	stream.indirect.gather [hbm4b:s1+s15], $0x40, s13, s15, $0xb8;
	[tilespmem:$0x1C900] =	vst v63  }
0x1f: {  	_ =	swait.ge [sflag:s17], $0x12000  }
0x20: {  	[sflag:s17] =	ssyncset.done $0x0  }
0x21: {  	[sflag:s17] =	ssyncadd.s32 $0xFFFEE000  }
0x22: {  	[spmem:s3] =	stream.indirect.scatter.add.f32 [tilespmem:s16], [sflag:$0x2], $0x40, s14, s15, $0xb8;
	[tilespmem:$0x1C900] =	vst v63  }
0x23: {  	_ =	swait.ge [sflag:s12], $0x12000  }
0x24: {  	s20 =	simm.s32 $0x120;
	s19 =	simm.s32 $0x90;
	[sflag:s12] =	ssyncset.done $0x0  }
.LBB2_2:
0x25: {  	s21 =	sadd.s32 s19, s10  }
0x26: {  	[sflag:s12] =	ssyncadd.s32 $0xFFFEE000;
	s22 =	smov.u32 s20;
	s23 =	sadd.s32 $0x90, s20  }
0x27: {  	[tilespmem:s13], [sflag:$0x2] =	stream.linear.gather [hbm4b:s21+s4], $0x480, $0x38;
	[tilespmem:$0x1C900] =	vst v63  }
0x28: {  	p0 =	sne.s32 s20, $0x480;
	_ =	swait.ge [sflag:s12], $0x480  }
0x29: {  	[sflag:s12] =	ssyncset.done $0x0  }
0x2a: {  	s20 =	sadd.s32 s19, s9;
	s19 =	smov.u32 s22;
	[sflag:s12] =	ssyncadd.s32 $0xFFFFFB80  }
0x2b: {  	[tilespmem:s14], [sflag:$0x2] =	stream.linear.gather [hbm4b:s20+s4], $0x480, $0x38;
	[tilespmem:$0x1C900] =	vst v63  }
0x2c: {  	_ =	swait.ge [sflag:s12], $0x480  }
0x2d: {  	[sflag:s12] =	ssyncset.done $0x0  }
0x2e: {  	[sflag:s12] =	ssyncadd.s32 $0xFFFFFB80  }
0x2f: {  	[tilespmem:s16], [sflag:$0x1] =	stream.indirect.gather [hbm4b:s1+s15], $0x40, s13, s15, $0xb8;
	[tilespmem:$0x1C900] =	vst v63  }
0x30: {  	_ =	swait.ge [sflag:s17], $0x12000  }
.Ltmp0:
0x31: {  	[sflag:s17] =	ssyncset.done $0x0;
	(pc) =	sbr.rel @p0 .LBB2_2-.Ltmp0, $4  }
0x32: {  	[sflag:s17] =	ssyncadd.s32 $0xFFFEE000  }
0x33: {  	[spmem:s3] =	stream.indirect.scatter.add.f32 [tilespmem:s16], [sflag:$0x2], $0x40, s14, s15, $0xb8;
	[tilespmem:$0x1C900] =	vst v63  }
0x34: {  	_ =	swait.ge [sflag:s12], $0x12000  }
0x35: {  	s20 =	smov.u32 s23;
	[sflag:s12] =	ssyncset.done $0x0  }
0x36: {  	s20 =	sadd.s32 s19, s10;
	[sflag:s12] =	ssyncadd.s32 $0xFFFEE000  }
0x37: {  	[tilespmem:s13], [sflag:$0x2] =	stream.linear.gather [hbm4b:s20+s4], $0x480, $0x38;
	[tilespmem:$0x1C900] =	vst v63  }
0x38: {  	_ =	swait.ge [sflag:s12], $0x480  }
0x39: {  	[sflag:s12] =	ssyncset.done $0x0  }
0x3a: {  	s31 =	sadd.s32 s19, s9;
	[sflag:s12] =	ssyncadd.s32 $0xFFFFFB80  }
0x3b: {  	[tilespmem:s14], [sflag:$0x2] =	stream.linear.gather [hbm4b:s31+s4], $0x480, $0x38;
	[tilespmem:$0x1C900] =	vst v63  }
0x3c: {  	_ =	swait.ge [sflag:s12], $0x480  }
0x3d: {  	[sflag:s12] =	ssyncset.done $0x0  }
0x3e: {  	[sflag:s12] =	ssyncadd.s32 $0xFFFFFB80  }
0x3f: {  	[tilespmem:s16], [sflag:$0x1] =	stream.indirect.gather [hbm4b:s1+s15], $0x40, s13, s15, $0xb8;
	[tilespmem:$0x1C900] =	vst v63  }
0x40: {  	_ =	swait.ge [sflag:s17], $0x12000  }
0x41: {  	[sflag:s17] =	ssyncset.done $0x0  }
0x42: {  	[sflag:s17] =	ssyncadd.s32 $0xFFFEE000  }
0x43: {  	[spmem:s3] =	stream.indirect.scatter.add.f32 [tilespmem:s16], [sflag:$0x2], $0x40, s14, s15, $0xb8;
	[tilespmem:$0x1C900] =	vst v63  }
0x44: {  	_ =	swait.ge [sflag:s12], $0x12000  }
0x45: {  	s18 =	sadd.s32 $0x1, s18;
	[sflag:s12] =	ssyncset.done $0x0  }
0x46: {  	p0 =	sne.s32 s18, s8;
	[sflag:s12] =	ssyncadd.s32 $0xFFFEE000  }
.Ltmp1:
0x47: {  	[bflag:$0x0] =	sbarrier.arrive $0xFFFF;
	(pc) =	sbr.rel @p0 .LBB2_1-.Ltmp1, $4  }
0x48: {  	[hbm:s7], [sflag:s6] =	dma.local [spmem:s11], $0x1400  }
0x49: {  	_ =	swait.ge [sflag:s12], $0x1400  }
0x4a: {  	[sflag:s12] =	ssyncset.done $0x0  }
0x4b: {  	[sflag:s12] =	ssyncadd.s32 $0xFFFFEC00  }
0x4c: {  	_ =	sfence.sel $0x180000  }
0x4d: {  	[bflag:$0x0] =	sbarrier.arrive $0xFFFF  }
0x4e: {  	p0 =	sne.s32 s0, $0x0;
	_ =	strace $0x90000065  }
0x4f: {  	s0 =	sadd.s32 @!p0 $0x100000, s2;
	[bflag:$0x2] =	sbarrier.arrive $0xFFFF  }
0x50: {  	[sflag:s0] =	ssyncadd.tile.s32 @!p0 $0x1;
	_ =	shalt  }
.Lfunc_end2:
_tile_overlayer_lowered:
.L_overlay_start_2:
0x51: {  	(tag) =	ssettag $0x2  }
0x52: {  	s0 =	rddreg [dreg:$0x0];
	s2 =	stileid.u32  }
0x53: {  	s1 =	rddreg [dreg:$0x1];
	p0 =	sne.s32 s2, $0x0  }
0x54: {  	s3 =	rddreg [dreg:$0x2];
	[bflag:$0x3] =	sbarrier.arrive $0xFFFF;
	s2 =	simm.s32 @!p0 $0x1C02  }
0x55: {  	[timem:s3], [sflag:s2] =	dma.local @!p0 [hbm:s0], s1  }
0x56: {  	s0 =	simm.s32 @!p0 $0x2  }
0x57: {  	_ =	swait.ge @!p0 [sflag:s0], s1  }
0x58: {  	s1 =	ssub.s32 @!p0 $0x0, s1;
	[sflag:s0] =	ssyncset.done @!p0 $0x0  }
0x59: {  	[sflag:s0] =	ssyncadd.s32 @!p0 s1  }
0x5a: {  	[bflag:$0x3] =	sbarrier.arrive $0xFFFF  }
0x5b: {  	_ =	shalt  }

// kernel: kernel.66.cloned.1.call-start
scs
__scs_entry_jumppad:
0x0: {  	(pc) =	sbr.rel $0x88, $3  }
0x1: {  	(tag) =	ssettag $0x0;
	lr =	simm.s32 $0x1  }
0x2: {  	[smem:$0x3F8F] =	sst lr;
	_ =	strace $0xD0000000  }
0x3: {  	_ = 	snop  }
0x4: {  	_ = 	snop  }
0x5: {  	_ = 	snop  }
0x6: {  	_ = 	snop  }
0x7: {  	_ = 	snop  }
__scs_overlays_trampoline_lowered:
0x8: {  	[smem:$0x3F9E] =	sst s0  }
0x9: {  	[smem:$0x3F9F] =	sst s1  }
0xa: {  	[smem:$0x3FA0] =	sst s2  }
0xb: {  	[smem:$0x3FA1] =	sst s3  }
0xc: {  	[smem:$0x3FA2] =	sst s4  }
0xd: {  	[smem:$0x3FA3] =	sst s5  }
0xe: {  	[smem:$0x3FA4] =	sst s6  }
0xf: {  	[smem:$0x3FA5] =	sst s7  }
0x10: {  	[smem:$0x3FA6] =	sst s8  }
0x11: {  	[smem:$0x3FA7] =	sst s9;
	s0 =	simm.s32 @!p0 $0x0  }
0x12: {  	s1 =	sld [smem:$0x3F8D];
	s0 =	simm.s32 @p0 $0x1  }
0x13: {  	[smem:$0x3FA8] =	sst s0;
	s0 =	simm.s32 @!p1 $0x0  }
0x14: {  	s2 =	sld [smem:$0x3F8C];
	s0 =	simm.s32 @p1 $0x1  }
0x15: {  	[smem:$0x3FA9] =	sst s0;
	s0 =	simm.s32 @!p2 $0x0  }
0x16: {  	s3 =	sld [smem:$0x3FDB];
	s0 =	simm.s32 @p2 $0x1  }
0x17: {  	s4 =	simm.s32 $0x1BF5;
	[smem:$0x3FAB] =	sst s0  }
0x18: {  	s0 =	sld [smem:$0x3F8E];
	_ =	swait.ge [sflag:s4], $0x0  }
0x19: {  	s7 =	sld [smem:$0x3F8F]  }
0x1a: {  	s8 =	sadd.s32 $0xFFFFE003, lr  }
0x1b: {  	s9 =	sadd.s32 $0xFFFFFEF7, lr;
	s5 =	simm.s32 $0xFFFFFFFF;
	p2 =	slt.u32 s8, $0xFFFFF086  }
0x1c: {  	p1 =	slt.u32 s9, $0xF7A;
	s5 =	simm.s32 @!p2 $0x0  }
0x1d: {  	s5 =	simm.s32 @p1 $0x1;
	p0 =	seq.s32 s7, s2  }
0x1e: {  	s7 =	smul.u32 @!p0 $0xF7A, s2;
	p2 =	seq.s32 @!p0 s5, $0x0  }
0x1f: {  	s9 =	smul.u32 $0xF7A, s1;
	s8 =	simm.s32 @!p0 $0x1BF5;
	p2 =	por !p2, p0  }
0x20: {  	[sflag:s8] =	ssyncset.s32 @!p0 $0xFFFFF086;
	s6 =	sadd.s32 @!p0 s3, s7;
	s7 =	simm.s32 @!p0 $0x108  }
0x21: {  	s3 =	sadd.s32 s3, s9;
	s6 =	sadd.s32 @!p0 $0x88, s6;
	s7 =	simm.s32 @p2 $0x1082  }
0x22: {  	[simem:s7], [sflag:s8] =	dma.local @!p0 [hbm:s6], $0xF7A  }
0x23: {  	s9 =	sor.u32 $0xD0000000, s2;
	s6 =	simm.s32 $0x108;
	_ =	swait.ge @!p0 [sflag:s8], $0x0  }
0x24: {  	s3 =	sadd.s32 $0x88, s3;
	s6 =	simm.s32 @!p1 $0x1082;
	[sflag:s4] =	ssyncset.s32 $0xFFFFF086  }
0x25: {  	[simem:s6], [sflag:s4] =	dma.local [hbm:s3], $0xF7A  }
0x26: {  	[smem:$0x3F8F] =	sst s1;
	(tag) =	ssettag s2;
	_ =	strace s9  }
0x27: {  	s1 =	sld [smem:$0x3F9F]  }
0x28: {  	s2 =	sld [smem:$0x3FA0]  }
0x29: {  	s4 =	sld [smem:$0x3FA2]  }
0x2a: {  	p0 =	seq.s32 s5, $0x0;
	s5 =	sld [smem:$0x3FA3]  }
0x2b: {  	s6 =	sld [smem:$0x3FA4]  }
0x2c: {  	s7 =	sld [smem:$0x3FA5]  }
0x2d: {  	s3 =	simm.s32 $0x108;
	s8 =	sld [smem:$0x3FA6]  }
0x2e: {  	s3 =	simm.s32 @!p0 $0x1082;
	s9 =	sld [smem:$0x3FA7]  }
0x2f: {  	lr =	sadd.s32 s0, s3;
	s0 =	sld [smem:$0x3F9E]  }
0x30: {  	s3 =	sld [smem:$0x3FA1]  }
0x31: {  	[smem:$0x3FAA] =	sst s10  }
0x32: {  	s10 =	sld [smem:$0x3FA8];
	_ =	sdelay $0x3  }
0x33: {  	p0 =	seq.s32 s10, $0x1;
	s10 =	sld [smem:$0x3FAA];
	_ =	sdelay $0x3  }
0x34: {  	[smem:$0x3FAA] =	sst s10  }
0x35: {  	s10 =	sld [smem:$0x3FA9];
	_ =	sdelay $0x3  }
0x36: {  	p1 =	seq.s32 s10, $0x1;
	s10 =	sld [smem:$0x3FAA];
	_ =	sdelay $0x3  }
0x37: {  	[smem:$0x3FAA] =	sst s10  }
0x38: {  	s10 =	sld [smem:$0x3FAB]  }
0x39: {  	_ = 	snop;
	(pc) =	sbr.ind lr, $3  }
0x3a: {  	_ = 	snop  }
0x3b: {  	_ = 	snop  }
0x3c: {  	p2 =	seq.s32 s10, $0x1;
	s10 =	sld [smem:$0x3FAA]  }
0x3d: {  	_ =	shalt  }
0x3e: {  	_ =	shalt  }
0x3f: {  	_ =	shalt  }
0x40: {  	_ =	shalt  }
0x41: {  	_ =	shalt  }
0x42: {  	_ =	shalt  }
0x43: {  	_ =	shalt  }
0x44: {  	_ =	shalt  }
0x45: {  	_ =	shalt  }
0x46: {  	_ =	shalt  }
0x47: {  	_ =	shalt  }
0x48: {  	_ =	shalt  }
0x49: {  	_ =	shalt  }
0x4a: {  	_ =	shalt  }
0x4b: {  	_ =	shalt  }
0x4c: {  	_ =	shalt  }
0x4d: {  	_ =	shalt  }
0x4e: {  	_ =	shalt  }
0x4f: {  	_ =	shalt  }
0x50: {  	_ =	shalt  }
0x51: {  	_ =	shalt  }
0x52: {  	_ =	shalt  }
0x53: {  	_ =	shalt  }
0x54: {  	_ =	shalt  }
0x55: {  	_ =	shalt  }
0x56: {  	_ =	shalt  }
0x57: {  	_ =	shalt  }
0x58: {  	_ =	shalt  }
0x59: {  	_ =	shalt  }
0x5a: {  	_ =	shalt  }
0x5b: {  	_ =	shalt  }
0x5c: {  	_ =	shalt  }
0x5d: {  	_ =	shalt  }
0x5e: {  	_ =	shalt  }
0x5f: {  	_ =	shalt  }
0x60: {  	_ =	shalt  }
0x61: {  	_ =	shalt  }
0x62: {  	_ =	shalt  }
0x63: {  	_ =	shalt  }
0x64: {  	_ =	shalt  }
0x65: {  	_ =	shalt  }
0x66: {  	_ =	shalt  }
0x67: {  	_ =	shalt  }
0x68: {  	_ =	shalt  }
0x69: {  	_ =	shalt  }
0x6a: {  	_ =	shalt  }
0x6b: {  	_ =	shalt  }
0x6c: {  	_ =	shalt  }
0x6d: {  	_ =	shalt  }
0x6e: {  	_ =	shalt  }
0x6f: {  	_ =	shalt  }
0x70: {  	_ =	shalt  }
0x71: {  	_ =	shalt  }
0x72: {  	_ =	shalt  }
0x73: {  	_ =	shalt  }
0x74: {  	_ =	shalt  }
0x75: {  	_ =	shalt  }
0x76: {  	_ =	shalt  }
0x77: {  	_ =	shalt  }
0x78: {  	_ =	shalt  }
0x79: {  	_ =	shalt  }
0x7a: {  	_ =	shalt  }
0x7b: {  	_ =	shalt  }
0x7c: {  	_ =	shalt  }
0x7d: {  	_ =	shalt  }
0x7e: {  	_ =	shalt  }
0x7f: {  	_ =	shalt  }
0x80: {  	_ =	shalt  }
0x81: {  	_ =	shalt  }
0x82: {  	_ =	shalt  }
0x83: {  	_ =	shalt  }
0x84: {  	_ =	shalt  }
0x85: {  	_ =	shalt  }
0x86: {  	_ =	shalt  }
0x87: {  	_ =	shalt  }
.Lfunc_end0:
.L_simem_size_0:
called_computation.11_lowered:
.L_overlay_start_0:
0x88: {  	s2 =	sld [smem:$0x3FD9]  }
0x89: {  	s3 =	sld [smem:$0x3FFE];
	_ =	sdelay $0x1  }
0x8a: {  	s1 =	srdreg.scid  }
0x8b: {  	s0 =	sand.u32 $0x1, s1  }
0x8c: {  	s17 =	sshll.u32 s0, $0xA;
	s2 =	sadd.s32 s3, s2  }
0x8d: {  	s2 =	sadd.s32 s2, s17  }
0x8e: {  	[smem:$0x3FB6] =	sst s2  }
0x8f: {  	_ = 	snop  }
0x90: {  	s2 =	sld [smem:$0x3FD0];
	(tm) =	ssettm $0x1  }
0x91: {  	s18 =	sld [smem:$0x3FFB];
	_ =	sdelay $0x3  }
0x92: {  	_ =	strace s18  }
0x93: {  	s3 =	sld [smem:$0x3FFC];
	_ =	sdelay $0x3  }
0x94: {  	_ =	strace s3  }
0x95: {  	s3 =	sld [smem:$0x3FFD];
	_ =	sdelay $0x3  }
0x96: {  	_ =	strace s3  }
0x97: {  	_ =	strace $0x8FFFFFFF  }
0x98: {  	s19 =	sld [smem:$0x3FDB];
	_ =	sdelay $0x1  }
0x99: {  	s4 =	simm.s32 $_scs_section_size  }
0x9a: {  	s5 =	simm.s32 $_size__tile_overlayer_lowered;
	s6 =	simm.s32 $_tile_overlayer_lowered  }
0x9b: {  	s22 =	simm.s32 $0x1BFF;
	s21 =	sshll.u32 s6, $0x1;
	s3 =	sadd.s32 s4, s19  }
0x9c: {  	s7 =	simm.s32 $0x0;
	s20 =	sshll.u32 s5, $0x1;
	s5 =	sadd.s32 s21, s3  }
0x9d: {  	[timem:s7], [sflag:s22] =	dma.local [hbm:s5], s20  }
0x9e: {  	_ =	swait.ge [sflag:s22], s20  }
0x9f: {  	s4 =	ssub.s32 $0x0, s20;
	[sflag:s22] =	ssyncset.done $0x0  }
0xa0: {  	[sflag:s22] =	ssyncadd.s32 s4;
	_ =	sdelay $0x1  }
0xa1: {  	s23 =	simm.s32 $0x1B8B  }
0xa2: {  	_ =	swait.ge [sflag:s23], $0x1  }
0xa3: {  	[sflag:s23] =	ssyncset.done $0x0  }
0xa4: {  	s25 =	simm.s32 $0x1B8E;
	s24 =	sld [smem:$0x3FFE];
	[sflag:s23] =	ssyncadd.s32 $0xFFFFFFFF  }
0xa5: {  	s26 =	simm.s32 $execute0_lowered;
	[smem:$0x3FD2] =	sst s25  }
0xa6: {  	s5 =	sshll.u32 s26, $0x1;
	_ =	strace $0x80000067;
	[dreg:$0x1] =	wrdreg $0xFFFFFFFF  }
0xa7: {  	s28 =	simm.s32 $_size_execute0_lowered;
	s3 =	sadd.s32 s3, s5;
	[dreg:$0x0] =	wrdreg $0x0  }
0xa8: {  	s5 =	sshll.u32 s28, $0x1;
	[dreg:$0x2] =	wrdreg s3  }
0xa9: {  	[dreg:$0x3] =	wrdreg s5  }
0xaa: {  	[dreg:$0x4] =	wrdreg $0xC0  }
0xab: {  	_ =	task [dreg:s7], $0x5FFFF  }
0xac: {  	[dreg:$0x1] =	wrdreg $0xFFFFFFFF  }
0xad: {  	[dreg:$0x0] =	wrdreg $0x60  }
0xae: {  	[dreg:$0x2] =	wrdreg s2  }
0xaf: {  	[dreg:$0x3] =	wrdreg s24  }
0xb0: {  	[dreg:$0x4] =	wrdreg $0x0  }
0xb1: {  	[dreg:$0x5] =	wrdreg $0x9  }
0xb2: {  	_ =	task.clear_ibuf [dreg:s7], $0x6FFFF;
	_ =	strace $0x90000067  }
0xb3: {  	s29 =	simm.s32 $0x9;
	_ =	strace $0x80000069  }
0xb4: {  	_ =	swait.ge [sflag:s29], $0x1  }
0xb5: {  	[sflag:s29] =	ssyncadd.s32 $0xFFFFFFFF  }
0xb6: {  	_ =	strace $0x90000069  }
0xb7: {  	_ =	sfence  }
0xb8: {  	s30 =	sld [smem:$0x0];
	_ =	sdelay $0x2  }
0xb9: {  	s31 =	sshll.u32 s1, $0xD;
	s1 =	sshrl.u32 s1, $0x2  }
0xba: {  	s3 =	sand.u32 $0x4000, s31;
	s1 =	sadd.s32 s1, s30  }
0xbb: {  	s0 =	sor.u32 s3, s0;
	s1 =	sshll.u32 s1, $0x11  }
0xbc: {  	s0 =	sor.u32 s1, s0  }
0xbd: {  	s0 =	sadd.s32 $0x8F2B, s0  }
0xbe: {  	[sflag:s0] =	ssyncadd.remote.s32 $0x1  }
0xbf: {  	_ =	sfence.sel $0xFFFF  }
0xc0: {  	[dreg:$0x0] =	wrdreg $0xFFFFFFFF;
	(pc) =	sbr.abs _section_cstart, $3  }
0xc1: {  	[dreg:$0x1] =	wrdreg $0xFFFFFFFF  }
0xc2: {  	_ =	task.clear_ibuf [dreg:s7], $0x2FFFF;
	_ =	strace $0x9FFFFFFF  }
0xc3: {  	(tm) =	ssettm $0x7FFFFFFF  }
tec
execute0_lowered:
.L_overlay_start_1:
0x0: {  	(tag) =	ssettag $0x1  }
0x1: {  	s1 =	rddreg [dreg:$0x0]  }
0x2: {  	s5 =	rddreg [dreg:$0x1]  }
0x3: {  	s3 =	rddreg [dreg:$0x2]  }
0x4: {  	s0 =	srdreg.scid;
	s2 =	rddreg [dreg:$0x3]  }
0x5: {  	s4 =	simm.s32 $0x0;
	s13 =	simm.s32 $0xA000;
	s6 =	sand.u32 $0x1, s0  }
0x6: {  	s14 =	simm.s32 $0xA480;
	s0 =	stileid.u32;
	s7 =	smul.u32 $0x28800, s6  }
0x7: {  	s15 =	simm.s32 $0x480;
	s16 =	simm.s32 $0xA900;
	s8 =	smul.u32 $0x2880, s0  }
0x8: {  	s17 =	simm.s32 $0x1;
	s18 =	simm.s32 $0x0;
	s29 =	smul.u32 $0xA000, s0  }
0x9: {  	[smem:$0x7FF] =	sst s4;
	s9 =	smul.u32 $0xA0000, s6;
	s6 =	ssub.s32 $0x2, s6  }
0xa: {  	_ =	strace $0x80000068;
	s31 =	sshll.u32 s0, $0x6;
	s11 =	sshrl.u32 s6, $0x1  }
0xb: {  	s7 =	sadd.s32 s8, s7;
	s30 =	sshrl.u32 s29, $0x3;
	s9 =	sadd.s32 s29, s9  }
0xc: {  	s11 =	ssub.s32 s6, s11;
	s12 =	sadd.s32 s29, s3;
	s6 =	sor.u32 $0x1C02, s31  }
0xd: {  	s7 =	sshrl.u32 s7, $0x3;
	s9 =	sshrl.u32 s9, $0x3;
	s8 =	smax.u32 s11, $0x1  }
0xe: {  	s11 =	sshrl.u32 s12, $0x3;
	s10 =	sadd.s32 s7, s5;
	s7 =	sadd.s32 s30, s5  }
0xf: {  	s12 =	simm.s32 $0x2;
	s9 =	sadd.s32 s9, s5;
	s5 =	sadd.s32 $0x1BE00, s7  }
0x10: {  	s7 =	sadd.s32 $0x2FE00, s9;
	s9 =	sadd.s32 $0x7A00, s10;
	s10 =	sadd.s32 $0x11C00, s10  }
.LBB2_1:
0x11: {  	[spmem:s11], [sflag:s6] =	dma.local [hbm:s5], $0x1400  }
0x12: {  	_ =	swait.ge [sflag:s12], $0x1400  }
0x13: {  	[sflag:s12] =	ssyncset.done $0x0  }
0x14: {  	[sflag:s12] =	ssyncadd.s32 $0xFFFFEC00  }
0x15: {  	s19 =	sadd.s32 $0x0, s10;
	[bflag:$0x0] =	sbarrier.arrive $0xFFFF  }
0x16: {  	[tilespmem:s13], [sflag:$0x2] =	stream.linear.gather [hbm4b:s19+s4], $0x480, $0x38;
	[tilespmem:$0x1C900] =	vst v63  }
0x17: {  	_ =	swait.ge [sflag:s12], $0x480  }
0x18: {  	[sflag:s12] =	ssyncset.done $0x0  }
0x19: {  	s31 =	sadd.s32 $0x0, s9;
	[sflag:s12] =	ssyncadd.s32 $0xFFFFFB80  }
0x1a: {  	[tilespmem:s14], [sflag:$0x2] =	stream.linear.gather [hbm4b:s31+s4], $0x480, $0x38;
	[tilespmem:$0x1C900] =	vst v63  }
0x1b: {  	_ =	swait.ge [sflag:s12], $0x480  }
0x1c: {  	[sflag:s12] =	ssyncset.done $0x0  }
0x1d: {  	[sflag:s12] =	ssyncadd.s32 $0xFFFFFB80  }
0x1e: {  	[tilespmem:s16], [sflag:$0x1] =	stream.indirect.gather [hbm4b:s1+s15], $0x40, s13, s15, $0xb8;
	[tilespmem:$0x1C900] =	vst v63  }
0x1f: {  	_ =	swait.ge [sflag:s17], $0x12000  }
0x20: {  	[sflag:s17] =	ssyncset.done $0x0  }
0x21: {  	[sflag:s17] =	ssyncadd.s32 $0xFFFEE000  }
0x22: {  	[spmem:s3] =	stream.indirect.scatter.add.f32 [tilespmem:s16], [sflag:$0x2], $0x40, s14, s15, $0xb8;
	[tilespmem:$0x1C900] =	vst v63  }
0x23: {  	_ =	swait.ge [sflag:s12], $0x12000  }
0x24: {  	s20 =	simm.s32 $0x120;
	s19 =	simm.s32 $0x90;
	[sflag:s12] =	ssyncset.done $0x0  }
.LBB2_2:
0x25: {  	s21 =	sadd.s32 s19, s10  }
0x26: {  	[sflag:s12] =	ssyncadd.s32 $0xFFFEE000;
	s22 =	smov.u32 s20;
	s23 =	sadd.s32 $0x90, s20  }
0x27: {  	[tilespmem:s13], [sflag:$0x2] =	stream.linear.gather [hbm4b:s21+s4], $0x480, $0x38;
	[tilespmem:$0x1C900] =	vst v63  }
0x28: {  	p0 =	sne.s32 s20, $0x480;
	_ =	swait.ge [sflag:s12], $0x480  }
0x29: {  	[sflag:s12] =	ssyncset.done $0x0  }
0x2a: {  	s20 =	sadd.s32 s19, s9;
	s19 =	smov.u32 s22;
	[sflag:s12] =	ssyncadd.s32 $0xFFFFFB80  }
0x2b: {  	[tilespmem:s14], [sflag:$0x2] =	stream.linear.gather [hbm4b:s20+s4], $0x480, $0x38;
	[tilespmem:$0x1C900] =	vst v63  }
0x2c: {  	_ =	swait.ge [sflag:s12], $0x480  }
0x2d: {  	[sflag:s12] =	ssyncset.done $0x0  }
0x2e: {  	[sflag:s12] =	ssyncadd.s32 $0xFFFFFB80  }
0x2f: {  	[tilespmem:s16], [sflag:$0x1] =	stream.indirect.gather [hbm4b:s1+s15], $0x40, s13, s15, $0xb8;
	[tilespmem:$0x1C900] =	vst v63  }
0x30: {  	_ =	swait.ge [sflag:s17], $0x12000  }
.Ltmp0:
0x31: {  	[sflag:s17] =	ssyncset.done $0x0;
	(pc) =	sbr.rel @p0 .LBB2_2-.Ltmp0, $4  }
0x32: {  	[sflag:s17] =	ssyncadd.s32 $0xFFFEE000  }
0x33: {  	[spmem:s3] =	stream.indirect.scatter.add.f32 [tilespmem:s16], [sflag:$0x2], $0x40, s14, s15, $0xb8;
	[tilespmem:$0x1C900] =	vst v63  }
0x34: {  	_ =	swait.ge [sflag:s12], $0x12000  }
0x35: {  	s20 =	smov.u32 s23;
	[sflag:s12] =	ssyncset.done $0x0  }
0x36: {  	s20 =	sadd.s32 s19, s10;
	[sflag:s12] =	ssyncadd.s32 $0xFFFEE000  }
0x37: {  	[tilespmem:s13], [sflag:$0x2] =	stream.linear.gather [hbm4b:s20+s4], $0x480, $0x38;
	[tilespmem:$0x1C900] =	vst v63  }
0x38: {  	_ =	swait.ge [sflag:s12], $0x480  }
0x39: {  	[sflag:s12] =	ssyncset.done $0x0  }
0x3a: {  	s31 =	sadd.s32 s19, s9;
	[sflag:s12] =	ssyncadd.s32 $0xFFFFFB80  }
0x3b: {  	[tilespmem:s14], [sflag:$0x2] =	stream.linear.gather [hbm4b:s31+s4], $0x480, $0x38;
	[tilespmem:$0x1C900] =	vst v63  }
0x3c: {  	_ =	swait.ge [sflag:s12], $0x480  }
0x3d: {  	[sflag:s12] =	ssyncset.done $0x0  }
0x3e: {  	[sflag:s12] =	ssyncadd.s32 $0xFFFFFB80  }
0x3f: {  	[tilespmem:s16], [sflag:$0x1] =	stream.indirect.gather [hbm4b:s1+s15], $0x40, s13, s15, $0xb8;
	[tilespmem:$0x1C900] =	vst v63  }
0x40: {  	_ =	swait.ge [sflag:s17], $0x12000  }
0x41: {  	[sflag:s17] =	ssyncset.done $0x0  }
0x42: {  	[sflag:s17] =	ssyncadd.s32 $0xFFFEE000  }
0x43: {  	[spmem:s3] =	stream.indirect.scatter.add.f32 [tilespmem:s16], [sflag:$0x2], $0x40, s14, s15, $0xb8;
	[tilespmem:$0x1C900] =	vst v63  }
0x44: {  	_ =	swait.ge [sflag:s12], $0x12000  }
0x45: {  	s18 =	sadd.s32 $0x1, s18;
	[sflag:s12] =	ssyncset.done $0x0  }
0x46: {  	p0 =	sne.s32 s18, s8;
	[sflag:s12] =	ssyncadd.s32 $0xFFFEE000  }
.Ltmp1:
0x47: {  	[bflag:$0x0] =	sbarrier.arrive $0xFFFF;
	(pc) =	sbr.rel @p0 .LBB2_1-.Ltmp1, $4  }
0x48: {  	[hbm:s7], [sflag:s6] =	dma.local [spmem:s11], $0x1400  }
0x49: {  	_ =	swait.ge [sflag:s12], $0x1400  }
0x4a: {  	[sflag:s12] =	ssyncset.done $0x0  }
0x4b: {  	[sflag:s12] =	ssyncadd.s32 $0xFFFFEC00  }
0x4c: {  	_ =	sfence.sel $0x180000  }
0x4d: {  	[bflag:$0x0] =	sbarrier.arrive $0xFFFF  }
0x4e: {  	p0 =	sne.s32 s0, $0x0;
	_ =	strace $0x90000068  }
0x4f: {  	s0 =	sadd.s32 @!p0 $0x100000, s2;
	[bflag:$0x2] =	sbarrier.arrive $0xFFFF  }
0x50: {  	[sflag:s0] =	ssyncadd.tile.s32 @!p0 $0x1;
	_ =	shalt  }
.Lfunc_end2:
_tile_overlayer_lowered:
.L_overlay_start_2:
0x51: {  	(tag) =	ssettag $0x2  }
0x52: {  	s0 =	rddreg [dreg:$0x0];
	s2 =	stileid.u32  }
0x53: {  	s1 =	rddreg [dreg:$0x1];
	p0 =	sne.s32 s2, $0x0  }
0x54: {  	s3 =	rddreg [dreg:$0x2];
	[bflag:$0x3] =	sbarrier.arrive $0xFFFF;
	s2 =	simm.s32 @!p0 $0x1C02  }
0x55: {  	[timem:s3], [sflag:s2] =	dma.local @!p0 [hbm:s0], s1  }
0x56: {  	s0 =	simm.s32 @!p0 $0x2  }
0x57: {  	_ =	swait.ge @!p0 [sflag:s0], s1  }
0x58: {  	s1 =	ssub.s32 @!p0 $0x0, s1;
	[sflag:s0] =	ssyncset.done @!p0 $0x0  }
0x59: {  	[sflag:s0] =	ssyncadd.s32 @!p0 s1  }
0x5a: {  	[bflag:$0x3] =	sbarrier.arrive $0xFFFF  }
0x5b: {  	_ =	shalt  }

// kernel: kernel.69.cloned.1.call-start
scs
__scs_entry_jumppad:
0x0: {  	(pc) =	sbr.rel $0x88, $3  }
0x1: {  	(tag) =	ssettag $0x0;
	lr =	simm.s32 $0x1  }
0x2: {  	[smem:$0x3F8F] =	sst lr;
	_ =	strace $0xD0000000  }
0x3: {  	_ = 	snop  }
0x4: {  	_ = 	snop  }
0x5: {  	_ = 	snop  }
0x6: {  	_ = 	snop  }
0x7: {  	_ = 	snop  }
__scs_overlays_trampoline_lowered:
0x8: {  	[smem:$0x3F9E] =	sst s0  }
0x9: {  	[smem:$0x3F9F] =	sst s1  }
0xa: {  	[smem:$0x3FA0] =	sst s2  }
0xb: {  	[smem:$0x3FA1] =	sst s3  }
0xc: {  	[smem:$0x3FA2] =	sst s4  }
0xd: {  	[smem:$0x3FA3] =	sst s5  }
0xe: {  	[smem:$0x3FA4] =	sst s6  }
0xf: {  	[smem:$0x3FA5] =	sst s7  }
0x10: {  	[smem:$0x3FA6] =	sst s8  }
0x11: {  	[smem:$0x3FA7] =	sst s9;
	s0 =	simm.s32 @!p0 $0x0  }
0x12: {  	s1 =	sld [smem:$0x3F8D];
	s0 =	simm.s32 @p0 $0x1  }
0x13: {  	[smem:$0x3FA8] =	sst s0;
	s0 =	simm.s32 @!p1 $0x0  }
0x14: {  	s2 =	sld [smem:$0x3F8C];
	s0 =	simm.s32 @p1 $0x1  }
0x15: {  	[smem:$0x3FA9] =	sst s0;
	s0 =	simm.s32 @!p2 $0x0  }
0x16: {  	s3 =	sld [smem:$0x3FDB];
	s0 =	simm.s32 @p2 $0x1  }
0x17: {  	s4 =	simm.s32 $0x1BF5;
	[smem:$0x3FAB] =	sst s0  }
0x18: {  	s0 =	sld [smem:$0x3F8E];
	_ =	swait.ge [sflag:s4], $0x0  }
0x19: {  	s7 =	sld [smem:$0x3F8F]  }
0x1a: {  	s8 =	sadd.s32 $0xFFFFE003, lr  }
0x1b: {  	s9 =	sadd.s32 $0xFFFFFEF7, lr;
	s5 =	simm.s32 $0xFFFFFFFF;
	p2 =	slt.u32 s8, $0xFFFFF086  }
0x1c: {  	p1 =	slt.u32 s9, $0xF7A;
	s5 =	simm.s32 @!p2 $0x0  }
0x1d: {  	s5 =	simm.s32 @p1 $0x1;
	p0 =	seq.s32 s7, s2  }
0x1e: {  	s7 =	smul.u32 @!p0 $0xF7A, s2;
	p2 =	seq.s32 @!p0 s5, $0x0  }
0x1f: {  	s9 =	smul.u32 $0xF7A, s1;
	s8 =	simm.s32 @!p0 $0x1BF5;
	p2 =	por !p2, p0  }
0x20: {  	[sflag:s8] =	ssyncset.s32 @!p0 $0xFFFFF086;
	s6 =	sadd.s32 @!p0 s3, s7;
	s7 =	simm.s32 @!p0 $0x108  }
0x21: {  	s3 =	sadd.s32 s3, s9;
	s6 =	sadd.s32 @!p0 $0x88, s6;
	s7 =	simm.s32 @p2 $0x1082  }
0x22: {  	[simem:s7], [sflag:s8] =	dma.local @!p0 [hbm:s6], $0xF7A  }
0x23: {  	s9 =	sor.u32 $0xD0000000, s2;
	s6 =	simm.s32 $0x108;
	_ =	swait.ge @!p0 [sflag:s8], $0x0  }
0x24: {  	s3 =	sadd.s32 $0x88, s3;
	s6 =	simm.s32 @!p1 $0x1082;
	[sflag:s4] =	ssyncset.s32 $0xFFFFF086  }
0x25: {  	[simem:s6], [sflag:s4] =	dma.local [hbm:s3], $0xF7A  }
0x26: {  	[smem:$0x3F8F] =	sst s1;
	(tag) =	ssettag s2;
	_ =	strace s9  }
0x27: {  	s1 =	sld [smem:$0x3F9F]  }
0x28: {  	s2 =	sld [smem:$0x3FA0]  }
0x29: {  	s4 =	sld [smem:$0x3FA2]  }
0x2a: {  	p0 =	seq.s32 s5, $0x0;
	s5 =	sld [smem:$0x3FA3]  }
0x2b: {  	s6 =	sld [smem:$0x3FA4]  }
0x2c: {  	s7 =	sld [smem:$0x3FA5]  }
0x2d: {  	s3 =	simm.s32 $0x108;
	s8 =	sld [smem:$0x3FA6]  }
0x2e: {  	s3 =	simm.s32 @!p0 $0x1082;
	s9 =	sld [smem:$0x3FA7]  }
0x2f: {  	lr =	sadd.s32 s0, s3;
	s0 =	sld [smem:$0x3F9E]  }
0x30: {  	s3 =	sld [smem:$0x3FA1]  }
0x31: {  	[smem:$0x3FAA] =	sst s10  }
0x32: {  	s10 =	sld [smem:$0x3FA8];
	_ =	sdelay $0x3  }
0x33: {  	p0 =	seq.s32 s10, $0x1;
	s10 =	sld [smem:$0x3FAA];
	_ =	sdelay $0x3  }
0x34: {  	[smem:$0x3FAA] =	sst s10  }
0x35: {  	s10 =	sld [smem:$0x3FA9];
	_ =	sdelay $0x3  }
0x36: {  	p1 =	seq.s32 s10, $0x1;
	s10 =	sld [smem:$0x3FAA];
	_ =	sdelay $0x3  }
0x37: {  	[smem:$0x3FAA] =	sst s10  }
0x38: {  	s10 =	sld [smem:$0x3FAB]  }
0x39: {  	_ = 	snop;
	(pc) =	sbr.ind lr, $3  }
0x3a: {  	_ = 	snop  }
0x3b: {  	_ = 	snop  }
0x3c: {  	p2 =	seq.s32 s10, $0x1;
	s10 =	sld [smem:$0x3FAA]  }
0x3d: {  	_ =	shalt  }
0x3e: {  	_ =	shalt  }
0x3f: {  	_ =	shalt  }
0x40: {  	_ =	shalt  }
0x41: {  	_ =	shalt  }
0x42: {  	_ =	shalt  }
0x43: {  	_ =	shalt  }
0x44: {  	_ =	shalt  }
0x45: {  	_ =	shalt  }
0x46: {  	_ =	shalt  }
0x47: {  	_ =	shalt  }
0x48: {  	_ =	shalt  }
0x49: {  	_ =	shalt  }
0x4a: {  	_ =	shalt  }
0x4b: {  	_ =	shalt  }
0x4c: {  	_ =	shalt  }
0x4d: {  	_ =	shalt  }
0x4e: {  	_ =	shalt  }
0x4f: {  	_ =	shalt  }
0x50: {  	_ =	shalt  }
0x51: {  	_ =	shalt  }
0x52: {  	_ =	shalt  }
0x53: {  	_ =	shalt  }
0x54: {  	_ =	shalt  }
0x55: {  	_ =	shalt  }
0x56: {  	_ =	shalt  }
0x57: {  	_ =	shalt  }
0x58: {  	_ =	shalt  }
0x59: {  	_ =	shalt  }
0x5a: {  	_ =	shalt  }
0x5b: {  	_ =	shalt  }
0x5c: {  	_ =	shalt  }
0x5d: {  	_ =	shalt  }
0x5e: {  	_ =	shalt  }
0x5f: {  	_ =	shalt  }
0x60: {  	_ =	shalt  }
0x61: {  	_ =	shalt  }
0x62: {  	_ =	shalt  }
0x63: {  	_ =	shalt  }
0x64: {  	_ =	shalt  }
0x65: {  	_ =	shalt  }
0x66: {  	_ =	shalt  }
0x67: {  	_ =	shalt  }
0x68: {  	_ =	shalt  }
0x69: {  	_ =	shalt  }
0x6a: {  	_ =	shalt  }
0x6b: {  	_ =	shalt  }
0x6c: {  	_ =	shalt  }
0x6d: {  	_ =	shalt  }
0x6e: {  	_ =	shalt  }
0x6f: {  	_ =	shalt  }
0x70: {  	_ =	shalt  }
0x71: {  	_ =	shalt  }
0x72: {  	_ =	shalt  }
0x73: {  	_ =	shalt  }
0x74: {  	_ =	shalt  }
0x75: {  	_ =	shalt  }
0x76: {  	_ =	shalt  }
0x77: {  	_ =	shalt  }
0x78: {  	_ =	shalt  }
0x79: {  	_ =	shalt  }
0x7a: {  	_ =	shalt  }
0x7b: {  	_ =	shalt  }
0x7c: {  	_ =	shalt  }
0x7d: {  	_ =	shalt  }
0x7e: {  	_ =	shalt  }
0x7f: {  	_ =	shalt  }
0x80: {  	_ =	shalt  }
0x81: {  	_ =	shalt  }
0x82: {  	_ =	shalt  }
0x83: {  	_ =	shalt  }
0x84: {  	_ =	shalt  }
0x85: {  	_ =	shalt  }
0x86: {  	_ =	shalt  }
0x87: {  	_ =	shalt  }
.Lfunc_end0:
.L_simem_size_0:
called_computation.12_lowered:
.L_overlay_start_0:
0x88: {  	s2 =	sld [smem:$0x3FD9]  }
0x89: {  	s3 =	sld [smem:$0x3FFE];
	_ =	sdelay $0x1  }
0x8a: {  	s1 =	srdreg.scid  }
0x8b: {  	s0 =	sand.u32 $0x1, s1  }
0x8c: {  	s17 =	sshll.u32 s0, $0xA;
	s2 =	sadd.s32 s3, s2  }
0x8d: {  	s2 =	sadd.s32 s2, s17  }
0x8e: {  	[smem:$0x3FB6] =	sst s2  }
0x8f: {  	_ = 	snop  }
0x90: {  	s2 =	sld [smem:$0x3FD0];
	(tm) =	ssettm $0x1  }
0x91: {  	s18 =	sld [smem:$0x3FFB];
	_ =	sdelay $0x3  }
0x92: {  	_ =	strace s18  }
0x93: {  	s3 =	sld [smem:$0x3FFC];
	_ =	sdelay $0x3  }
0x94: {  	_ =	strace s3  }
0x95: {  	s3 =	sld [smem:$0x3FFD];
	_ =	sdelay $0x3  }
0x96: {  	_ =	strace s3  }
0x97: {  	_ =	strace $0x8FFFFFFF  }
0x98: {  	s19 =	sld [smem:$0x3FDB];
	_ =	sdelay $0x1  }
0x99: {  	s4 =	simm.s32 $_scs_section_size  }
0x9a: {  	s5 =	simm.s32 $_size__tile_overlayer_lowered;
	s6 =	simm.s32 $_tile_overlayer_lowered  }
0x9b: {  	s22 =	simm.s32 $0x1BFF;
	s21 =	sshll.u32 s6, $0x1;
	s3 =	sadd.s32 s4, s19  }
0x9c: {  	s7 =	simm.s32 $0x0;
	s20 =	sshll.u32 s5, $0x1;
	s5 =	sadd.s32 s21, s3  }
0x9d: {  	[timem:s7], [sflag:s22] =	dma.local [hbm:s5], s20  }
0x9e: {  	_ =	swait.ge [sflag:s22], s20  }
0x9f: {  	s4 =	ssub.s32 $0x0, s20;
	[sflag:s22] =	ssyncset.done $0x0  }
0xa0: {  	[sflag:s22] =	ssyncadd.s32 s4;
	_ =	sdelay $0x1  }
0xa1: {  	s23 =	simm.s32 $0x1B8B  }
0xa2: {  	_ =	swait.ge [sflag:s23], $0x1  }
0xa3: {  	[sflag:s23] =	ssyncset.done $0x0  }
0xa4: {  	s25 =	simm.s32 $0x1B8E;
	s24 =	sld [smem:$0x3FFE];
	[sflag:s23] =	ssyncadd.s32 $0xFFFFFFFF  }
0xa5: {  	s26 =	simm.s32 $execute0_lowered;
	[smem:$0x3FD2] =	sst s25  }
0xa6: {  	s5 =	sshll.u32 s26, $0x1;
	_ =	strace $0x8000006A;
	[dreg:$0x1] =	wrdreg $0xFFFFFFFF  }
0xa7: {  	s28 =	simm.s32 $_size_execute0_lowered;
	s3 =	sadd.s32 s3, s5;
	[dreg:$0x0] =	wrdreg $0x0  }
0xa8: {  	s5 =	sshll.u32 s28, $0x1;
	[dreg:$0x2] =	wrdreg s3  }
0xa9: {  	[dreg:$0x3] =	wrdreg s5  }
0xaa: {  	[dreg:$0x4] =	wrdreg $0xC0  }
0xab: {  	_ =	task [dreg:s7], $0x5FFFF  }
0xac: {  	[dreg:$0x1] =	wrdreg $0xFFFFFFFF  }
0xad: {  	[dreg:$0x0] =	wrdreg $0x60  }
0xae: {  	[dreg:$0x2] =	wrdreg s2  }
0xaf: {  	[dreg:$0x3] =	wrdreg s24  }
0xb0: {  	[dreg:$0x4] =	wrdreg $0x0  }
0xb1: {  	[dreg:$0x5] =	wrdreg $0x9  }
0xb2: {  	_ =	task.clear_ibuf [dreg:s7], $0x6FFFF;
	_ =	strace $0x9000006A  }
0xb3: {  	s29 =	simm.s32 $0x9;
	_ =	strace $0x8000006C  }
0xb4: {  	_ =	swait.ge [sflag:s29], $0x1  }
0xb5: {  	[sflag:s29] =	ssyncadd.s32 $0xFFFFFFFF  }
0xb6: {  	_ =	strace $0x9000006C  }
0xb7: {  	_ =	sfence  }
0xb8: {  	s30 =	sld [smem:$0x0];
	_ =	sdelay $0x2  }
0xb9: {  	s31 =	sshll.u32 s1, $0xD;
	s1 =	sshrl.u32 s1, $0x2  }
0xba: {  	s3 =	sand.u32 $0x4000, s31;
	s1 =	sadd.s32 s1, s30  }
0xbb: {  	s0 =	sor.u32 s3, s0;
	s1 =	sshll.u32 s1, $0x11  }
0xbc: {  	s0 =	sor.u32 s1, s0  }
0xbd: {  	s0 =	sadd.s32 $0x8F2B, s0  }
0xbe: {  	[sflag:s0] =	ssyncadd.remote.s32 $0x1  }
0xbf: {  	_ =	sfence.sel $0xFFFF  }
0xc0: {  	[dreg:$0x0] =	wrdreg $0xFFFFFFFF;
	(pc) =	sbr.abs _section_cstart, $3  }
0xc1: {  	[dreg:$0x1] =	wrdreg $0xFFFFFFFF  }
0xc2: {  	_ =	task.clear_ibuf [dreg:s7], $0x2FFFF;
	_ =	strace $0x9FFFFFFF  }
0xc3: {  	(tm) =	ssettm $0x7FFFFFFF  }
tec
execute0_lowered:
.L_overlay_start_1:
0x0: {  	(tag) =	ssettag $0x1  }
0x1: {  	s1 =	rddreg [dreg:$0x0]  }
0x2: {  	s5 =	rddreg [dreg:$0x1]  }
0x3: {  	s3 =	rddreg [dreg:$0x2]  }
0x4: {  	s0 =	srdreg.scid;
	s2 =	rddreg [dreg:$0x3]  }
0x5: {  	s4 =	simm.s32 $0x0;
	s13 =	simm.s32 $0xA000;
	s6 =	sand.u32 $0x1, s0  }
0x6: {  	s14 =	simm.s32 $0xA480;
	s0 =	stileid.u32;
	s7 =	smul.u32 $0x28800, s6  }
0x7: {  	s15 =	simm.s32 $0x480;
	s16 =	simm.s32 $0xA900;
	s8 =	smul.u32 $0x2880, s0  }
0x8: {  	s17 =	simm.s32 $0x1;
	s18 =	simm.s32 $0x0;
	s29 =	smul.u32 $0xA000, s0  }
0x9: {  	[smem:$0x7FF] =	sst s4;
	s9 =	smul.u32 $0xA0000, s6;
	s6 =	ssub.s32 $0x2, s6  }
0xa: {  	_ =	strace $0x8000006B;
	s31 =	sshll.u32 s0, $0x6;
	s11 =	sshrl.u32 s6, $0x1  }
0xb: {  	s7 =	sadd.s32 s8, s7;
	s30 =	sshrl.u32 s29, $0x3;
	s9 =	sadd.s32 s29, s9  }
0xc: {  	s11 =	ssub.s32 s6, s11;
	s12 =	sadd.s32 s29, s3;
	s6 =	sor.u32 $0x1C02, s31  }
0xd: {  	s7 =	sshrl.u32 s7, $0x3;
	s9 =	sshrl.u32 s9, $0x3;
	s8 =	smax.u32 s11, $0x1  }
0xe: {  	s11 =	sshrl.u32 s12, $0x3;
	s10 =	sadd.s32 s7, s5;
	s7 =	sadd.s32 s30, s5  }
0xf: {  	s12 =	simm.s32 $0x2;
	s9 =	sadd.s32 s9, s5;
	s5 =	sadd.s32 $0x1BE00, s7  }
0x10: {  	s7 =	sadd.s32 $0x2FE00, s9;
	s9 =	sadd.s32 $0x7A00, s10;
	s10 =	sadd.s32 $0x11C00, s10  }
.LBB2_1:
0x11: {  	[spmem:s11], [sflag:s6] =	dma.local [hbm:s5], $0x1400  }
0x12: {  	_ =	swait.ge [sflag:s12], $0x1400  }
0x13: {  	[sflag:s12] =	ssyncset.done $0x0  }
0x14: {  	[sflag:s12] =	ssyncadd.s32 $0xFFFFEC00  }
0x15: {  	s19 =	sadd.s32 $0x0, s10;
	[bflag:$0x0] =	sbarrier.arrive $0xFFFF  }
0x16: {  	[tilespmem:s13], [sflag:$0x2] =	stream.linear.gather [hbm4b:s19+s4], $0x480, $0x38;
	[tilespmem:$0x1C900] =	vst v63  }
0x17: {  	_ =	swait.ge [sflag:s12], $0x480  }
0x18: {  	[sflag:s12] =	ssyncset.done $0x0  }
0x19: {  	s31 =	sadd.s32 $0x0, s9;
	[sflag:s12] =	ssyncadd.s32 $0xFFFFFB80  }
0x1a: {  	[tilespmem:s14], [sflag:$0x2] =	stream.linear.gather [hbm4b:s31+s4], $0x480, $0x38;
	[tilespmem:$0x1C900] =	vst v63  }
0x1b: {  	_ =	swait.ge [sflag:s12], $0x480  }
0x1c: {  	[sflag:s12] =	ssyncset.done $0x0  }
0x1d: {  	[sflag:s12] =	ssyncadd.s32 $0xFFFFFB80  }
0x1e: {  	[tilespmem:s16], [sflag:$0x1] =	stream.indirect.gather [hbm4b:s1+s15], $0x40, s13, s15, $0xb8;
	[tilespmem:$0x1C900] =	vst v63  }
0x1f: {  	_ =	swait.ge [sflag:s17], $0x12000  }
0x20: {  	[sflag:s17] =	ssyncset.done $0x0  }
0x21: {  	[sflag:s17] =	ssyncadd.s32 $0xFFFEE000  }
0x22: {  	[spmem:s3] =	stream.indirect.scatter.add.f32 [tilespmem:s16], [sflag:$0x2], $0x40, s14, s15, $0xb8;
	[tilespmem:$0x1C900] =	vst v63  }
0x23: {  	_ =	swait.ge [sflag:s12], $0x12000  }
0x24: {  	s20 =	simm.s32 $0x120;
	s19 =	simm.s32 $0x90;
	[sflag:s12] =	ssyncset.done $0x0  }
.LBB2_2:
0x25: {  	s21 =	sadd.s32 s19, s10  }
0x26: {  	[sflag:s12] =	ssyncadd.s32 $0xFFFEE000;
	s22 =	smov.u32 s20;
	s23 =	sadd.s32 $0x90, s20  }
0x27: {  	[tilespmem:s13], [sflag:$0x2] =	stream.linear.gather [hbm4b:s21+s4], $0x480, $0x38;
	[tilespmem:$0x1C900] =	vst v63  }
0x28: {  	p0 =	sne.s32 s20, $0x480;
	_ =	swait.ge [sflag:s12], $0x480  }
0x29: {  	[sflag:s12] =	ssyncset.done $0x0  }
0x2a: {  	s20 =	sadd.s32 s19, s9;
	s19 =	smov.u32 s22;
	[sflag:s12] =	ssyncadd.s32 $0xFFFFFB80  }
0x2b: {  	[tilespmem:s14], [sflag:$0x2] =	stream.linear.gather [hbm4b:s20+s4], $0x480, $0x38;
	[tilespmem:$0x1C900] =	vst v63  }
0x2c: {  	_ =	swait.ge [sflag:s12], $0x480  }
0x2d: {  	[sflag:s12] =	ssyncset.done $0x0  }
0x2e: {  	[sflag:s12] =	ssyncadd.s32 $0xFFFFFB80  }
0x2f: {  	[tilespmem:s16], [sflag:$0x1] =	stream.indirect.gather [hbm4b:s1+s15], $0x40, s13, s15, $0xb8;
	[tilespmem:$0x1C900] =	vst v63  }
0x30: {  	_ =	swait.ge [sflag:s17], $0x12000  }
.Ltmp0:
0x31: {  	[sflag:s17] =	ssyncset.done $0x0;
	(pc) =	sbr.rel @p0 .LBB2_2-.Ltmp0, $4  }
0x32: {  	[sflag:s17] =	ssyncadd.s32 $0xFFFEE000  }
0x33: {  	[spmem:s3] =	stream.indirect.scatter.add.f32 [tilespmem:s16], [sflag:$0x2], $0x40, s14, s15, $0xb8;
	[tilespmem:$0x1C900] =	vst v63  }
0x34: {  	_ =	swait.ge [sflag:s12], $0x12000  }
0x35: {  	s20 =	smov.u32 s23;
	[sflag:s12] =	ssyncset.done $0x0  }
0x36: {  	s20 =	sadd.s32 s19, s10;
	[sflag:s12] =	ssyncadd.s32 $0xFFFEE000  }
0x37: {  	[tilespmem:s13], [sflag:$0x2] =	stream.linear.gather [hbm4b:s20+s4], $0x480, $0x38;
	[tilespmem:$0x1C900] =	vst v63  }
0x38: {  	_ =	swait.ge [sflag:s12], $0x480  }
0x39: {  	[sflag:s12] =	ssyncset.done $0x0  }
0x3a: {  	s31 =	sadd.s32 s19, s9;
	[sflag:s12] =	ssyncadd.s32 $0xFFFFFB80  }
0x3b: {  	[tilespmem:s14], [sflag:$0x2] =	stream.linear.gather [hbm4b:s31+s4], $0x480, $0x38;
	[tilespmem:$0x1C900] =	vst v63  }
0x3c: {  	_ =	swait.ge [sflag:s12], $0x480  }
0x3d: {  	[sflag:s12] =	ssyncset.done $0x0  }
0x3e: {  	[sflag:s12] =	ssyncadd.s32 $0xFFFFFB80  }
0x3f: {  	[tilespmem:s16], [sflag:$0x1] =	stream.indirect.gather [hbm4b:s1+s15], $0x40, s13, s15, $0xb8;
	[tilespmem:$0x1C900] =	vst v63  }
0x40: {  	_ =	swait.ge [sflag:s17], $0x12000  }
0x41: {  	[sflag:s17] =	ssyncset.done $0x0  }
0x42: {  	[sflag:s17] =	ssyncadd.s32 $0xFFFEE000  }
0x43: {  	[spmem:s3] =	stream.indirect.scatter.add.f32 [tilespmem:s16], [sflag:$0x2], $0x40, s14, s15, $0xb8;
	[tilespmem:$0x1C900] =	vst v63  }
0x44: {  	_ =	swait.ge [sflag:s12], $0x12000  }
0x45: {  	s18 =	sadd.s32 $0x1, s18;
	[sflag:s12] =	ssyncset.done $0x0  }
0x46: {  	p0 =	sne.s32 s18, s8;
	[sflag:s12] =	ssyncadd.s32 $0xFFFEE000  }
.Ltmp1:
0x47: {  	[bflag:$0x0] =	sbarrier.arrive $0xFFFF;
	(pc) =	sbr.rel @p0 .LBB2_1-.Ltmp1, $4  }
0x48: {  	[hbm:s7], [sflag:s6] =	dma.local [spmem:s11], $0x1400  }
0x49: {  	_ =	swait.ge [sflag:s12], $0x1400  }
0x4a: {  	[sflag:s12] =	ssyncset.done $0x0  }
0x4b: {  	[sflag:s12] =	ssyncadd.s32 $0xFFFFEC00  }
0x4c: {  	_ =	sfence.sel $0x180000  }
0x4d: {  	[bflag:$0x0] =	sbarrier.arrive $0xFFFF  }
0x4e: {  	p0 =	sne.s32 s0, $0x0;
	_ =	strace $0x9000006B  }
0x4f: {  	s0 =	sadd.s32 @!p0 $0x100000, s2;
	[bflag:$0x2] =	sbarrier.arrive $0xFFFF  }
0x50: {  	[sflag:s0] =	ssyncadd.tile.s32 @!p0 $0x1;
	_ =	shalt  }
.Lfunc_end2:
_tile_overlayer_lowered:
.L_overlay_start_2:
0x51: {  	(tag) =	ssettag $0x2  }
0x52: {  	s0 =	rddreg [dreg:$0x0];
	s2 =	stileid.u32  }
0x53: {  	s1 =	rddreg [dreg:$0x1];
	p0 =	sne.s32 s2, $0x0  }
0x54: {  	s3 =	rddreg [dreg:$0x2];
	[bflag:$0x3] =	sbarrier.arrive $0xFFFF;
	s2 =	simm.s32 @!p0 $0x1C02  }
0x55: {  	[timem:s3], [sflag:s2] =	dma.local @!p0 [hbm:s0], s1  }
0x56: {  	s0 =	simm.s32 @!p0 $0x2  }
0x57: {  	_ =	swait.ge @!p0 [sflag:s0], s1  }
0x58: {  	s1 =	ssub.s32 @!p0 $0x0, s1;
	[sflag:s0] =	ssyncset.done @!p0 $0x0  }
0x59: {  	[sflag:s0] =	ssyncadd.s32 @!p0 s1  }
0x5a: {  	[bflag:$0x3] =	sbarrier.arrive $0xFFFF  }
0x5b: {  	_ =	shalt  }

// kernel: kernel.72.cloned.1.call-start
scs
__scs_entry_jumppad:
0x0: {  	(pc) =	sbr.rel $0x88, $3  }
0x1: {  	(tag) =	ssettag $0x0;
	lr =	simm.s32 $0x1  }
0x2: {  	[smem:$0x3F8F] =	sst lr;
	_ =	strace $0xD0000000  }
0x3: {  	_ = 	snop  }
0x4: {  	_ = 	snop  }
0x5: {  	_ = 	snop  }
0x6: {  	_ = 	snop  }
0x7: {  	_ = 	snop  }
__scs_overlays_trampoline_lowered:
0x8: {  	[smem:$0x3F9E] =	sst s0  }
0x9: {  	[smem:$0x3F9F] =	sst s1  }
0xa: {  	[smem:$0x3FA0] =	sst s2  }
0xb: {  	[smem:$0x3FA1] =	sst s3  }
0xc: {  	[smem:$0x3FA2] =	sst s4  }
0xd: {  	[smem:$0x3FA3] =	sst s5  }
0xe: {  	[smem:$0x3FA4] =	sst s6  }
0xf: {  	[smem:$0x3FA5] =	sst s7  }
0x10: {  	[smem:$0x3FA6] =	sst s8  }
0x11: {  	[smem:$0x3FA7] =	sst s9;
	s0 =	simm.s32 @!p0 $0x0  }
0x12: {  	s1 =	sld [smem:$0x3F8D];
	s0 =	simm.s32 @p0 $0x1  }
0x13: {  	[smem:$0x3FA8] =	sst s0;
	s0 =	simm.s32 @!p1 $0x0  }
0x14: {  	s2 =	sld [smem:$0x3F8C];
	s0 =	simm.s32 @p1 $0x1  }
0x15: {  	[smem:$0x3FA9] =	sst s0;
	s0 =	simm.s32 @!p2 $0x0  }
0x16: {  	s3 =	sld [smem:$0x3FDB];
	s0 =	simm.s32 @p2 $0x1  }
0x17: {  	s4 =	simm.s32 $0x1BF5;
	[smem:$0x3FAB] =	sst s0  }
0x18: {  	s0 =	sld [smem:$0x3F8E];
	_ =	swait.ge [sflag:s4], $0x0  }
0x19: {  	s7 =	sld [smem:$0x3F8F]  }
0x1a: {  	s8 =	sadd.s32 $0xFFFFE003, lr  }
0x1b: {  	s9 =	sadd.s32 $0xFFFFFEF7, lr;
	s5 =	simm.s32 $0xFFFFFFFF;
	p2 =	slt.u32 s8, $0xFFFFF086  }
0x1c: {  	p1 =	slt.u32 s9, $0xF7A;
	s5 =	simm.s32 @!p2 $0x0  }
0x1d: {  	s5 =	simm.s32 @p1 $0x1;
	p0 =	seq.s32 s7, s2  }
0x1e: {  	s7 =	smul.u32 @!p0 $0xF7A, s2;
	p2 =	seq.s32 @!p0 s5, $0x0  }
0x1f: {  	s9 =	smul.u32 $0xF7A, s1;
	s8 =	simm.s32 @!p0 $0x1BF5;
	p2 =	por !p2, p0  }
0x20: {  	[sflag:s8] =	ssyncset.s32 @!p0 $0xFFFFF086;
	s6 =	sadd.s32 @!p0 s3, s7;
	s7 =	simm.s32 @!p0 $0x108  }
0x21: {  	s3 =	sadd.s32 s3, s9;
	s6 =	sadd.s32 @!p0 $0x88, s6;
	s7 =	simm.s32 @p2 $0x1082  }
0x22: {  	[simem:s7], [sflag:s8] =	dma.local @!p0 [hbm:s6], $0xF7A  }
0x23: {  	s9 =	sor.u32 $0xD0000000, s2;
	s6 =	simm.s32 $0x108;
	_ =	swait.ge @!p0 [sflag:s8], $0x0  }
0x24: {  	s3 =	sadd.s32 $0x88, s3;
	s6 =	simm.s32 @!p1 $0x1082;
	[sflag:s4] =	ssyncset.s32 $0xFFFFF086  }
0x25: {  	[simem:s6], [sflag:s4] =	dma.local [hbm:s3], $0xF7A  }
0x26: {  	[smem:$0x3F8F] =	sst s1;
	(tag) =	ssettag s2;
	_ =	strace s9  }
0x27: {  	s1 =	sld [smem:$0x3F9F]  }
0x28: {  	s2 =	sld [smem:$0x3FA0]  }
0x29: {  	s4 =	sld [smem:$0x3FA2]  }
0x2a: {  	p0 =	seq.s32 s5, $0x0;
	s5 =	sld [smem:$0x3FA3]  }
0x2b: {  	s6 =	sld [smem:$0x3FA4]  }
0x2c: {  	s7 =	sld [smem:$0x3FA5]  }
0x2d: {  	s3 =	simm.s32 $0x108;
	s8 =	sld [smem:$0x3FA6]  }
0x2e: {  	s3 =	simm.s32 @!p0 $0x1082;
	s9 =	sld [smem:$0x3FA7]  }
0x2f: {  	lr =	sadd.s32 s0, s3;
	s0 =	sld [smem:$0x3F9E]  }
0x30: {  	s3 =	sld [smem:$0x3FA1]  }
0x31: {  	[smem:$0x3FAA] =	sst s10  }
0x32: {  	s10 =	sld [smem:$0x3FA8];
	_ =	sdelay $0x3  }
0x33: {  	p0 =	seq.s32 s10, $0x1;
	s10 =	sld [smem:$0x3FAA];
	_ =	sdelay $0x3  }
0x34: {  	[smem:$0x3FAA] =	sst s10  }
0x35: {  	s10 =	sld [smem:$0x3FA9];
	_ =	sdelay $0x3  }
0x36: {  	p1 =	seq.s32 s10, $0x1;
	s10 =	sld [smem:$0x3FAA];
	_ =	sdelay $0x3  }
0x37: {  	[smem:$0x3FAA] =	sst s10  }
0x38: {  	s10 =	sld [smem:$0x3FAB]  }
0x39: {  	_ = 	snop;
	(pc) =	sbr.ind lr, $3  }
0x3a: {  	_ = 	snop  }
0x3b: {  	_ = 	snop  }
0x3c: {  	p2 =	seq.s32 s10, $0x1;
	s10 =	sld [smem:$0x3FAA]  }
0x3d: {  	_ =	shalt  }
0x3e: {  	_ =	shalt  }
0x3f: {  	_ =	shalt  }
0x40: {  	_ =	shalt  }
0x41: {  	_ =	shalt  }
0x42: {  	_ =	shalt  }
0x43: {  	_ =	shalt  }
0x44: {  	_ =	shalt  }
0x45: {  	_ =	shalt  }
0x46: {  	_ =	shalt  }
0x47: {  	_ =	shalt  }
0x48: {  	_ =	shalt  }
0x49: {  	_ =	shalt  }
0x4a: {  	_ =	shalt  }
0x4b: {  	_ =	shalt  }
0x4c: {  	_ =	shalt  }
0x4d: {  	_ =	shalt  }
0x4e: {  	_ =	shalt  }
0x4f: {  	_ =	shalt  }
0x50: {  	_ =	shalt  }
0x51: {  	_ =	shalt  }
0x52: {  	_ =	shalt  }
0x53: {  	_ =	shalt  }
0x54: {  	_ =	shalt  }
0x55: {  	_ =	shalt  }
0x56: {  	_ =	shalt  }
0x57: {  	_ =	shalt  }
0x58: {  	_ =	shalt  }
0x59: {  	_ =	shalt  }
0x5a: {  	_ =	shalt  }
0x5b: {  	_ =	shalt  }
0x5c: {  	_ =	shalt  }
0x5d: {  	_ =	shalt  }
0x5e: {  	_ =	shalt  }
0x5f: {  	_ =	shalt  }
0x60: {  	_ =	shalt  }
0x61: {  	_ =	shalt  }
0x62: {  	_ =	shalt  }
0x63: {  	_ =	shalt  }
0x64: {  	_ =	shalt  }
0x65: {  	_ =	shalt  }
0x66: {  	_ =	shalt  }
0x67: {  	_ =	shalt  }
0x68: {  	_ =	shalt  }
0x69: {  	_ =	shalt  }
0x6a: {  	_ =	shalt  }
0x6b: {  	_ =	shalt  }
0x6c: {  	_ =	shalt  }
0x6d: {  	_ =	shalt  }
0x6e: {  	_ =	shalt  }
0x6f: {  	_ =	shalt  }
0x70: {  	_ =	shalt  }
0x71: {  	_ =	shalt  }
0x72: {  	_ =	shalt  }
0x73: {  	_ =	shalt  }
0x74: {  	_ =	shalt  }
0x75: {  	_ =	shalt  }
0x76: {  	_ =	shalt  }
0x77: {  	_ =	shalt  }
0x78: {  	_ =	shalt  }
0x79: {  	_ =	shalt  }
0x7a: {  	_ =	shalt  }
0x7b: {  	_ =	shalt  }
0x7c: {  	_ =	shalt  }
0x7d: {  	_ =	shalt  }
0x7e: {  	_ =	shalt  }
0x7f: {  	_ =	shalt  }
0x80: {  	_ =	shalt  }
0x81: {  	_ =	shalt  }
0x82: {  	_ =	shalt  }
0x83: {  	_ =	shalt  }
0x84: {  	_ =	shalt  }
0x85: {  	_ =	shalt  }
0x86: {  	_ =	shalt  }
0x87: {  	_ =	shalt  }
.Lfunc_end0:
.L_simem_size_0:
called_computation.13_lowered:
.L_overlay_start_0:
0x88: {  	s2 =	sld [smem:$0x3FD9]  }
0x89: {  	s3 =	sld [smem:$0x3FFE];
	_ =	sdelay $0x1  }
0x8a: {  	s1 =	srdreg.scid  }
0x8b: {  	s0 =	sand.u32 $0x1, s1  }
0x8c: {  	s17 =	sshll.u32 s0, $0xA;
	s2 =	sadd.s32 s3, s2  }
0x8d: {  	s2 =	sadd.s32 s2, s17  }
0x8e: {  	[smem:$0x3FB6] =	sst s2  }
0x8f: {  	_ = 	snop  }
0x90: {  	s2 =	sld [smem:$0x3FD0];
	(tm) =	ssettm $0x1  }
0x91: {  	s18 =	sld [smem:$0x3FFB];
	_ =	sdelay $0x3  }
0x92: {  	_ =	strace s18  }
0x93: {  	s3 =	sld [smem:$0x3FFC];
	_ =	sdelay $0x3  }
0x94: {  	_ =	strace s3  }
0x95: {  	s3 =	sld [smem:$0x3FFD];
	_ =	sdelay $0x3  }
0x96: {  	_ =	strace s3  }
0x97: {  	_ =	strace $0x8FFFFFFF  }
0x98: {  	s19 =	sld [smem:$0x3FDB];
	_ =	sdelay $0x1  }
0x99: {  	s4 =	simm.s32 $_scs_section_size  }
0x9a: {  	s5 =	simm.s32 $_size__tile_overlayer_lowered;
	s6 =	simm.s32 $_tile_overlayer_lowered  }
0x9b: {  	s22 =	simm.s32 $0x1BFF;
	s21 =	sshll.u32 s6, $0x1;
	s3 =	sadd.s32 s4, s19  }
0x9c: {  	s7 =	simm.s32 $0x0;
	s20 =	sshll.u32 s5, $0x1;
	s5 =	sadd.s32 s21, s3  }
0x9d: {  	[timem:s7], [sflag:s22] =	dma.local [hbm:s5], s20  }
0x9e: {  	_ =	swait.ge [sflag:s22], s20  }
0x9f: {  	s4 =	ssub.s32 $0x0, s20;
	[sflag:s22] =	ssyncset.done $0x0  }
0xa0: {  	[sflag:s22] =	ssyncadd.s32 s4;
	_ =	sdelay $0x1  }
0xa1: {  	s23 =	simm.s32 $0x1B8B  }
0xa2: {  	_ =	swait.ge [sflag:s23], $0x1  }
0xa3: {  	[sflag:s23] =	ssyncset.done $0x0  }
0xa4: {  	s25 =	simm.s32 $0x1B8E;
	s24 =	sld [smem:$0x3FFE];
	[sflag:s23] =	ssyncadd.s32 $0xFFFFFFFF  }
0xa5: {  	s26 =	simm.s32 $execute0_lowered;
	[smem:$0x3FD2] =	sst s25  }
0xa6: {  	s5 =	sshll.u32 s26, $0x1;
	_ =	strace $0x8000006D;
	[dreg:$0x1] =	wrdreg $0xFFFFFFFF  }
0xa7: {  	s28 =	simm.s32 $_size_execute0_lowered;
	s3 =	sadd.s32 s3, s5;
	[dreg:$0x0] =	wrdreg $0x0  }
0xa8: {  	s5 =	sshll.u32 s28, $0x1;
	[dreg:$0x2] =	wrdreg s3  }
0xa9: {  	[dreg:$0x3] =	wrdreg s5  }
0xaa: {  	[dreg:$0x4] =	wrdreg $0xC0  }
0xab: {  	_ =	task [dreg:s7], $0x5FFFF  }
0xac: {  	[dreg:$0x1] =	wrdreg $0xFFFFFFFF  }
0xad: {  	[dreg:$0x0] =	wrdreg $0x60  }
0xae: {  	[dreg:$0x2] =	wrdreg s2  }
0xaf: {  	[dreg:$0x3] =	wrdreg s24  }
0xb0: {  	[dreg:$0x4] =	wrdreg $0x0  }
0xb1: {  	[dreg:$0x5] =	wrdreg $0x9  }
0xb2: {  	_ =	task.clear_ibuf [dreg:s7], $0x6FFFF;
	_ =	strace $0x9000006D  }
0xb3: {  	s29 =	simm.s32 $0x9;
	_ =	strace $0x8000006F  }
0xb4: {  	_ =	swait.ge [sflag:s29], $0x1  }
0xb5: {  	[sflag:s29] =	ssyncadd.s32 $0xFFFFFFFF  }
0xb6: {  	_ =	strace $0x9000006F  }
0xb7: {  	_ =	sfence  }
0xb8: {  	s30 =	sld [smem:$0x0];
	_ =	sdelay $0x2  }
0xb9: {  	s31 =	sshll.u32 s1, $0xD;
	s1 =	sshrl.u32 s1, $0x2  }
0xba: {  	s3 =	sand.u32 $0x4000, s31;
	s1 =	sadd.s32 s1, s30  }
0xbb: {  	s0 =	sor.u32 s3, s0;
	s1 =	sshll.u32 s1, $0x11  }
0xbc: {  	s0 =	sor.u32 s1, s0  }
0xbd: {  	s0 =	sadd.s32 $0x8F2B, s0  }
0xbe: {  	[sflag:s0] =	ssyncadd.remote.s32 $0x1  }
0xbf: {  	_ =	sfence.sel $0xFFFF  }
0xc0: {  	[dreg:$0x0] =	wrdreg $0xFFFFFFFF;
	(pc) =	sbr.abs _section_cstart, $3  }
0xc1: {  	[dreg:$0x1] =	wrdreg $0xFFFFFFFF  }
0xc2: {  	_ =	task.clear_ibuf [dreg:s7], $0x2FFFF;
	_ =	strace $0x9FFFFFFF  }
0xc3: {  	(tm) =	ssettm $0x7FFFFFFF  }
tec
execute0_lowered:
.L_overlay_start_1:
0x0: {  	(tag) =	ssettag $0x1  }
0x1: {  	s1 =	rddreg [dreg:$0x0]  }
0x2: {  	s5 =	rddreg [dreg:$0x1]  }
0x3: {  	s3 =	rddreg [dreg:$0x2]  }
0x4: {  	s0 =	srdreg.scid;
	s2 =	rddreg [dreg:$0x3]  }
0x5: {  	s4 =	simm.s32 $0x0;
	s13 =	simm.s32 $0xA000;
	s6 =	sand.u32 $0x1, s0  }
0x6: {  	s14 =	simm.s32 $0xA480;
	s0 =	stileid.u32;
	s7 =	smul.u32 $0x28800, s6  }
0x7: {  	s15 =	simm.s32 $0x480;
	s16 =	simm.s32 $0xA900;
	s8 =	smul.u32 $0x2880, s0  }
0x8: {  	s17 =	simm.s32 $0x1;
	s18 =	simm.s32 $0x0;
	s29 =	smul.u32 $0xA000, s0  }
0x9: {  	[smem:$0x7FF] =	sst s4;
	s9 =	smul.u32 $0xA0000, s6;
	s6 =	ssub.s32 $0x2, s6  }
0xa: {  	_ =	strace $0x8000006E;
	s31 =	sshll.u32 s0, $0x6;
	s11 =	sshrl.u32 s6, $0x1  }
0xb: {  	s7 =	sadd.s32 s8, s7;
	s30 =	sshrl.u32 s29, $0x3;
	s9 =	sadd.s32 s29, s9  }
0xc: {  	s11 =	ssub.s32 s6, s11;
	s12 =	sadd.s32 s29, s3;
	s6 =	sor.u32 $0x1C02, s31  }
0xd: {  	s7 =	sshrl.u32 s7, $0x3;
	s9 =	sshrl.u32 s9, $0x3;
	s8 =	smax.u32 s11, $0x1  }
0xe: {  	s11 =	sshrl.u32 s12, $0x3;
	s10 =	sadd.s32 s7, s5;
	s7 =	sadd.s32 s30, s5  }
0xf: {  	s12 =	simm.s32 $0x2;
	s9 =	sadd.s32 s9, s5;
	s5 =	sadd.s32 $0x1BE00, s7  }
0x10: {  	s7 =	sadd.s32 $0x2FE00, s9;
	s9 =	sadd.s32 $0x7A00, s10;
	s10 =	sadd.s32 $0x11C00, s10  }
.LBB2_1:
0x11: {  	[spmem:s11], [sflag:s6] =	dma.local [hbm:s5], $0x1400  }
0x12: {  	_ =	swait.ge [sflag:s12], $0x1400  }
0x13: {  	[sflag:s12] =	ssyncset.done $0x0  }
0x14: {  	[sflag:s12] =	ssyncadd.s32 $0xFFFFEC00  }
0x15: {  	s19 =	sadd.s32 $0x0, s10;
	[bflag:$0x0] =	sbarrier.arrive $0xFFFF  }
0x16: {  	[tilespmem:s13], [sflag:$0x2] =	stream.linear.gather [hbm4b:s19+s4], $0x480, $0x38;
	[tilespmem:$0x1C900] =	vst v63  }
0x17: {  	_ =	swait.ge [sflag:s12], $0x480  }
0x18: {  	[sflag:s12] =	ssyncset.done $0x0  }
0x19: {  	s31 =	sadd.s32 $0x0, s9;
	[sflag:s12] =	ssyncadd.s32 $0xFFFFFB80  }
0x1a: {  	[tilespmem:s14], [sflag:$0x2] =	stream.linear.gather [hbm4b:s31+s4], $0x480, $0x38;
	[tilespmem:$0x1C900] =	vst v63  }
0x1b: {  	_ =	swait.ge [sflag:s12], $0x480  }
0x1c: {  	[sflag:s12] =	ssyncset.done $0x0  }
0x1d: {  	[sflag:s12] =	ssyncadd.s32 $0xFFFFFB80  }
0x1e: {  	[tilespmem:s16], [sflag:$0x1] =	stream.indirect.gather [hbm4b:s1+s15], $0x40, s13, s15, $0xb8;
	[tilespmem:$0x1C900] =	vst v63  }
0x1f: {  	_ =	swait.ge [sflag:s17], $0x12000  }
0x20: {  	[sflag:s17] =	ssyncset.done $0x0  }
0x21: {  	[sflag:s17] =	ssyncadd.s32 $0xFFFEE000  }
0x22: {  	[spmem:s3] =	stream.indirect.scatter.add.f32 [tilespmem:s16], [sflag:$0x2], $0x40, s14, s15, $0xb8;
	[tilespmem:$0x1C900] =	vst v63  }
0x23: {  	_ =	swait.ge [sflag:s12], $0x12000  }
0x24: {  	s20 =	simm.s32 $0x120;
	s19 =	simm.s32 $0x90;
	[sflag:s12] =	ssyncset.done $0x0  }
.LBB2_2:
0x25: {  	s21 =	sadd.s32 s19, s10  }
0x26: {  	[sflag:s12] =	ssyncadd.s32 $0xFFFEE000;
	s22 =	smov.u32 s20;
	s23 =	sadd.s32 $0x90, s20  }
0x27: {  	[tilespmem:s13], [sflag:$0x2] =	stream.linear.gather [hbm4b:s21+s4], $0x480, $0x38;
	[tilespmem:$0x1C900] =	vst v63  }
0x28: {  	p0 =	sne.s32 s20, $0x480;
	_ =	swait.ge [sflag:s12], $0x480  }
0x29: {  	[sflag:s12] =	ssyncset.done $0x0  }
0x2a: {  	s20 =	sadd.s32 s19, s9;
	s19 =	smov.u32 s22;
	[sflag:s12] =	ssyncadd.s32 $0xFFFFFB80  }
0x2b: {  	[tilespmem:s14], [sflag:$0x2] =	stream.linear.gather [hbm4b:s20+s4], $0x480, $0x38;
	[tilespmem:$0x1C900] =	vst v63  }
0x2c: {  	_ =	swait.ge [sflag:s12], $0x480  }
0x2d: {  	[sflag:s12] =	ssyncset.done $0x0  }
0x2e: {  	[sflag:s12] =	ssyncadd.s32 $0xFFFFFB80  }
0x2f: {  	[tilespmem:s16], [sflag:$0x1] =	stream.indirect.gather [hbm4b:s1+s15], $0x40, s13, s15, $0xb8;
	[tilespmem:$0x1C900] =	vst v63  }
0x30: {  	_ =	swait.ge [sflag:s17], $0x12000  }
.Ltmp0:
0x31: {  	[sflag:s17] =	ssyncset.done $0x0;
	(pc) =	sbr.rel @p0 .LBB2_2-.Ltmp0, $4  }
0x32: {  	[sflag:s17] =	ssyncadd.s32 $0xFFFEE000  }
0x33: {  	[spmem:s3] =	stream.indirect.scatter.add.f32 [tilespmem:s16], [sflag:$0x2], $0x40, s14, s15, $0xb8;
	[tilespmem:$0x1C900] =	vst v63  }
0x34: {  	_ =	swait.ge [sflag:s12], $0x12000  }
0x35: {  	s20 =	smov.u32 s23;
	[sflag:s12] =	ssyncset.done $0x0  }
0x36: {  	s20 =	sadd.s32 s19, s10;
	[sflag:s12] =	ssyncadd.s32 $0xFFFEE000  }
0x37: {  	[tilespmem:s13], [sflag:$0x2] =	stream.linear.gather [hbm4b:s20+s4], $0x480, $0x38;
	[tilespmem:$0x1C900] =	vst v63  }
0x38: {  	_ =	swait.ge [sflag:s12], $0x480  }
0x39: {  	[sflag:s12] =	ssyncset.done $0x0  }
0x3a: {  	s31 =	sadd.s32 s19, s9;
	[sflag:s12] =	ssyncadd.s32 $0xFFFFFB80  }
0x3b: {  	[tilespmem:s14], [sflag:$0x2] =	stream.linear.gather [hbm4b:s31+s4], $0x480, $0x38;
	[tilespmem:$0x1C900] =	vst v63  }
0x3c: {  	_ =	swait.ge [sflag:s12], $0x480  }
0x3d: {  	[sflag:s12] =	ssyncset.done $0x0  }
0x3e: {  	[sflag:s12] =	ssyncadd.s32 $0xFFFFFB80  }
0x3f: {  	[tilespmem:s16], [sflag:$0x1] =	stream.indirect.gather [hbm4b:s1+s15], $0x40, s13, s15, $0xb8;
	[tilespmem:$0x1C900] =	vst v63  }
0x40: {  	_ =	swait.ge [sflag:s17], $0x12000  }
0x41: {  	[sflag:s17] =	ssyncset.done $0x0  }
0x42: {  	[sflag:s17] =	ssyncadd.s32 $0xFFFEE000  }
0x43: {  	[spmem:s3] =	stream.indirect.scatter.add.f32 [tilespmem:s16], [sflag:$0x2], $0x40, s14, s15, $0xb8;
	[tilespmem:$0x1C900] =	vst v63  }
0x44: {  	_ =	swait.ge [sflag:s12], $0x12000  }
0x45: {  	s18 =	sadd.s32 $0x1, s18;
	[sflag:s12] =	ssyncset.done $0x0  }
0x46: {  	p0 =	sne.s32 s18, s8;
	[sflag:s12] =	ssyncadd.s32 $0xFFFEE000  }
.Ltmp1:
0x47: {  	[bflag:$0x0] =	sbarrier.arrive $0xFFFF;
	(pc) =	sbr.rel @p0 .LBB2_1-.Ltmp1, $4  }
0x48: {  	[hbm:s7], [sflag:s6] =	dma.local [spmem:s11], $0x1400  }
0x49: {  	_ =	swait.ge [sflag:s12], $0x1400  }
0x4a: {  	[sflag:s12] =	ssyncset.done $0x0  }
0x4b: {  	[sflag:s12] =	ssyncadd.s32 $0xFFFFEC00  }
0x4c: {  	_ =	sfence.sel $0x180000  }
0x4d: {  	[bflag:$0x0] =	sbarrier.arrive $0xFFFF  }
0x4e: {  	p0 =	sne.s32 s0, $0x0;
	_ =	strace $0x9000006E  }
0x4f: {  	s0 =	sadd.s32 @!p0 $0x100000, s2;
	[bflag:$0x2] =	sbarrier.arrive $0xFFFF  }
0x50: {  	[sflag:s0] =	ssyncadd.tile.s32 @!p0 $0x1;
	_ =	shalt  }
.Lfunc_end2:
_tile_overlayer_lowered:
.L_overlay_start_2:
0x51: {  	(tag) =	ssettag $0x2  }
0x52: {  	s0 =	rddreg [dreg:$0x0];
	s2 =	stileid.u32  }
0x53: {  	s1 =	rddreg [dreg:$0x1];
	p0 =	sne.s32 s2, $0x0  }
0x54: {  	s3 =	rddreg [dreg:$0x2];
	[bflag:$0x3] =	sbarrier.arrive $0xFFFF;
	s2 =	simm.s32 @!p0 $0x1C02  }
0x55: {  	[timem:s3], [sflag:s2] =	dma.local @!p0 [hbm:s0], s1  }
0x56: {  	s0 =	simm.s32 @!p0 $0x2  }
0x57: {  	_ =	swait.ge @!p0 [sflag:s0], s1  }
0x58: {  	s1 =	ssub.s32 @!p0 $0x0, s1;
	[sflag:s0] =	ssyncset.done @!p0 $0x0  }
0x59: {  	[sflag:s0] =	ssyncadd.s32 @!p0 s1  }
0x5a: {  	[bflag:$0x3] =	sbarrier.arrive $0xFFFF  }
0x5b: {  	_ =	shalt  }

// kernel: kernel.75.cloned.1.call-start
scs
__scs_entry_jumppad:
0x0: {  	(pc) =	sbr.rel $0x88, $3  }
0x1: {  	(tag) =	ssettag $0x0;
	lr =	simm.s32 $0x1  }
0x2: {  	[smem:$0x3F8F] =	sst lr;
	_ =	strace $0xD0000000  }
0x3: {  	_ = 	snop  }
0x4: {  	_ = 	snop  }
0x5: {  	_ = 	snop  }
0x6: {  	_ = 	snop  }
0x7: {  	_ = 	snop  }
__scs_overlays_trampoline_lowered:
0x8: {  	[smem:$0x3F9E] =	sst s0  }
0x9: {  	[smem:$0x3F9F] =	sst s1  }
0xa: {  	[smem:$0x3FA0] =	sst s2  }
0xb: {  	[smem:$0x3FA1] =	sst s3  }
0xc: {  	[smem:$0x3FA2] =	sst s4  }
0xd: {  	[smem:$0x3FA3] =	sst s5  }
0xe: {  	[smem:$0x3FA4] =	sst s6  }
0xf: {  	[smem:$0x3FA5] =	sst s7  }
0x10: {  	[smem:$0x3FA6] =	sst s8  }
0x11: {  	[smem:$0x3FA7] =	sst s9;
	s0 =	simm.s32 @!p0 $0x0  }
0x12: {  	s1 =	sld [smem:$0x3F8D];
	s0 =	simm.s32 @p0 $0x1  }
0x13: {  	[smem:$0x3FA8] =	sst s0;
	s0 =	simm.s32 @!p1 $0x0  }
0x14: {  	s2 =	sld [smem:$0x3F8C];
	s0 =	simm.s32 @p1 $0x1  }
0x15: {  	[smem:$0x3FA9] =	sst s0;
	s0 =	simm.s32 @!p2 $0x0  }
0x16: {  	s3 =	sld [smem:$0x3FDB];
	s0 =	simm.s32 @p2 $0x1  }
0x17: {  	s4 =	simm.s32 $0x1BF5;
	[smem:$0x3FAB] =	sst s0  }
0x18: {  	s0 =	sld [smem:$0x3F8E];
	_ =	swait.ge [sflag:s4], $0x0  }
0x19: {  	s7 =	sld [smem:$0x3F8F]  }
0x1a: {  	s8 =	sadd.s32 $0xFFFFE003, lr  }
0x1b: {  	s9 =	sadd.s32 $0xFFFFFEF7, lr;
	s5 =	simm.s32 $0xFFFFFFFF;
	p2 =	slt.u32 s8, $0xFFFFF086  }
0x1c: {  	p1 =	slt.u32 s9, $0xF7A;
	s5 =	simm.s32 @!p2 $0x0  }
0x1d: {  	s5 =	simm.s32 @p1 $0x1;
	p0 =	seq.s32 s7, s2  }
0x1e: {  	s7 =	smul.u32 @!p0 $0xF7A, s2;
	p2 =	seq.s32 @!p0 s5, $0x0  }
0x1f: {  	s9 =	smul.u32 $0xF7A, s1;
	s8 =	simm.s32 @!p0 $0x1BF5;
	p2 =	por !p2, p0  }
0x20: {  	[sflag:s8] =	ssyncset.s32 @!p0 $0xFFFFF086;
	s6 =	sadd.s32 @!p0 s3, s7;
	s7 =	simm.s32 @!p0 $0x108  }
0x21: {  	s3 =	sadd.s32 s3, s9;
	s6 =	sadd.s32 @!p0 $0x88, s6;
	s7 =	simm.s32 @p2 $0x1082  }
0x22: {  	[simem:s7], [sflag:s8] =	dma.local @!p0 [hbm:s6], $0xF7A  }
0x23: {  	s9 =	sor.u32 $0xD0000000, s2;
	s6 =	simm.s32 $0x108;
	_ =	swait.ge @!p0 [sflag:s8], $0x0  }
0x24: {  	s3 =	sadd.s32 $0x88, s3;
	s6 =	simm.s32 @!p1 $0x1082;
	[sflag:s4] =	ssyncset.s32 $0xFFFFF086  }
0x25: {  	[simem:s6], [sflag:s4] =	dma.local [hbm:s3], $0xF7A  }
0x26: {  	[smem:$0x3F8F] =	sst s1;
	(tag) =	ssettag s2;
	_ =	strace s9  }
0x27: {  	s1 =	sld [smem:$0x3F9F]  }
0x28: {  	s2 =	sld [smem:$0x3FA0]  }
0x29: {  	s4 =	sld [smem:$0x3FA2]  }
0x2a: {  	p0 =	seq.s32 s5, $0x0;
	s5 =	sld [smem:$0x3FA3]  }
0x2b: {  	s6 =	sld [smem:$0x3FA4]  }
0x2c: {  	s7 =	sld [smem:$0x3FA5]  }
0x2d: {  	s3 =	simm.s32 $0x108;
	s8 =	sld [smem:$0x3FA6]  }
0x2e: {  	s3 =	simm.s32 @!p0 $0x1082;
	s9 =	sld [smem:$0x3FA7]  }
0x2f: {  	lr =	sadd.s32 s0, s3;
	s0 =	sld [smem:$0x3F9E]  }
0x30: {  	s3 =	sld [smem:$0x3FA1]  }
0x31: {  	[smem:$0x3FAA] =	sst s10  }
0x32: {  	s10 =	sld [smem:$0x3FA8];
	_ =	sdelay $0x3  }
0x33: {  	p0 =	seq.s32 s10, $0x1;
	s10 =	sld [smem:$0x3FAA];
	_ =	sdelay $0x3  }
0x34: {  	[smem:$0x3FAA] =	sst s10  }
0x35: {  	s10 =	sld [smem:$0x3FA9];
	_ =	sdelay $0x3  }
0x36: {  	p1 =	seq.s32 s10, $0x1;
	s10 =	sld [smem:$0x3FAA];
	_ =	sdelay $0x3  }
0x37: {  	[smem:$0x3FAA] =	sst s10  }
0x38: {  	s10 =	sld [smem:$0x3FAB]  }
0x39: {  	_ = 	snop;
	(pc) =	sbr.ind lr, $3  }
0x3a: {  	_ = 	snop  }
0x3b: {  	_ = 	snop  }
0x3c: {  	p2 =	seq.s32 s10, $0x1;
	s10 =	sld [smem:$0x3FAA]  }
0x3d: {  	_ =	shalt  }
0x3e: {  	_ =	shalt  }
0x3f: {  	_ =	shalt  }
0x40: {  	_ =	shalt  }
0x41: {  	_ =	shalt  }
0x42: {  	_ =	shalt  }
0x43: {  	_ =	shalt  }
0x44: {  	_ =	shalt  }
0x45: {  	_ =	shalt  }
0x46: {  	_ =	shalt  }
0x47: {  	_ =	shalt  }
0x48: {  	_ =	shalt  }
0x49: {  	_ =	shalt  }
0x4a: {  	_ =	shalt  }
0x4b: {  	_ =	shalt  }
0x4c: {  	_ =	shalt  }
0x4d: {  	_ =	shalt  }
0x4e: {  	_ =	shalt  }
0x4f: {  	_ =	shalt  }
0x50: {  	_ =	shalt  }
0x51: {  	_ =	shalt  }
0x52: {  	_ =	shalt  }
0x53: {  	_ =	shalt  }
0x54: {  	_ =	shalt  }
0x55: {  	_ =	shalt  }
0x56: {  	_ =	shalt  }
0x57: {  	_ =	shalt  }
0x58: {  	_ =	shalt  }
0x59: {  	_ =	shalt  }
0x5a: {  	_ =	shalt  }
0x5b: {  	_ =	shalt  }
0x5c: {  	_ =	shalt  }
0x5d: {  	_ =	shalt  }
0x5e: {  	_ =	shalt  }
0x5f: {  	_ =	shalt  }
0x60: {  	_ =	shalt  }
0x61: {  	_ =	shalt  }
0x62: {  	_ =	shalt  }
0x63: {  	_ =	shalt  }
0x64: {  	_ =	shalt  }
0x65: {  	_ =	shalt  }
0x66: {  	_ =	shalt  }
0x67: {  	_ =	shalt  }
0x68: {  	_ =	shalt  }
0x69: {  	_ =	shalt  }
0x6a: {  	_ =	shalt  }
0x6b: {  	_ =	shalt  }
0x6c: {  	_ =	shalt  }
0x6d: {  	_ =	shalt  }
0x6e: {  	_ =	shalt  }
0x6f: {  	_ =	shalt  }
0x70: {  	_ =	shalt  }
0x71: {  	_ =	shalt  }
0x72: {  	_ =	shalt  }
0x73: {  	_ =	shalt  }
0x74: {  	_ =	shalt  }
0x75: {  	_ =	shalt  }
0x76: {  	_ =	shalt  }
0x77: {  	_ =	shalt  }
0x78: {  	_ =	shalt  }
0x79: {  	_ =	shalt  }
0x7a: {  	_ =	shalt  }
0x7b: {  	_ =	shalt  }
0x7c: {  	_ =	shalt  }
0x7d: {  	_ =	shalt  }
0x7e: {  	_ =	shalt  }
0x7f: {  	_ =	shalt  }
0x80: {  	_ =	shalt  }
0x81: {  	_ =	shalt  }
0x82: {  	_ =	shalt  }
0x83: {  	_ =	shalt  }
0x84: {  	_ =	shalt  }
0x85: {  	_ =	shalt  }
0x86: {  	_ =	shalt  }
0x87: {  	_ =	shalt  }
.Lfunc_end0:
.L_simem_size_0:
called_computation.14_lowered:
.L_overlay_start_0:
0x88: {  	s2 =	sld [smem:$0x3FD9]  }
0x89: {  	s3 =	sld [smem:$0x3FFE];
	_ =	sdelay $0x1  }
0x8a: {  	s1 =	srdreg.scid  }
0x8b: {  	s0 =	sand.u32 $0x1, s1  }
0x8c: {  	s17 =	sshll.u32 s0, $0xA;
	s2 =	sadd.s32 s3, s2  }
0x8d: {  	s2 =	sadd.s32 s2, s17  }
0x8e: {  	[smem:$0x3FB6] =	sst s2  }
0x8f: {  	_ = 	snop  }
0x90: {  	s2 =	sld [smem:$0x3FD0];
	(tm) =	ssettm $0x1  }
0x91: {  	s18 =	sld [smem:$0x3FFB];
	_ =	sdelay $0x3  }
0x92: {  	_ =	strace s18  }
0x93: {  	s3 =	sld [smem:$0x3FFC];
	_ =	sdelay $0x3  }
0x94: {  	_ =	strace s3  }
0x95: {  	s3 =	sld [smem:$0x3FFD];
	_ =	sdelay $0x3  }
0x96: {  	_ =	strace s3  }
0x97: {  	_ =	strace $0x8FFFFFFF  }
0x98: {  	s19 =	sld [smem:$0x3FDB];
	_ =	sdelay $0x1  }
0x99: {  	s4 =	simm.s32 $_scs_section_size  }
0x9a: {  	s5 =	simm.s32 $_size__tile_overlayer_lowered;
	s6 =	simm.s32 $_tile_overlayer_lowered  }
0x9b: {  	s22 =	simm.s32 $0x1BFF;
	s21 =	sshll.u32 s6, $0x1;
	s3 =	sadd.s32 s4, s19  }
0x9c: {  	s7 =	simm.s32 $0x0;
	s20 =	sshll.u32 s5, $0x1;
	s5 =	sadd.s32 s21, s3  }
0x9d: {  	[timem:s7], [sflag:s22] =	dma.local [hbm:s5], s20  }
0x9e: {  	_ =	swait.ge [sflag:s22], s20  }
0x9f: {  	s4 =	ssub.s32 $0x0, s20;
	[sflag:s22] =	ssyncset.done $0x0  }
0xa0: {  	[sflag:s22] =	ssyncadd.s32 s4;
	_ =	sdelay $0x1  }
0xa1: {  	s23 =	simm.s32 $0x1B8B  }
0xa2: {  	_ =	swait.ge [sflag:s23], $0x1  }
0xa3: {  	[sflag:s23] =	ssyncset.done $0x0  }
0xa4: {  	s25 =	simm.s32 $0x1B8E;
	s24 =	sld [smem:$0x3FFE];
	[sflag:s23] =	ssyncadd.s32 $0xFFFFFFFF  }
0xa5: {  	s26 =	simm.s32 $execute0_lowered;
	[smem:$0x3FD2] =	sst s25  }
0xa6: {  	s5 =	sshll.u32 s26, $0x1;
	_ =	strace $0x80000070;
	[dreg:$0x1] =	wrdreg $0xFFFFFFFF  }
0xa7: {  	s28 =	simm.s32 $_size_execute0_lowered;
	s3 =	sadd.s32 s3, s5;
	[dreg:$0x0] =	wrdreg $0x0  }
0xa8: {  	s5 =	sshll.u32 s28, $0x1;
	[dreg:$0x2] =	wrdreg s3  }
0xa9: {  	[dreg:$0x3] =	wrdreg s5  }
0xaa: {  	[dreg:$0x4] =	wrdreg $0xC0  }
0xab: {  	_ =	task [dreg:s7], $0x5FFFF  }
0xac: {  	[dreg:$0x1] =	wrdreg $0xFFFFFFFF  }
0xad: {  	[dreg:$0x0] =	wrdreg $0x60  }
0xae: {  	[dreg:$0x2] =	wrdreg s2  }
0xaf: {  	[dreg:$0x3] =	wrdreg s24  }
0xb0: {  	[dreg:$0x4] =	wrdreg $0x0  }
0xb1: {  	[dreg:$0x5] =	wrdreg $0x9  }
0xb2: {  	_ =	task.clear_ibuf [dreg:s7], $0x6FFFF;
	_ =	strace $0x90000070  }
0xb3: {  	s29 =	simm.s32 $0x9;
	_ =	strace $0x80000072  }
0xb4: {  	_ =	swait.ge [sflag:s29], $0x1  }
0xb5: {  	[sflag:s29] =	ssyncadd.s32 $0xFFFFFFFF  }
0xb6: {  	_ =	strace $0x90000072  }
0xb7: {  	_ =	sfence  }
0xb8: {  	s30 =	sld [smem:$0x0];
	_ =	sdelay $0x2  }
0xb9: {  	s31 =	sshll.u32 s1, $0xD;
	s1 =	sshrl.u32 s1, $0x2  }
0xba: {  	s3 =	sand.u32 $0x4000, s31;
	s1 =	sadd.s32 s1, s30  }
0xbb: {  	s0 =	sor.u32 s3, s0;
	s1 =	sshll.u32 s1, $0x11  }
0xbc: {  	s0 =	sor.u32 s1, s0  }
0xbd: {  	s0 =	sadd.s32 $0x8F2B, s0  }
0xbe: {  	[sflag:s0] =	ssyncadd.remote.s32 $0x1  }
0xbf: {  	_ =	sfence.sel $0xFFFF  }
0xc0: {  	[dreg:$0x0] =	wrdreg $0xFFFFFFFF;
	(pc) =	sbr.abs _section_cstart, $3  }
0xc1: {  	[dreg:$0x1] =	wrdreg $0xFFFFFFFF  }
0xc2: {  	_ =	task.clear_ibuf [dreg:s7], $0x2FFFF;
	_ =	strace $0x9FFFFFFF  }
0xc3: {  	(tm) =	ssettm $0x7FFFFFFF  }
tec
execute0_lowered:
.L_overlay_start_1:
0x0: {  	(tag) =	ssettag $0x1  }
0x1: {  	s1 =	rddreg [dreg:$0x0]  }
0x2: {  	s5 =	rddreg [dreg:$0x1]  }
0x3: {  	s3 =	rddreg [dreg:$0x2]  }
0x4: {  	s0 =	srdreg.scid;
	s2 =	rddreg [dreg:$0x3]  }
0x5: {  	s4 =	simm.s32 $0x0;
	s13 =	simm.s32 $0xA000;
	s6 =	sand.u32 $0x1, s0  }
0x6: {  	s14 =	simm.s32 $0xA480;
	s0 =	stileid.u32;
	s7 =	smul.u32 $0x28800, s6  }
0x7: {  	s15 =	simm.s32 $0x480;
	s16 =	simm.s32 $0xA900;
	s8 =	smul.u32 $0x2880, s0  }
0x8: {  	s17 =	simm.s32 $0x1;
	s18 =	simm.s32 $0x0;
	s29 =	smul.u32 $0xA000, s0  }
0x9: {  	[smem:$0x7FF] =	sst s4;
	s9 =	smul.u32 $0xA0000, s6;
	s6 =	ssub.s32 $0x2, s6  }
0xa: {  	_ =	strace $0x80000071;
	s31 =	sshll.u32 s0, $0x6;
	s11 =	sshrl.u32 s6, $0x1  }
0xb: {  	s7 =	sadd.s32 s8, s7;
	s30 =	sshrl.u32 s29, $0x3;
	s9 =	sadd.s32 s29, s9  }
0xc: {  	s11 =	ssub.s32 s6, s11;
	s12 =	sadd.s32 s29, s3;
	s6 =	sor.u32 $0x1C02, s31  }
0xd: {  	s7 =	sshrl.u32 s7, $0x3;
	s9 =	sshrl.u32 s9, $0x3;
	s8 =	smax.u32 s11, $0x1  }
0xe: {  	s11 =	sshrl.u32 s12, $0x3;
	s10 =	sadd.s32 s7, s5;
	s7 =	sadd.s32 s30, s5  }
0xf: {  	s12 =	simm.s32 $0x2;
	s9 =	sadd.s32 s9, s5;
	s5 =	sadd.s32 $0x1BE00, s7  }
0x10: {  	s7 =	sadd.s32 $0x2FE00, s9;
	s9 =	sadd.s32 $0x7A00, s10;
	s10 =	sadd.s32 $0x11C00, s10  }
.LBB2_1:
0x11: {  	[spmem:s11], [sflag:s6] =	dma.local [hbm:s5], $0x1400  }
0x12: {  	_ =	swait.ge [sflag:s12], $0x1400  }
0x13: {  	[sflag:s12] =	ssyncset.done $0x0  }
0x14: {  	[sflag:s12] =	ssyncadd.s32 $0xFFFFEC00  }
0x15: {  	s19 =	sadd.s32 $0x0, s10;
	[bflag:$0x0] =	sbarrier.arrive $0xFFFF  }
0x16: {  	[tilespmem:s13], [sflag:$0x2] =	stream.linear.gather [hbm4b:s19+s4], $0x480, $0x38;
	[tilespmem:$0x1C900] =	vst v63  }
0x17: {  	_ =	swait.ge [sflag:s12], $0x480  }
0x18: {  	[sflag:s12] =	ssyncset.done $0x0  }
0x19: {  	s31 =	sadd.s32 $0x0, s9;
	[sflag:s12] =	ssyncadd.s32 $0xFFFFFB80  }
0x1a: {  	[tilespmem:s14], [sflag:$0x2] =	stream.linear.gather [hbm4b:s31+s4], $0x480, $0x38;
	[tilespmem:$0x1C900] =	vst v63  }
0x1b: {  	_ =	swait.ge [sflag:s12], $0x480  }
0x1c: {  	[sflag:s12] =	ssyncset.done $0x0  }
0x1d: {  	[sflag:s12] =	ssyncadd.s32 $0xFFFFFB80  }
0x1e: {  	[tilespmem:s16], [sflag:$0x1] =	stream.indirect.gather [hbm4b:s1+s15], $0x40, s13, s15, $0xb8;
	[tilespmem:$0x1C900] =	vst v63  }
0x1f: {  	_ =	swait.ge [sflag:s17], $0x12000  }
0x20: {  	[sflag:s17] =	ssyncset.done $0x0  }
0x21: {  	[sflag:s17] =	ssyncadd.s32 $0xFFFEE000  }
0x22: {  	[spmem:s3] =	stream.indirect.scatter.add.f32 [tilespmem:s16], [sflag:$0x2], $0x40, s14, s15, $0xb8;
	[tilespmem:$0x1C900] =	vst v63  }
0x23: {  	_ =	swait.ge [sflag:s12], $0x12000  }
0x24: {  	s20 =	simm.s32 $0x120;
	s19 =	simm.s32 $0x90;
	[sflag:s12] =	ssyncset.done $0x0  }
.LBB2_2:
0x25: {  	s21 =	sadd.s32 s19, s10  }
0x26: {  	[sflag:s12] =	ssyncadd.s32 $0xFFFEE000;
	s22 =	smov.u32 s20;
	s23 =	sadd.s32 $0x90, s20  }
0x27: {  	[tilespmem:s13], [sflag:$0x2] =	stream.linear.gather [hbm4b:s21+s4], $0x480, $0x38;
	[tilespmem:$0x1C900] =	vst v63  }
0x28: {  	p0 =	sne.s32 s20, $0x480;
	_ =	swait.ge [sflag:s12], $0x480  }
0x29: {  	[sflag:s12] =	ssyncset.done $0x0  }
0x2a: {  	s20 =	sadd.s32 s19, s9;
	s19 =	smov.u32 s22;
	[sflag:s12] =	ssyncadd.s32 $0xFFFFFB80  }
0x2b: {  	[tilespmem:s14], [sflag:$0x2] =	stream.linear.gather [hbm4b:s20+s4], $0x480, $0x38;
	[tilespmem:$0x1C900] =	vst v63  }
0x2c: {  	_ =	swait.ge [sflag:s12], $0x480  }
0x2d: {  	[sflag:s12] =	ssyncset.done $0x0  }
0x2e: {  	[sflag:s12] =	ssyncadd.s32 $0xFFFFFB80  }
0x2f: {  	[tilespmem:s16], [sflag:$0x1] =	stream.indirect.gather [hbm4b:s1+s15], $0x40, s13, s15, $0xb8;
	[tilespmem:$0x1C900] =	vst v63  }
0x30: {  	_ =	swait.ge [sflag:s17], $0x12000  }
.Ltmp0:
0x31: {  	[sflag:s17] =	ssyncset.done $0x0;
	(pc) =	sbr.rel @p0 .LBB2_2-.Ltmp0, $4  }
0x32: {  	[sflag:s17] =	ssyncadd.s32 $0xFFFEE000  }
0x33: {  	[spmem:s3] =	stream.indirect.scatter.add.f32 [tilespmem:s16], [sflag:$0x2], $0x40, s14, s15, $0xb8;
	[tilespmem:$0x1C900] =	vst v63  }
0x34: {  	_ =	swait.ge [sflag:s12], $0x12000  }
0x35: {  	s20 =	smov.u32 s23;
	[sflag:s12] =	ssyncset.done $0x0  }
0x36: {  	s20 =	sadd.s32 s19, s10;
	[sflag:s12] =	ssyncadd.s32 $0xFFFEE000  }
0x37: {  	[tilespmem:s13], [sflag:$0x2] =	stream.linear.gather [hbm4b:s20+s4], $0x480, $0x38;
	[tilespmem:$0x1C900] =	vst v63  }
0x38: {  	_ =	swait.ge [sflag:s12], $0x480  }
0x39: {  	[sflag:s12] =	ssyncset.done $0x0  }
0x3a: {  	s31 =	sadd.s32 s19, s9;
	[sflag:s12] =	ssyncadd.s32 $0xFFFFFB80  }
0x3b: {  	[tilespmem:s14], [sflag:$0x2] =	stream.linear.gather [hbm4b:s31+s4], $0x480, $0x38;
	[tilespmem:$0x1C900] =	vst v63  }
0x3c: {  	_ =	swait.ge [sflag:s12], $0x480  }
0x3d: {  	[sflag:s12] =	ssyncset.done $0x0  }
0x3e: {  	[sflag:s12] =	ssyncadd.s32 $0xFFFFFB80  }
0x3f: {  	[tilespmem:s16], [sflag:$0x1] =	stream.indirect.gather [hbm4b:s1+s15], $0x40, s13, s15, $0xb8;
	[tilespmem:$0x1C900] =	vst v63  }
0x40: {  	_ =	swait.ge [sflag:s17], $0x12000  }
0x41: {  	[sflag:s17] =	ssyncset.done $0x0  }
0x42: {  	[sflag:s17] =	ssyncadd.s32 $0xFFFEE000  }
0x43: {  	[spmem:s3] =	stream.indirect.scatter.add.f32 [tilespmem:s16], [sflag:$0x2], $0x40, s14, s15, $0xb8;
	[tilespmem:$0x1C900] =	vst v63  }
0x44: {  	_ =	swait.ge [sflag:s12], $0x12000  }
0x45: {  	s18 =	sadd.s32 $0x1, s18;
	[sflag:s12] =	ssyncset.done $0x0  }
0x46: {  	p0 =	sne.s32 s18, s8;
	[sflag:s12] =	ssyncadd.s32 $0xFFFEE000  }
.Ltmp1:
0x47: {  	[bflag:$0x0] =	sbarrier.arrive $0xFFFF;
	(pc) =	sbr.rel @p0 .LBB2_1-.Ltmp1, $4  }
0x48: {  	[hbm:s7], [sflag:s6] =	dma.local [spmem:s11], $0x1400  }
0x49: {  	_ =	swait.ge [sflag:s12], $0x1400  }
0x4a: {  	[sflag:s12] =	ssyncset.done $0x0  }
0x4b: {  	[sflag:s12] =	ssyncadd.s32 $0xFFFFEC00  }
0x4c: {  	_ =	sfence.sel $0x180000  }
0x4d: {  	[bflag:$0x0] =	sbarrier.arrive $0xFFFF  }
0x4e: {  	p0 =	sne.s32 s0, $0x0;
	_ =	strace $0x90000071  }
0x4f: {  	s0 =	sadd.s32 @!p0 $0x100000, s2;
	[bflag:$0x2] =	sbarrier.arrive $0xFFFF  }
0x50: {  	[sflag:s0] =	ssyncadd.tile.s32 @!p0 $0x1;
	_ =	shalt  }
.Lfunc_end2:
_tile_overlayer_lowered:
.L_overlay_start_2:
0x51: {  	(tag) =	ssettag $0x2  }
0x52: {  	s0 =	rddreg [dreg:$0x0];
	s2 =	stileid.u32  }
0x53: {  	s1 =	rddreg [dreg:$0x1];
	p0 =	sne.s32 s2, $0x0  }
0x54: {  	s3 =	rddreg [dreg:$0x2];
	[bflag:$0x3] =	sbarrier.arrive $0xFFFF;
	s2 =	simm.s32 @!p0 $0x1C02  }
0x55: {  	[timem:s3], [sflag:s2] =	dma.local @!p0 [hbm:s0], s1  }
0x56: {  	s0 =	simm.s32 @!p0 $0x2  }
0x57: {  	_ =	swait.ge @!p0 [sflag:s0], s1  }
0x58: {  	s1 =	ssub.s32 @!p0 $0x0, s1;
	[sflag:s0] =	ssyncset.done @!p0 $0x0  }
0x59: {  	[sflag:s0] =	ssyncadd.s32 @!p0 s1  }
0x5a: {  	[bflag:$0x3] =	sbarrier.arrive $0xFFFF  }
0x5b: {  	_ =	shalt  }

</sc_bundles>
